<compile_context>
chip_gen: v7x
topology: tpu7x:2x2x1
jax: 0.10.2.dev20260603
libtpu: 0.0.44.dev20260713+nightly
codegen_flags: <defaults>
</compile_context>

<pallas_src>
import functools

import jax
import jax.numpy as jnp
from jax import lax
from jax.experimental import pallas as pl
from jax.experimental.pallas import tpu as pltpu
from jax.experimental.pallas import tpu_sc as plsc

N_ATOM = 50000
E_ATOM = 800000
N_MOTIF = 10000
E_MOTIF = 40000
ND = 128
ED = 16
H = 64
HH = 32
T = 16

NC = 2
NS = 16
L = 16
CHUNK = 128

EP_ATOM = 802816
BP_POOL = 53248
EP_MOTIF = 40960
SACC_ATOM = 51200
SACC_MOTIF = 10240

_f32 = jnp.float32


def _relu(v):
    return jnp.maximum(v, 0.0)




def _sc_segment_sum(table2, src_idx, dst_idx, ea3, *, n_table, sacc, ep,
                    fuse_relu_add, group):
    gpc = group // CHUNK
    groups_per_tile = ep // (NS * group)
    rpt = sacc // NS
    zc = max(d for d in range(1, min(group, rpt) + 1) if rpt % d == 0)
    nz = rpt // zc

    mesh = plsc.VectorSubcoreMesh(core_axis_name="c", subcore_axis_name="s")
    use_ea = ea3 is not None

    def body(*refs):
        if use_ea:
            (table_h, src_h, dst_h, ea_h, out_h,
             idx_v, dst_v, rows_v, ea_v, sem, sem2, acc_sh) = refs
        else:
            (table_h, src_h, dst_h, out_h,
             idx_v, dst_v, rows_v, sem, sem2, acc_sh) = refs
        c = lax.axis_index("c")
        s = lax.axis_index("s")

        def zfill(i, carry):
            for u in range(4):
                rows_v[i * 4 + u, pl.ds(0, L)] = jnp.zeros((L,), _f32)
                rows_v[i * 4 + u, pl.ds(L, L)] = jnp.zeros((L,), _f32)
            return carry

        lax.fori_loop(0, group // 4, zfill, 0)

        def zero_step(t, carry):
            pltpu.sync_copy(rows_v.at[pl.ds(0, zc), :],
                            acc_sh.at[pl.ds(s * rpt + t * zc, zc), :])
            return carry

        lax.fori_loop(0, nz, zero_step, 0)
        plsc.subcore_barrier()

        def edge_step(j, carry):
            gbase = (s * groups_per_tile + j) * group
            rbase = gbase // CHUNK
            pltpu.sync_copy(src_h.at[c, pl.ds(rbase, gpc), :], idx_v)
            pltpu.sync_copy(dst_h.at[pl.ds(rbase, gpc), :], dst_v)
            if use_ea:
                pltpu.sync_copy(ea_h.at[pl.ds(gbase, group), c, :], ea_v)
            descs = [
                pltpu.async_copy(table_h.at[idx_v.at[k]],
                                 rows_v.at[pl.ds(k * CHUNK, CHUNK), :], sem)
                for k in range(gpc)
            ]
            for d in descs:
                d.wait()
            if use_ea:
                def fuse_step(i, carry2):
                    for u in range(4):
                        r = i * 4 + u
                        a0 = rows_v[r, pl.ds(0, L)]
                        e0 = ea_v[r, pl.ds(0, L)]
                        rows_v[r, pl.ds(0, L)] = _relu(a0 + e0)
                        a1 = rows_v[r, pl.ds(L, L)]
                        e1 = ea_v[r, pl.ds(L, L)]
                        rows_v[r, pl.ds(L, L)] = _relu(a1 + e1)
                    return carry2

                lax.fori_loop(0, group // 4, fuse_step, 0)
            descs = [
                pltpu.async_copy(rows_v.at[pl.ds(k * CHUNK, CHUNK), :],
                                 acc_sh.at[dst_v.at[k]], sem2, add=True)
                for k in range(gpc)
            ]
            for d in descs:
                d.wait()
            return carry

        lax.fori_loop(0, groups_per_tile, edge_step, 0)
        plsc.subcore_barrier()

        def out_step(t, carry):
            r0 = s * rpt + t * zc
            pltpu.sync_copy(acc_sh.at[pl.ds(r0, zc), :],
                            out_h.at[pl.ds(r0, zc), c, :])
            return carry

        lax.fori_loop(0, nz, out_step, 0)

    scratch = [
        pltpu.VMEM((gpc, CHUNK), jnp.int32),
        pltpu.VMEM((gpc, CHUNK), jnp.int32),
        pltpu.VMEM((group, HH), _f32),
    ]
    if use_ea:
        scratch.append(pltpu.VMEM((group, HH), _f32))
    scratch += [
        pltpu.SemaphoreType.DMA,
        pltpu.SemaphoreType.DMA,
        pltpu.VMEM_SHARED((sacc, HH), _f32),
    ]

    assert fuse_relu_add == use_ea
    run = pl.kernel(
        body,
        out_type=jax.ShapeDtypeStruct((sacc, 2, HH), _f32),
        mesh=mesh,
        scratch_types=scratch,
        compiler_params=pltpu.CompilerParams(use_tc_tiling_on_sc=False),
    )
    if use_ea:
        return run(table2, src_idx, dst_idx, ea3)
    return run(table2, src_idx, dst_idx)


def _sc_pair_gather(table2, idx_a, idx_b, *, n_table, ep):
    chunks_per_tile = ep // (NS * CHUNK)
    mesh = plsc.VectorSubcoreMesh(core_axis_name="c", subcore_axis_name="s")

    def body(table_h, ia_h, ib_h, out_h,
             idx_v, rows_a, rows_b, sem):
        c = lax.axis_index("c")
        s = lax.axis_index("s")

        def edge_step(j, carry):
            r = s * chunks_per_tile + j
            base = r * CHUNK
            pltpu.sync_copy(ia_h.at[c, r, :], idx_v)
            pltpu.async_copy(table_h.at[idx_v], rows_a, sem).wait()
            pltpu.sync_copy(ib_h.at[c, r, :], idx_v)
            pltpu.async_copy(table_h.at[idx_v], rows_b, sem).wait()

            def add_step(i, carry2):
                a0 = rows_a[i, pl.ds(0, L)]
                b0 = rows_b[i, pl.ds(0, L)]
                rows_a[i, pl.ds(0, L)] = a0 + b0
                a1 = rows_a[i, pl.ds(L, L)]
                b1 = rows_b[i, pl.ds(L, L)]
                rows_a[i, pl.ds(L, L)] = a1 + b1
                return carry2

            lax.fori_loop(0, CHUNK, add_step, 0)
            pltpu.sync_copy(rows_a, out_h.at[pl.ds(base, CHUNK), c, :])
            return carry

        lax.fori_loop(0, chunks_per_tile, edge_step, 0)

    run = pl.kernel(
        body,
        out_type=jax.ShapeDtypeStruct((ep, 2, HH), _f32),
        mesh=mesh,
        scratch_types=[
            pltpu.VMEM((CHUNK,), jnp.int32),
            pltpu.VMEM((CHUNK, HH), _f32),
            pltpu.VMEM((CHUNK, HH), _f32),
            pltpu.SemaphoreType.DMA,
        ],
        compiler_params=pltpu.CompilerParams(use_tc_tiling_on_sc=False),
    )
    return run(table2, idx_a, idx_b)




def _tc_matmul_bias_relu(x, w, b, *, bn, out_rows=None):
    n, kd = x.shape
    _, hd = w.shape
    out_rows = n if out_rows is None else out_rows
    grid = (n // bn,)

    def body(x_ref, w_ref, b_ref, o_ref):
        o_ref[...] = _relu(
            jnp.dot(x_ref[...], w_ref[...], preferred_element_type=_f32)
            + b_ref[...])

    return pl.pallas_call(
        body,
        grid=grid,
        in_specs=[
            pl.BlockSpec((bn, kd), lambda i: (i, 0)),
            pl.BlockSpec((kd, hd), lambda i: (0, 0)),
            pl.BlockSpec((1, hd), lambda i: (0, 0)),
        ],
        out_specs=pl.BlockSpec((bn, hd), lambda i: (i, 0)),
        out_shape=jax.ShapeDtypeStruct((out_rows, hd), _f32),
    )(x, w, b.reshape(1, hd))


def _tc_gin_mlp(x, agg, wa, ba, wb, bb, *, bn, with_sum=False):
    n, hd = x.shape
    grid = (n // bn,)

    def body(x_ref, agg_ref, wa_ref, ba_ref, wb_ref, bb_ref, o_ref,
             *maybe_acc):
        h = x_ref[...] + agg_ref[...]
        h = _relu(jnp.dot(h, wa_ref[...], preferred_element_type=_f32)
                  + ba_ref[...])
        o = jnp.dot(h, wb_ref[...], preferred_element_type=_f32) + bb_ref[...]
        o_ref[...] = o
        if with_sum:
            acc_ref = maybe_acc[0]

            @pl.when(pl.program_id(0) == 0)
            def _init():
                acc_ref[...] = jnp.zeros_like(acc_ref)

            colsum = jnp.sum(o, axis=0)
            rowmask = (lax.broadcasted_iota(jnp.int32, (8, 1), 0) == 0)
            acc_ref[...] += rowmask.astype(_f32) * colsum[None, :]

    in_specs = [
        pl.BlockSpec((bn, hd), lambda i: (i, 0)),
        pl.BlockSpec((bn, hd), lambda i: (i, 0)),
        pl.BlockSpec((hd, hd), lambda i: (0, 0)),
        pl.BlockSpec((1, hd), lambda i: (0, 0)),
        pl.BlockSpec((hd, hd), lambda i: (0, 0)),
        pl.BlockSpec((1, hd), lambda i: (0, 0)),
    ]
    out_specs = pl.BlockSpec((bn, hd), lambda i: (i, 0))
    out_shape = jax.ShapeDtypeStruct((n, hd), _f32)
    if with_sum:
        out_specs = [out_specs, pl.BlockSpec((8, hd), lambda i: (0, 0))]
        out_shape = [out_shape, jax.ShapeDtypeStruct((8, hd), _f32)]
    return pl.pallas_call(
        body,
        grid=grid,
        in_specs=in_specs,
        out_specs=out_specs,
        out_shape=out_shape,
    )(x, agg, wa, ba.reshape(1, hd), wb, bb.reshape(1, hd))


def _tc_node_mlp(mtype, hm_raw, type_emb, w_node, b_node, *, bn):
    n = mtype.shape[0]
    grid = (n // bn,)

    def body(mt_ref, hm_ref, te_ref, wn_ref, b_ref, o_ref):
        ttab = jnp.dot(te_ref[...], wn_ref[:T, :],
                       preferred_element_type=_f32)
        oh = (mt_ref[...] == lax.broadcasted_iota(
            jnp.int32, (bn, 4), 1)).astype(_f32)
        o = jnp.dot(oh, ttab, preferred_element_type=_f32)
        o += jnp.dot(hm_ref[...], wn_ref[T:, :], preferred_element_type=_f32)
        o_ref[...] = o + b_ref[...]

    return pl.pallas_call(
        body,
        grid=grid,
        in_specs=[
            pl.BlockSpec((bn, 1), lambda i: (i, 0)),
            pl.BlockSpec((bn, H), lambda i: (i, 0)),
            pl.BlockSpec((4, T), lambda i: (0, 0)),
            pl.BlockSpec((T + H, H), lambda i: (0, 0)),
            pl.BlockSpec((1, H), lambda i: (0, 0)),
        ],
        out_specs=pl.BlockSpec((bn, H), lambda i: (i, 0)),
        out_shape=jax.ShapeDtypeStruct((n, H), _f32),
    )(mtype.reshape(n, 1), hm_raw, type_emb, w_node, b_node.reshape(1, H))


def _tc_edge_mlp(t0, t1, mef, nemb, type_emb, w_me, b_me, w_edge, b_edge,
                 w_ce1, b_ce1, w_ce2, b_ce2, *, bn, out_rows):
    n = t0.shape[0]
    grid = (n // bn,)

    def body(t0_ref, t1_ref, mef_ref, ne_ref, te_ref, wme_ref, bme_ref,
             we_ref, be_ref, wc1_ref, bc1_ref, wc2_ref, bc2_ref,
             o1_ref, o2_ref):
        ctab = jnp.dot(te_ref[...], wme_ref[:T, :],
                       preferred_element_type=_f32)
        iot = lax.broadcasted_iota(jnp.int32, (bn, 4), 1)
        oh = (t0_ref[...] == iot).astype(_f32) + (t1_ref[...] == iot).astype(_f32)
        he = jnp.dot(oh, ctab, preferred_element_type=_f32)
        eemb = _relu(jnp.dot(mef_ref[...], we_ref[...],
                             preferred_element_type=_f32) + be_ref[...])
        he += jnp.dot(eemb, wme_ref[T:T + H, :], preferred_element_type=_f32)
        he += jnp.dot(ne_ref[...], wme_ref[T + H:, :],
                      preferred_element_type=_f32)
        he += bme_ref[...]
        o1_ref[...] = jnp.dot(he, wc1_ref[...],
                              preferred_element_type=_f32) + bc1_ref[...]
        o2_ref[...] = jnp.dot(he, wc2_ref[...],
                              preferred_element_type=_f32) + bc2_ref[...]

    return pl.pallas_call(
        body,
        grid=grid,
        in_specs=[
            pl.BlockSpec((bn, 1), lambda i: (i, 0)),
            pl.BlockSpec((bn, 1), lambda i: (i, 0)),
            pl.BlockSpec((bn, ED), lambda i: (i, 0)),
            pl.BlockSpec((bn, H), lambda i: (i, 0)),
            pl.BlockSpec((4, T), lambda i: (0, 0)),
            pl.BlockSpec((2 * H + T, H), lambda i: (0, 0)),
            pl.BlockSpec((1, H), lambda i: (0, 0)),
            pl.BlockSpec((ED, H), lambda i: (0, 0)),
            pl.BlockSpec((1, H), lambda i: (0, 0)),
            pl.BlockSpec((H, H), lambda i: (0, 0)),
            pl.BlockSpec((1, H), lambda i: (0, 0)),
            pl.BlockSpec((H, H), lambda i: (0, 0)),
            pl.BlockSpec((1, H), lambda i: (0, 0)),
        ],
        out_specs=[
            pl.BlockSpec((bn, H), lambda i: (i, 0)),
            pl.BlockSpec((bn, H), lambda i: (i, 0)),
        ],
        out_shape=[
            jax.ShapeDtypeStruct((out_rows, H), _f32),
            jax.ShapeDtypeStruct((out_rows, H), _f32),
        ],
    )(t0.reshape(n, 1), t1.reshape(n, 1), mef, nemb, type_emb, w_me,
      b_me.reshape(1, H), w_edge, b_edge.reshape(1, H),
      w_ce1, b_ce1.reshape(1, H), w_ce2, b_ce2.reshape(1, H))




def kernel(x_atom, atom_edge_index, atom_edge_attr, motif_type,
           motif_atom_edge_index, motif_edge_index, motif_edge_types,
           motif_edge_feat, motif_edge_atom_idx, motif_batch, atom_ptr,
           W_atom_enc, b_atom_enc, W_edge_enc, b_edge_enc, type_emb,
           W_g0a, b_g0a, W_g0b, b_g0b, W_g1a, b_g1a, W_g1b, b_g1b,
           W_node, b_node, W_me, b_me, W_ce1, b_ce1, W_c1a, b_c1a,
           W_c1b, b_c1b, W_ce2, b_ce2, W_c2a, b_c2a, W_c2b, b_c2b):
    def _rows2(idx):
        return jnp.stack([idx * 2, idx * 2 + 1]).reshape(2, -1, CHUNK)

    def _r128(idx):
        return idx.reshape(-1, CHUNK)

    src = _rows2(jnp.pad(atom_edge_index[0], (0, EP_ATOM - E_ATOM)))
    dst = _r128(jnp.pad(atom_edge_index[1], (0, EP_ATOM - E_ATOM),
                        constant_values=N_ATOM))
    pool_g = _rows2(jnp.pad(motif_atom_edge_index[1], (0, BP_POOL - N_ATOM)))
    pool_s = _r128(jnp.pad(motif_atom_edge_index[0], (0, BP_POOL - N_ATOM),
                           constant_values=N_MOTIF))
    offs = atom_ptr[0]
    g_src = _rows2(jnp.pad(motif_edge_atom_idx[:, 1] + offs,
                           (0, EP_MOTIF - E_MOTIF)))
    g_dst = _rows2(jnp.pad(motif_edge_atom_idx[:, 0] + offs,
                           (0, EP_MOTIF - E_MOTIF)))
    m_src = _rows2(jnp.pad(motif_edge_index[0], (0, EP_MOTIF - E_MOTIF)))
    m_dst = _r128(jnp.pad(motif_edge_index[1], (0, EP_MOTIF - E_MOTIF),
                          constant_values=N_MOTIF))

    xa = _tc_matmul_bias_relu(x_atom, W_atom_enc, b_atom_enc, bn=2000)
    ea = _tc_matmul_bias_relu(atom_edge_attr, W_edge_enc, b_edge_enc,
                              bn=1600, out_rows=EP_ATOM)
    ea3 = ea.reshape(EP_ATOM, 2, HH)

    agg0 = _sc_segment_sum(xa.reshape(2 * N_ATOM, HH), src, dst, ea3,
                           n_table=N_ATOM, sacc=SACC_ATOM, ep=EP_ATOM,
                           fuse_relu_add=True, group=256)
    x1 = _tc_gin_mlp(xa, agg0.reshape(SACC_ATOM, H),
                     W_g0a, b_g0a, W_g0b, b_g0b, bn=2000)

    agg1 = _sc_segment_sum(x1.reshape(2 * N_ATOM, HH), src, dst, ea3,
                           n_table=N_ATOM, sacc=SACC_ATOM, ep=EP_ATOM,
                           fuse_relu_add=True, group=256)
    x2 = _tc_gin_mlp(x1, agg1.reshape(SACC_ATOM, H),
                     W_g1a, b_g1a, W_g1b, b_g1b, bn=2000)

    hm_raw = _sc_segment_sum(x2.reshape(2 * N_ATOM, HH), pool_g, pool_s,
                             None, n_table=N_ATOM, sacc=SACC_MOTIF,
                             ep=BP_POOL, fuse_relu_add=False, group=256)
    h_motif = _tc_node_mlp(motif_type,
                           hm_raw.reshape(SACC_MOTIF, H),
                           type_emb, W_node, b_node, bn=1000)

    nemb = _sc_pair_gather(xa.reshape(2 * N_ATOM, HH), g_src, g_dst,
                           n_table=N_ATOM, ep=EP_MOTIF)
    ea1, ea2 = _tc_edge_mlp(motif_edge_types[:, 0], motif_edge_types[:, 1],
                            motif_edge_feat,
                            nemb.reshape(EP_MOTIF, H),
                            type_emb, W_me, b_me, W_edge_enc, b_edge_enc,
                            W_ce1, b_ce1, W_ce2, b_ce2,
                            bn=1000, out_rows=EP_MOTIF)

    aggm0 = _sc_segment_sum(h_motif.reshape(2 * N_MOTIF, HH), m_src, m_dst,
                            ea1.reshape(EP_MOTIF, 2, HH),
                            n_table=N_MOTIF, sacc=SACC_MOTIF, ep=EP_MOTIF,
                            fuse_relu_add=True, group=256)
    h1 = _tc_gin_mlp(h_motif, aggm0.reshape(SACC_MOTIF, H),
                     W_c1a, b_c1a, W_c1b, b_c1b, bn=1000)

    aggm1 = _sc_segment_sum(h1.reshape(2 * N_MOTIF, HH), m_src, m_dst,
                            ea2.reshape(EP_MOTIF, 2, HH),
                            n_table=N_MOTIF, sacc=SACC_MOTIF, ep=EP_MOTIF,
                            fuse_relu_add=True, group=256)
    h_m, lvl = _tc_gin_mlp(h1, aggm1.reshape(SACC_MOTIF, H),
                           W_c2a, b_c2a, W_c2b, b_c2b, bn=1000,
                           with_sum=True)
    return (h_m, xa, lvl[0:1])

# --- scband reference (transcript-rebuilt; emitter-appended) ---
"""Pipeline reference for scband-motif-gin-39032662786179 (READ-ONLY COPY).

The authoritative reference and input builder live on the scoring server;
editing this copy changes nothing except your own understanding.
"""

import jax, jax.numpy as jnp
import numpy as np

N_ATOM = 50000
E_ATOM = 800000
N_MOTIF = 10000
E_MOTIF = 40000
ND = 128
ED = 16
H = 64
T = 16

_PARAM_SHAPES = [
    ("W_atom_enc", (ND, H)), ("b_atom_enc", (H,)), ("W_edge_enc", (ED, H)), ("b_edge_enc", (H,)), ("type_emb", (4, T)),
    ("W_g0a", (H, H)), ("b_g0a", (H,)), ("W_g0b", (H, H)), ("b_g0b", (H,)),
    ("W_g1a", (H, H)), ("b_g1a", (H,)), ("W_g1b", (H, H)), ("b_g1b", (H,)),
    ("W_node", (H + T, H)), ("b_node", (H,)), ("W_me", (2 * H + T, H)), ("b_me", (H,)),
    ("W_ce1", (H, H)), ("b_ce1", (H,)), ("W_c1a", (H, H)), ("b_c1a", (H,)), ("W_c1b", (H, H)), ("b_c1b", (H,)),
    ("W_ce2", (H, H)), ("b_ce2", (H,)), ("W_c2a", (H, H)), ("b_c2a", (H,)), ("W_c2b", (H, H)), ("b_c2b", (H,)),
]


def setup_inputs(seed: int = 0) -> dict:
    key = jax.random.key(seed)
    ks = jax.random.split(key, 48)
    inp = {}
    inp["x_atom"] = jax.random.normal(ks[0], (N_ATOM, ND), jnp.float32)
    inp["atom_edge_index"] = jax.random.randint(ks[1], (2, E_ATOM), 0, N_ATOM, jnp.int32)
    inp["atom_edge_attr"] = jax.random.uniform(ks[2], (E_ATOM, ED), jnp.float32)
    inp["motif_type"] = jax.random.randint(ks[3], (N_MOTIF,), 0, 4, jnp.int32)
    inp["motif_atom_edge_index"] = jax.random.randint(ks[4], (2, N_ATOM), 0, N_MOTIF, jnp.int32)
    inp["motif_edge_index"] = jax.random.randint(ks[5], (2, E_MOTIF), 0, N_MOTIF, jnp.int32)
    inp["motif_edge_types"] = jax.random.randint(ks[6], (E_MOTIF, 2), 0, 4, jnp.int32)
    inp["motif_edge_feat"] = jax.random.uniform(ks[7], (E_MOTIF, ED), jnp.float32)
    inp["motif_edge_atom_idx"] = jax.random.randint(ks[8], (E_MOTIF, 2), 0, N_ATOM, jnp.int32)
    inp["motif_batch"] = jnp.zeros((N_MOTIF,), jnp.int32)
    inp["atom_ptr"] = jnp.arange(2, dtype=jnp.int32)
    for i, (n, s) in enumerate(_PARAM_SHAPES):
        inp[n] = jax.random.normal(ks[9 + i], s, jnp.float32) * 0.05
    return inp


def _gine(x, ei, ea, Wa, ba, Wb, bb):
    msg = jax.nn.relu(x[ei[0]] + ea)
    agg = jax.ops.segment_sum(msg, ei[1], num_segments=x.shape[0])
    h = x + agg
    return jax.nn.relu(h @ Wa + ba) @ Wb + bb


def reference(x_atom, atom_edge_index, atom_edge_attr, motif_type, motif_atom_edge_index, motif_edge_index, motif_edge_types, motif_edge_feat, motif_edge_atom_idx, motif_batch, atom_ptr, W_atom_enc, b_atom_enc, W_edge_enc, b_edge_enc, type_emb, W_g0a, b_g0a, W_g0b, b_g0b, W_g1a, b_g1a, W_g1b, b_g1b, W_node, b_node, W_me, b_me, W_ce1, b_ce1, W_c1a, b_c1a, W_c1b, b_c1b, W_ce2, b_ce2, W_c2a, b_c2a, W_c2b, b_c2b):
    xa = jax.nn.relu(x_atom @ W_atom_enc + b_atom_enc)
    te = type_emb[motif_type]
    ea = jax.nn.relu(atom_edge_attr @ W_edge_enc + b_edge_enc)
    x = _gine(xa, atom_edge_index, ea, W_g0a, b_g0a, W_g0b, b_g0b)
    x = _gine(x, atom_edge_index, ea, W_g1a, b_g1a, W_g1b, b_g1b)
    h_motif = jax.ops.segment_sum(x[motif_atom_edge_index[1]], motif_atom_edge_index[0], num_segments=N_MOTIF)
    h_motif = jnp.concatenate([te, h_motif], axis=1) @ W_node + b_node
    src_motif = motif_edge_index[0]
    offs = atom_ptr[motif_batch[src_motif]]
    g_src = motif_edge_atom_idx[:, 1] + offs
    g_dst = motif_edge_atom_idx[:, 0] + offs
    couple = type_emb[motif_edge_types[:, 0]] + type_emb[motif_edge_types[:, 1]]
    edge_emb = jax.nn.relu(motif_edge_feat @ W_edge_enc + b_edge_enc)
    node_emb = xa[g_src] + xa[g_dst]
    h_edge = jnp.concatenate([couple, edge_emb, node_emb], axis=1) @ W_me + b_me
    ea1 = h_edge @ W_ce1 + b_ce1
    h_m = _gine(h_motif, motif_edge_index, ea1, W_c1a, b_c1a, W_c1b, b_c1b)
    ea2 = h_edge @ W_ce2 + b_ce2
    h_m = _gine(h_m, motif_edge_index, ea2, W_c2a, b_c2a, W_c2b, b_c2b)
    motif_level = jax.ops.segment_sum(h_m, motif_batch, num_segments=1)
    return (h_m, xa, motif_level)

if __name__ == "__main__":
    import jax
    _d = setup_inputs()
    print(jax.jit(kernel)(*tuple(_d.values())))

</pallas_src>

<mosaic_0001>
#map = affine_map<(d0, d1) -> (0, 0)>
#map1 = affine_map<(d0, d1) -> (0, 0, 0)>
module attributes {stable_mosaic.version = 14 : i64} {
  func.func @body(%arg0: i32, %arg1: i32, %arg2: memref<100000x32xf32, #tpu.memory_space<hbm>>, %arg3: memref<2x320x128xi32, #tpu.memory_space<hbm>>, %arg4: memref<2x320x128xi32, #tpu.memory_space<hbm>>, %arg5: memref<40960x2x32xf32, #tpu.memory_space<hbm>>, %arg6: memref<128xi32, #tpu.memory_space<vmem>>, %arg7: memref<128x32xf32, #tpu.memory_space<vmem>>, %arg8: memref<128x32xf32, #tpu.memory_space<vmem>>, %arg9: memref<!tpu.dma_semaphore, #tpu.memory_space<semaphore_mem>>) attributes {dimension_semantics = [#tpu.dimension_semantics<core_parallel>, #tpu.dimension_semantics<subcore_parallel>], iteration_bounds = array<i64: 2, 16>, scalar_prefetch = 0 : i64, scratch_operands = 4 : i64, tpu.core_type = #tpu.core_type<sc_vector_subcore>, window_params = [{transform_indices = #map}, {transform_indices = #map1}, {transform_indices = #map1}, {transform_indices = #map1}]} {
    %scan3A = arith.constant 0 : i32
    %scan3A_0 = arith.constant 0 : i32
    %scan3A_1 = arith.constant 20 : i32
    %scan3A_2 = arith.addi %scan3A_0, %scan3A_1 : i32
    %scan3A_3 = arith.constant 1 : i32
    scf.for %scan3A_5 = %scan3A_0 to %scan3A_2 step %scan3A_3  : i32 {
      %mul3A = arith.constant 20 : i32
      %mul3A_6 = arith.muli %arg1, %mul3A : i32
      %add3A = arith.addi %mul3A_6, %scan3A_5 : i32
      %mul3A_7 = arith.constant 128 : i32
      %mul3A_8 = arith.muli %add3A, %mul3A_7 : i32
      "tpu.region"() ({
        %run_scoped3A = tpu.sem_alloc : memref<!tpu.dma_semaphore, #tpu.memory_space<semaphore_mem>>
        %dma_start3A_25 = arith.constant 0 : i32
        %dma_start3A_26 = tpu.memref_slice %arg3[%arg0, %add3A, %dma_start3A_25] : memref<2x320x128xi32, #tpu.memory_space<hbm>> -> memref<1x1x128xi32, #tpu.memory_space<hbm>>
        %dma_start3A_27 = tpu.memref_squeeze %dma_start3A_26 : memref<1x1x128xi32, #tpu.memory_space<hbm>> -> memref<128xi32, #tpu.memory_space<hbm>>
        %dma_start3A_28 = arith.constant 0 : i32
        %dma_start3A_29 = tpu.memref_slice %arg3[%arg0, %add3A, %dma_start3A_28] : memref<2x320x128xi32, #tpu.memory_space<hbm>> -> memref<1x1x128xi32, #tpu.memory_space<hbm>>
        %dma_start3A_30 = tpu.memref_squeeze %dma_start3A_29 : memref<1x1x128xi32, #tpu.memory_space<hbm>> -> memref<128xi32, #tpu.memory_space<hbm>>
        tpu.enqueue_dma source(%dma_start3A_30 : memref<128xi32, #tpu.memory_space<hbm>>) target(%arg6 : memref<128xi32, #tpu.memory_space<vmem>>) target_semaphore(%run_scoped3A : memref<!tpu.dma_semaphore, #tpu.memory_space<semaphore_mem>>)
        %dma_wait3A_31 = arith.constant 0 : i32
        %dma_wait3A_32 = tpu.memref_slice %arg3[%arg0, %add3A, %dma_wait3A_31] : memref<2x320x128xi32, #tpu.memory_space<hbm>> -> memref<1x1x128xi32, #tpu.memory_space<hbm>>
        %dma_wait3A_33 = tpu.memref_squeeze %dma_wait3A_32 : memref<1x1x128xi32, #tpu.memory_space<hbm>> -> memref<128xi32, #tpu.memory_space<hbm>>
        %dma_wait3A_34 = arith.constant 0 : i32
        %dma_wait3A_35 = tpu.memref_slice %arg3[%arg0, %add3A, %dma_wait3A_34] : memref<2x320x128xi32, #tpu.memory_space<hbm>> -> memref<1x1x128xi32, #tpu.memory_space<hbm>>
        %dma_wait3A_36 = tpu.memref_squeeze %dma_wait3A_35 : memref<1x1x128xi32, #tpu.memory_space<hbm>> -> memref<128xi32, #tpu.memory_space<hbm>>
        tpu.wait_dma2 semaphore(%run_scoped3A : memref<!tpu.dma_semaphore, #tpu.memory_space<semaphore_mem>>) src(%dma_wait3A_36 : memref<128xi32, #tpu.memory_space<hbm>>) dst(%arg6 : memref<128xi32, #tpu.memory_space<vmem>>)
        tpu.yield
      }) : () -> ()
      %dma_start3A = arith.constant 0 : i32
      %dma_start3A_9 = arith.constant 0 : i32
      %dma_start3A_10 = tpu.memref_slice %arg2[%dma_start3A, %dma_start3A_9] : memref<100000x32xf32, #tpu.memory_space<hbm>> -> memref<100000x32xf32, #tpu.memory_space<hbm>>
      tpu.enqueue_indirect_dma source(%dma_start3A_10 : memref<100000x32xf32, #tpu.memory_space<hbm>>) target(%arg7 : memref<128x32xf32, #tpu.memory_space<vmem>>) offsets(%arg6 : memref<128xi32, #tpu.memory_space<vmem>>) semaphore(%arg9 : memref<!tpu.dma_semaphore, #tpu.memory_space<semaphore_mem>>)
      %dma_wait3A = arith.constant 0 : i32
      %dma_wait3A_11 = arith.constant 0 : i32
      %dma_wait3A_12 = tpu.memref_slice %arg2[%dma_wait3A, %dma_wait3A_11] : memref<100000x32xf32, #tpu.memory_space<hbm>> -> memref<100000x32xf32, #tpu.memory_space<hbm>>
      tpu.wait_indirect_dma semaphore(%arg9 : memref<!tpu.dma_semaphore, #tpu.memory_space<semaphore_mem>>) src(%dma_wait3A_12 : memref<100000x32xf32, #tpu.memory_space<hbm>>) dst(%arg7 : memref<128x32xf32, #tpu.memory_space<vmem>>)
      "tpu.region"() ({
        %run_scoped3A = tpu.sem_alloc : memref<!tpu.dma_semaphore, #tpu.memory_space<semaphore_mem>>
        %dma_start3A_25 = arith.constant 0 : i32
        %dma_start3A_26 = tpu.memref_slice %arg4[%arg0, %add3A, %dma_start3A_25] : memref<2x320x128xi32, #tpu.memory_space<hbm>> -> memref<1x1x128xi32, #tpu.memory_space<hbm>>
        %dma_start3A_27 = tpu.memref_squeeze %dma_start3A_26 : memref<1x1x128xi32, #tpu.memory_space<hbm>> -> memref<128xi32, #tpu.memory_space<hbm>>
        %dma_start3A_28 = arith.constant 0 : i32
        %dma_start3A_29 = tpu.memref_slice %arg4[%arg0, %add3A, %dma_start3A_28] : memref<2x320x128xi32, #tpu.memory_space<hbm>> -> memref<1x1x128xi32, #tpu.memory_space<hbm>>
        %dma_start3A_30 = tpu.memref_squeeze %dma_start3A_29 : memref<1x1x128xi32, #tpu.memory_space<hbm>> -> memref<128xi32, #tpu.memory_space<hbm>>
        tpu.enqueue_dma source(%dma_start3A_30 : memref<128xi32, #tpu.memory_space<hbm>>) target(%arg6 : memref<128xi32, #tpu.memory_space<vmem>>) target_semaphore(%run_scoped3A : memref<!tpu.dma_semaphore, #tpu.memory_space<semaphore_mem>>)
        %dma_wait3A_31 = arith.constant 0 : i32
        %dma_wait3A_32 = tpu.memref_slice %arg4[%arg0, %add3A, %dma_wait3A_31] : memref<2x320x128xi32, #tpu.memory_space<hbm>> -> memref<1x1x128xi32, #tpu.memory_space<hbm>>
        %dma_wait3A_33 = tpu.memref_squeeze %dma_wait3A_32 : memref<1x1x128xi32, #tpu.memory_space<hbm>> -> memref<128xi32, #tpu.memory_space<hbm>>
        %dma_wait3A_34 = arith.constant 0 : i32
        %dma_wait3A_35 = tpu.memref_slice %arg4[%arg0, %add3A, %dma_wait3A_34] : memref<2x320x128xi32, #tpu.memory_space<hbm>> -> memref<1x1x128xi32, #tpu.memory_space<hbm>>
        %dma_wait3A_36 = tpu.memref_squeeze %dma_wait3A_35 : memref<1x1x128xi32, #tpu.memory_space<hbm>> -> memref<128xi32, #tpu.memory_space<hbm>>
        tpu.wait_dma2 semaphore(%run_scoped3A : memref<!tpu.dma_semaphore, #tpu.memory_space<semaphore_mem>>) src(%dma_wait3A_36 : memref<128xi32, #tpu.memory_space<hbm>>) dst(%arg6 : memref<128xi32, #tpu.memory_space<vmem>>)
        tpu.yield
      }) : () -> ()
      %dma_start3A_13 = arith.constant 0 : i32
      %dma_start3A_14 = arith.constant 0 : i32
      %dma_start3A_15 = tpu.memref_slice %arg2[%dma_start3A_13, %dma_start3A_14] : memref<100000x32xf32, #tpu.memory_space<hbm>> -> memref<100000x32xf32, #tpu.memory_space<hbm>>
      tpu.enqueue_indirect_dma source(%dma_start3A_15 : memref<100000x32xf32, #tpu.memory_space<hbm>>) target(%arg8 : memref<128x32xf32, #tpu.memory_space<vmem>>) offsets(%arg6 : memref<128xi32, #tpu.memory_space<vmem>>) semaphore(%arg9 : memref<!tpu.dma_semaphore, #tpu.memory_space<semaphore_mem>>)
      %dma_wait3A_16 = arith.constant 0 : i32
      %dma_wait3A_17 = arith.constant 0 : i32
      %dma_wait3A_18 = tpu.memref_slice %arg2[%dma_wait3A_16, %dma_wait3A_17] : memref<100000x32xf32, #tpu.memory_space<hbm>> -> memref<100000x32xf32, #tpu.memory_space<hbm>>
      tpu.wait_indirect_dma semaphore(%arg9 : memref<!tpu.dma_semaphore, #tpu.memory_space<semaphore_mem>>) src(%dma_wait3A_18 : memref<100000x32xf32, #tpu.memory_space<hbm>>) dst(%arg8 : memref<128x32xf32, #tpu.memory_space<vmem>>)
      %scan3A_19 = arith.constant 0 : i32
      %scan3A_20 = arith.constant 0 : i32
      %scan3A_21 = arith.constant 128 : i32
      %scan3A_22 = arith.addi %scan3A_20, %scan3A_21 : i32
      %scan3A_23 = arith.constant 1 : i32
      scf.for %scan3A_25 = %scan3A_20 to %scan3A_22 step %scan3A_23  : i32 {
        %get3A = arith.index_cast %scan3A_25 : i32 to index
        %get3A_26 = arith.constant 0 : index
        %get3A_27 = tpu.vector_load %arg7[%get3A, %get3A_26] {strides = array<i32>} : memref<128x32xf32, #tpu.memory_space<vmem>>, vector<1x16xf32>,
        %get3A_28 = vector.shape_cast %get3A_27 : vector<1x16xf32> to vector<16xf32>
        %get3A_29 = arith.index_cast %scan3A_25 : i32 to index
        %get3A_30 = arith.constant 0 : index
        %get3A_31 = tpu.vector_load %arg8[%get3A_29, %get3A_30] {strides = array<i32>} : memref<128x32xf32, #tpu.memory_space<vmem>>, vector<1x16xf32>,
        %get3A_32 = vector.shape_cast %get3A_31 : vector<1x16xf32> to vector<16xf32>
        %add3A_33 = arith.addf %get3A_28, %get3A_32 : vector<16xf32>
        %swap3A = arith.index_cast %scan3A_25 : i32 to index
        %swap3A_34 = arith.constant 0 : index
        %swap3A_35 = tpu.vector_load %arg7[%swap3A, %swap3A_34] {strides = array<i32>} : memref<128x32xf32, #tpu.memory_space<vmem>>, vector<1x16xf32>,
        %swap3A_36 = vector.shape_cast %swap3A_35 : vector<1x16xf32> to vector<16xf32>
        %swap3A_37 = vector.shape_cast %add3A_33 : vector<16xf32> to vector<1x16xf32>
        tpu.vector_store %arg7[%swap3A, %swap3A_34], %swap3A_37 {strides = array<i32>} : memref<128x32xf32, #tpu.memory_space<vmem>>, vector<1x16xf32>,
        %get3A_38 = arith.index_cast %scan3A_25 : i32 to index
        %get3A_39 = arith.constant 16 : index
        %get3A_40 = tpu.vector_load %arg7[%get3A_38, %get3A_39] {strides = array<i32>} : memref<128x32xf32, #tpu.memory_space<vmem>>, vector<1x16xf32>,
        %get3A_41 = vector.shape_cast %get3A_40 : vector<1x16xf32> to vector<16xf32>
        %get3A_42 = arith.index_cast %scan3A_25 : i32 to index
        %get3A_43 = arith.constant 16 : index
        %get3A_44 = tpu.vector_load %arg8[%get3A_42, %get3A_43] {strides = array<i32>} : memref<128x32xf32, #tpu.memory_space<vmem>>, vector<1x16xf32>,
        %get3A_45 = vector.shape_cast %get3A_44 : vector<1x16xf32> to vector<16xf32>
        %add3A_46 = arith.addf %get3A_41, %get3A_45 : vector<16xf32>
        %swap3A_47 = arith.index_cast %scan3A_25 : i32 to index
        %swap3A_48 = arith.constant 16 : index
        %swap3A_49 = tpu.vector_load %arg7[%swap3A_47, %swap3A_48] {strides = array<i32>} : memref<128x32xf32, #tpu.memory_space<vmem>>, vector<1x16xf32>,
        %swap3A_50 = vector.shape_cast %swap3A_49 : vector<1x16xf32> to vector<16xf32>
        %swap3A_51 = vector.shape_cast %add3A_46 : vector<16xf32> to vector<1x16xf32>
        tpu.vector_store %arg7[%swap3A_47, %swap3A_48], %swap3A_51 {strides = array<i32>} : memref<128x32xf32, #tpu.memory_space<vmem>>, vector<1x16xf32>,
      }
      %scan3A_24 = arith.constant 128 : i32
      "tpu.region"() ({
        %run_scoped3A = tpu.sem_alloc : memref<!tpu.dma_semaphore, #tpu.memory_space<semaphore_mem>>
        %dma_start3A_25 = arith.constant 0 : i32
        %dma_start3A_26 = tpu.memref_slice %arg5[%mul3A_8, %arg0, %dma_start3A_25] : memref<40960x2x32xf32, #tpu.memory_space<hbm>> -> memref<128x1x32xf32, #tpu.memory_space<hbm>>
        %dma_start3A_27 = tpu.memref_squeeze %dma_start3A_26 : memref<128x1x32xf32, #tpu.memory_space<hbm>> -> memref<128x32xf32, #tpu.memory_space<hbm>>
        %dma_start3A_28 = arith.constant 0 : i32
        %dma_start3A_29 = tpu.memref_slice %arg5[%mul3A_8, %arg0, %dma_start3A_28] : memref<40960x2x32xf32, #tpu.memory_space<hbm>> -> memref<128x1x32xf32, #tpu.memory_space<hbm>>
        %dma_start3A_30 = tpu.memref_squeeze %dma_start3A_29 : memref<128x1x32xf32, #tpu.memory_space<hbm>> -> memref<128x32xf32, #tpu.memory_space<hbm>>
        tpu.enqueue_dma source(%arg7 : memref<128x32xf32, #tpu.memory_space<vmem>>) target(%dma_start3A_30 : memref<128x32xf32, #tpu.memory_space<hbm>>) target_semaphore(%run_scoped3A : memref<!tpu.dma_semaphore, #tpu.memory_space<semaphore_mem>>)
        %dma_wait3A_31 = arith.constant 0 : i32
        %dma_wait3A_32 = tpu.memref_slice %arg5[%mul3A_8, %arg0, %dma_wait3A_31] : memref<40960x2x32xf32, #tpu.memory_space<hbm>> -> memref<128x1x32xf32, #tpu.memory_space<hbm>>
        %dma_wait3A_33 = tpu.memref_squeeze %dma_wait3A_32 : memref<128x1x32xf32, #tpu.memory_space<hbm>> -> memref<128x32xf32, #tpu.memory_space<hbm>>
        %dma_wait3A_34 = arith.constant 0 : i32
        %dma_wait3A_35 = tpu.memref_slice %arg5[%mul3A_8, %arg0, %dma_wait3A_34] : memref<40960x2x32xf32, #tpu.memory_space<hbm>> -> memref<128x1x32xf32, #tpu.memory_space<hbm>>
        %dma_wait3A_36 = tpu.memref_squeeze %dma_wait3A_35 : memref<128x1x32xf32, #tpu.memory_space<hbm>> -> memref<128x32xf32, #tpu.memory_space<hbm>>
        tpu.wait_dma2 semaphore(%run_scoped3A : memref<!tpu.dma_semaphore, #tpu.memory_space<semaphore_mem>>) src(%arg7 : memref<128x32xf32, #tpu.memory_space<vmem>>) dst(%dma_wait3A_36 : memref<128x32xf32, #tpu.memory_space<hbm>>)
        tpu.yield
      }) : () -> ()
    }
    %scan3A_4 = arith.constant 20 : i32
    return
  }
}

#map = affine_map<(d0, d1) -> (0, 0)>
#map1 = affine_map<(d0, d1) -> (0, 0, 0)>
module attributes {stable_mosaic.version = 14 : i64} {
  func.func @body(%arg0: i32, %arg1: i32, %arg2: memref<100000x32xf32, #tpu.memory_space<hbm>>, %arg3: memref<2x6272x128xi32, #tpu.memory_space<hbm>>, %arg4: memref<6272x128xi32, #tpu.memory_space<hbm>>, %arg5: memref<802816x2x32xf32, #tpu.memory_space<hbm>>, %arg6: memref<51200x2x32xf32, #tpu.memory_space<hbm>>, %arg7: memref<2x128xi32, #tpu.memory_space<vmem>>, %arg8: memref<2x128xi32, #tpu.memory_space<vmem>>, %arg9: memref<256x32xf32, #tpu.memory_space<vmem>>, %arg10: memref<256x32xf32, #tpu.memory_space<vmem>>, %arg11: memref<!tpu.dma_semaphore, #tpu.memory_space<semaphore_mem>>, %arg12: memref<!tpu.dma_semaphore, #tpu.memory_space<semaphore_mem>>, %arg13: memref<51200x32xf32, #tpu.memory_space<vmem_shared>>) attributes {dimension_semantics = [#tpu.dimension_semantics<core_parallel>, #tpu.dimension_semantics<subcore_parallel>], iteration_bounds = array<i64: 2, 16>, scalar_prefetch = 0 : i64, scratch_operands = 7 : i64, tpu.core_type = #tpu.core_type<sc_vector_subcore>, window_params = [{transform_indices = #map}, {transform_indices = #map1}, {transform_indices = #map}, {transform_indices = #map1}, {transform_indices = #map1}]} {
    %scan3A = arith.constant 0 : i32
    %scan3A_0 = arith.constant 0 : i32
    %scan3A_1 = arith.constant 64 : i32
    %scan3A_2 = arith.addi %scan3A_0, %scan3A_1 : i32
    %scan3A_3 = arith.constant 1 : i32
    scf.for %scan3A_24 = %scan3A_0 to %scan3A_2 step %scan3A_3  : i32 {
      %broadcast_in_dim3A = arith.constant 0.000000e+00 : f32
      %broadcast_in_dim3A_25 = vector.broadcast %broadcast_in_dim3A : f32 to vector<16xf32>
      %mul3A = arith.constant 4 : i32
      %mul3A_26 = arith.muli %scan3A_24, %mul3A : i32
      %add3A = arith.constant 0 : i32
      %add3A_27 = arith.addi %mul3A_26, %add3A : i32
      %swap3A = arith.index_cast %add3A_27 : i32 to index
      %swap3A_28 = arith.constant 0 : index
      %swap3A_29 = tpu.vector_load %arg9[%swap3A, %swap3A_28] {strides = array<i32>} : memref<256x32xf32, #tpu.memory_space<vmem>>, vector<1x16xf32>,
      %swap3A_30 = vector.shape_cast %swap3A_29 : vector<1x16xf32> to vector<16xf32>
      %swap3A_31 = vector.shape_cast %broadcast_in_dim3A_25 : vector<16xf32> to vector<1x16xf32>
      tpu.vector_store %arg9[%swap3A, %swap3A_28], %swap3A_31 {strides = array<i32>} : memref<256x32xf32, #tpu.memory_space<vmem>>, vector<1x16xf32>,
      %broadcast_in_dim3A_32 = arith.constant 0.000000e+00 : f32
      %broadcast_in_dim3A_33 = vector.broadcast %broadcast_in_dim3A_32 : f32 to vector<16xf32>
      %mul3A_34 = arith.constant 4 : i32
      %mul3A_35 = arith.muli %scan3A_24, %mul3A_34 : i32
      %add3A_36 = arith.constant 0 : i32
      %add3A_37 = arith.addi %mul3A_35, %add3A_36 : i32
      %swap3A_38 = arith.index_cast %add3A_37 : i32 to index
      %swap3A_39 = arith.constant 16 : index
      %swap3A_40 = tpu.vector_load %arg9[%swap3A_38, %swap3A_39] {strides = array<i32>} : memref<256x32xf32, #tpu.memory_space<vmem>>, vector<1x16xf32>,
      %swap3A_41 = vector.shape_cast %swap3A_40 : vector<1x16xf32> to vector<16xf32>
      %swap3A_42 = vector.shape_cast %broadcast_in_dim3A_33 : vector<16xf32> to vector<1x16xf32>
      tpu.vector_store %arg9[%swap3A_38, %swap3A_39], %swap3A_42 {strides = array<i32>} : memref<256x32xf32, #tpu.memory_space<vmem>>, vector<1x16xf32>,
      %broadcast_in_dim3A_43 = arith.constant 0.000000e+00 : f32
      %broadcast_in_dim3A_44 = vector.broadcast %broadcast_in_dim3A_43 : f32 to vector<16xf32>
      %mul3A_45 = arith.constant 4 : i32
      %mul3A_46 = arith.muli %scan3A_24, %mul3A_45 : i32
      %add3A_47 = arith.constant 1 : i32
      %add3A_48 = arith.addi %mul3A_46, %add3A_47 : i32
      %swap3A_49 = arith.index_cast %add3A_48 : i32 to index
      %swap3A_50 = arith.constant 0 : index
      %swap3A_51 = tpu.vector_load %arg9[%swap3A_49, %swap3A_50] {strides = array<i32>} : memref<256x32xf32, #tpu.memory_space<vmem>>, vector<1x16xf32>,
      %swap3A_52 = vector.shape_cast %swap3A_51 : vector<1x16xf32> to vector<16xf32>
      %swap3A_53 = vector.shape_cast %broadcast_in_dim3A_44 : vector<16xf32> to vector<1x16xf32>
      tpu.vector_store %arg9[%swap3A_49, %swap3A_50], %swap3A_53 {strides = array<i32>} : memref<256x32xf32, #tpu.memory_space<vmem>>, vector<1x16xf32>,
      %broadcast_in_dim3A_54 = arith.constant 0.000000e+00 : f32
      %broadcast_in_dim3A_55 = vector.broadcast %broadcast_in_dim3A_54 : f32 to vector<16xf32>
      %mul3A_56 = arith.constant 4 : i32
      %mul3A_57 = arith.muli %scan3A_24, %mul3A_56 : i32
      %add3A_58 = arith.constant 1 : i32
      %add3A_59 = arith.addi %mul3A_57, %add3A_58 : i32
      %swap3A_60 = arith.index_cast %add3A_59 : i32 to index
      %swap3A_61 = arith.constant 16 : index
      %swap3A_62 = tpu.vector_load %arg9[%swap3A_60, %swap3A_61] {strides = array<i32>} : memref<256x32xf32, #tpu.memory_space<vmem>>, vector<1x16xf32>,
      %swap3A_63 = vector.shape_cast %swap3A_62 : vector<1x16xf32> to vector<16xf32>
      %swap3A_64 = vector.shape_cast %broadcast_in_dim3A_55 : vector<16xf32> to vector<1x16xf32>
      tpu.vector_store %arg9[%swap3A_60, %swap3A_61], %swap3A_64 {strides = array<i32>} : memref<256x32xf32, #tpu.memory_space<vmem>>, vector<1x16xf32>,
      %broadcast_in_dim3A_65 = arith.constant 0.000000e+00 : f32
      %broadcast_in_dim3A_66 = vector.broadcast %broadcast_in_dim3A_65 : f32 to vector<16xf32>
      %mul3A_67 = arith.constant 4 : i32
      %mul3A_68 = arith.muli %scan3A_24, %mul3A_67 : i32
      %add3A_69 = arith.constant 2 : i32
      %add3A_70 = arith.addi %mul3A_68, %add3A_69 : i32
      %swap3A_71 = arith.index_cast %add3A_70 : i32 to index
      %swap3A_72 = arith.constant 0 : index
      %swap3A_73 = tpu.vector_load %arg9[%swap3A_71, %swap3A_72] {strides = array<i32>} : memref<256x32xf32, #tpu.memory_space<vmem>>, vector<1x16xf32>,
      %swap3A_74 = vector.shape_cast %swap3A_73 : vector<1x16xf32> to vector<16xf32>
      %swap3A_75 = vector.shape_cast %broadcast_in_dim3A_66 : vector<16xf32> to vector<1x16xf32>
      tpu.vector_store %arg9[%swap3A_71, %swap3A_72], %swap3A_75 {strides = array<i32>} : memref<256x32xf32, #tpu.memory_space<vmem>>, vector<1x16xf32>,
      %broadcast_in_dim3A_76 = arith.constant 0.000000e+00 : f32
      %broadcast_in_dim3A_77 = vector.broadcast %broadcast_in_dim3A_76 : f32 to vector<16xf32>
      %mul3A_78 = arith.constant 4 : i32
      %mul3A_79 = arith.muli %scan3A_24, %mul3A_78 : i32
      %add3A_80 = arith.constant 2 : i32
      %add3A_81 = arith.addi %mul3A_79, %add3A_80 : i32
      %swap3A_82 = arith.index_cast %add3A_81 : i32 to index
      %swap3A_83 = arith.constant 16 : index
      %swap3A_84 = tpu.vector_load %arg9[%swap3A_82, %swap3A_83] {strides = array<i32>} : memref<256x32xf32, #tpu.memory_space<vmem>>, vector<1x16xf32>,
      %swap3A_85 = vector.shape_cast %swap3A_84 : vector<1x16xf32> to vector<16xf32>
      %swap3A_86 = vector.shape_cast %broadcast_in_dim3A_77 : vector<16xf32> to vector<1x16xf32>
      tpu.vector_store %arg9[%swap3A_82, %swap3A_83], %swap3A_86 {strides = array<i32>} : memref<256x32xf32, #tpu.memory_space<vmem>>, vector<1x16xf32>,
      %broadcast_in_dim3A_87 = arith.constant 0.000000e+00 : f32
      %broadcast_in_dim3A_88 = vector.broadcast %broadcast_in_dim3A_87 : f32 to vector<16xf32>
      %mul3A_89 = arith.constant 4 : i32
      %mul3A_90 = arith.muli %scan3A_24, %mul3A_89 : i32
      %add3A_91 = arith.constant 3 : i32
      %add3A_92 = arith.addi %mul3A_90, %add3A_91 : i32
      %swap3A_93 = arith.index_cast %add3A_92 : i32 to index
      %swap3A_94 = arith.constant 0 : index
      %swap3A_95 = tpu.vector_load %arg9[%swap3A_93, %swap3A_94] {strides = array<i32>} : memref<256x32xf32, #tpu.memory_space<vmem>>, vector<1x16xf32>,
      %swap3A_96 = vector.shape_cast %swap3A_95 : vector<1x16xf32> to vector<16xf32>
      %swap3A_97 = vector.shape_cast %broadcast_in_dim3A_88 : vector<16xf32> to vector<1x16xf32>
      tpu.vector_store %arg9[%swap3A_93, %swap3A_94], %swap3A_97 {strides = array<i32>} : memref<256x32xf32, #tpu.memory_space<vmem>>, vector<1x16xf32>,
      %broadcast_in_dim3A_98 = arith.constant 0.000000e+00 : f32
      %broadcast_in_dim3A_99 = vector.broadcast %broadcast_in_dim3A_98 : f32 to vector<16xf32>
      %mul3A_100 = arith.constant 4 : i32
      %mul3A_101 = arith.muli %scan3A_24, %mul3A_100 : i32
      %add3A_102 = arith.constant 3 : i32
      %add3A_103 = arith.addi %mul3A_101, %add3A_102 : i32
      %swap3A_104 = arith.index_cast %add3A_103 : i32 to index
      %swap3A_105 = arith.constant 16 : index
      %swap3A_106 = tpu.vector_load %arg9[%swap3A_104, %swap3A_105] {strides = array<i32>} : memref<256x32xf32, #tpu.memory_space<vmem>>, vector<1x16xf32>,
      %swap3A_107 = vector.shape_cast %swap3A_106 : vector<1x16xf32> to vector<16xf32>
      %swap3A_108 = vector.shape_cast %broadcast_in_dim3A_99 : vector<16xf32> to vector<1x16xf32>
      tpu.vector_store %arg9[%swap3A_104, %swap3A_105], %swap3A_108 {strides = array<i32>} : memref<256x32xf32, #tpu.memory_space<vmem>>, vector<1x16xf32>,
    }
    %scan3A_4 = arith.constant 64 : i32
    %scan3A_5 = arith.constant 0 : i32
    %scan3A_6 = arith.constant 0 : i32
    %scan3A_7 = arith.constant 16 : i32
    %scan3A_8 = arith.addi %scan3A_6, %scan3A_7 : i32
    %scan3A_9 = arith.constant 1 : i32
    scf.for %scan3A_24 = %scan3A_6 to %scan3A_8 step %scan3A_9  : i32 {
      %mul3A = arith.constant 3200 : i32
      %mul3A_25 = arith.muli %arg1, %mul3A : i32
      %mul3A_26 = arith.constant 200 : i32
      %mul3A_27 = arith.muli %scan3A_24, %mul3A_26 : i32
      %add3A = arith.addi %mul3A_25, %mul3A_27 : i32
      "tpu.region"() ({
        %run_scoped3A = tpu.sem_alloc : memref<!tpu.dma_semaphore, #tpu.memory_space<semaphore_mem>>
        %dma_start3A = arith.constant 0 : i32
        %dma_start3A_28 = arith.constant 0 : i32
        %dma_start3A_29 = tpu.memref_slice %arg9[%dma_start3A, %dma_start3A_28] : memref<256x32xf32, #tpu.memory_space<vmem>> -> memref<200x32xf32, #tpu.memory_space<vmem>>
        %dma_start3A_30 = arith.constant 0 : i32
        %dma_start3A_31 = tpu.memref_slice %arg13[%add3A, %dma_start3A_30] : memref<51200x32xf32, #tpu.memory_space<vmem_shared>> -> memref<200x32xf32, #tpu.memory_space<vmem_shared>>
        %dma_start3A_32 = arith.constant 0 : i32
        %dma_start3A_33 = tpu.memref_slice %arg13[%add3A, %dma_start3A_32] : memref<51200x32xf32, #tpu.memory_space<vmem_shared>> -> memref<200x32xf32, #tpu.memory_space<vmem_shared>>
        %dma_start3A_34 = arith.constant 0 : i32
        %dma_start3A_35 = arith.constant 0 : i32
        %dma_start3A_36 = tpu.memref_slice %arg9[%dma_start3A_34, %dma_start3A_35] : memref<256x32xf32, #tpu.memory_space<vmem>> -> memref<200x32xf32, #tpu.memory_space<vmem>>
        tpu.enqueue_dma source(%dma_start3A_36 : memref<200x32xf32, #tpu.memory_space<vmem>>) target(%dma_start3A_33 : memref<200x32xf32, #tpu.memory_space<vmem_shared>>) target_semaphore(%run_scoped3A : memref<!tpu.dma_semaphore, #tpu.memory_space<semaphore_mem>>)
        %dma_wait3A = arith.constant 0 : i32
        %dma_wait3A_37 = arith.constant 0 : i32
        %dma_wait3A_38 = tpu.memref_slice %arg9[%dma_wait3A, %dma_wait3A_37] : memref<256x32xf32, #tpu.memory_space<vmem>> -> memref<200x32xf32, #tpu.memory_space<vmem>>
        %dma_wait3A_39 = arith.constant 0 : i32
        %dma_wait3A_40 = tpu.memref_slice %arg13[%add3A, %dma_wait3A_39] : memref<51200x32xf32, #tpu.memory_space<vmem_shared>> -> memref<200x32xf32, #tpu.memory_space<vmem_shared>>
        %dma_wait3A_41 = arith.constant 0 : i32
        %dma_wait3A_42 = tpu.memref_slice %arg13[%add3A, %dma_wait3A_41] : memref<51200x32xf32, #tpu.memory_space<vmem_shared>> -> memref<200x32xf32, #tpu.memory_space<vmem_shared>>
        %dma_wait3A_43 = arith.constant 0 : i32
        %dma_wait3A_44 = arith.constant 0 : i32
        %dma_wait3A_45 = tpu.memref_slice %arg9[%dma_wait3A_43, %dma_wait3A_44] : memref<256x32xf32, #tpu.memory_space<vmem>> -> memref<200x32xf32, #tpu.memory_space<vmem>>
        tpu.wait_dma2 semaphore(%run_scoped3A : memref<!tpu.dma_semaphore, #tpu.memory_space<semaphore_mem>>) src(%dma_wait3A_45 : memref<200x32xf32, #tpu.memory_space<vmem>>) dst(%dma_wait3A_42 : memref<200x32xf32, #tpu.memory_space<vmem_shared>>)
        tpu.yield
      }) : () -> ()
    }
    %scan3A_10 = arith.constant 16 : i32
    %barrier3A = arith.constant 0 : index
    tpu.barrier barrier_id(%barrier3A)
    %scan3A_11 = arith.constant 0 : i32
    %scan3A_12 = arith.constant 0 : i32
    %scan3A_13 = arith.constant 196 : i32
    %scan3A_14 = arith.addi %scan3A_12, %scan3A_13 : i32
    %scan3A_15 = arith.constant 1 : i32
    scf.for %scan3A_24 = %scan3A_12 to %scan3A_14 step %scan3A_15  : i32 {
      %mul3A = arith.constant 196 : i32
      %mul3A_25 = arith.muli %arg1, %mul3A : i32
      %add3A = arith.addi %mul3A_25, %scan3A_24 : i32
      %mul3A_26 = arith.constant 256 : i32
      %mul3A_27 = arith.muli %add3A, %mul3A_26 : i32
      %jit3A = arith.constant 128 : i32
      %div3A = arith.divsi %mul3A_27, %jit3A : i32
      %sign3A = arith.constant 0 : i32
      %sign3A_28 = arith.cmpi sgt, %mul3A_27, %sign3A : i32
      %sign3A_29 = arith.extui %sign3A_28 : i1 to i32
      %sign3A_30 = arith.constant 0 : i32
      %sign3A_31 = arith.cmpi slt, %mul3A_27, %sign3A_30 : i32
      %sign3A_32 = arith.extui %sign3A_31 : i1 to i32
      %sign3A_33 = arith.subi %sign3A_29, %sign3A_32 : i32
      %sign3A_34 = arith.constant 0 : i32
      %sign3A_35 = arith.cmpi sgt, %jit3A, %sign3A_34 : i32
      %sign3A_36 = arith.extui %sign3A_35 : i1 to i32
      %sign3A_37 = arith.constant 0 : i32
      %sign3A_38 = arith.cmpi slt, %jit3A, %sign3A_37 : i32
      %sign3A_39 = arith.extui %sign3A_38 : i1 to i32
      %sign3A_40 = arith.subi %sign3A_36, %sign3A_39 : i32
      %ne3A = arith.cmpi ne, %sign3A_33, %sign3A_40 : i32
      %rem3A = arith.remsi %mul3A_27, %jit3A : i32
      %ne3A_41 = arith.constant 0 : i32
      %ne3A_42 = arith.cmpi ne, %rem3A, %ne3A_41 : i32
      %and3A = arith.andi %ne3A, %ne3A_42 : i1
      %sub3A = arith.constant 1 : i32
      %sub3A_43 = arith.subi %div3A, %sub3A : i32
      %select_n3A = arith.select %and3A, %sub3A_43, %div3A : i32
      "tpu.region"() ({
        %run_scoped3A = tpu.sem_alloc : memref<!tpu.dma_semaphore, #tpu.memory_space<semaphore_mem>>
        %dma_start3A_128 = arith.constant 0 : i32
        %dma_start3A_129 = tpu.memref_slice %arg3[%arg0, %select_n3A, %dma_start3A_128] : memref<2x6272x128xi32, #tpu.memory_space<hbm>> -> memref<1x2x128xi32, #tpu.memory_space<hbm>>
        %dma_start3A_130 = tpu.memref_squeeze %dma_start3A_129 : memref<1x2x128xi32, #tpu.memory_space<hbm>> -> memref<2x128xi32, #tpu.memory_space<hbm>>
        %dma_start3A_131 = arith.constant 0 : i32
        %dma_start3A_132 = tpu.memref_slice %arg3[%arg0, %select_n3A, %dma_start3A_131] : memref<2x6272x128xi32, #tpu.memory_space<hbm>> -> memref<1x2x128xi32, #tpu.memory_space<hbm>>
        %dma_start3A_133 = tpu.memref_squeeze %dma_start3A_132 : memref<1x2x128xi32, #tpu.memory_space<hbm>> -> memref<2x128xi32, #tpu.memory_space<hbm>>
        tpu.enqueue_dma source(%dma_start3A_133 : memref<2x128xi32, #tpu.memory_space<hbm>>) target(%arg7 : memref<2x128xi32, #tpu.memory_space<vmem>>) target_semaphore(%run_scoped3A : memref<!tpu.dma_semaphore, #tpu.memory_space<semaphore_mem>>)
        %dma_wait3A_134 = arith.constant 0 : i32
        %dma_wait3A_135 = tpu.memref_slice %arg3[%arg0, %select_n3A, %dma_wait3A_134] : memref<2x6272x128xi32, #tpu.memory_space<hbm>> -> memref<1x2x128xi32, #tpu.memory_space<hbm>>
        %dma_wait3A_136 = tpu.memref_squeeze %dma_wait3A_135 : memref<1x2x128xi32, #tpu.memory_space<hbm>> -> memref<2x128xi32, #tpu.memory_space<hbm>>
        %dma_wait3A_137 = arith.constant 0 : i32
        %dma_wait3A_138 = tpu.memref_slice %arg3[%arg0, %select_n3A, %dma_wait3A_137] : memref<2x6272x128xi32, #tpu.memory_space<hbm>> -> memref<1x2x128xi32, #tpu.memory_space<hbm>>
        %dma_wait3A_139 = tpu.memref_squeeze %dma_wait3A_138 : memref<1x2x128xi32, #tpu.memory_space<hbm>> -> memref<2x128xi32, #tpu.memory_space<hbm>>
        tpu.wait_dma2 semaphore(%run_scoped3A : memref<!tpu.dma_semaphore, #tpu.memory_space<semaphore_mem>>) src(%dma_wait3A_139 : memref<2x128xi32, #tpu.memory_space<hbm>>) dst(%arg7 : memref<2x128xi32, #tpu.memory_space<vmem>>)
        tpu.yield
      }) : () -> ()
      "tpu.region"() ({
        %run_scoped3A = tpu.sem_alloc : memref<!tpu.dma_semaphore, #tpu.memory_space<semaphore_mem>>
        %dma_start3A_128 = arith.constant 0 : i32
        %dma_start3A_129 = tpu.memref_slice %arg4[%select_n3A, %dma_start3A_128] : memref<6272x128xi32, #tpu.memory_space<hbm>> -> memref<2x128xi32, #tpu.memory_space<hbm>>
        %dma_start3A_130 = arith.constant 0 : i32
        %dma_start3A_131 = tpu.memref_slice %arg4[%select_n3A, %dma_start3A_130] : memref<6272x128xi32, #tpu.memory_space<hbm>> -> memref<2x128xi32, #tpu.memory_space<hbm>>
        tpu.enqueue_dma source(%dma_start3A_131 : memref<2x128xi32, #tpu.memory_space<hbm>>) target(%arg8 : memref<2x128xi32, #tpu.memory_space<vmem>>) target_semaphore(%run_scoped3A : memref<!tpu.dma_semaphore, #tpu.memory_space<semaphore_mem>>)
        %dma_wait3A_132 = arith.constant 0 : i32
        %dma_wait3A_133 = tpu.memref_slice %arg4[%select_n3A, %dma_wait3A_132] : memref<6272x128xi32, #tpu.memory_space<hbm>> -> memref<2x128xi32, #tpu.memory_space<hbm>>
        %dma_wait3A_134 = arith.constant 0 : i32
        %dma_wait3A_135 = tpu.memref_slice %arg4[%select_n3A, %dma_wait3A_134] : memref<6272x128xi32, #tpu.memory_space<hbm>> -> memref<2x128xi32, #tpu.memory_space<hbm>>
        tpu.wait_dma2 semaphore(%run_scoped3A : memref<!tpu.dma_semaphore, #tpu.memory_space<semaphore_mem>>) src(%dma_wait3A_135 : memref<2x128xi32, #tpu.memory_space<hbm>>) dst(%arg8 : memref<2x128xi32, #tpu.memory_space<vmem>>)
        tpu.yield
      }) : () -> ()
      "tpu.region"() ({
        %run_scoped3A = tpu.sem_alloc : memref<!tpu.dma_semaphore, #tpu.memory_space<semaphore_mem>>
        %dma_start3A_128 = arith.constant 0 : i32
        %dma_start3A_129 = tpu.memref_slice %arg5[%mul3A_27, %arg0, %dma_start3A_128] : memref<802816x2x32xf32, #tpu.memory_space<hbm>> -> memref<256x1x32xf32, #tpu.memory_space<hbm>>
        %dma_start3A_130 = tpu.memref_squeeze %dma_start3A_129 : memref<256x1x32xf32, #tpu.memory_space<hbm>> -> memref<256x32xf32, #tpu.memory_space<hbm>>
        %dma_start3A_131 = arith.constant 0 : i32
        %dma_start3A_132 = tpu.memref_slice %arg5[%mul3A_27, %arg0, %dma_start3A_131] : memref<802816x2x32xf32, #tpu.memory_space<hbm>> -> memref<256x1x32xf32, #tpu.memory_space<hbm>>
        %dma_start3A_133 = tpu.memref_squeeze %dma_start3A_132 : memref<256x1x32xf32, #tpu.memory_space<hbm>> -> memref<256x32xf32, #tpu.memory_space<hbm>>
        tpu.enqueue_dma source(%dma_start3A_133 : memref<256x32xf32, #tpu.memory_space<hbm>>) target(%arg10 : memref<256x32xf32, #tpu.memory_space<vmem>>) target_semaphore(%run_scoped3A : memref<!tpu.dma_semaphore, #tpu.memory_space<semaphore_mem>>)
        %dma_wait3A_134 = arith.constant 0 : i32
        %dma_wait3A_135 = tpu.memref_slice %arg5[%mul3A_27, %arg0, %dma_wait3A_134] : memref<802816x2x32xf32, #tpu.memory_space<hbm>> -> memref<256x1x32xf32, #tpu.memory_space<hbm>>
        %dma_wait3A_136 = tpu.memref_squeeze %dma_wait3A_135 : memref<256x1x32xf32, #tpu.memory_space<hbm>> -> memref<256x32xf32, #tpu.memory_space<hbm>>
        %dma_wait3A_137 = arith.constant 0 : i32
        %dma_wait3A_138 = tpu.memref_slice %arg5[%mul3A_27, %arg0, %dma_wait3A_137] : memref<802816x2x32xf32, #tpu.memory_space<hbm>> -> memref<256x1x32xf32, #tpu.memory_space<hbm>>
        %dma_wait3A_139 = tpu.memref_squeeze %dma_wait3A_138 : memref<256x1x32xf32, #tpu.memory_space<hbm>> -> memref<256x32xf32, #tpu.memory_space<hbm>>
        tpu.wait_dma2 semaphore(%run_scoped3A : memref<!tpu.dma_semaphore, #tpu.memory_space<semaphore_mem>>) src(%dma_wait3A_139 : memref<256x32xf32, #tpu.memory_space<hbm>>) dst(%arg10 : memref<256x32xf32, #tpu.memory_space<vmem>>)
        tpu.yield
      }) : () -> ()
      %dma_start3A = arith.constant 0 : i32
      %dma_start3A_44 = arith.constant 0 : i32
      %dma_start3A_45 = arith.constant 0 : i32
      %dma_start3A_46 = tpu.memref_slice %arg9[%dma_start3A_44, %dma_start3A_45] : memref<256x32xf32, #tpu.memory_space<vmem>> -> memref<128x32xf32, #tpu.memory_space<vmem>>
      %dma_start3A_47 = arith.constant 0 : i32
      %dma_start3A_48 = tpu.memref_slice %arg7[%dma_start3A, %dma_start3A_47] : memref<2x128xi32, #tpu.memory_space<vmem>> -> memref<1x128xi32, #tpu.memory_space<vmem>>
      %dma_start3A_49 = tpu.memref_squeeze %dma_start3A_48 : memref<1x128xi32, #tpu.memory_space<vmem>> -> memref<128xi32, #tpu.memory_space<vmem>>
      %dma_start3A_50 = arith.constant 0 : i32
      %dma_start3A_51 = arith.constant 0 : i32
      %dma_start3A_52 = tpu.memref_slice %arg2[%dma_start3A_50, %dma_start3A_51] : memref<100000x32xf32, #tpu.memory_space<hbm>> -> memref<100000x32xf32, #tpu.memory_space<hbm>>
      tpu.enqueue_indirect_dma source(%dma_start3A_52 : memref<100000x32xf32, #tpu.memory_space<hbm>>) target(%dma_start3A_46 : memref<128x32xf32, #tpu.memory_space<vmem>>) offsets(%dma_start3A_49 : memref<128xi32, #tpu.memory_space<vmem>>) semaphore(%arg11 : memref<!tpu.dma_semaphore, #tpu.memory_space<semaphore_mem>>)
      %dma_start3A_53 = arith.constant 1 : i32
      %dma_start3A_54 = arith.constant 128 : i32
      %dma_start3A_55 = arith.constant 0 : i32
      %dma_start3A_56 = tpu.memref_slice %arg9[%dma_start3A_54, %dma_start3A_55] : memref<256x32xf32, #tpu.memory_space<vmem>> -> memref<128x32xf32, #tpu.memory_space<vmem>>
      %dma_start3A_57 = arith.constant 0 : i32
      %dma_start3A_58 = tpu.memref_slice %arg7[%dma_start3A_53, %dma_start3A_57] : memref<2x128xi32, #tpu.memory_space<vmem>> -> memref<1x128xi32, #tpu.memory_space<vmem>>
      %dma_start3A_59 = tpu.memref_squeeze %dma_start3A_58 : memref<1x128xi32, #tpu.memory_space<vmem>> -> memref<128xi32, #tpu.memory_space<vmem>>
      %dma_start3A_60 = arith.constant 0 : i32
      %dma_start3A_61 = arith.constant 0 : i32
      %dma_start3A_62 = tpu.memref_slice %arg2[%dma_start3A_60, %dma_start3A_61] : memref<100000x32xf32, #tpu.memory_space<hbm>> -> memref<100000x32xf32, #tpu.memory_space<hbm>>
      tpu.enqueue_indirect_dma source(%dma_start3A_62 : memref<100000x32xf32, #tpu.memory_space<hbm>>) target(%dma_start3A_56 : memref<128x32xf32, #tpu.memory_space<vmem>>) offsets(%dma_start3A_59 : memref<128xi32, #tpu.memory_space<vmem>>) semaphore(%arg11 : memref<!tpu.dma_semaphore, #tpu.memory_space<semaphore_mem>>)
      %dma_wait3A = arith.constant 0 : i32
      %dma_wait3A_63 = arith.constant 0 : i32
      %dma_wait3A_64 = arith.constant 0 : i32
      %dma_wait3A_65 = tpu.memref_slice %arg9[%dma_wait3A_63, %dma_wait3A_64] : memref<256x32xf32, #tpu.memory_space<vmem>> -> memref<128x32xf32, #tpu.memory_space<vmem>>
      %dma_wait3A_66 = arith.constant 0 : i32
      %dma_wait3A_67 = tpu.memref_slice %arg7[%dma_wait3A, %dma_wait3A_66] : memref<2x128xi32, #tpu.memory_space<vmem>> -> memref<1x128xi32, #tpu.memory_space<vmem>>
      %dma_wait3A_68 = tpu.memref_squeeze %dma_wait3A_67 : memref<1x128xi32, #tpu.memory_space<vmem>> -> memref<128xi32, #tpu.memory_space<vmem>>
      %dma_wait3A_69 = arith.constant 0 : i32
      %dma_wait3A_70 = arith.constant 0 : i32
      %dma_wait3A_71 = tpu.memref_slice %arg2[%dma_wait3A_69, %dma_wait3A_70] : memref<100000x32xf32, #tpu.memory_space<hbm>> -> memref<100000x32xf32, #tpu.memory_space<hbm>>
      tpu.wait_indirect_dma semaphore(%arg11 : memref<!tpu.dma_semaphore, #tpu.memory_space<semaphore_mem>>) src(%dma_wait3A_71 : memref<100000x32xf32, #tpu.memory_space<hbm>>) dst(%dma_wait3A_65 : memref<128x32xf32, #tpu.memory_space<vmem>>)
      %dma_wait3A_72 = arith.constant 1 : i32
      %dma_wait3A_73 = arith.constant 128 : i32
      %dma_wait3A_74 = arith.constant 0 : i32
      %dma_wait3A_75 = tpu.memref_slice %arg9[%dma_wait3A_73, %dma_wait3A_74] : memref<256x32xf32, #tpu.memory_space<vmem>> -> memref<128x32xf32, #tpu.memory_space<vmem>>
      %dma_wait3A_76 = arith.constant 0 : i32
      %dma_wait3A_77 = tpu.memref_slice %arg7[%dma_wait3A_72, %dma_wait3A_76] : memref<2x128xi32, #tpu.memory_space<vmem>> -> memref<1x128xi32, #tpu.memory_space<vmem>>
      %dma_wait3A_78 = tpu.memref_squeeze %dma_wait3A_77 : memref<1x128xi32, #tpu.memory_space<vmem>> -> memref<128xi32, #tpu.memory_space<vmem>>
      %dma_wait3A_79 = arith.constant 0 : i32
      %dma_wait3A_80 = arith.constant 0 : i32
      %dma_wait3A_81 = tpu.memref_slice %arg2[%dma_wait3A_79, %dma_wait3A_80] : memref<100000x32xf32, #tpu.memory_space<hbm>> -> memref<100000x32xf32, #tpu.memory_space<hbm>>
      tpu.wait_indirect_dma semaphore(%arg11 : memref<!tpu.dma_semaphore, #tpu.memory_space<semaphore_mem>>) src(%dma_wait3A_81 : memref<100000x32xf32, #tpu.memory_space<hbm>>) dst(%dma_wait3A_75 : memref<128x32xf32, #tpu.memory_space<vmem>>)
      %scan3A_82 = arith.constant 0 : i32
      %scan3A_83 = arith.constant 0 : i32
      %scan3A_84 = arith.constant 64 : i32
      %scan3A_85 = arith.addi %scan3A_83, %scan3A_84 : i32
      %scan3A_86 = arith.constant 1 : i32
      scf.for %scan3A_128 = %scan3A_83 to %scan3A_85 step %scan3A_86  : i32 {
        %mul3A_129 = arith.constant 4 : i32
        %mul3A_130 = arith.muli %scan3A_128, %mul3A_129 : i32
        %add3A_131 = arith.constant 0 : i32
        %add3A_132 = arith.addi %mul3A_130, %add3A_131 : i32
        %get3A = arith.index_cast %add3A_132 : i32 to index
        %get3A_133 = arith.constant 0 : index
        %get3A_134 = tpu.vector_load %arg9[%get3A, %get3A_133] {strides = array<i32>} : memref<256x32xf32, #tpu.memory_space<vmem>>, vector<1x16xf32>,
        %get3A_135 = vector.shape_cast %get3A_134 : vector<1x16xf32> to vector<16xf32>
        %get3A_136 = arith.index_cast %add3A_132 : i32 to index
        %get3A_137 = arith.constant 0 : index
        %get3A_138 = tpu.vector_load %arg10[%get3A_136, %get3A_137] {strides = array<i32>} : memref<256x32xf32, #tpu.memory_space<vmem>>, vector<1x16xf32>,
        %get3A_139 = vector.shape_cast %get3A_138 : vector<1x16xf32> to vector<16xf32>
        %add3A_140 = arith.addf %get3A_135, %get3A_139 : vector<16xf32>
        %max3A = arith.constant 0.000000e+00 : f32
        %max3A_141 = vector.broadcast %max3A : f32 to vector<16xf32>
        %max3A_142 = arith.maximumf %add3A_140, %max3A_141 : vector<16xf32>
        %swap3A = arith.index_cast %add3A_132 : i32 to index
        %swap3A_143 = arith.constant 0 : index
        %swap3A_144 = tpu.vector_load %arg9[%swap3A, %swap3A_143] {strides = array<i32>} : memref<256x32xf32, #tpu.memory_space<vmem>>, vector<1x16xf32>,
        %swap3A_145 = vector.shape_cast %swap3A_144 : vector<1x16xf32> to vector<16xf32>
        %swap3A_146 = vector.shape_cast %max3A_142 : vector<16xf32> to vector<1x16xf32>
        tpu.vector_store %arg9[%swap3A, %swap3A_143], %swap3A_146 {strides = array<i32>} : memref<256x32xf32, #tpu.memory_space<vmem>>, vector<1x16xf32>,
        %get3A_147 = arith.index_cast %add3A_132 : i32 to index
        %get3A_148 = arith.constant 16 : index
        %get3A_149 = tpu.vector_load %arg9[%get3A_147, %get3A_148] {strides = array<i32>} : memref<256x32xf32, #tpu.memory_space<vmem>>, vector<1x16xf32>,
        %get3A_150 = vector.shape_cast %get3A_149 : vector<1x16xf32> to vector<16xf32>
        %get3A_151 = arith.index_cast %add3A_132 : i32 to index
        %get3A_152 = arith.constant 16 : index
        %get3A_153 = tpu.vector_load %arg10[%get3A_151, %get3A_152] {strides = array<i32>} : memref<256x32xf32, #tpu.memory_space<vmem>>, vector<1x16xf32>,
        %get3A_154 = vector.shape_cast %get3A_153 : vector<1x16xf32> to vector<16xf32>
        %add3A_155 = arith.addf %get3A_150, %get3A_154 : vector<16xf32>
        %max3A_156 = arith.constant 0.000000e+00 : f32
        %max3A_157 = vector.broadcast %max3A_156 : f32 to vector<16xf32>
        %max3A_158 = arith.maximumf %add3A_155, %max3A_157 : vector<16xf32>
        %swap3A_159 = arith.index_cast %add3A_132 : i32 to index
        %swap3A_160 = arith.constant 16 : index
        %swap3A_161 = tpu.vector_load %arg9[%swap3A_159, %swap3A_160] {strides = array<i32>} : memref<256x32xf32, #tpu.memory_space<vmem>>, vector<1x16xf32>,
        %swap3A_162 = vector.shape_cast %swap3A_161 : vector<1x16xf32> to vector<16xf32>
        %swap3A_163 = vector.shape_cast %max3A_158 : vector<16xf32> to vector<1x16xf32>
        tpu.vector_store %arg9[%swap3A_159, %swap3A_160], %swap3A_163 {strides = array<i32>} : memref<256x32xf32, #tpu.memory_space<vmem>>, vector<1x16xf32>,
        %mul3A_164 = arith.constant 4 : i32
        %mul3A_165 = arith.muli %scan3A_128, %mul3A_164 : i32
        %add3A_166 = arith.constant 1 : i32
        %add3A_167 = arith.addi %mul3A_165, %add3A_166 : i32
        %get3A_168 = arith.index_cast %add3A_167 : i32 to index
        %get3A_169 = arith.constant 0 : index
        %get3A_170 = tpu.vector_load %arg9[%get3A_168, %get3A_169] {strides = array<i32>} : memref<256x32xf32, #tpu.memory_space<vmem>>, vector<1x16xf32>,
        %get3A_171 = vector.shape_cast %get3A_170 : vector<1x16xf32> to vector<16xf32>
        %get3A_172 = arith.index_cast %add3A_167 : i32 to index
        %get3A_173 = arith.constant 0 : index
        %get3A_174 = tpu.vector_load %arg10[%get3A_172, %get3A_173] {strides = array<i32>} : memref<256x32xf32, #tpu.memory_space<vmem>>, vector<1x16xf32>,
        %get3A_175 = vector.shape_cast %get3A_174 : vector<1x16xf32> to vector<16xf32>
        %add3A_176 = arith.addf %get3A_171, %get3A_175 : vector<16xf32>
        %max3A_177 = arith.constant 0.000000e+00 : f32
        %max3A_178 = vector.broadcast %max3A_177 : f32 to vector<16xf32>
        %max3A_179 = arith.maximumf %add3A_176, %max3A_178 : vector<16xf32>
        %swap3A_180 = arith.index_cast %add3A_167 : i32 to index
        %swap3A_181 = arith.constant 0 : index
        %swap3A_182 = tpu.vector_load %arg9[%swap3A_180, %swap3A_181] {strides = array<i32>} : memref<256x32xf32, #tpu.memory_space<vmem>>, vector<1x16xf32>,
        %swap3A_183 = vector.shape_cast %swap3A_182 : vector<1x16xf32> to vector<16xf32>
        %swap3A_184 = vector.shape_cast %max3A_179 : vector<16xf32> to vector<1x16xf32>
        tpu.vector_store %arg9[%swap3A_180, %swap3A_181], %swap3A_184 {strides = array<i32>} : memref<256x32xf32, #tpu.memory_space<vmem>>, vector<1x16xf32>,
        %get3A_185 = arith.index_cast %add3A_167 : i32 to index
        %get3A_186 = arith.constant 16 : index
        %get3A_187 = tpu.vector_load %arg9[%get3A_185, %get3A_186] {strides = array<i32>} : memref<256x32xf32, #tpu.memory_space<vmem>>, vector<1x16xf32>,
        %get3A_188 = vector.shape_cast %get3A_187 : vector<1x16xf32> to vector<16xf32>
        %get3A_189 = arith.index_cast %add3A_167 : i32 to index
        %get3A_190 = arith.constant 16 : index
        %get3A_191 = tpu.vector_load %arg10[%get3A_189, %get3A_190] {strides = array<i32>} : memref<256x32xf32, #tpu.memory_space<vmem>>, vector<1x16xf32>,
        %get3A_192 = vector.shape_cast %get3A_191 : vector<1x16xf32> to vector<16xf32>
        %add3A_193 = arith.addf %get3A_188, %get3A_192 : vector<16xf32>
        %max3A_194 = arith.constant 0.000000e+00 : f32
        %max3A_195 = vector.broadcast %max3A_194 : f32 to vector<16xf32>
        %max3A_196 = arith.maximumf %add3A_193, %max3A_195 : vector<16xf32>
        %swap3A_197 = arith.index_cast %add3A_167 : i32 to index
        %swap3A_198 = arith.constant 16 : index
        %swap3A_199 = tpu.vector_load %arg9[%swap3A_197, %swap3A_198] {strides = array<i32>} : memref<256x32xf32, #tpu.memory_space<vmem>>, vector<1x16xf32>,
        %swap3A_200 = vector.shape_cast %swap3A_199 : vector<1x16xf32> to vector<16xf32>
        %swap3A_201 = vector.shape_cast %max3A_196 : vector<16xf32> to vector<1x16xf32>
        tpu.vector_store %arg9[%swap3A_197, %swap3A_198], %swap3A_201 {strides = array<i32>} : memref<256x32xf32, #tpu.memory_space<vmem>>, vector<1x16xf32>,
        %mul3A_202 = arith.constant 4 : i32
        %mul3A_203 = arith.muli %scan3A_128, %mul3A_202 : i32
        %add3A_204 = arith.constant 2 : i32
        %add3A_205 = arith.addi %mul3A_203, %add3A_204 : i32
        %get3A_206 = arith.index_cast %add3A_205 : i32 to index
        %get3A_207 = arith.constant 0 : index
        %get3A_208 = tpu.vector_load %arg9[%get3A_206, %get3A_207] {strides = array<i32>} : memref<256x32xf32, #tpu.memory_space<vmem>>, vector<1x16xf32>,
        %get3A_209 = vector.shape_cast %get3A_208 : vector<1x16xf32> to vector<16xf32>
        %get3A_210 = arith.index_cast %add3A_205 : i32 to index
        %get3A_211 = arith.constant 0 : index
        %get3A_212 = tpu.vector_load %arg10[%get3A_210, %get3A_211] {strides = array<i32>} : memref<256x32xf32, #tpu.memory_space<vmem>>, vector<1x16xf32>,
        %get3A_213 = vector.shape_cast %get3A_212 : vector<1x16xf32> to vector<16xf32>
        %add3A_214 = arith.addf %get3A_209, %get3A_213 : vector<16xf32>
        %max3A_215 = arith.constant 0.000000e+00 : f32
        %max3A_216 = vector.broadcast %max3A_215 : f32 to vector<16xf32>
        %max3A_217 = arith.maximumf %add3A_214, %max3A_216 : vector<16xf32>
        %swap3A_218 = arith.index_cast %add3A_205 : i32 to index
        %swap3A_219 = arith.constant 0 : index
        %swap3A_220 = tpu.vector_load %arg9[%swap3A_218, %swap3A_219] {strides = array<i32>} : memref<256x32xf32, #tpu.memory_space<vmem>>, vector<1x16xf32>,
        %swap3A_221 = vector.shape_cast %swap3A_220 : vector<1x16xf32> to vector<16xf32>
        %swap3A_222 = vector.shape_cast %max3A_217 : vector<16xf32> to vector<1x16xf32>
        tpu.vector_store %arg9[%swap3A_218, %swap3A_219], %swap3A_222 {strides = array<i32>} : memref<256x32xf32, #tpu.memory_space<vmem>>, vector<1x16xf32>,
        %get3A_223 = arith.index_cast %add3A_205 : i32 to index
        %get3A_224 = arith.constant 16 : index
        %get3A_225 = tpu.vector_load %arg9[%get3A_223, %get3A_224] {strides = array<i32>} : memref<256x32xf32, #tpu.memory_space<vmem>>, vector<1x16xf32>,
        %get3A_226 = vector.shape_cast %get3A_225 : vector<1x16xf32> to vector<16xf32>
        %get3A_227 = arith.index_cast %add3A_205 : i32 to index
        %get3A_228 = arith.constant 16 : index
        %get3A_229 = tpu.vector_load %arg10[%get3A_227, %get3A_228] {strides = array<i32>} : memref<256x32xf32, #tpu.memory_space<vmem>>, vector<1x16xf32>,
        %get3A_230 = vector.shape_cast %get3A_229 : vector<1x16xf32> to vector<16xf32>
        %add3A_231 = arith.addf %get3A_226, %get3A_230 : vector<16xf32>
        %max3A_232 = arith.constant 0.000000e+00 : f32
        %max3A_233 = vector.broadcast %max3A_232 : f32 to vector<16xf32>
        %max3A_234 = arith.maximumf %add3A_231, %max3A_233 : vector<16xf32>
        %swap3A_235 = arith.index_cast %add3A_205 : i32 to index
        %swap3A_236 = arith.constant 16 : index
        %swap3A_237 = tpu.vector_load %arg9[%swap3A_235, %swap3A_236] {strides = array<i32>} : memref<256x32xf32, #tpu.memory_space<vmem>>, vector<1x16xf32>,
        %swap3A_238 = vector.shape_cast %swap3A_237 : vector<1x16xf32> to vector<16xf32>
        %swap3A_239 = vector.shape_cast %max3A_234 : vector<16xf32> to vector<1x16xf32>
        tpu.vector_store %arg9[%swap3A_235, %swap3A_236], %swap3A_239 {strides = array<i32>} : memref<256x32xf32, #tpu.memory_space<vmem>>, vector<1x16xf32>,
        %mul3A_240 = arith.constant 4 : i32
        %mul3A_241 = arith.muli %scan3A_128, %mul3A_240 : i32
        %add3A_242 = arith.constant 3 : i32
        %add3A_243 = arith.addi %mul3A_241, %add3A_242 : i32
        %get3A_244 = arith.index_cast %add3A_243 : i32 to index
        %get3A_245 = arith.constant 0 : index
        %get3A_246 = tpu.vector_load %arg9[%get3A_244, %get3A_245] {strides = array<i32>} : memref<256x32xf32, #tpu.memory_space<vmem>>, vector<1x16xf32>,
        %get3A_247 = vector.shape_cast %get3A_246 : vector<1x16xf32> to vector<16xf32>
        %get3A_248 = arith.index_cast %add3A_243 : i32 to index
        %get3A_249 = arith.constant 0 : index
        %get3A_250 = tpu.vector_load %arg10[%get3A_248, %get3A_249] {strides = array<i32>} : memref<256x32xf32, #tpu.memory_space<vmem>>, vector<1x16xf32>,
        %get3A_251 = vector.shape_cast %get3A_250 : vector<1x16xf32> to vector<16xf32>
        %add3A_252 = arith.addf %get3A_247, %get3A_251 : vector<16xf32>
        %max3A_253 = arith.constant 0.000000e+00 : f32
        %max3A_254 = vector.broadcast %max3A_253 : f32 to vector<16xf32>
        %max3A_255 = arith.maximumf %add3A_252, %max3A_254 : vector<16xf32>
        %swap3A_256 = arith.index_cast %add3A_243 : i32 to index
        %swap3A_257 = arith.constant 0 : index
        %swap3A_258 = tpu.vector_load %arg9[%swap3A_256, %swap3A_257] {strides = array<i32>} : memref<256x32xf32, #tpu.memory_space<vmem>>, vector<1x16xf32>,
        %swap3A_259 = vector.shape_cast %swap3A_258 : vector<1x16xf32> to vector<16xf32>
        %swap3A_260 = vector.shape_cast %max3A_255 : vector<16xf32> to vector<1x16xf32>
        tpu.vector_store %arg9[%swap3A_256, %swap3A_257], %swap3A_260 {strides = array<i32>} : memref<256x32xf32, #tpu.memory_space<vmem>>, vector<1x16xf32>,
        %get3A_261 = arith.index_cast %add3A_243 : i32 to index
        %get3A_262 = arith.constant 16 : index
        %get3A_263 = tpu.vector_load %arg9[%get3A_261, %get3A_262] {strides = array<i32>} : memref<256x32xf32, #tpu.memory_space<vmem>>, vector<1x16xf32>,
        %get3A_264 = vector.shape_cast %get3A_263 : vector<1x16xf32> to vector<16xf32>
        %get3A_265 = arith.index_cast %add3A_243 : i32 to index
        %get3A_266 = arith.constant 16 : index
        %get3A_267 = tpu.vector_load %arg10[%get3A_265, %get3A_266] {strides = array<i32>} : memref<256x32xf32, #tpu.memory_space<vmem>>, vector<1x16xf32>,
        %get3A_268 = vector.shape_cast %get3A_267 : vector<1x16xf32> to vector<16xf32>
        %add3A_269 = arith.addf %get3A_264, %get3A_268 : vector<16xf32>
        %max3A_270 = arith.constant 0.000000e+00 : f32
        %max3A_271 = vector.broadcast %max3A_270 : f32 to vector<16xf32>
        %max3A_272 = arith.maximumf %add3A_269, %max3A_271 : vector<16xf32>
        %swap3A_273 = arith.index_cast %add3A_243 : i32 to index
        %swap3A_274 = arith.constant 16 : index
        %swap3A_275 = tpu.vector_load %arg9[%swap3A_273, %swap3A_274] {strides = array<i32>} : memref<256x32xf32, #tpu.memory_space<vmem>>, vector<1x16xf32>,
        %swap3A_276 = vector.shape_cast %swap3A_275 : vector<1x16xf32> to vector<16xf32>
        %swap3A_277 = vector.shape_cast %max3A_272 : vector<16xf32> to vector<1x16xf32>
        tpu.vector_store %arg9[%swap3A_273, %swap3A_274], %swap3A_277 {strides = array<i32>} : memref<256x32xf32, #tpu.memory_space<vmem>>, vector<1x16xf32>,
      }
      %scan3A_87 = arith.constant 64 : i32
      %dma_start3A_88 = arith.constant 0 : i32
      %dma_start3A_89 = arith.constant 0 : i32
      %dma_start3A_90 = arith.constant 0 : i32
      %dma_start3A_91 = tpu.memref_slice %arg9[%dma_start3A_89, %dma_start3A_90] : memref<256x32xf32, #tpu.memory_space<vmem>> -> memref<128x32xf32, #tpu.memory_space<vmem>>
      %dma_start3A_92 = arith.constant 0 : i32
      %dma_start3A_93 = tpu.memref_slice %arg8[%dma_start3A_88, %dma_start3A_92] : memref<2x128xi32, #tpu.memory_space<vmem>> -> memref<1x128xi32, #tpu.memory_space<vmem>>
      %dma_start3A_94 = tpu.memref_squeeze %dma_start3A_93 : memref<1x128xi32, #tpu.memory_space<vmem>> -> memref<128xi32, #tpu.memory_space<vmem>>
      %dma_start3A_95 = arith.constant 0 : i32
      %dma_start3A_96 = arith.constant 0 : i32
      %dma_start3A_97 = tpu.memref_slice %arg13[%dma_start3A_95, %dma_start3A_96] : memref<51200x32xf32, #tpu.memory_space<vmem_shared>> -> memref<51200x32xf32, #tpu.memory_space<vmem_shared>>
      tpu.enqueue_indirect_dma source(%dma_start3A_91 : memref<128x32xf32, #tpu.memory_space<vmem>>) target(%dma_start3A_97 : memref<51200x32xf32, #tpu.memory_space<vmem_shared>>) offsets(%dma_start3A_94 : memref<128xi32, #tpu.memory_space<vmem>>) semaphore(%arg12 : memref<!tpu.dma_semaphore, #tpu.memory_space<semaphore_mem>>) {add = true}
      %dma_start3A_98 = arith.constant 1 : i32
      %dma_start3A_99 = arith.constant 128 : i32
      %dma_start3A_100 = arith.constant 0 : i32
      %dma_start3A_101 = tpu.memref_slice %arg9[%dma_start3A_99, %dma_start3A_100] : memref<256x32xf32, #tpu.memory_space<vmem>> -> memref<128x32xf32, #tpu.memory_space<vmem>>
      %dma_start3A_102 = arith.constant 0 : i32
      %dma_start3A_103 = tpu.memref_slice %arg8[%dma_start3A_98, %dma_start3A_102] : memref<2x128xi32, #tpu.memory_space<vmem>> -> memref<1x128xi32, #tpu.memory_space<vmem>>
      %dma_start3A_104 = tpu.memref_squeeze %dma_start3A_103 : memref<1x128xi32, #tpu.memory_space<vmem>> -> memref<128xi32, #tpu.memory_space<vmem>>
      %dma_start3A_105 = arith.constant 0 : i32
      %dma_start3A_106 = arith.constant 0 : i32
      %dma_start3A_107 = tpu.memref_slice %arg13[%dma_start3A_105, %dma_start3A_106] : memref<51200x32xf32, #tpu.memory_space<vmem_shared>> -> memref<51200x32xf32, #tpu.memory_space<vmem_shared>>
      tpu.enqueue_indirect_dma source(%dma_start3A_101 : memref<128x32xf32, #tpu.memory_space<vmem>>) target(%dma_start3A_107 : memref<51200x32xf32, #tpu.memory_space<vmem_shared>>) offsets(%dma_start3A_104 : memref<128xi32, #tpu.memory_space<vmem>>) semaphore(%arg12 : memref<!tpu.dma_semaphore, #tpu.memory_space<semaphore_mem>>) {add = true}
      %dma_wait3A_108 = arith.constant 0 : i32
      %dma_wait3A_109 = arith.constant 0 : i32
      %dma_wait3A_110 = arith.constant 0 : i32
      %dma_wait3A_111 = tpu.memref_slice %arg9[%dma_wait3A_109, %dma_wait3A_110] : memref<256x32xf32, #tpu.memory_space<vmem>> -> memref<128x32xf32, #tpu.memory_space<vmem>>
      %dma_wait3A_112 = arith.constant 0 : i32
      %dma_wait3A_113 = tpu.memref_slice %arg8[%dma_wait3A_108, %dma_wait3A_112] : memref<2x128xi32, #tpu.memory_space<vmem>> -> memref<1x128xi32, #tpu.memory_space<vmem>>
      %dma_wait3A_114 = tpu.memref_squeeze %dma_wait3A_113 : memref<1x128xi32, #tpu.memory_space<vmem>> -> memref<128xi32, #tpu.memory_space<vmem>>
      %dma_wait3A_115 = arith.constant 0 : i32
      %dma_wait3A_116 = arith.constant 0 : i32
      %dma_wait3A_117 = tpu.memref_slice %arg13[%dma_wait3A_115, %dma_wait3A_116] : memref<51200x32xf32, #tpu.memory_space<vmem_shared>> -> memref<51200x32xf32, #tpu.memory_space<vmem_shared>>
      tpu.wait_indirect_dma semaphore(%arg12 : memref<!tpu.dma_semaphore, #tpu.memory_space<semaphore_mem>>) src(%dma_wait3A_111 : memref<128x32xf32, #tpu.memory_space<vmem>>) dst(%dma_wait3A_117 : memref<51200x32xf32, #tpu.memory_space<vmem_shared>>)
      %dma_wait3A_118 = arith.constant 1 : i32
      %dma_wait3A_119 = arith.constant 128 : i32
      %dma_wait3A_120 = arith.constant 0 : i32
      %dma_wait3A_121 = tpu.memref_slice %arg9[%dma_wait3A_119, %dma_wait3A_120] : memref<256x32xf32, #tpu.memory_space<vmem>> -> memref<128x32xf32, #tpu.memory_space<vmem>>
      %dma_wait3A_122 = arith.constant 0 : i32
      %dma_wait3A_123 = tpu.memref_slice %arg8[%dma_wait3A_118, %dma_wait3A_122] : memref<2x128xi32, #tpu.memory_space<vmem>> -> memref<1x128xi32, #tpu.memory_space<vmem>>
      %dma_wait3A_124 = tpu.memref_squeeze %dma_wait3A_123 : memref<1x128xi32, #tpu.memory_space<vmem>> -> memref<128xi32, #tpu.memory_space<vmem>>
      %dma_wait3A_125 = arith.constant 0 : i32
      %dma_wait3A_126 = arith.constant 0 : i32
      %dma_wait3A_127 = tpu.memref_slice %arg13[%dma_wait3A_125, %dma_wait3A_126] : memref<51200x32xf32, #tpu.memory_space<vmem_shared>> -> memref<51200x32xf32, #tpu.memory_space<vmem_shared>>
      tpu.wait_indirect_dma semaphore(%arg12 : memref<!tpu.dma_semaphore, #tpu.memory_space<semaphore_mem>>) src(%dma_wait3A_121 : memref<128x32xf32, #tpu.memory_space<vmem>>) dst(%dma_wait3A_127 : memref<51200x32xf32, #tpu.memory_space<vmem_shared>>)
    }
    %scan3A_16 = arith.constant 196 : i32
    %barrier3A_17 = arith.constant 0 : index
    tpu.barrier barrier_id(%barrier3A_17)
    %scan3A_18 = arith.constant 0 : i32
    %scan3A_19 = arith.constant 0 : i32
    %scan3A_20 = arith.constant 16 : i32
    %scan3A_21 = arith.addi %scan3A_19, %scan3A_20 : i32
    %scan3A_22 = arith.constant 1 : i32
    scf.for %scan3A_24 = %scan3A_19 to %scan3A_21 step %scan3A_22  : i32 {
      %mul3A = arith.constant 3200 : i32
      %mul3A_25 = arith.muli %arg1, %mul3A : i32
      %mul3A_26 = arith.constant 200 : i32
      %mul3A_27 = arith.muli %scan3A_24, %mul3A_26 : i32
      %add3A = arith.addi %mul3A_25, %mul3A_27 : i32
      "tpu.region"() ({
        %run_scoped3A = tpu.sem_alloc : memref<!tpu.dma_semaphore, #tpu.memory_space<semaphore_mem>>
        %dma_start3A = arith.constant 0 : i32
        %dma_start3A_28 = tpu.memref_slice %arg6[%add3A, %arg0, %dma_start3A] : memref<51200x2x32xf32, #tpu.memory_space<hbm>> -> memref<200x1x32xf32, #tpu.memory_space<hbm>>
        %dma_start3A_29 = tpu.memref_squeeze %dma_start3A_28 : memref<200x1x32xf32, #tpu.memory_space<hbm>> -> memref<200x32xf32, #tpu.memory_space<hbm>>
        %dma_start3A_30 = arith.constant 0 : i32
        %dma_start3A_31 = tpu.memref_slice %arg13[%add3A, %dma_start3A_30] : memref<51200x32xf32, #tpu.memory_space<vmem_shared>> -> memref<200x32xf32, #tpu.memory_space<vmem_shared>>
        tpu.enqueue_dma source(%dma_start3A_31 : memref<200x32xf32, #tpu.memory_space<vmem_shared>>) target(%dma_start3A_29 : memref<200x32xf32, #tpu.memory_space<hbm>>) target_semaphore(%run_scoped3A : memref<!tpu.dma_semaphore, #tpu.memory_space<semaphore_mem>>)
        %dma_wait3A = arith.constant 0 : i32
        %dma_wait3A_32 = tpu.memref_slice %arg6[%add3A, %arg0, %dma_wait3A] : memref<51200x2x32xf32, #tpu.memory_space<hbm>> -> memref<200x1x32xf32, #tpu.memory_space<hbm>>
        %dma_wait3A_33 = tpu.memref_squeeze %dma_wait3A_32 : memref<200x1x32xf32, #tpu.memory_space<hbm>> -> memref<200x32xf32, #tpu.memory_space<hbm>>
        %dma_wait3A_34 = arith.constant 0 : i32
        %dma_wait3A_35 = tpu.memref_slice %arg13[%add3A, %dma_wait3A_34] : memref<51200x32xf32, #tpu.memory_space<vmem_shared>> -> memref<200x32xf32, #tpu.memory_space<vmem_shared>>
        tpu.wait_dma2 semaphore(%run_scoped3A : memref<!tpu.dma_semaphore, #tpu.memory_space<semaphore_mem>>) src(%dma_wait3A_35 : memref<200x32xf32, #tpu.memory_space<vmem_shared>>) dst(%dma_wait3A_33 : memref<200x32xf32, #tpu.memory_space<hbm>>)
        tpu.yield
      }) : () -> ()
    }
    %scan3A_23 = arith.constant 16 : i32
    return
  }
}

#map = affine_map<(d0, d1) -> (0, 0)>
#map1 = affine_map<(d0, d1) -> (0, 0, 0)>
module attributes {stable_mosaic.version = 14 : i64} {
  func.func @body(%arg0: i32, %arg1: i32, %arg2: memref<100000x32xf32, #tpu.memory_space<hbm>>, %arg3: memref<2x6272x128xi32, #tpu.memory_space<hbm>>, %arg4: memref<6272x128xi32, #tpu.memory_space<hbm>>, %arg5: memref<802816x2x32xf32, #tpu.memory_space<hbm>>, %arg6: memref<51200x2x32xf32, #tpu.memory_space<hbm>>, %arg7: memref<2x128xi32, #tpu.memory_space<vmem>>, %arg8: memref<2x128xi32, #tpu.memory_space<vmem>>, %arg9: memref<256x32xf32, #tpu.memory_space<vmem>>, %arg10: memref<256x32xf32, #tpu.memory_space<vmem>>, %arg11: memref<!tpu.dma_semaphore, #tpu.memory_space<semaphore_mem>>, %arg12: memref<!tpu.dma_semaphore, #tpu.memory_space<semaphore_mem>>, %arg13: memref<51200x32xf32, #tpu.memory_space<vmem_shared>>) attributes {dimension_semantics = [#tpu.dimension_semantics<core_parallel>, #tpu.dimension_semantics<subcore_parallel>], iteration_bounds = array<i64: 2, 16>, scalar_prefetch = 0 : i64, scratch_operands = 7 : i64, tpu.core_type = #tpu.core_type<sc_vector_subcore>, window_params = [{transform_indices = #map}, {transform_indices = #map1}, {transform_indices = #map}, {transform_indices = #map1}, {transform_indices = #map1}]} {
    %scan3A = arith.constant 0 : i32
    %scan3A_0 = arith.constant 0 : i32
    %scan3A_1 = arith.constant 64 : i32
    %scan3A_2 = arith.addi %scan3A_0, %scan3A_1 : i32
    %scan3A_3 = arith.constant 1 : i32
    scf.for %scan3A_24 = %scan3A_0 to %scan3A_2 step %scan3A_3  : i32 {
      %broadcast_in_dim3A = arith.constant 0.000000e+00 : f32
      %broadcast_in_dim3A_25 = vector.broadcast %broadcast_in_dim3A : f32 to vector<16xf32>
      %mul3A = arith.constant 4 : i32
      %mul3A_26 = arith.muli %scan3A_24, %mul3A : i32
      %add3A = arith.constant 0 : i32
      %add3A_27 = arith.addi %mul3A_26, %add3A : i32
      %swap3A = arith.index_cast %add3A_27 : i32 to index
      %swap3A_28 = arith.constant 0 : index
      %swap3A_29 = tpu.vector_load %arg9[%swap3A, %swap3A_28] {strides = array<i32>} : memref<256x32xf32, #tpu.memory_space<vmem>>, vector<1x16xf32>,
      %swap3A_30 = vector.shape_cast %swap3A_29 : vector<1x16xf32> to vector<16xf32>
      %swap3A_31 = vector.shape_cast %broadcast_in_dim3A_25 : vector<16xf32> to vector<1x16xf32>
      tpu.vector_store %arg9[%swap3A, %swap3A_28], %swap3A_31 {strides = array<i32>} : memref<256x32xf32, #tpu.memory_space<vmem>>, vector<1x16xf32>,
      %broadcast_in_dim3A_32 = arith.constant 0.000000e+00 : f32
      %broadcast_in_dim3A_33 = vector.broadcast %broadcast_in_dim3A_32 : f32 to vector<16xf32>
      %mul3A_34 = arith.constant 4 : i32
      %mul3A_35 = arith.muli %scan3A_24, %mul3A_34 : i32
      %add3A_36 = arith.constant 0 : i32
      %add3A_37 = arith.addi %mul3A_35, %add3A_36 : i32
      %swap3A_38 = arith.index_cast %add3A_37 : i32 to index
      %swap3A_39 = arith.constant 16 : index
      %swap3A_40 = tpu.vector_load %arg9[%swap3A_38, %swap3A_39] {strides = array<i32>} : memref<256x32xf32, #tpu.memory_space<vmem>>, vector<1x16xf32>,
      %swap3A_41 = vector.shape_cast %swap3A_40 : vector<1x16xf32> to vector<16xf32>
      %swap3A_42 = vector.shape_cast %broadcast_in_dim3A_33 : vector<16xf32> to vector<1x16xf32>
      tpu.vector_store %arg9[%swap3A_38, %swap3A_39], %swap3A_42 {strides = array<i32>} : memref<256x32xf32, #tpu.memory_space<vmem>>, vector<1x16xf32>,
      %broadcast_in_dim3A_43 = arith.constant 0.000000e+00 : f32
      %broadcast_in_dim3A_44 = vector.broadcast %broadcast_in_dim3A_43 : f32 to vector<16xf32>
      %mul3A_45 = arith.constant 4 : i32
      %mul3A_46 = arith.muli %scan3A_24, %mul3A_45 : i32
      %add3A_47 = arith.constant 1 : i32
      %add3A_48 = arith.addi %mul3A_46, %add3A_47 : i32
      %swap3A_49 = arith.index_cast %add3A_48 : i32 to index
      %swap3A_50 = arith.constant 0 : index
      %swap3A_51 = tpu.vector_load %arg9[%swap3A_49, %swap3A_50] {strides = array<i32>} : memref<256x32xf32, #tpu.memory_space<vmem>>, vector<1x16xf32>,
      %swap3A_52 = vector.shape_cast %swap3A_51 : vector<1x16xf32> to vector<16xf32>
      %swap3A_53 = vector.shape_cast %broadcast_in_dim3A_44 : vector<16xf32> to vector<1x16xf32>
      tpu.vector_store %arg9[%swap3A_49, %swap3A_50], %swap3A_53 {strides = array<i32>} : memref<256x32xf32, #tpu.memory_space<vmem>>, vector<1x16xf32>,
      %broadcast_in_dim3A_54 = arith.constant 0.000000e+00 : f32
      %broadcast_in_dim3A_55 = vector.broadcast %broadcast_in_dim3A_54 : f32 to vector<16xf32>
      %mul3A_56 = arith.constant 4 : i32
      %mul3A_57 = arith.muli %scan3A_24, %mul3A_56 : i32
      %add3A_58 = arith.constant 1 : i32
      %add3A_59 = arith.addi %mul3A_57, %add3A_58 : i32
      %swap3A_60 = arith.index_cast %add3A_59 : i32 to index
      %swap3A_61 = arith.constant 16 : index
      %swap3A_62 = tpu.vector_load %arg9[%swap3A_60, %swap3A_61] {strides = array<i32>} : memref<256x32xf32, #tpu.memory_space<vmem>>, vector<1x16xf32>,
      %swap3A_63 = vector.shape_cast %swap3A_62 : vector<1x16xf32> to vector<16xf32>
      %swap3A_64 = vector.shape_cast %broadcast_in_dim3A_55 : vector<16xf32> to vector<1x16xf32>
      tpu.vector_store %arg9[%swap3A_60, %swap3A_61], %swap3A_64 {strides = array<i32>} : memref<256x32xf32, #tpu.memory_space<vmem>>, vector<1x16xf32>,
      %broadcast_in_dim3A_65 = arith.constant 0.000000e+00 : f32
      %broadcast_in_dim3A_66 = vector.broadcast %broadcast_in_dim3A_65 : f32 to vector<16xf32>
      %mul3A_67 = arith.constant 4 : i32
      %mul3A_68 = arith.muli %scan3A_24, %mul3A_67 : i32
      %add3A_69 = arith.constant 2 : i32
      %add3A_70 = arith.addi %mul3A_68, %add3A_69 : i32
      %swap3A_71 = arith.index_cast %add3A_70 : i32 to index
      %swap3A_72 = arith.constant 0 : index
      %swap3A_73 = tpu.vector_load %arg9[%swap3A_71, %swap3A_72] {strides = array<i32>} : memref<256x32xf32, #tpu.memory_space<vmem>>, vector<1x16xf32>,
      %swap3A_74 = vector.shape_cast %swap3A_73 : vector<1x16xf32> to vector<16xf32>
      %swap3A_75 = vector.shape_cast %broadcast_in_dim3A_66 : vector<16xf32> to vector<1x16xf32>
      tpu.vector_store %arg9[%swap3A_71, %swap3A_72], %swap3A_75 {strides = array<i32>} : memref<256x32xf32, #tpu.memory_space<vmem>>, vector<1x16xf32>,
      %broadcast_in_dim3A_76 = arith.constant 0.000000e+00 : f32
      %broadcast_in_dim3A_77 = vector.broadcast %broadcast_in_dim3A_76 : f32 to vector<16xf32>
      %mul3A_78 = arith.constant 4 : i32
      %mul3A_79 = arith.muli %scan3A_24, %mul3A_78 : i32
      %add3A_80 = arith.constant 2 : i32
      %add3A_81 = arith.addi %mul3A_79, %add3A_80 : i32
      %swap3A_82 = arith.index_cast %add3A_81 : i32 to index
      %swap3A_83 = arith.constant 16 : index
      %swap3A_84 = tpu.vector_load %arg9[%swap3A_82, %swap3A_83] {strides = array<i32>} : memref<256x32xf32, #tpu.memory_space<vmem>>, vector<1x16xf32>,
      %swap3A_85 = vector.shape_cast %swap3A_84 : vector<1x16xf32> to vector<16xf32>
      %swap3A_86 = vector.shape_cast %broadcast_in_dim3A_77 : vector<16xf32> to vector<1x16xf32>
      tpu.vector_store %arg9[%swap3A_82, %swap3A_83], %swap3A_86 {strides = array<i32>} : memref<256x32xf32, #tpu.memory_space<vmem>>, vector<1x16xf32>,
      %broadcast_in_dim3A_87 = arith.constant 0.000000e+00 : f32
      %broadcast_in_dim3A_88 = vector.broadcast %broadcast_in_dim3A_87 : f32 to vector<16xf32>
      %mul3A_89 = arith.constant 4 : i32
      %mul3A_90 = arith.muli %scan3A_24, %mul3A_89 : i32
      %add3A_91 = arith.constant 3 : i32
      %add3A_92 = arith.addi %mul3A_90, %add3A_91 : i32
      %swap3A_93 = arith.index_cast %add3A_92 : i32 to index
      %swap3A_94 = arith.constant 0 : index
      %swap3A_95 = tpu.vector_load %arg9[%swap3A_93, %swap3A_94] {strides = array<i32>} : memref<256x32xf32, #tpu.memory_space<vmem>>, vector<1x16xf32>,
      %swap3A_96 = vector.shape_cast %swap3A_95 : vector<1x16xf32> to vector<16xf32>
      %swap3A_97 = vector.shape_cast %broadcast_in_dim3A_88 : vector<16xf32> to vector<1x16xf32>
      tpu.vector_store %arg9[%swap3A_93, %swap3A_94], %swap3A_97 {strides = array<i32>} : memref<256x32xf32, #tpu.memory_space<vmem>>, vector<1x16xf32>,
      %broadcast_in_dim3A_98 = arith.constant 0.000000e+00 : f32
      %broadcast_in_dim3A_99 = vector.broadcast %broadcast_in_dim3A_98 : f32 to vector<16xf32>
      %mul3A_100 = arith.constant 4 : i32
      %mul3A_101 = arith.muli %scan3A_24, %mul3A_100 : i32
      %add3A_102 = arith.constant 3 : i32
      %add3A_103 = arith.addi %mul3A_101, %add3A_102 : i32
      %swap3A_104 = arith.index_cast %add3A_103 : i32 to index
      %swap3A_105 = arith.constant 16 : index
      %swap3A_106 = tpu.vector_load %arg9[%swap3A_104, %swap3A_105] {strides = array<i32>} : memref<256x32xf32, #tpu.memory_space<vmem>>, vector<1x16xf32>,
      %swap3A_107 = vector.shape_cast %swap3A_106 : vector<1x16xf32> to vector<16xf32>
      %swap3A_108 = vector.shape_cast %broadcast_in_dim3A_99 : vector<16xf32> to vector<1x16xf32>
      tpu.vector_store %arg9[%swap3A_104, %swap3A_105], %swap3A_108 {strides = array<i32>} : memref<256x32xf32, #tpu.memory_space<vmem>>, vector<1x16xf32>,
    }
    %scan3A_4 = arith.constant 64 : i32
    %scan3A_5 = arith.constant 0 : i32
    %scan3A_6 = arith.constant 0 : i32
    %scan3A_7 = arith.constant 16 : i32
    %scan3A_8 = arith.addi %scan3A_6, %scan3A_7 : i32
    %scan3A_9 = arith.constant 1 : i32
    scf.for %scan3A_24 = %scan3A_6 to %scan3A_8 step %scan3A_9  : i32 {
      %mul3A = arith.constant 3200 : i32
      %mul3A_25 = arith.muli %arg1, %mul3A : i32
      %mul3A_26 = arith.constant 200 : i32
      %mul3A_27 = arith.muli %scan3A_24, %mul3A_26 : i32
      %add3A = arith.addi %mul3A_25, %mul3A_27 : i32
      "tpu.region"() ({
        %run_scoped3A = tpu.sem_alloc : memref<!tpu.dma_semaphore, #tpu.memory_space<semaphore_mem>>
        %dma_start3A = arith.constant 0 : i32
        %dma_start3A_28 = arith.constant 0 : i32
        %dma_start3A_29 = tpu.memref_slice %arg9[%dma_start3A, %dma_start3A_28] : memref<256x32xf32, #tpu.memory_space<vmem>> -> memref<200x32xf32, #tpu.memory_space<vmem>>
        %dma_start3A_30 = arith.constant 0 : i32
        %dma_start3A_31 = tpu.memref_slice %arg13[%add3A, %dma_start3A_30] : memref<51200x32xf32, #tpu.memory_space<vmem_shared>> -> memref<200x32xf32, #tpu.memory_space<vmem_shared>>
        %dma_start3A_32 = arith.constant 0 : i32
        %dma_start3A_33 = tpu.memref_slice %arg13[%add3A, %dma_start3A_32] : memref<51200x32xf32, #tpu.memory_space<vmem_shared>> -> memref<200x32xf32, #tpu.memory_space<vmem_shared>>
        %dma_start3A_34 = arith.constant 0 : i32
        %dma_start3A_35 = arith.constant 0 : i32
        %dma_start3A_36 = tpu.memref_slice %arg9[%dma_start3A_34, %dma_start3A_35] : memref<256x32xf32, #tpu.memory_space<vmem>> -> memref<200x32xf32, #tpu.memory_space<vmem>>
        tpu.enqueue_dma source(%dma_start3A_36 : memref<200x32xf32, #tpu.memory_space<vmem>>) target(%dma_start3A_33 : memref<200x32xf32, #tpu.memory_space<vmem_shared>>) target_semaphore(%run_scoped3A : memref<!tpu.dma_semaphore, #tpu.memory_space<semaphore_mem>>)
        %dma_wait3A = arith.constant 0 : i32
        %dma_wait3A_37 = arith.constant 0 : i32
        %dma_wait3A_38 = tpu.memref_slice %arg9[%dma_wait3A, %dma_wait3A_37] : memref<256x32xf32, #tpu.memory_space<vmem>> -> memref<200x32xf32, #tpu.memory_space<vmem>>
        %dma_wait3A_39 = arith.constant 0 : i32
        %dma_wait3A_40 = tpu.memref_slice %arg13[%add3A, %dma_wait3A_39] : memref<51200x32xf32, #tpu.memory_space<vmem_shared>> -> memref<200x32xf32, #tpu.memory_space<vmem_shared>>
        %dma_wait3A_41 = arith.constant 0 : i32
        %dma_wait3A_42 = tpu.memref_slice %arg13[%add3A, %dma_wait3A_41] : memref<51200x32xf32, #tpu.memory_space<vmem_shared>> -> memref<200x32xf32, #tpu.memory_space<vmem_shared>>
        %dma_wait3A_43 = arith.constant 0 : i32
        %dma_wait3A_44 = arith.constant 0 : i32
        %dma_wait3A_45 = tpu.memref_slice %arg9[%dma_wait3A_43, %dma_wait3A_44] : memref<256x32xf32, #tpu.memory_space<vmem>> -> memref<200x32xf32, #tpu.memory_space<vmem>>
        tpu.wait_dma2 semaphore(%run_scoped3A : memref<!tpu.dma_semaphore, #tpu.memory_space<semaphore_mem>>) src(%dma_wait3A_45 : memref<200x32xf32, #tpu.memory_space<vmem>>) dst(%dma_wait3A_42 : memref<200x32xf32, #tpu.memory_space<vmem_shared>>)
        tpu.yield
      }) : () -> ()
    }
    %scan3A_10 = arith.constant 16 : i32
    %barrier3A = arith.constant 0 : index
    tpu.barrier barrier_id(%barrier3A)
    %scan3A_11 = arith.constant 0 : i32
    %scan3A_12 = arith.constant 0 : i32
    %scan3A_13 = arith.constant 196 : i32
    %scan3A_14 = arith.addi %scan3A_12, %scan3A_13 : i32
    %scan3A_15 = arith.constant 1 : i32
    scf.for %scan3A_24 = %scan3A_12 to %scan3A_14 step %scan3A_15  : i32 {
      %mul3A = arith.constant 196 : i32
      %mul3A_25 = arith.muli %arg1, %mul3A : i32
      %add3A = arith.addi %mul3A_25, %scan3A_24 : i32
      %mul3A_26 = arith.constant 256 : i32
      %mul3A_27 = arith.muli %add3A, %mul3A_26 : i32
      %jit3A = arith.constant 128 : i32
      %div3A = arith.divsi %mul3A_27, %jit3A : i32
      %sign3A = arith.constant 0 : i32
      %sign3A_28 = arith.cmpi sgt, %mul3A_27, %sign3A : i32
      %sign3A_29 = arith.extui %sign3A_28 : i1 to i32
      %sign3A_30 = arith.constant 0 : i32
      %sign3A_31 = arith.cmpi slt, %mul3A_27, %sign3A_30 : i32
      %sign3A_32 = arith.extui %sign3A_31 : i1 to i32
      %sign3A_33 = arith.subi %sign3A_29, %sign3A_32 : i32
      %sign3A_34 = arith.constant 0 : i32
      %sign3A_35 = arith.cmpi sgt, %jit3A, %sign3A_34 : i32
      %sign3A_36 = arith.extui %sign3A_35 : i1 to i32
      %sign3A_37 = arith.constant 0 : i32
      %sign3A_38 = arith.cmpi slt, %jit3A, %sign3A_37 : i32
      %sign3A_39 = arith.extui %sign3A_38 : i1 to i32
      %sign3A_40 = arith.subi %sign3A_36, %sign3A_39 : i32
      %ne3A = arith.cmpi ne, %sign3A_33, %sign3A_40 : i32
      %rem3A = arith.remsi %mul3A_27, %jit3A : i32
      %ne3A_41 = arith.constant 0 : i32
      %ne3A_42 = arith.cmpi ne, %rem3A, %ne3A_41 : i32
      %and3A = arith.andi %ne3A, %ne3A_42 : i1
      %sub3A = arith.constant 1 : i32
      %sub3A_43 = arith.subi %div3A, %sub3A : i32
      %select_n3A = arith.select %and3A, %sub3A_43, %div3A : i32
      "tpu.region"() ({
        %run_scoped3A = tpu.sem_alloc : memref<!tpu.dma_semaphore, #tpu.memory_space<semaphore_mem>>
        %dma_start3A_128 = arith.constant 0 : i32
        %dma_start3A_129 = tpu.memref_slice %arg3[%arg0, %select_n3A, %dma_start3A_128] : memref<2x6272x128xi32, #tpu.memory_space<hbm>> -> memref<1x2x128xi32, #tpu.memory_space<hbm>>
        %dma_start3A_130 = tpu.memref_squeeze %dma_start3A_129 : memref<1x2x128xi32, #tpu.memory_space<hbm>> -> memref<2x128xi32, #tpu.memory_space<hbm>>
        %dma_start3A_131 = arith.constant 0 : i32
        %dma_start3A_132 = tpu.memref_slice %arg3[%arg0, %select_n3A, %dma_start3A_131] : memref<2x6272x128xi32, #tpu.memory_space<hbm>> -> memref<1x2x128xi32, #tpu.memory_space<hbm>>
        %dma_start3A_133 = tpu.memref_squeeze %dma_start3A_132 : memref<1x2x128xi32, #tpu.memory_space<hbm>> -> memref<2x128xi32, #tpu.memory_space<hbm>>
        tpu.enqueue_dma source(%dma_start3A_133 : memref<2x128xi32, #tpu.memory_space<hbm>>) target(%arg7 : memref<2x128xi32, #tpu.memory_space<vmem>>) target_semaphore(%run_scoped3A : memref<!tpu.dma_semaphore, #tpu.memory_space<semaphore_mem>>)
        %dma_wait3A_134 = arith.constant 0 : i32
        %dma_wait3A_135 = tpu.memref_slice %arg3[%arg0, %select_n3A, %dma_wait3A_134] : memref<2x6272x128xi32, #tpu.memory_space<hbm>> -> memref<1x2x128xi32, #tpu.memory_space<hbm>>
        %dma_wait3A_136 = tpu.memref_squeeze %dma_wait3A_135 : memref<1x2x128xi32, #tpu.memory_space<hbm>> -> memref<2x128xi32, #tpu.memory_space<hbm>>
        %dma_wait3A_137 = arith.constant 0 : i32
        %dma_wait3A_138 = tpu.memref_slice %arg3[%arg0, %select_n3A, %dma_wait3A_137] : memref<2x6272x128xi32, #tpu.memory_space<hbm>> -> memref<1x2x128xi32, #tpu.memory_space<hbm>>
        %dma_wait3A_139 = tpu.memref_squeeze %dma_wait3A_138 : memref<1x2x128xi32, #tpu.memory_space<hbm>> -> memref<2x128xi32, #tpu.memory_space<hbm>>
        tpu.wait_dma2 semaphore(%run_scoped3A : memref<!tpu.dma_semaphore, #tpu.memory_space<semaphore_mem>>) src(%dma_wait3A_139 : memref<2x128xi32, #tpu.memory_space<hbm>>) dst(%arg7 : memref<2x128xi32, #tpu.memory_space<vmem>>)
        tpu.yield
      }) : () -> ()
      "tpu.region"() ({
        %run_scoped3A = tpu.sem_alloc : memref<!tpu.dma_semaphore, #tpu.memory_space<semaphore_mem>>
        %dma_start3A_128 = arith.constant 0 : i32
        %dma_start3A_129 = tpu.memref_slice %arg4[%select_n3A, %dma_start3A_128] : memref<6272x128xi32, #tpu.memory_space<hbm>> -> memref<2x128xi32, #tpu.memory_space<hbm>>
        %dma_start3A_130 = arith.constant 0 : i32
        %dma_start3A_131 = tpu.memref_slice %arg4[%select_n3A, %dma_start3A_130] : memref<6272x128xi32, #tpu.memory_space<hbm>> -> memref<2x128xi32, #tpu.memory_space<hbm>>
        tpu.enqueue_dma source(%dma_start3A_131 : memref<2x128xi32, #tpu.memory_space<hbm>>) target(%arg8 : memref<2x128xi32, #tpu.memory_space<vmem>>) target_semaphore(%run_scoped3A : memref<!tpu.dma_semaphore, #tpu.memory_space<semaphore_mem>>)
        %dma_wait3A_132 = arith.constant 0 : i32
        %dma_wait3A_133 = tpu.memref_slice %arg4[%select_n3A, %dma_wait3A_132] : memref<6272x128xi32, #tpu.memory_space<hbm>> -> memref<2x128xi32, #tpu.memory_space<hbm>>
        %dma_wait3A_134 = arith.constant 0 : i32
        %dma_wait3A_135 = tpu.memref_slice %arg4[%select_n3A, %dma_wait3A_134] : memref<6272x128xi32, #tpu.memory_space<hbm>> -> memref<2x128xi32, #tpu.memory_space<hbm>>
        tpu.wait_dma2 semaphore(%run_scoped3A : memref<!tpu.dma_semaphore, #tpu.memory_space<semaphore_mem>>) src(%dma_wait3A_135 : memref<2x128xi32, #tpu.memory_space<hbm>>) dst(%arg8 : memref<2x128xi32, #tpu.memory_space<vmem>>)
        tpu.yield
      }) : () -> ()
      "tpu.region"() ({
        %run_scoped3A = tpu.sem_alloc : memref<!tpu.dma_semaphore, #tpu.memory_space<semaphore_mem>>
        %dma_start3A_128 = arith.constant 0 : i32
        %dma_start3A_129 = tpu.memref_slice %arg5[%mul3A_27, %arg0, %dma_start3A_128] : memref<802816x2x32xf32, #tpu.memory_space<hbm>> -> memref<256x1x32xf32, #tpu.memory_space<hbm>>
        %dma_start3A_130 = tpu.memref_squeeze %dma_start3A_129 : memref<256x1x32xf32, #tpu.memory_space<hbm>> -> memref<256x32xf32, #tpu.memory_space<hbm>>
        %dma_start3A_131 = arith.constant 0 : i32
        %dma_start3A_132 = tpu.memref_slice %arg5[%mul3A_27, %arg0, %dma_start3A_131] : memref<802816x2x32xf32, #tpu.memory_space<hbm>> -> memref<256x1x32xf32, #tpu.memory_space<hbm>>
        %dma_start3A_133 = tpu.memref_squeeze %dma_start3A_132 : memref<256x1x32xf32, #tpu.memory_space<hbm>> -> memref<256x32xf32, #tpu.memory_space<hbm>>
        tpu.enqueue_dma source(%dma_start3A_133 : memref<256x32xf32, #tpu.memory_space<hbm>>) target(%arg10 : memref<256x32xf32, #tpu.memory_space<vmem>>) target_semaphore(%run_scoped3A : memref<!tpu.dma_semaphore, #tpu.memory_space<semaphore_mem>>)
        %dma_wait3A_134 = arith.constant 0 : i32
        %dma_wait3A_135 = tpu.memref_slice %arg5[%mul3A_27, %arg0, %dma_wait3A_134] : memref<802816x2x32xf32, #tpu.memory_space<hbm>> -> memref<256x1x32xf32, #tpu.memory_space<hbm>>
        %dma_wait3A_136 = tpu.memref_squeeze %dma_wait3A_135 : memref<256x1x32xf32, #tpu.memory_space<hbm>> -> memref<256x32xf32, #tpu.memory_space<hbm>>
        %dma_wait3A_137 = arith.constant 0 : i32
        %dma_wait3A_138 = tpu.memref_slice %arg5[%mul3A_27, %arg0, %dma_wait3A_137] : memref<802816x2x32xf32, #tpu.memory_space<hbm>> -> memref<256x1x32xf32, #tpu.memory_space<hbm>>
        %dma_wait3A_139 = tpu.memref_squeeze %dma_wait3A_138 : memref<256x1x32xf32, #tpu.memory_space<hbm>> -> memref<256x32xf32, #tpu.memory_space<hbm>>
        tpu.wait_dma2 semaphore(%run_scoped3A : memref<!tpu.dma_semaphore, #tpu.memory_space<semaphore_mem>>) src(%dma_wait3A_139 : memref<256x32xf32, #tpu.memory_space<hbm>>) dst(%arg10 : memref<256x32xf32, #tpu.memory_space<vmem>>)
        tpu.yield
      }) : () -> ()
      %dma_start3A = arith.constant 0 : i32
      %dma_start3A_44 = arith.constant 0 : i32
      %dma_start3A_45 = arith.constant 0 : i32
      %dma_start3A_46 = tpu.memref_slice %arg9[%dma_start3A_44, %dma_start3A_45] : memref<256x32xf32, #tpu.memory_space<vmem>> -> memref<128x32xf32, #tpu.memory_space<vmem>>
      %dma_start3A_47 = arith.constant 0 : i32
      %dma_start3A_48 = tpu.memref_slice %arg7[%dma_start3A, %dma_start3A_47] : memref<2x128xi32, #tpu.memory_space<vmem>> -> memref<1x128xi32, #tpu.memory_space<vmem>>
      %dma_start3A_49 = tpu.memref_squeeze %dma_start3A_48 : memref<1x128xi32, #tpu.memory_space<vmem>> -> memref<128xi32, #tpu.memory_space<vmem>>
      %dma_start3A_50 = arith.constant 0 : i32
      %dma_start3A_51 = arith.constant 0 : i32
      %dma_start3A_52 = tpu.memref_slice %arg2[%dma_start3A_50, %dma_start3A_51] : memref<100000x32xf32, #tpu.memory_space<hbm>> -> memref<100000x32xf32, #tpu.memory_space<hbm>>
      tpu.enqueue_indirect_dma source(%dma_start3A_52 : memref<100000x32xf32, #tpu.memory_space<hbm>>) target(%dma_start3A_46 : memref<128x32xf32, #tpu.memory_space<vmem>>) offsets(%dma_start3A_49 : memref<128xi32, #tpu.memory_space<vmem>>) semaphore(%arg11 : memref<!tpu.dma_semaphore, #tpu.memory_space<semaphore_mem>>)
      %dma_start3A_53 = arith.constant 1 : i32
      %dma_start3A_54 = arith.constant 128 : i32
      %dma_start3A_55 = arith.constant 0 : i32
      %dma_start3A_56 = tpu.memref_slice %arg9[%dma_start3A_54, %dma_start3A_55] : memref<256x32xf32, #tpu.memory_space<vmem>> -> memref<128x32xf32, #tpu.memory_space<vmem>>
      %dma_start3A_57 = arith.constant 0 : i32
      %dma_start3A_58 = tpu.memref_slice %arg7[%dma_start3A_53, %dma_start3A_57] : memref<2x128xi32, #tpu.memory_space<vmem>> -> memref<1x128xi32, #tpu.memory_space<vmem>>
      %dma_start3A_59 = tpu.memref_squeeze %dma_start3A_58 : memref<1x128xi32, #tpu.memory_space<vmem>> -> memref<128xi32, #tpu.memory_space<vmem>>
      %dma_start3A_60 = arith.constant 0 : i32
      %dma_start3A_61 = arith.constant 0 : i32
      %dma_start3A_62 = tpu.memref_slice %arg2[%dma_start3A_60, %dma_start3A_61] : memref<100000x32xf32, #tpu.memory_space<hbm>> -> memref<100000x32xf32, #tpu.memory_space<hbm>>
      tpu.enqueue_indirect_dma source(%dma_start3A_62 : memref<100000x32xf32, #tpu.memory_space<hbm>>) target(%dma_start3A_56 : memref<128x32xf32, #tpu.memory_space<vmem>>) offsets(%dma_start3A_59 : memref<128xi32, #tpu.memory_space<vmem>>) semaphore(%arg11 : memref<!tpu.dma_semaphore, #tpu.memory_space<semaphore_mem>>)
      %dma_wait3A = arith.constant 0 : i32
      %dma_wait3A_63 = arith.constant 0 : i32
      %dma_wait3A_64 = arith.constant 0 : i32
      %dma_wait3A_65 = tpu.memref_slice %arg9[%dma_wait3A_63, %dma_wait3A_64] : memref<256x32xf32, #tpu.memory_space<vmem>> -> memref<128x32xf32, #tpu.memory_space<vmem>>
      %dma_wait3A_66 = arith.constant 0 : i32
      %dma_wait3A_67 = tpu.memref_slice %arg7[%dma_wait3A, %dma_wait3A_66] : memref<2x128xi32, #tpu.memory_space<vmem>> -> memref<1x128xi32, #tpu.memory_space<vmem>>
      %dma_wait3A_68 = tpu.memref_squeeze %dma_wait3A_67 : memref<1x128xi32, #tpu.memory_space<vmem>> -> memref<128xi32, #tpu.memory_space<vmem>>
      %dma_wait3A_69 = arith.constant 0 : i32
      %dma_wait3A_70 = arith.constant 0 : i32
      %dma_wait3A_71 = tpu.memref_slice %arg2[%dma_wait3A_69, %dma_wait3A_70] : memref<100000x32xf32, #tpu.memory_space<hbm>> -> memref<100000x32xf32, #tpu.memory_space<hbm>>
      tpu.wait_indirect_dma semaphore(%arg11 : memref<!tpu.dma_semaphore, #tpu.memory_space<semaphore_mem>>) src(%dma_wait3A_71 : memref<100000x32xf32, #tpu.memory_space<hbm>>) dst(%dma_wait3A_65 : memref<128x32xf32, #tpu.memory_space<vmem>>)
      %dma_wait3A_72 = arith.constant 1 : i32
      %dma_wait3A_73 = arith.constant 128 : i32
      %dma_wait3A_74 = arith.constant 0 : i32
      %dma_wait3A_75 = tpu.memref_slice %arg9[%dma_wait3A_73, %dma_wait3A_74] : memref<256x32xf32, #tpu.memory_space<vmem>> -> memref<128x32xf32, #tpu.memory_space<vmem>>
      %dma_wait3A_76 = arith.constant 0 : i32
      %dma_wait3A_77 = tpu.memref_slice %arg7[%dma_wait3A_72, %dma_wait3A_76] : memref<2x128xi32, #tpu.memory_space<vmem>> -> memref<1x128xi32, #tpu.memory_space<vmem>>
      %dma_wait3A_78 = tpu.memref_squeeze %dma_wait3A_77 : memref<1x128xi32, #tpu.memory_space<vmem>> -> memref<128xi32, #tpu.memory_space<vmem>>
      %dma_wait3A_79 = arith.constant 0 : i32
      %dma_wait3A_80 = arith.constant 0 : i32
      %dma_wait3A_81 = tpu.memref_slice %arg2[%dma_wait3A_79, %dma_wait3A_80] : memref<100000x32xf32, #tpu.memory_space<hbm>> -> memref<100000x32xf32, #tpu.memory_space<hbm>>
      tpu.wait_indirect_dma semaphore(%arg11 : memref<!tpu.dma_semaphore, #tpu.memory_space<semaphore_mem>>) src(%dma_wait3A_81 : memref<100000x32xf32, #tpu.memory_space<hbm>>) dst(%dma_wait3A_75 : memref<128x32xf32, #tpu.memory_space<vmem>>)
      %scan3A_82 = arith.constant 0 : i32
      %scan3A_83 = arith.constant 0 : i32
      %scan3A_84 = arith.constant 64 : i32
      %scan3A_85 = arith.addi %scan3A_83, %scan3A_84 : i32
      %scan3A_86 = arith.constant 1 : i32
      scf.for %scan3A_128 = %scan3A_83 to %scan3A_85 step %scan3A_86  : i32 {
        %mul3A_129 = arith.constant 4 : i32
        %mul3A_130 = arith.muli %scan3A_128, %mul3A_129 : i32
        %add3A_131 = arith.constant 0 : i32
        %add3A_132 = arith.addi %mul3A_130, %add3A_131 : i32
        %get3A = arith.index_cast %add3A_132 : i32 to index
        %get3A_133 = arith.constant 0 : index
        %get3A_134 = tpu.vector_load %arg9[%get3A, %get3A_133] {strides = array<i32>} : memref<256x32xf32, #tpu.memory_space<vmem>>, vector<1x16xf32>,
        %get3A_135 = vector.shape_cast %get3A_134 : vector<1x16xf32> to vector<16xf32>
        %get3A_136 = arith.index_cast %add3A_132 : i32 to index
        %get3A_137 = arith.constant 0 : index
        %get3A_138 = tpu.vector_load %arg10[%get3A_136, %get3A_137] {strides = array<i32>} : memref<256x32xf32, #tpu.memory_space<vmem>>, vector<1x16xf32>,
        %get3A_139 = vector.shape_cast %get3A_138 : vector<1x16xf32> to vector<16xf32>
        %add3A_140 = arith.addf %get3A_135, %get3A_139 : vector<16xf32>
        %max3A = arith.constant 0.000000e+00 : f32
        %max3A_141 = vector.broadcast %max3A : f32 to vector<16xf32>
        %max3A_142 = arith.maximumf %add3A_140, %max3A_141 : vector<16xf32>
        %swap3A = arith.index_cast %add3A_132 : i32 to index
        %swap3A_143 = arith.constant 0 : index
        %swap3A_144 = tpu.vector_load %arg9[%swap3A, %swap3A_143] {strides = array<i32>} : memref<256x32xf32, #tpu.memory_space<vmem>>, vector<1x16xf32>,
        %swap3A_145 = vector.shape_cast %swap3A_144 : vector<1x16xf32> to vector<16xf32>
        %swap3A_146 = vector.shape_cast %max3A_142 : vector<16xf32> to vector<1x16xf32>
        tpu.vector_store %arg9[%swap3A, %swap3A_143], %swap3A_146 {strides = array<i32>} : memref<256x32xf32, #tpu.memory_space<vmem>>, vector<1x16xf32>,
        %get3A_147 = arith.index_cast %add3A_132 : i32 to index
        %get3A_148 = arith.constant 16 : index
        %get3A_149 = tpu.vector_load %arg9[%get3A_147, %get3A_148] {strides = array<i32>} : memref<256x32xf32, #tpu.memory_space<vmem>>, vector<1x16xf32>,
        %get3A_150 = vector.shape_cast %get3A_149 : vector<1x16xf32> to vector<16xf32>
        %get3A_151 = arith.index_cast %add3A_132 : i32 to index
        %get3A_152 = arith.constant 16 : index
        %get3A_153 = tpu.vector_load %arg10[%get3A_151, %get3A_152] {strides = array<i32>} : memref<256x32xf32, #tpu.memory_space<vmem>>, vector<1x16xf32>,
        %get3A_154 = vector.shape_cast %get3A_153 : vector<1x16xf32> to vector<16xf32>
        %add3A_155 = arith.addf %get3A_150, %get3A_154 : vector<16xf32>
        %max3A_156 = arith.constant 0.000000e+00 : f32
        %max3A_157 = vector.broadcast %max3A_156 : f32 to vector<16xf32>
        %max3A_158 = arith.maximumf %add3A_155, %max3A_157 : vector<16xf32>
        %swap3A_159 = arith.index_cast %add3A_132 : i32 to index
        %swap3A_160 = arith.constant 16 : index
        %swap3A_161 = tpu.vector_load %arg9[%swap3A_159, %swap3A_160] {strides = array<i32>} : memref<256x32xf32, #tpu.memory_space<vmem>>, vector<1x16xf32>,
        %swap3A_162 = vector.shape_cast %swap3A_161 : vector<1x16xf32> to vector<16xf32>
        %swap3A_163 = vector.shape_cast %max3A_158 : vector<16xf32> to vector<1x16xf32>
        tpu.vector_store %arg9[%swap3A_159, %swap3A_160], %swap3A_163 {strides = array<i32>} : memref<256x32xf32, #tpu.memory_space<vmem>>, vector<1x16xf32>,
        %mul3A_164 = arith.constant 4 : i32
        %mul3A_165 = arith.muli %scan3A_128, %mul3A_164 : i32
        %add3A_166 = arith.constant 1 : i32
        %add3A_167 = arith.addi %mul3A_165, %add3A_166 : i32
        %get3A_168 = arith.index_cast %add3A_167 : i32 to index
        %get3A_169 = arith.constant 0 : index
        %get3A_170 = tpu.vector_load %arg9[%get3A_168, %get3A_169] {strides = array<i32>} : memref<256x32xf32, #tpu.memory_space<vmem>>, vector<1x16xf32>,
        %get3A_171 = vector.shape_cast %get3A_170 : vector<1x16xf32> to vector<16xf32>
        %get3A_172 = arith.index_cast %add3A_167 : i32 to index
        %get3A_173 = arith.constant 0 : index
        %get3A_174 = tpu.vector_load %arg10[%get3A_172, %get3A_173] {strides = array<i32>} : memref<256x32xf32, #tpu.memory_space<vmem>>, vector<1x16xf32>,
        %get3A_175 = vector.shape_cast %get3A_174 : vector<1x16xf32> to vector<16xf32>
        %add3A_176 = arith.addf %get3A_171, %get3A_175 : vector<16xf32>
        %max3A_177 = arith.constant 0.000000e+00 : f32
        %max3A_178 = vector.broadcast %max3A_177 : f32 to vector<16xf32>
        %max3A_179 = arith.maximumf %add3A_176, %max3A_178 : vector<16xf32>
        %swap3A_180 = arith.index_cast %add3A_167 : i32 to index
        %swap3A_181 = arith.constant 0 : index
        %swap3A_182 = tpu.vector_load %arg9[%swap3A_180, %swap3A_181] {strides = array<i32>} : memref<256x32xf32, #tpu.memory_space<vmem>>, vector<1x16xf32>,
        %swap3A_183 = vector.shape_cast %swap3A_182 : vector<1x16xf32> to vector<16xf32>
        %swap3A_184 = vector.shape_cast %max3A_179 : vector<16xf32> to vector<1x16xf32>
        tpu.vector_store %arg9[%swap3A_180, %swap3A_181], %swap3A_184 {strides = array<i32>} : memref<256x32xf32, #tpu.memory_space<vmem>>, vector<1x16xf32>,
        %get3A_185 = arith.index_cast %add3A_167 : i32 to index
        %get3A_186 = arith.constant 16 : index
        %get3A_187 = tpu.vector_load %arg9[%get3A_185, %get3A_186] {strides = array<i32>} : memref<256x32xf32, #tpu.memory_space<vmem>>, vector<1x16xf32>,
        %get3A_188 = vector.shape_cast %get3A_187 : vector<1x16xf32> to vector<16xf32>
        %get3A_189 = arith.index_cast %add3A_167 : i32 to index
        %get3A_190 = arith.constant 16 : index
        %get3A_191 = tpu.vector_load %arg10[%get3A_189, %get3A_190] {strides = array<i32>} : memref<256x32xf32, #tpu.memory_space<vmem>>, vector<1x16xf32>,
        %get3A_192 = vector.shape_cast %get3A_191 : vector<1x16xf32> to vector<16xf32>
        %add3A_193 = arith.addf %get3A_188, %get3A_192 : vector<16xf32>
        %max3A_194 = arith.constant 0.000000e+00 : f32
        %max3A_195 = vector.broadcast %max3A_194 : f32 to vector<16xf32>
        %max3A_196 = arith.maximumf %add3A_193, %max3A_195 : vector<16xf32>
        %swap3A_197 = arith.index_cast %add3A_167 : i32 to index
        %swap3A_198 = arith.constant 16 : index
        %swap3A_199 = tpu.vector_load %arg9[%swap3A_197, %swap3A_198] {strides = array<i32>} : memref<256x32xf32, #tpu.memory_space<vmem>>, vector<1x16xf32>,
        %swap3A_200 = vector.shape_cast %swap3A_199 : vector<1x16xf32> to vector<16xf32>
        %swap3A_201 = vector.shape_cast %max3A_196 : vector<16xf32> to vector<1x16xf32>
        tpu.vector_store %arg9[%swap3A_197, %swap3A_198], %swap3A_201 {strides = array<i32>} : memref<256x32xf32, #tpu.memory_space<vmem>>, vector<1x16xf32>,
        %mul3A_202 = arith.constant 4 : i32
        %mul3A_203 = arith.muli %scan3A_128, %mul3A_202 : i32
        %add3A_204 = arith.constant 2 : i32
        %add3A_205 = arith.addi %mul3A_203, %add3A_204 : i32
        %get3A_206 = arith.index_cast %add3A_205 : i32 to index
        %get3A_207 = arith.constant 0 : index
        %get3A_208 = tpu.vector_load %arg9[%get3A_206, %get3A_207] {strides = array<i32>} : memref<256x32xf32, #tpu.memory_space<vmem>>, vector<1x16xf32>,
        %get3A_209 = vector.shape_cast %get3A_208 : vector<1x16xf32> to vector<16xf32>
        %get3A_210 = arith.index_cast %add3A_205 : i32 to index
        %get3A_211 = arith.constant 0 : index
        %get3A_212 = tpu.vector_load %arg10[%get3A_210, %get3A_211] {strides = array<i32>} : memref<256x32xf32, #tpu.memory_space<vmem>>, vector<1x16xf32>,
        %get3A_213 = vector.shape_cast %get3A_212 : vector<1x16xf32> to vector<16xf32>
        %add3A_214 = arith.addf %get3A_209, %get3A_213 : vector<16xf32>
        %max3A_215 = arith.constant 0.000000e+00 : f32
        %max3A_216 = vector.broadcast %max3A_215 : f32 to vector<16xf32>
        %max3A_217 = arith.maximumf %add3A_214, %max3A_216 : vector<16xf32>
        %swap3A_218 = arith.index_cast %add3A_205 : i32 to index
        %swap3A_219 = arith.constant 0 : index
        %swap3A_220 = tpu.vector_load %arg9[%swap3A_218, %swap3A_219] {strides = array<i32>} : memref<256x32xf32, #tpu.memory_space<vmem>>, vector<1x16xf32>,
        %swap3A_221 = vector.shape_cast %swap3A_220 : vector<1x16xf32> to vector<16xf32>
        %swap3A_222 = vector.shape_cast %max3A_217 : vector<16xf32> to vector<1x16xf32>
        tpu.vector_store %arg9[%swap3A_218, %swap3A_219], %swap3A_222 {strides = array<i32>} : memref<256x32xf32, #tpu.memory_space<vmem>>, vector<1x16xf32>,
        %get3A_223 = arith.index_cast %add3A_205 : i32 to index
        %get3A_224 = arith.constant 16 : index
        %get3A_225 = tpu.vector_load %arg9[%get3A_223, %get3A_224] {strides = array<i32>} : memref<256x32xf32, #tpu.memory_space<vmem>>, vector<1x16xf32>,
        %get3A_226 = vector.shape_cast %get3A_225 : vector<1x16xf32> to vector<16xf32>
        %get3A_227 = arith.index_cast %add3A_205 : i32 to index
        %get3A_228 = arith.constant 16 : index
        %get3A_229 = tpu.vector_load %arg10[%get3A_227, %get3A_228] {strides = array<i32>} : memref<256x32xf32, #tpu.memory_space<vmem>>, vector<1x16xf32>,
        %get3A_230 = vector.shape_cast %get3A_229 : vector<1x16xf32> to vector<16xf32>
        %add3A_231 = arith.addf %get3A_226, %get3A_230 : vector<16xf32>
        %max3A_232 = arith.constant 0.000000e+00 : f32
        %max3A_233 = vector.broadcast %max3A_232 : f32 to vector<16xf32>
        %max3A_234 = arith.maximumf %add3A_231, %max3A_233 : vector<16xf32>
        %swap3A_235 = arith.index_cast %add3A_205 : i32 to index
        %swap3A_236 = arith.constant 16 : index
        %swap3A_237 = tpu.vector_load %arg9[%swap3A_235, %swap3A_236] {strides = array<i32>} : memref<256x32xf32, #tpu.memory_space<vmem>>, vector<1x16xf32>,
        %swap3A_238 = vector.shape_cast %swap3A_237 : vector<1x16xf32> to vector<16xf32>
        %swap3A_239 = vector.shape_cast %max3A_234 : vector<16xf32> to vector<1x16xf32>
        tpu.vector_store %arg9[%swap3A_235, %swap3A_236], %swap3A_239 {strides = array<i32>} : memref<256x32xf32, #tpu.memory_space<vmem>>, vector<1x16xf32>,
        %mul3A_240 = arith.constant 4 : i32
        %mul3A_241 = arith.muli %scan3A_128, %mul3A_240 : i32
        %add3A_242 = arith.constant 3 : i32
        %add3A_243 = arith.addi %mul3A_241, %add3A_242 : i32
        %get3A_244 = arith.index_cast %add3A_243 : i32 to index
        %get3A_245 = arith.constant 0 : index
        %get3A_246 = tpu.vector_load %arg9[%get3A_244, %get3A_245] {strides = array<i32>} : memref<256x32xf32, #tpu.memory_space<vmem>>, vector<1x16xf32>,
        %get3A_247 = vector.shape_cast %get3A_246 : vector<1x16xf32> to vector<16xf32>
        %get3A_248 = arith.index_cast %add3A_243 : i32 to index
        %get3A_249 = arith.constant 0 : index
        %get3A_250 = tpu.vector_load %arg10[%get3A_248, %get3A_249] {strides = array<i32>} : memref<256x32xf32, #tpu.memory_space<vmem>>, vector<1x16xf32>,
        %get3A_251 = vector.shape_cast %get3A_250 : vector<1x16xf32> to vector<16xf32>
        %add3A_252 = arith.addf %get3A_247, %get3A_251 : vector<16xf32>
        %max3A_253 = arith.constant 0.000000e+00 : f32
        %max3A_254 = vector.broadcast %max3A_253 : f32 to vector<16xf32>
        %max3A_255 = arith.maximumf %add3A_252, %max3A_254 : vector<16xf32>
        %swap3A_256 = arith.index_cast %add3A_243 : i32 to index
        %swap3A_257 = arith.constant 0 : index
        %swap3A_258 = tpu.vector_load %arg9[%swap3A_256, %swap3A_257] {strides = array<i32>} : memref<256x32xf32, #tpu.memory_space<vmem>>, vector<1x16xf32>,
        %swap3A_259 = vector.shape_cast %swap3A_258 : vector<1x16xf32> to vector<16xf32>
        %swap3A_260 = vector.shape_cast %max3A_255 : vector<16xf32> to vector<1x16xf32>
        tpu.vector_store %arg9[%swap3A_256, %swap3A_257], %swap3A_260 {strides = array<i32>} : memref<256x32xf32, #tpu.memory_space<vmem>>, vector<1x16xf32>,
        %get3A_261 = arith.index_cast %add3A_243 : i32 to index
        %get3A_262 = arith.constant 16 : index
        %get3A_263 = tpu.vector_load %arg9[%get3A_261, %get3A_262] {strides = array<i32>} : memref<256x32xf32, #tpu.memory_space<vmem>>, vector<1x16xf32>,
        %get3A_264 = vector.shape_cast %get3A_263 : vector<1x16xf32> to vector<16xf32>
        %get3A_265 = arith.index_cast %add3A_243 : i32 to index
        %get3A_266 = arith.constant 16 : index
        %get3A_267 = tpu.vector_load %arg10[%get3A_265, %get3A_266] {strides = array<i32>} : memref<256x32xf32, #tpu.memory_space<vmem>>, vector<1x16xf32>,
        %get3A_268 = vector.shape_cast %get3A_267 : vector<1x16xf32> to vector<16xf32>
        %add3A_269 = arith.addf %get3A_264, %get3A_268 : vector<16xf32>
        %max3A_270 = arith.constant 0.000000e+00 : f32
        %max3A_271 = vector.broadcast %max3A_270 : f32 to vector<16xf32>
        %max3A_272 = arith.maximumf %add3A_269, %max3A_271 : vector<16xf32>
        %swap3A_273 = arith.index_cast %add3A_243 : i32 to index
        %swap3A_274 = arith.constant 16 : index
        %swap3A_275 = tpu.vector_load %arg9[%swap3A_273, %swap3A_274] {strides = array<i32>} : memref<256x32xf32, #tpu.memory_space<vmem>>, vector<1x16xf32>,
        %swap3A_276 = vector.shape_cast %swap3A_275 : vector<1x16xf32> to vector<16xf32>
        %swap3A_277 = vector.shape_cast %max3A_272 : vector<16xf32> to vector<1x16xf32>
        tpu.vector_store %arg9[%swap3A_273, %swap3A_274], %swap3A_277 {strides = array<i32>} : memref<256x32xf32, #tpu.memory_space<vmem>>, vector<1x16xf32>,
      }
      %scan3A_87 = arith.constant 64 : i32
      %dma_start3A_88 = arith.constant 0 : i32
      %dma_start3A_89 = arith.constant 0 : i32
      %dma_start3A_90 = arith.constant 0 : i32
      %dma_start3A_91 = tpu.memref_slice %arg9[%dma_start3A_89, %dma_start3A_90] : memref<256x32xf32, #tpu.memory_space<vmem>> -> memref<128x32xf32, #tpu.memory_space<vmem>>
      %dma_start3A_92 = arith.constant 0 : i32
      %dma_start3A_93 = tpu.memref_slice %arg8[%dma_start3A_88, %dma_start3A_92] : memref<2x128xi32, #tpu.memory_space<vmem>> -> memref<1x128xi32, #tpu.memory_space<vmem>>
      %dma_start3A_94 = tpu.memref_squeeze %dma_start3A_93 : memref<1x128xi32, #tpu.memory_space<vmem>> -> memref<128xi32, #tpu.memory_space<vmem>>
      %dma_start3A_95 = arith.constant 0 : i32
      %dma_start3A_96 = arith.constant 0 : i32
      %dma_start3A_97 = tpu.memref_slice %arg13[%dma_start3A_95, %dma_start3A_96] : memref<51200x32xf32, #tpu.memory_space<vmem_shared>> -> memref<51200x32xf32, #tpu.memory_space<vmem_shared>>
      tpu.enqueue_indirect_dma source(%dma_start3A_91 : memref<128x32xf32, #tpu.memory_space<vmem>>) target(%dma_start3A_97 : memref<51200x32xf32, #tpu.memory_space<vmem_shared>>) offsets(%dma_start3A_94 : memref<128xi32, #tpu.memory_space<vmem>>) semaphore(%arg12 : memref<!tpu.dma_semaphore, #tpu.memory_space<semaphore_mem>>) {add = true}
      %dma_start3A_98 = arith.constant 1 : i32
      %dma_start3A_99 = arith.constant 128 : i32
      %dma_start3A_100 = arith.constant 0 : i32
      %dma_start3A_101 = tpu.memref_slice %arg9[%dma_start3A_99, %dma_start3A_100] : memref<256x32xf32, #tpu.memory_space<vmem>> -> memref<128x32xf32, #tpu.memory_space<vmem>>
      %dma_start3A_102 = arith.constant 0 : i32
      %dma_start3A_103 = tpu.memref_slice %arg8[%dma_start3A_98, %dma_start3A_102] : memref<2x128xi32, #tpu.memory_space<vmem>> -> memref<1x128xi32, #tpu.memory_space<vmem>>
      %dma_start3A_104 = tpu.memref_squeeze %dma_start3A_103 : memref<1x128xi32, #tpu.memory_space<vmem>> -> memref<128xi32, #tpu.memory_space<vmem>>
      %dma_start3A_105 = arith.constant 0 : i32
      %dma_start3A_106 = arith.constant 0 : i32
      %dma_start3A_107 = tpu.memref_slice %arg13[%dma_start3A_105, %dma_start3A_106] : memref<51200x32xf32, #tpu.memory_space<vmem_shared>> -> memref<51200x32xf32, #tpu.memory_space<vmem_shared>>
      tpu.enqueue_indirect_dma source(%dma_start3A_101 : memref<128x32xf32, #tpu.memory_space<vmem>>) target(%dma_start3A_107 : memref<51200x32xf32, #tpu.memory_space<vmem_shared>>) offsets(%dma_start3A_104 : memref<128xi32, #tpu.memory_space<vmem>>) semaphore(%arg12 : memref<!tpu.dma_semaphore, #tpu.memory_space<semaphore_mem>>) {add = true}
      %dma_wait3A_108 = arith.constant 0 : i32
      %dma_wait3A_109 = arith.constant 0 : i32
      %dma_wait3A_110 = arith.constant 0 : i32
      %dma_wait3A_111 = tpu.memref_slice %arg9[%dma_wait3A_109, %dma_wait3A_110] : memref<256x32xf32, #tpu.memory_space<vmem>> -> memref<128x32xf32, #tpu.memory_space<vmem>>
      %dma_wait3A_112 = arith.constant 0 : i32
      %dma_wait3A_113 = tpu.memref_slice %arg8[%dma_wait3A_108, %dma_wait3A_112] : memref<2x128xi32, #tpu.memory_space<vmem>> -> memref<1x128xi32, #tpu.memory_space<vmem>>
      %dma_wait3A_114 = tpu.memref_squeeze %dma_wait3A_113 : memref<1x128xi32, #tpu.memory_space<vmem>> -> memref<128xi32, #tpu.memory_space<vmem>>
      %dma_wait3A_115 = arith.constant 0 : i32
      %dma_wait3A_116 = arith.constant 0 : i32
      %dma_wait3A_117 = tpu.memref_slice %arg13[%dma_wait3A_115, %dma_wait3A_116] : memref<51200x32xf32, #tpu.memory_space<vmem_shared>> -> memref<51200x32xf32, #tpu.memory_space<vmem_shared>>
      tpu.wait_indirect_dma semaphore(%arg12 : memref<!tpu.dma_semaphore, #tpu.memory_space<semaphore_mem>>) src(%dma_wait3A_111 : memref<128x32xf32, #tpu.memory_space<vmem>>) dst(%dma_wait3A_117 : memref<51200x32xf32, #tpu.memory_space<vmem_shared>>)
      %dma_wait3A_118 = arith.constant 1 : i32
      %dma_wait3A_119 = arith.constant 128 : i32
      %dma_wait3A_120 = arith.constant 0 : i32
      %dma_wait3A_121 = tpu.memref_slice %arg9[%dma_wait3A_119, %dma_wait3A_120] : memref<256x32xf32, #tpu.memory_space<vmem>> -> memref<128x32xf32, #tpu.memory_space<vmem>>
      %dma_wait3A_122 = arith.constant 0 : i32
      %dma_wait3A_123 = tpu.memref_slice %arg8[%dma_wait3A_118, %dma_wait3A_122] : memref<2x128xi32, #tpu.memory_space<vmem>> -> memref<1x128xi32, #tpu.memory_space<vmem>>
      %dma_wait3A_124 = tpu.memref_squeeze %dma_wait3A_123 : memref<1x128xi32, #tpu.memory_space<vmem>> -> memref<128xi32, #tpu.memory_space<vmem>>
      %dma_wait3A_125 = arith.constant 0 : i32
      %dma_wait3A_126 = arith.constant 0 : i32
      %dma_wait3A_127 = tpu.memref_slice %arg13[%dma_wait3A_125, %dma_wait3A_126] : memref<51200x32xf32, #tpu.memory_space<vmem_shared>> -> memref<51200x32xf32, #tpu.memory_space<vmem_shared>>
      tpu.wait_indirect_dma semaphore(%arg12 : memref<!tpu.dma_semaphore, #tpu.memory_space<semaphore_mem>>) src(%dma_wait3A_121 : memref<128x32xf32, #tpu.memory_space<vmem>>) dst(%dma_wait3A_127 : memref<51200x32xf32, #tpu.memory_space<vmem_shared>>)
    }
    %scan3A_16 = arith.constant 196 : i32
    %barrier3A_17 = arith.constant 0 : index
    tpu.barrier barrier_id(%barrier3A_17)
    %scan3A_18 = arith.constant 0 : i32
    %scan3A_19 = arith.constant 0 : i32
    %scan3A_20 = arith.constant 16 : i32
    %scan3A_21 = arith.addi %scan3A_19, %scan3A_20 : i32
    %scan3A_22 = arith.constant 1 : i32
    scf.for %scan3A_24 = %scan3A_19 to %scan3A_21 step %scan3A_22  : i32 {
      %mul3A = arith.constant 3200 : i32
      %mul3A_25 = arith.muli %arg1, %mul3A : i32
      %mul3A_26 = arith.constant 200 : i32
      %mul3A_27 = arith.muli %scan3A_24, %mul3A_26 : i32
      %add3A = arith.addi %mul3A_25, %mul3A_27 : i32
      "tpu.region"() ({
        %run_scoped3A = tpu.sem_alloc : memref<!tpu.dma_semaphore, #tpu.memory_space<semaphore_mem>>
        %dma_start3A = arith.constant 0 : i32
        %dma_start3A_28 = tpu.memref_slice %arg6[%add3A, %arg0, %dma_start3A] : memref<51200x2x32xf32, #tpu.memory_space<hbm>> -> memref<200x1x32xf32, #tpu.memory_space<hbm>>
        %dma_start3A_29 = tpu.memref_squeeze %dma_start3A_28 : memref<200x1x32xf32, #tpu.memory_space<hbm>> -> memref<200x32xf32, #tpu.memory_space<hbm>>
        %dma_start3A_30 = arith.constant 0 : i32
        %dma_start3A_31 = tpu.memref_slice %arg13[%add3A, %dma_start3A_30] : memref<51200x32xf32, #tpu.memory_space<vmem_shared>> -> memref<200x32xf32, #tpu.memory_space<vmem_shared>>
        tpu.enqueue_dma source(%dma_start3A_31 : memref<200x32xf32, #tpu.memory_space<vmem_shared>>) target(%dma_start3A_29 : memref<200x32xf32, #tpu.memory_space<hbm>>) target_semaphore(%run_scoped3A : memref<!tpu.dma_semaphore, #tpu.memory_space<semaphore_mem>>)
        %dma_wait3A = arith.constant 0 : i32
        %dma_wait3A_32 = tpu.memref_slice %arg6[%add3A, %arg0, %dma_wait3A] : memref<51200x2x32xf32, #tpu.memory_space<hbm>> -> memref<200x1x32xf32, #tpu.memory_space<hbm>>
        %dma_wait3A_33 = tpu.memref_squeeze %dma_wait3A_32 : memref<200x1x32xf32, #tpu.memory_space<hbm>> -> memref<200x32xf32, #tpu.memory_space<hbm>>
        %dma_wait3A_34 = arith.constant 0 : i32
        %dma_wait3A_35 = tpu.memref_slice %arg13[%add3A, %dma_wait3A_34] : memref<51200x32xf32, #tpu.memory_space<vmem_shared>> -> memref<200x32xf32, #tpu.memory_space<vmem_shared>>
        tpu.wait_dma2 semaphore(%run_scoped3A : memref<!tpu.dma_semaphore, #tpu.memory_space<semaphore_mem>>) src(%dma_wait3A_35 : memref<200x32xf32, #tpu.memory_space<vmem_shared>>) dst(%dma_wait3A_33 : memref<200x32xf32, #tpu.memory_space<hbm>>)
        tpu.yield
      }) : () -> ()
    }
    %scan3A_23 = arith.constant 16 : i32
    return
  }
}

#map = affine_map<(d0, d1) -> (0, 0)>
#map1 = affine_map<(d0, d1) -> (0, 0, 0)>
module attributes {stable_mosaic.version = 14 : i64} {
  func.func @body(%arg0: i32, %arg1: i32, %arg2: memref<100000x32xf32, #tpu.memory_space<hbm>>, %arg3: memref<2x416x128xi32, #tpu.memory_space<hbm>>, %arg4: memref<416x128xi32, #tpu.memory_space<hbm>>, %arg5: memref<10240x2x32xf32, #tpu.memory_space<hbm>>, %arg6: memref<2x128xi32, #tpu.memory_space<vmem>>, %arg7: memref<2x128xi32, #tpu.memory_space<vmem>>, %arg8: memref<256x32xf32, #tpu.memory_space<vmem>>, %arg9: memref<!tpu.dma_semaphore, #tpu.memory_space<semaphore_mem>>, %arg10: memref<!tpu.dma_semaphore, #tpu.memory_space<semaphore_mem>>, %arg11: memref<10240x32xf32, #tpu.memory_space<vmem_shared>>) attributes {dimension_semantics = [#tpu.dimension_semantics<core_parallel>, #tpu.dimension_semantics<subcore_parallel>], iteration_bounds = array<i64: 2, 16>, scalar_prefetch = 0 : i64, scratch_operands = 6 : i64, tpu.core_type = #tpu.core_type<sc_vector_subcore>, window_params = [{transform_indices = #map}, {transform_indices = #map1}, {transform_indices = #map}, {transform_indices = #map1}]} {
    %scan3A = arith.constant 0 : i32
    %scan3A_0 = arith.constant 0 : i32
    %scan3A_1 = arith.constant 64 : i32
    %scan3A_2 = arith.addi %scan3A_0, %scan3A_1 : i32
    %scan3A_3 = arith.constant 1 : i32
    scf.for %scan3A_24 = %scan3A_0 to %scan3A_2 step %scan3A_3  : i32 {
      %broadcast_in_dim3A = arith.constant 0.000000e+00 : f32
      %broadcast_in_dim3A_25 = vector.broadcast %broadcast_in_dim3A : f32 to vector<16xf32>
      %mul3A = arith.constant 4 : i32
      %mul3A_26 = arith.muli %scan3A_24, %mul3A : i32
      %add3A = arith.constant 0 : i32
      %add3A_27 = arith.addi %mul3A_26, %add3A : i32
      %swap3A = arith.index_cast %add3A_27 : i32 to index
      %swap3A_28 = arith.constant 0 : index
      %swap3A_29 = tpu.vector_load %arg8[%swap3A, %swap3A_28] {strides = array<i32>} : memref<256x32xf32, #tpu.memory_space<vmem>>, vector<1x16xf32>,
      %swap3A_30 = vector.shape_cast %swap3A_29 : vector<1x16xf32> to vector<16xf32>
      %swap3A_31 = vector.shape_cast %broadcast_in_dim3A_25 : vector<16xf32> to vector<1x16xf32>
      tpu.vector_store %arg8[%swap3A, %swap3A_28], %swap3A_31 {strides = array<i32>} : memref<256x32xf32, #tpu.memory_space<vmem>>, vector<1x16xf32>,
      %broadcast_in_dim3A_32 = arith.constant 0.000000e+00 : f32
      %broadcast_in_dim3A_33 = vector.broadcast %broadcast_in_dim3A_32 : f32 to vector<16xf32>
      %mul3A_34 = arith.constant 4 : i32
      %mul3A_35 = arith.muli %scan3A_24, %mul3A_34 : i32
      %add3A_36 = arith.constant 0 : i32
      %add3A_37 = arith.addi %mul3A_35, %add3A_36 : i32
      %swap3A_38 = arith.index_cast %add3A_37 : i32 to index
      %swap3A_39 = arith.constant 16 : index
      %swap3A_40 = tpu.vector_load %arg8[%swap3A_38, %swap3A_39] {strides = array<i32>} : memref<256x32xf32, #tpu.memory_space<vmem>>, vector<1x16xf32>,
      %swap3A_41 = vector.shape_cast %swap3A_40 : vector<1x16xf32> to vector<16xf32>
      %swap3A_42 = vector.shape_cast %broadcast_in_dim3A_33 : vector<16xf32> to vector<1x16xf32>
      tpu.vector_store %arg8[%swap3A_38, %swap3A_39], %swap3A_42 {strides = array<i32>} : memref<256x32xf32, #tpu.memory_space<vmem>>, vector<1x16xf32>,
      %broadcast_in_dim3A_43 = arith.constant 0.000000e+00 : f32
      %broadcast_in_dim3A_44 = vector.broadcast %broadcast_in_dim3A_43 : f32 to vector<16xf32>
      %mul3A_45 = arith.constant 4 : i32
      %mul3A_46 = arith.muli %scan3A_24, %mul3A_45 : i32
      %add3A_47 = arith.constant 1 : i32
      %add3A_48 = arith.addi %mul3A_46, %add3A_47 : i32
      %swap3A_49 = arith.index_cast %add3A_48 : i32 to index
      %swap3A_50 = arith.constant 0 : index
      %swap3A_51 = tpu.vector_load %arg8[%swap3A_49, %swap3A_50] {strides = array<i32>} : memref<256x32xf32, #tpu.memory_space<vmem>>, vector<1x16xf32>,
      %swap3A_52 = vector.shape_cast %swap3A_51 : vector<1x16xf32> to vector<16xf32>
      %swap3A_53 = vector.shape_cast %broadcast_in_dim3A_44 : vector<16xf32> to vector<1x16xf32>
      tpu.vector_store %arg8[%swap3A_49, %swap3A_50], %swap3A_53 {strides = array<i32>} : memref<256x32xf32, #tpu.memory_space<vmem>>, vector<1x16xf32>,
      %broadcast_in_dim3A_54 = arith.constant 0.000000e+00 : f32
      %broadcast_in_dim3A_55 = vector.broadcast %broadcast_in_dim3A_54 : f32 to vector<16xf32>
      %mul3A_56 = arith.constant 4 : i32
      %mul3A_57 = arith.muli %scan3A_24, %mul3A_56 : i32
      %add3A_58 = arith.constant 1 : i32
      %add3A_59 = arith.addi %mul3A_57, %add3A_58 : i32
      %swap3A_60 = arith.index_cast %add3A_59 : i32 to index
      %swap3A_61 = arith.constant 16 : index
      %swap3A_62 = tpu.vector_load %arg8[%swap3A_60, %swap3A_61] {strides = array<i32>} : memref<256x32xf32, #tpu.memory_space<vmem>>, vector<1x16xf32>,
      %swap3A_63 = vector.shape_cast %swap3A_62 : vector<1x16xf32> to vector<16xf32>
      %swap3A_64 = vector.shape_cast %broadcast_in_dim3A_55 : vector<16xf32> to vector<1x16xf32>
      tpu.vector_store %arg8[%swap3A_60, %swap3A_61], %swap3A_64 {strides = array<i32>} : memref<256x32xf32, #tpu.memory_space<vmem>>, vector<1x16xf32>,
      %broadcast_in_dim3A_65 = arith.constant 0.000000e+00 : f32
      %broadcast_in_dim3A_66 = vector.broadcast %broadcast_in_dim3A_65 : f32 to vector<16xf32>
      %mul3A_67 = arith.constant 4 : i32
      %mul3A_68 = arith.muli %scan3A_24, %mul3A_67 : i32
      %add3A_69 = arith.constant 2 : i32
      %add3A_70 = arith.addi %mul3A_68, %add3A_69 : i32
      %swap3A_71 = arith.index_cast %add3A_70 : i32 to index
      %swap3A_72 = arith.constant 0 : index
      %swap3A_73 = tpu.vector_load %arg8[%swap3A_71, %swap3A_72] {strides = array<i32>} : memref<256x32xf32, #tpu.memory_space<vmem>>, vector<1x16xf32>,
      %swap3A_74 = vector.shape_cast %swap3A_73 : vector<1x16xf32> to vector<16xf32>
      %swap3A_75 = vector.shape_cast %broadcast_in_dim3A_66 : vector<16xf32> to vector<1x16xf32>
      tpu.vector_store %arg8[%swap3A_71, %swap3A_72], %swap3A_75 {strides = array<i32>} : memref<256x32xf32, #tpu.memory_space<vmem>>, vector<1x16xf32>,
      %broadcast_in_dim3A_76 = arith.constant 0.000000e+00 : f32
      %broadcast_in_dim3A_77 = vector.broadcast %broadcast_in_dim3A_76 : f32 to vector<16xf32>
      %mul3A_78 = arith.constant 4 : i32
      %mul3A_79 = arith.muli %scan3A_24, %mul3A_78 : i32
      %add3A_80 = arith.constant 2 : i32
      %add3A_81 = arith.addi %mul3A_79, %add3A_80 : i32
      %swap3A_82 = arith.index_cast %add3A_81 : i32 to index
      %swap3A_83 = arith.constant 16 : index
      %swap3A_84 = tpu.vector_load %arg8[%swap3A_82, %swap3A_83] {strides = array<i32>} : memref<256x32xf32, #tpu.memory_space<vmem>>, vector<1x16xf32>,
      %swap3A_85 = vector.shape_cast %swap3A_84 : vector<1x16xf32> to vector<16xf32>
      %swap3A_86 = vector.shape_cast %broadcast_in_dim3A_77 : vector<16xf32> to vector<1x16xf32>
      tpu.vector_store %arg8[%swap3A_82, %swap3A_83], %swap3A_86 {strides = array<i32>} : memref<256x32xf32, #tpu.memory_space<vmem>>, vector<1x16xf32>,
      %broadcast_in_dim3A_87 = arith.constant 0.000000e+00 : f32
      %broadcast_in_dim3A_88 = vector.broadcast %broadcast_in_dim3A_87 : f32 to vector<16xf32>
      %mul3A_89 = arith.constant 4 : i32
      %mul3A_90 = arith.muli %scan3A_24, %mul3A_89 : i32
      %add3A_91 = arith.constant 3 : i32
      %add3A_92 = arith.addi %mul3A_90, %add3A_91 : i32
      %swap3A_93 = arith.index_cast %add3A_92 : i32 to index
      %swap3A_94 = arith.constant 0 : index
      %swap3A_95 = tpu.vector_load %arg8[%swap3A_93, %swap3A_94] {strides = array<i32>} : memref<256x32xf32, #tpu.memory_space<vmem>>, vector<1x16xf32>,
      %swap3A_96 = vector.shape_cast %swap3A_95 : vector<1x16xf32> to vector<16xf32>
      %swap3A_97 = vector.shape_cast %broadcast_in_dim3A_88 : vector<16xf32> to vector<1x16xf32>
      tpu.vector_store %arg8[%swap3A_93, %swap3A_94], %swap3A_97 {strides = array<i32>} : memref<256x32xf32, #tpu.memory_space<vmem>>, vector<1x16xf32>,
      %broadcast_in_dim3A_98 = arith.constant 0.000000e+00 : f32
      %broadcast_in_dim3A_99 = vector.broadcast %broadcast_in_dim3A_98 : f32 to vector<16xf32>
      %mul3A_100 = arith.constant 4 : i32
      %mul3A_101 = arith.muli %scan3A_24, %mul3A_100 : i32
      %add3A_102 = arith.constant 3 : i32
      %add3A_103 = arith.addi %mul3A_101, %add3A_102 : i32
      %swap3A_104 = arith.index_cast %add3A_103 : i32 to index
      %swap3A_105 = arith.constant 16 : index
      %swap3A_106 = tpu.vector_load %arg8[%swap3A_104, %swap3A_105] {strides = array<i32>} : memref<256x32xf32, #tpu.memory_space<vmem>>, vector<1x16xf32>,
      %swap3A_107 = vector.shape_cast %swap3A_106 : vector<1x16xf32> to vector<16xf32>
      %swap3A_108 = vector.shape_cast %broadcast_in_dim3A_99 : vector<16xf32> to vector<1x16xf32>
      tpu.vector_store %arg8[%swap3A_104, %swap3A_105], %swap3A_108 {strides = array<i32>} : memref<256x32xf32, #tpu.memory_space<vmem>>, vector<1x16xf32>,
    }
    %scan3A_4 = arith.constant 64 : i32
    %scan3A_5 = arith.constant 0 : i32
    %scan3A_6 = arith.constant 0 : i32
    %scan3A_7 = arith.constant 4 : i32
    %scan3A_8 = arith.addi %scan3A_6, %scan3A_7 : i32
    %scan3A_9 = arith.constant 1 : i32
    scf.for %scan3A_24 = %scan3A_6 to %scan3A_8 step %scan3A_9  : i32 {
      %mul3A = arith.constant 640 : i32
      %mul3A_25 = arith.muli %arg1, %mul3A : i32
      %mul3A_26 = arith.constant 160 : i32
      %mul3A_27 = arith.muli %scan3A_24, %mul3A_26 : i32
      %add3A = arith.addi %mul3A_25, %mul3A_27 : i32
      "tpu.region"() ({
        %run_scoped3A = tpu.sem_alloc : memref<!tpu.dma_semaphore, #tpu.memory_space<semaphore_mem>>
        %dma_start3A = arith.constant 0 : i32
        %dma_start3A_28 = arith.constant 0 : i32
        %dma_start3A_29 = tpu.memref_slice %arg8[%dma_start3A, %dma_start3A_28] : memref<256x32xf32, #tpu.memory_space<vmem>> -> memref<160x32xf32, #tpu.memory_space<vmem>>
        %dma_start3A_30 = arith.constant 0 : i32
        %dma_start3A_31 = tpu.memref_slice %arg11[%add3A, %dma_start3A_30] : memref<10240x32xf32, #tpu.memory_space<vmem_shared>> -> memref<160x32xf32, #tpu.memory_space<vmem_shared>>
        %dma_start3A_32 = arith.constant 0 : i32
        %dma_start3A_33 = tpu.memref_slice %arg11[%add3A, %dma_start3A_32] : memref<10240x32xf32, #tpu.memory_space<vmem_shared>> -> memref<160x32xf32, #tpu.memory_space<vmem_shared>>
        %dma_start3A_34 = arith.constant 0 : i32
        %dma_start3A_35 = arith.constant 0 : i32
        %dma_start3A_36 = tpu.memref_slice %arg8[%dma_start3A_34, %dma_start3A_35] : memref<256x32xf32, #tpu.memory_space<vmem>> -> memref<160x32xf32, #tpu.memory_space<vmem>>
        tpu.enqueue_dma source(%dma_start3A_36 : memref<160x32xf32, #tpu.memory_space<vmem>>) target(%dma_start3A_33 : memref<160x32xf32, #tpu.memory_space<vmem_shared>>) target_semaphore(%run_scoped3A : memref<!tpu.dma_semaphore, #tpu.memory_space<semaphore_mem>>)
        %dma_wait3A = arith.constant 0 : i32
        %dma_wait3A_37 = arith.constant 0 : i32
        %dma_wait3A_38 = tpu.memref_slice %arg8[%dma_wait3A, %dma_wait3A_37] : memref<256x32xf32, #tpu.memory_space<vmem>> -> memref<160x32xf32, #tpu.memory_space<vmem>>
        %dma_wait3A_39 = arith.constant 0 : i32
        %dma_wait3A_40 = tpu.memref_slice %arg11[%add3A, %dma_wait3A_39] : memref<10240x32xf32, #tpu.memory_space<vmem_shared>> -> memref<160x32xf32, #tpu.memory_space<vmem_shared>>
        %dma_wait3A_41 = arith.constant 0 : i32
        %dma_wait3A_42 = tpu.memref_slice %arg11[%add3A, %dma_wait3A_41] : memref<10240x32xf32, #tpu.memory_space<vmem_shared>> -> memref<160x32xf32, #tpu.memory_space<vmem_shared>>
        %dma_wait3A_43 = arith.constant 0 : i32
        %dma_wait3A_44 = arith.constant 0 : i32
        %dma_wait3A_45 = tpu.memref_slice %arg8[%dma_wait3A_43, %dma_wait3A_44] : memref<256x32xf32, #tpu.memory_space<vmem>> -> memref<160x32xf32, #tpu.memory_space<vmem>>
        tpu.wait_dma2 semaphore(%run_scoped3A : memref<!tpu.dma_semaphore, #tpu.memory_space<semaphore_mem>>) src(%dma_wait3A_45 : memref<160x32xf32, #tpu.memory_space<vmem>>) dst(%dma_wait3A_42 : memref<160x32xf32, #tpu.memory_space<vmem_shared>>)
        tpu.yield
      }) : () -> ()
    }
    %scan3A_10 = arith.constant 4 : i32
    %barrier3A = arith.constant 0 : index
    tpu.barrier barrier_id(%barrier3A)
    %scan3A_11 = arith.constant 0 : i32
    %scan3A_12 = arith.constant 0 : i32
    %scan3A_13 = arith.constant 13 : i32
    %scan3A_14 = arith.addi %scan3A_12, %scan3A_13 : i32
    %scan3A_15 = arith.constant 1 : i32
    scf.for %scan3A_24 = %scan3A_12 to %scan3A_14 step %scan3A_15  : i32 {
      %mul3A = arith.constant 13 : i32
      %mul3A_25 = arith.muli %arg1, %mul3A : i32
      %add3A = arith.addi %mul3A_25, %scan3A_24 : i32
      %mul3A_26 = arith.constant 256 : i32
      %mul3A_27 = arith.muli %add3A, %mul3A_26 : i32
      %jit3A = arith.constant 128 : i32
      %div3A = arith.divsi %mul3A_27, %jit3A : i32
      %sign3A = arith.constant 0 : i32
      %sign3A_28 = arith.cmpi sgt, %mul3A_27, %sign3A : i32
      %sign3A_29 = arith.extui %sign3A_28 : i1 to i32
      %sign3A_30 = arith.constant 0 : i32
      %sign3A_31 = arith.cmpi slt, %mul3A_27, %sign3A_30 : i32
      %sign3A_32 = arith.extui %sign3A_31 : i1 to i32
      %sign3A_33 = arith.subi %sign3A_29, %sign3A_32 : i32
      %sign3A_34 = arith.constant 0 : i32
      %sign3A_35 = arith.cmpi sgt, %jit3A, %sign3A_34 : i32
      %sign3A_36 = arith.extui %sign3A_35 : i1 to i32
      %sign3A_37 = arith.constant 0 : i32
      %sign3A_38 = arith.cmpi slt, %jit3A, %sign3A_37 : i32
      %sign3A_39 = arith.extui %sign3A_38 : i1 to i32
      %sign3A_40 = arith.subi %sign3A_36, %sign3A_39 : i32
      %ne3A = arith.cmpi ne, %sign3A_33, %sign3A_40 : i32
      %rem3A = arith.remsi %mul3A_27, %jit3A : i32
      %ne3A_41 = arith.constant 0 : i32
      %ne3A_42 = arith.cmpi ne, %rem3A, %ne3A_41 : i32
      %and3A = arith.andi %ne3A, %ne3A_42 : i1
      %sub3A = arith.constant 1 : i32
      %sub3A_43 = arith.subi %div3A, %sub3A : i32
      %select_n3A = arith.select %and3A, %sub3A_43, %div3A : i32
      "tpu.region"() ({
        %run_scoped3A = tpu.sem_alloc : memref<!tpu.dma_semaphore, #tpu.memory_space<semaphore_mem>>
        %dma_start3A_122 = arith.constant 0 : i32
        %dma_start3A_123 = tpu.memref_slice %arg3[%arg0, %select_n3A, %dma_start3A_122] : memref<2x416x128xi32, #tpu.memory_space<hbm>> -> memref<1x2x128xi32, #tpu.memory_space<hbm>>
        %dma_start3A_124 = tpu.memref_squeeze %dma_start3A_123 : memref<1x2x128xi32, #tpu.memory_space<hbm>> -> memref<2x128xi32, #tpu.memory_space<hbm>>
        %dma_start3A_125 = arith.constant 0 : i32
        %dma_start3A_126 = tpu.memref_slice %arg3[%arg0, %select_n3A, %dma_start3A_125] : memref<2x416x128xi32, #tpu.memory_space<hbm>> -> memref<1x2x128xi32, #tpu.memory_space<hbm>>
        %dma_start3A_127 = tpu.memref_squeeze %dma_start3A_126 : memref<1x2x128xi32, #tpu.memory_space<hbm>> -> memref<2x128xi32, #tpu.memory_space<hbm>>
        tpu.enqueue_dma source(%dma_start3A_127 : memref<2x128xi32, #tpu.memory_space<hbm>>) target(%arg6 : memref<2x128xi32, #tpu.memory_space<vmem>>) target_semaphore(%run_scoped3A : memref<!tpu.dma_semaphore, #tpu.memory_space<semaphore_mem>>)
        %dma_wait3A_128 = arith.constant 0 : i32
        %dma_wait3A_129 = tpu.memref_slice %arg3[%arg0, %select_n3A, %dma_wait3A_128] : memref<2x416x128xi32, #tpu.memory_space<hbm>> -> memref<1x2x128xi32, #tpu.memory_space<hbm>>
        %dma_wait3A_130 = tpu.memref_squeeze %dma_wait3A_129 : memref<1x2x128xi32, #tpu.memory_space<hbm>> -> memref<2x128xi32, #tpu.memory_space<hbm>>
        %dma_wait3A_131 = arith.constant 0 : i32
        %dma_wait3A_132 = tpu.memref_slice %arg3[%arg0, %select_n3A, %dma_wait3A_131] : memref<2x416x128xi32, #tpu.memory_space<hbm>> -> memref<1x2x128xi32, #tpu.memory_space<hbm>>
        %dma_wait3A_133 = tpu.memref_squeeze %dma_wait3A_132 : memref<1x2x128xi32, #tpu.memory_space<hbm>> -> memref<2x128xi32, #tpu.memory_space<hbm>>
        tpu.wait_dma2 semaphore(%run_scoped3A : memref<!tpu.dma_semaphore, #tpu.memory_space<semaphore_mem>>) src(%dma_wait3A_133 : memref<2x128xi32, #tpu.memory_space<hbm>>) dst(%arg6 : memref<2x128xi32, #tpu.memory_space<vmem>>)
        tpu.yield
      }) : () -> ()
      "tpu.region"() ({
        %run_scoped3A = tpu.sem_alloc : memref<!tpu.dma_semaphore, #tpu.memory_space<semaphore_mem>>
        %dma_start3A_122 = arith.constant 0 : i32
        %dma_start3A_123 = tpu.memref_slice %arg4[%select_n3A, %dma_start3A_122] : memref<416x128xi32, #tpu.memory_space<hbm>> -> memref<2x128xi32, #tpu.memory_space<hbm>>
        %dma_start3A_124 = arith.constant 0 : i32
        %dma_start3A_125 = tpu.memref_slice %arg4[%select_n3A, %dma_start3A_124] : memref<416x128xi32, #tpu.memory_space<hbm>> -> memref<2x128xi32, #tpu.memory_space<hbm>>
        tpu.enqueue_dma source(%dma_start3A_125 : memref<2x128xi32, #tpu.memory_space<hbm>>) target(%arg7 : memref<2x128xi32, #tpu.memory_space<vmem>>) target_semaphore(%run_scoped3A : memref<!tpu.dma_semaphore, #tpu.memory_space<semaphore_mem>>)
        %dma_wait3A_126 = arith.constant 0 : i32
        %dma_wait3A_127 = tpu.memref_slice %arg4[%select_n3A, %dma_wait3A_126] : memref<416x128xi32, #tpu.memory_space<hbm>> -> memref<2x128xi32, #tpu.memory_space<hbm>>
        %dma_wait3A_128 = arith.constant 0 : i32
        %dma_wait3A_129 = tpu.memref_slice %arg4[%select_n3A, %dma_wait3A_128] : memref<416x128xi32, #tpu.memory_space<hbm>> -> memref<2x128xi32, #tpu.memory_space<hbm>>
        tpu.wait_dma2 semaphore(%run_scoped3A : memref<!tpu.dma_semaphore, #tpu.memory_space<semaphore_mem>>) src(%dma_wait3A_129 : memref<2x128xi32, #tpu.memory_space<hbm>>) dst(%arg7 : memref<2x128xi32, #tpu.memory_space<vmem>>)
        tpu.yield
      }) : () -> ()
      %dma_start3A = arith.constant 0 : i32
      %dma_start3A_44 = arith.constant 0 : i32
      %dma_start3A_45 = arith.constant 0 : i32
      %dma_start3A_46 = tpu.memref_slice %arg8[%dma_start3A_44, %dma_start3A_45] : memref<256x32xf32, #tpu.memory_space<vmem>> -> memref<128x32xf32, #tpu.memory_space<vmem>>
      %dma_start3A_47 = arith.constant 0 : i32
      %dma_start3A_48 = tpu.memref_slice %arg6[%dma_start3A, %dma_start3A_47] : memref<2x128xi32, #tpu.memory_space<vmem>> -> memref<1x128xi32, #tpu.memory_space<vmem>>
      %dma_start3A_49 = tpu.memref_squeeze %dma_start3A_48 : memref<1x128xi32, #tpu.memory_space<vmem>> -> memref<128xi32, #tpu.memory_space<vmem>>
      %dma_start3A_50 = arith.constant 0 : i32
      %dma_start3A_51 = arith.constant 0 : i32
      %dma_start3A_52 = tpu.memref_slice %arg2[%dma_start3A_50, %dma_start3A_51] : memref<100000x32xf32, #tpu.memory_space<hbm>> -> memref<100000x32xf32, #tpu.memory_space<hbm>>
      tpu.enqueue_indirect_dma source(%dma_start3A_52 : memref<100000x32xf32, #tpu.memory_space<hbm>>) target(%dma_start3A_46 : memref<128x32xf32, #tpu.memory_space<vmem>>) offsets(%dma_start3A_49 : memref<128xi32, #tpu.memory_space<vmem>>) semaphore(%arg9 : memref<!tpu.dma_semaphore, #tpu.memory_space<semaphore_mem>>)
      %dma_start3A_53 = arith.constant 1 : i32
      %dma_start3A_54 = arith.constant 128 : i32
      %dma_start3A_55 = arith.constant 0 : i32
      %dma_start3A_56 = tpu.memref_slice %arg8[%dma_start3A_54, %dma_start3A_55] : memref<256x32xf32, #tpu.memory_space<vmem>> -> memref<128x32xf32, #tpu.memory_space<vmem>>
      %dma_start3A_57 = arith.constant 0 : i32
      %dma_start3A_58 = tpu.memref_slice %arg6[%dma_start3A_53, %dma_start3A_57] : memref<2x128xi32, #tpu.memory_space<vmem>> -> memref<1x128xi32, #tpu.memory_space<vmem>>
      %dma_start3A_59 = tpu.memref_squeeze %dma_start3A_58 : memref<1x128xi32, #tpu.memory_space<vmem>> -> memref<128xi32, #tpu.memory_space<vmem>>
      %dma_start3A_60 = arith.constant 0 : i32
      %dma_start3A_61 = arith.constant 0 : i32
      %dma_start3A_62 = tpu.memref_slice %arg2[%dma_start3A_60, %dma_start3A_61] : memref<100000x32xf32, #tpu.memory_space<hbm>> -> memref<100000x32xf32, #tpu.memory_space<hbm>>
      tpu.enqueue_indirect_dma source(%dma_start3A_62 : memref<100000x32xf32, #tpu.memory_space<hbm>>) target(%dma_start3A_56 : memref<128x32xf32, #tpu.memory_space<vmem>>) offsets(%dma_start3A_59 : memref<128xi32, #tpu.memory_space<vmem>>) semaphore(%arg9 : memref<!tpu.dma_semaphore, #tpu.memory_space<semaphore_mem>>)
      %dma_wait3A = arith.constant 0 : i32
      %dma_wait3A_63 = arith.constant 0 : i32
      %dma_wait3A_64 = arith.constant 0 : i32
      %dma_wait3A_65 = tpu.memref_slice %arg8[%dma_wait3A_63, %dma_wait3A_64] : memref<256x32xf32, #tpu.memory_space<vmem>> -> memref<128x32xf32, #tpu.memory_space<vmem>>
      %dma_wait3A_66 = arith.constant 0 : i32
      %dma_wait3A_67 = tpu.memref_slice %arg6[%dma_wait3A, %dma_wait3A_66] : memref<2x128xi32, #tpu.memory_space<vmem>> -> memref<1x128xi32, #tpu.memory_space<vmem>>
      %dma_wait3A_68 = tpu.memref_squeeze %dma_wait3A_67 : memref<1x128xi32, #tpu.memory_space<vmem>> -> memref<128xi32, #tpu.memory_space<vmem>>
      %dma_wait3A_69 = arith.constant 0 : i32
      %dma_wait3A_70 = arith.constant 0 : i32
      %dma_wait3A_71 = tpu.memref_slice %arg2[%dma_wait3A_69, %dma_wait3A_70] : memref<100000x32xf32, #tpu.memory_space<hbm>> -> memref<100000x32xf32, #tpu.memory_space<hbm>>
      tpu.wait_indirect_dma semaphore(%arg9 : memref<!tpu.dma_semaphore, #tpu.memory_space<semaphore_mem>>) src(%dma_wait3A_71 : memref<100000x32xf32, #tpu.memory_space<hbm>>) dst(%dma_wait3A_65 : memref<128x32xf32, #tpu.memory_space<vmem>>)
      %dma_wait3A_72 = arith.constant 1 : i32
      %dma_wait3A_73 = arith.constant 128 : i32
      %dma_wait3A_74 = arith.constant 0 : i32
      %dma_wait3A_75 = tpu.memref_slice %arg8[%dma_wait3A_73, %dma_wait3A_74] : memref<256x32xf32, #tpu.memory_space<vmem>> -> memref<128x32xf32, #tpu.memory_space<vmem>>
      %dma_wait3A_76 = arith.constant 0 : i32
      %dma_wait3A_77 = tpu.memref_slice %arg6[%dma_wait3A_72, %dma_wait3A_76] : memref<2x128xi32, #tpu.memory_space<vmem>> -> memref<1x128xi32, #tpu.memory_space<vmem>>
      %dma_wait3A_78 = tpu.memref_squeeze %dma_wait3A_77 : memref<1x128xi32, #tpu.memory_space<vmem>> -> memref<128xi32, #tpu.memory_space<vmem>>
      %dma_wait3A_79 = arith.constant 0 : i32
      %dma_wait3A_80 = arith.constant 0 : i32
      %dma_wait3A_81 = tpu.memref_slice %arg2[%dma_wait3A_79, %dma_wait3A_80] : memref<100000x32xf32, #tpu.memory_space<hbm>> -> memref<100000x32xf32, #tpu.memory_space<hbm>>
      tpu.wait_indirect_dma semaphore(%arg9 : memref<!tpu.dma_semaphore, #tpu.memory_space<semaphore_mem>>) src(%dma_wait3A_81 : memref<100000x32xf32, #tpu.memory_space<hbm>>) dst(%dma_wait3A_75 : memref<128x32xf32, #tpu.memory_space<vmem>>)
      %dma_start3A_82 = arith.constant 0 : i32
      %dma_start3A_83 = arith.constant 0 : i32
      %dma_start3A_84 = arith.constant 0 : i32
      %dma_start3A_85 = tpu.memref_slice %arg8[%dma_start3A_83, %dma_start3A_84] : memref<256x32xf32, #tpu.memory_space<vmem>> -> memref<128x32xf32, #tpu.memory_space<vmem>>
      %dma_start3A_86 = arith.constant 0 : i32
      %dma_start3A_87 = tpu.memref_slice %arg7[%dma_start3A_82, %dma_start3A_86] : memref<2x128xi32, #tpu.memory_space<vmem>> -> memref<1x128xi32, #tpu.memory_space<vmem>>
      %dma_start3A_88 = tpu.memref_squeeze %dma_start3A_87 : memref<1x128xi32, #tpu.memory_space<vmem>> -> memref<128xi32, #tpu.memory_space<vmem>>
      %dma_start3A_89 = arith.constant 0 : i32
      %dma_start3A_90 = arith.constant 0 : i32
      %dma_start3A_91 = tpu.memref_slice %arg11[%dma_start3A_89, %dma_start3A_90] : memref<10240x32xf32, #tpu.memory_space<vmem_shared>> -> memref<10240x32xf32, #tpu.memory_space<vmem_shared>>
      tpu.enqueue_indirect_dma source(%dma_start3A_85 : memref<128x32xf32, #tpu.memory_space<vmem>>) target(%dma_start3A_91 : memref<10240x32xf32, #tpu.memory_space<vmem_shared>>) offsets(%dma_start3A_88 : memref<128xi32, #tpu.memory_space<vmem>>) semaphore(%arg10 : memref<!tpu.dma_semaphore, #tpu.memory_space<semaphore_mem>>) {add = true}
      %dma_start3A_92 = arith.constant 1 : i32
      %dma_start3A_93 = arith.constant 128 : i32
      %dma_start3A_94 = arith.constant 0 : i32
      %dma_start3A_95 = tpu.memref_slice %arg8[%dma_start3A_93, %dma_start3A_94] : memref<256x32xf32, #tpu.memory_space<vmem>> -> memref<128x32xf32, #tpu.memory_space<vmem>>
      %dma_start3A_96 = arith.constant 0 : i32
      %dma_start3A_97 = tpu.memref_slice %arg7[%dma_start3A_92, %dma_start3A_96] : memref<2x128xi32, #tpu.memory_space<vmem>> -> memref<1x128xi32, #tpu.memory_space<vmem>>
      %dma_start3A_98 = tpu.memref_squeeze %dma_start3A_97 : memref<1x128xi32, #tpu.memory_space<vmem>> -> memref<128xi32, #tpu.memory_space<vmem>>
      %dma_start3A_99 = arith.constant 0 : i32
      %dma_start3A_100 = arith.constant 0 : i32
      %dma_start3A_101 = tpu.memref_slice %arg11[%dma_start3A_99, %dma_start3A_100] : memref<10240x32xf32, #tpu.memory_space<vmem_shared>> -> memref<10240x32xf32, #tpu.memory_space<vmem_shared>>
      tpu.enqueue_indirect_dma source(%dma_start3A_95 : memref<128x32xf32, #tpu.memory_space<vmem>>) target(%dma_start3A_101 : memref<10240x32xf32, #tpu.memory_space<vmem_shared>>) offsets(%dma_start3A_98 : memref<128xi32, #tpu.memory_space<vmem>>) semaphore(%arg10 : memref<!tpu.dma_semaphore, #tpu.memory_space<semaphore_mem>>) {add = true}
      %dma_wait3A_102 = arith.constant 0 : i32
      %dma_wait3A_103 = arith.constant 0 : i32
      %dma_wait3A_104 = arith.constant 0 : i32
      %dma_wait3A_105 = tpu.memref_slice %arg8[%dma_wait3A_103, %dma_wait3A_104] : memref<256x32xf32, #tpu.memory_space<vmem>> -> memref<128x32xf32, #tpu.memory_space<vmem>>
      %dma_wait3A_106 = arith.constant 0 : i32
      %dma_wait3A_107 = tpu.memref_slice %arg7[%dma_wait3A_102, %dma_wait3A_106] : memref<2x128xi32, #tpu.memory_space<vmem>> -> memref<1x128xi32, #tpu.memory_space<vmem>>
      %dma_wait3A_108 = tpu.memref_squeeze %dma_wait3A_107 : memref<1x128xi32, #tpu.memory_space<vmem>> -> memref<128xi32, #tpu.memory_space<vmem>>
      %dma_wait3A_109 = arith.constant 0 : i32
      %dma_wait3A_110 = arith.constant 0 : i32
      %dma_wait3A_111 = tpu.memref_slice %arg11[%dma_wait3A_109, %dma_wait3A_110] : memref<10240x32xf32, #tpu.memory_space<vmem_shared>> -> memref<10240x32xf32, #tpu.memory_space<vmem_shared>>
      tpu.wait_indirect_dma semaphore(%arg10 : memref<!tpu.dma_semaphore, #tpu.memory_space<semaphore_mem>>) src(%dma_wait3A_105 : memref<128x32xf32, #tpu.memory_space<vmem>>) dst(%dma_wait3A_111 : memref<10240x32xf32, #tpu.memory_space<vmem_shared>>)
      %dma_wait3A_112 = arith.constant 1 : i32
      %dma_wait3A_113 = arith.constant 128 : i32
      %dma_wait3A_114 = arith.constant 0 : i32
      %dma_wait3A_115 = tpu.memref_slice %arg8[%dma_wait3A_113, %dma_wait3A_114] : memref<256x32xf32, #tpu.memory_space<vmem>> -> memref<128x32xf32, #tpu.memory_space<vmem>>
      %dma_wait3A_116 = arith.constant 0 : i32
      %dma_wait3A_117 = tpu.memref_slice %arg7[%dma_wait3A_112, %dma_wait3A_116] : memref<2x128xi32, #tpu.memory_space<vmem>> -> memref<1x128xi32, #tpu.memory_space<vmem>>
      %dma_wait3A_118 = tpu.memref_squeeze %dma_wait3A_117 : memref<1x128xi32, #tpu.memory_space<vmem>> -> memref<128xi32, #tpu.memory_space<vmem>>
      %dma_wait3A_119 = arith.constant 0 : i32
      %dma_wait3A_120 = arith.constant 0 : i32
      %dma_wait3A_121 = tpu.memref_slice %arg11[%dma_wait3A_119, %dma_wait3A_120] : memref<10240x32xf32, #tpu.memory_space<vmem_shared>> -> memref<10240x32xf32, #tpu.memory_space<vmem_shared>>
      tpu.wait_indirect_dma semaphore(%arg10 : memref<!tpu.dma_semaphore, #tpu.memory_space<semaphore_mem>>) src(%dma_wait3A_115 : memref<128x32xf32, #tpu.memory_space<vmem>>) dst(%dma_wait3A_121 : memref<10240x32xf32, #tpu.memory_space<vmem_shared>>)
    }
    %scan3A_16 = arith.constant 13 : i32
    %barrier3A_17 = arith.constant 0 : index
    tpu.barrier barrier_id(%barrier3A_17)
    %scan3A_18 = arith.constant 0 : i32
    %scan3A_19 = arith.constant 0 : i32
    %scan3A_20 = arith.constant 4 : i32
    %scan3A_21 = arith.addi %scan3A_19, %scan3A_20 : i32
    %scan3A_22 = arith.constant 1 : i32
    scf.for %scan3A_24 = %scan3A_19 to %scan3A_21 step %scan3A_22  : i32 {
      %mul3A = arith.constant 640 : i32
      %mul3A_25 = arith.muli %arg1, %mul3A : i32
      %mul3A_26 = arith.constant 160 : i32
      %mul3A_27 = arith.muli %scan3A_24, %mul3A_26 : i32
      %add3A = arith.addi %mul3A_25, %mul3A_27 : i32
      "tpu.region"() ({
        %run_scoped3A = tpu.sem_alloc : memref<!tpu.dma_semaphore, #tpu.memory_space<semaphore_mem>>
        %dma_start3A = arith.constant 0 : i32
        %dma_start3A_28 = tpu.memref_slice %arg5[%add3A, %arg0, %dma_start3A] : memref<10240x2x32xf32, #tpu.memory_space<hbm>> -> memref<160x1x32xf32, #tpu.memory_space<hbm>>
        %dma_start3A_29 = tpu.memref_squeeze %dma_start3A_28 : memref<160x1x32xf32, #tpu.memory_space<hbm>> -> memref<160x32xf32, #tpu.memory_space<hbm>>
        %dma_start3A_30 = arith.constant 0 : i32
        %dma_start3A_31 = tpu.memref_slice %arg11[%add3A, %dma_start3A_30] : memref<10240x32xf32, #tpu.memory_space<vmem_shared>> -> memref<160x32xf32, #tpu.memory_space<vmem_shared>>
        tpu.enqueue_dma source(%dma_start3A_31 : memref<160x32xf32, #tpu.memory_space<vmem_shared>>) target(%dma_start3A_29 : memref<160x32xf32, #tpu.memory_space<hbm>>) target_semaphore(%run_scoped3A : memref<!tpu.dma_semaphore, #tpu.memory_space<semaphore_mem>>)
        %dma_wait3A = arith.constant 0 : i32
        %dma_wait3A_32 = tpu.memref_slice %arg5[%add3A, %arg0, %dma_wait3A] : memref<10240x2x32xf32, #tpu.memory_space<hbm>> -> memref<160x1x32xf32, #tpu.memory_space<hbm>>
        %dma_wait3A_33 = tpu.memref_squeeze %dma_wait3A_32 : memref<160x1x32xf32, #tpu.memory_space<hbm>> -> memref<160x32xf32, #tpu.memory_space<hbm>>
        %dma_wait3A_34 = arith.constant 0 : i32
        %dma_wait3A_35 = tpu.memref_slice %arg11[%add3A, %dma_wait3A_34] : memref<10240x32xf32, #tpu.memory_space<vmem_shared>> -> memref<160x32xf32, #tpu.memory_space<vmem_shared>>
        tpu.wait_dma2 semaphore(%run_scoped3A : memref<!tpu.dma_semaphore, #tpu.memory_space<semaphore_mem>>) src(%dma_wait3A_35 : memref<160x32xf32, #tpu.memory_space<vmem_shared>>) dst(%dma_wait3A_33 : memref<160x32xf32, #tpu.memory_space<hbm>>)
        tpu.yield
      }) : () -> ()
    }
    %scan3A_23 = arith.constant 4 : i32
    return
  }
}

#map = affine_map<(d0, d1) -> (0, 0)>
#map1 = affine_map<(d0, d1) -> (0, 0, 0)>
module attributes {stable_mosaic.version = 14 : i64} {
  func.func @body(%arg0: i32, %arg1: i32, %arg2: memref<20000x32xf32, #tpu.memory_space<hbm>>, %arg3: memref<2x320x128xi32, #tpu.memory_space<hbm>>, %arg4: memref<320x128xi32, #tpu.memory_space<hbm>>, %arg5: memref<40960x2x32xf32, #tpu.memory_space<hbm>>, %arg6: memref<10240x2x32xf32, #tpu.memory_space<hbm>>, %arg7: memref<2x128xi32, #tpu.memory_space<vmem>>, %arg8: memref<2x128xi32, #tpu.memory_space<vmem>>, %arg9: memref<256x32xf32, #tpu.memory_space<vmem>>, %arg10: memref<256x32xf32, #tpu.memory_space<vmem>>, %arg11: memref<!tpu.dma_semaphore, #tpu.memory_space<semaphore_mem>>, %arg12: memref<!tpu.dma_semaphore, #tpu.memory_space<semaphore_mem>>, %arg13: memref<10240x32xf32, #tpu.memory_space<vmem_shared>>) attributes {dimension_semantics = [#tpu.dimension_semantics<core_parallel>, #tpu.dimension_semantics<subcore_parallel>], iteration_bounds = array<i64: 2, 16>, scalar_prefetch = 0 : i64, scratch_operands = 7 : i64, tpu.core_type = #tpu.core_type<sc_vector_subcore>, window_params = [{transform_indices = #map}, {transform_indices = #map1}, {transform_indices = #map}, {transform_indices = #map1}, {transform_indices = #map1}]} {
    %scan3A = arith.constant 0 : i32
    %scan3A_0 = arith.constant 0 : i32
    %scan3A_1 = arith.constant 64 : i32
    %scan3A_2 = arith.addi %scan3A_0, %scan3A_1 : i32
    %scan3A_3 = arith.constant 1 : i32
    scf.for %scan3A_24 = %scan3A_0 to %scan3A_2 step %scan3A_3  : i32 {
      %broadcast_in_dim3A = arith.constant 0.000000e+00 : f32
      %broadcast_in_dim3A_25 = vector.broadcast %broadcast_in_dim3A : f32 to vector<16xf32>
      %mul3A = arith.constant 4 : i32
      %mul3A_26 = arith.muli %scan3A_24, %mul3A : i32
      %add3A = arith.constant 0 : i32
      %add3A_27 = arith.addi %mul3A_26, %add3A : i32
      %swap3A = arith.index_cast %add3A_27 : i32 to index
      %swap3A_28 = arith.constant 0 : index
      %swap3A_29 = tpu.vector_load %arg9[%swap3A, %swap3A_28] {strides = array<i32>} : memref<256x32xf32, #tpu.memory_space<vmem>>, vector<1x16xf32>,
      %swap3A_30 = vector.shape_cast %swap3A_29 : vector<1x16xf32> to vector<16xf32>
      %swap3A_31 = vector.shape_cast %broadcast_in_dim3A_25 : vector<16xf32> to vector<1x16xf32>
      tpu.vector_store %arg9[%swap3A, %swap3A_28], %swap3A_31 {strides = array<i32>} : memref<256x32xf32, #tpu.memory_space<vmem>>, vector<1x16xf32>,
      %broadcast_in_dim3A_32 = arith.constant 0.000000e+00 : f32
      %broadcast_in_dim3A_33 = vector.broadcast %broadcast_in_dim3A_32 : f32 to vector<16xf32>
      %mul3A_34 = arith.constant 4 : i32
      %mul3A_35 = arith.muli %scan3A_24, %mul3A_34 : i32
      %add3A_36 = arith.constant 0 : i32
      %add3A_37 = arith.addi %mul3A_35, %add3A_36 : i32
      %swap3A_38 = arith.index_cast %add3A_37 : i32 to index
      %swap3A_39 = arith.constant 16 : index
      %swap3A_40 = tpu.vector_load %arg9[%swap3A_38, %swap3A_39] {strides = array<i32>} : memref<256x32xf32, #tpu.memory_space<vmem>>, vector<1x16xf32>,
      %swap3A_41 = vector.shape_cast %swap3A_40 : vector<1x16xf32> to vector<16xf32>
      %swap3A_42 = vector.shape_cast %broadcast_in_dim3A_33 : vector<16xf32> to vector<1x16xf32>
      tpu.vector_store %arg9[%swap3A_38, %swap3A_39], %swap3A_42 {strides = array<i32>} : memref<256x32xf32, #tpu.memory_space<vmem>>, vector<1x16xf32>,
      %broadcast_in_dim3A_43 = arith.constant 0.000000e+00 : f32
      %broadcast_in_dim3A_44 = vector.broadcast %broadcast_in_dim3A_43 : f32 to vector<16xf32>
      %mul3A_45 = arith.constant 4 : i32
      %mul3A_46 = arith.muli %scan3A_24, %mul3A_45 : i32
      %add3A_47 = arith.constant 1 : i32
      %add3A_48 = arith.addi %mul3A_46, %add3A_47 : i32
      %swap3A_49 = arith.index_cast %add3A_48 : i32 to index
      %swap3A_50 = arith.constant 0 : index
      %swap3A_51 = tpu.vector_load %arg9[%swap3A_49, %swap3A_50] {strides = array<i32>} : memref<256x32xf32, #tpu.memory_space<vmem>>, vector<1x16xf32>,
      %swap3A_52 = vector.shape_cast %swap3A_51 : vector<1x16xf32> to vector<16xf32>
      %swap3A_53 = vector.shape_cast %broadcast_in_dim3A_44 : vector<16xf32> to vector<1x16xf32>
      tpu.vector_store %arg9[%swap3A_49, %swap3A_50], %swap3A_53 {strides = array<i32>} : memref<256x32xf32, #tpu.memory_space<vmem>>, vector<1x16xf32>,
      %broadcast_in_dim3A_54 = arith.constant 0.000000e+00 : f32
      %broadcast_in_dim3A_55 = vector.broadcast %broadcast_in_dim3A_54 : f32 to vector<16xf32>
      %mul3A_56 = arith.constant 4 : i32
      %mul3A_57 = arith.muli %scan3A_24, %mul3A_56 : i32
      %add3A_58 = arith.constant 1 : i32
      %add3A_59 = arith.addi %mul3A_57, %add3A_58 : i32
      %swap3A_60 = arith.index_cast %add3A_59 : i32 to index
      %swap3A_61 = arith.constant 16 : index
      %swap3A_62 = tpu.vector_load %arg9[%swap3A_60, %swap3A_61] {strides = array<i32>} : memref<256x32xf32, #tpu.memory_space<vmem>>, vector<1x16xf32>,
      %swap3A_63 = vector.shape_cast %swap3A_62 : vector<1x16xf32> to vector<16xf32>
      %swap3A_64 = vector.shape_cast %broadcast_in_dim3A_55 : vector<16xf32> to vector<1x16xf32>
      tpu.vector_store %arg9[%swap3A_60, %swap3A_61], %swap3A_64 {strides = array<i32>} : memref<256x32xf32, #tpu.memory_space<vmem>>, vector<1x16xf32>,
      %broadcast_in_dim3A_65 = arith.constant 0.000000e+00 : f32
      %broadcast_in_dim3A_66 = vector.broadcast %broadcast_in_dim3A_65 : f32 to vector<16xf32>
      %mul3A_67 = arith.constant 4 : i32
      %mul3A_68 = arith.muli %scan3A_24, %mul3A_67 : i32
      %add3A_69 = arith.constant 2 : i32
      %add3A_70 = arith.addi %mul3A_68, %add3A_69 : i32
      %swap3A_71 = arith.index_cast %add3A_70 : i32 to index
      %swap3A_72 = arith.constant 0 : index
      %swap3A_73 = tpu.vector_load %arg9[%swap3A_71, %swap3A_72] {strides = array<i32>} : memref<256x32xf32, #tpu.memory_space<vmem>>, vector<1x16xf32>,
      %swap3A_74 = vector.shape_cast %swap3A_73 : vector<1x16xf32> to vector<16xf32>
      %swap3A_75 = vector.shape_cast %broadcast_in_dim3A_66 : vector<16xf32> to vector<1x16xf32>
      tpu.vector_store %arg9[%swap3A_71, %swap3A_72], %swap3A_75 {strides = array<i32>} : memref<256x32xf32, #tpu.memory_space<vmem>>, vector<1x16xf32>,
      %broadcast_in_dim3A_76 = arith.constant 0.000000e+00 : f32
      %broadcast_in_dim3A_77 = vector.broadcast %broadcast_in_dim3A_76 : f32 to vector<16xf32>
      %mul3A_78 = arith.constant 4 : i32
      %mul3A_79 = arith.muli %scan3A_24, %mul3A_78 : i32
      %add3A_80 = arith.constant 2 : i32
      %add3A_81 = arith.addi %mul3A_79, %add3A_80 : i32
      %swap3A_82 = arith.index_cast %add3A_81 : i32 to index
      %swap3A_83 = arith.constant 16 : index
      %swap3A_84 = tpu.vector_load %arg9[%swap3A_82, %swap3A_83] {strides = array<i32>} : memref<256x32xf32, #tpu.memory_space<vmem>>, vector<1x16xf32>,
      %swap3A_85 = vector.shape_cast %swap3A_84 : vector<1x16xf32> to vector<16xf32>
      %swap3A_86 = vector.shape_cast %broadcast_in_dim3A_77 : vector<16xf32> to vector<1x16xf32>
      tpu.vector_store %arg9[%swap3A_82, %swap3A_83], %swap3A_86 {strides = array<i32>} : memref<256x32xf32, #tpu.memory_space<vmem>>, vector<1x16xf32>,
      %broadcast_in_dim3A_87 = arith.constant 0.000000e+00 : f32
      %broadcast_in_dim3A_88 = vector.broadcast %broadcast_in_dim3A_87 : f32 to vector<16xf32>
      %mul3A_89 = arith.constant 4 : i32
      %mul3A_90 = arith.muli %scan3A_24, %mul3A_89 : i32
      %add3A_91 = arith.constant 3 : i32
      %add3A_92 = arith.addi %mul3A_90, %add3A_91 : i32
      %swap3A_93 = arith.index_cast %add3A_92 : i32 to index
      %swap3A_94 = arith.constant 0 : index
      %swap3A_95 = tpu.vector_load %arg9[%swap3A_93, %swap3A_94] {strides = array<i32>} : memref<256x32xf32, #tpu.memory_space<vmem>>, vector<1x16xf32>,
      %swap3A_96 = vector.shape_cast %swap3A_95 : vector<1x16xf32> to vector<16xf32>
      %swap3A_97 = vector.shape_cast %broadcast_in_dim3A_88 : vector<16xf32> to vector<1x16xf32>
      tpu.vector_store %arg9[%swap3A_93, %swap3A_94], %swap3A_97 {strides = array<i32>} : memref<256x32xf32, #tpu.memory_space<vmem>>, vector<1x16xf32>,
      %broadcast_in_dim3A_98 = arith.constant 0.000000e+00 : f32
      %broadcast_in_dim3A_99 = vector.broadcast %broadcast_in_dim3A_98 : f32 to vector<16xf32>
      %mul3A_100 = arith.constant 4 : i32
      %mul3A_101 = arith.muli %scan3A_24, %mul3A_100 : i32
      %add3A_102 = arith.constant 3 : i32
      %add3A_103 = arith.addi %mul3A_101, %add3A_102 : i32
      %swap3A_104 = arith.index_cast %add3A_103 : i32 to index
      %swap3A_105 = arith.constant 16 : index
      %swap3A_106 = tpu.vector_load %arg9[%swap3A_104, %swap3A_105] {strides = array<i32>} : memref<256x32xf32, #tpu.memory_space<vmem>>, vector<1x16xf32>,
      %swap3A_107 = vector.shape_cast %swap3A_106 : vector<1x16xf32> to vector<16xf32>
      %swap3A_108 = vector.shape_cast %broadcast_in_dim3A_99 : vector<16xf32> to vector<1x16xf32>
      tpu.vector_store %arg9[%swap3A_104, %swap3A_105], %swap3A_108 {strides = array<i32>} : memref<256x32xf32, #tpu.memory_space<vmem>>, vector<1x16xf32>,
    }
    %scan3A_4 = arith.constant 64 : i32
    %scan3A_5 = arith.constant 0 : i32
    %scan3A_6 = arith.constant 0 : i32
    %scan3A_7 = arith.constant 4 : i32
    %scan3A_8 = arith.addi %scan3A_6, %scan3A_7 : i32
    %scan3A_9 = arith.constant 1 : i32
    scf.for %scan3A_24 = %scan3A_6 to %scan3A_8 step %scan3A_9  : i32 {
      %mul3A = arith.constant 640 : i32
      %mul3A_25 = arith.muli %arg1, %mul3A : i32
      %mul3A_26 = arith.constant 160 : i32
      %mul3A_27 = arith.muli %scan3A_24, %mul3A_26 : i32
      %add3A = arith.addi %mul3A_25, %mul3A_27 : i32
      "tpu.region"() ({
        %run_scoped3A = tpu.sem_alloc : memref<!tpu.dma_semaphore, #tpu.memory_space<semaphore_mem>>
        %dma_start3A = arith.constant 0 : i32
        %dma_start3A_28 = arith.constant 0 : i32
        %dma_start3A_29 = tpu.memref_slice %arg9[%dma_start3A, %dma_start3A_28] : memref<256x32xf32, #tpu.memory_space<vmem>> -> memref<160x32xf32, #tpu.memory_space<vmem>>
        %dma_start3A_30 = arith.constant 0 : i32
        %dma_start3A_31 = tpu.memref_slice %arg13[%add3A, %dma_start3A_30] : memref<10240x32xf32, #tpu.memory_space<vmem_shared>> -> memref<160x32xf32, #tpu.memory_space<vmem_shared>>
        %dma_start3A_32 = arith.constant 0 : i32
        %dma_start3A_33 = tpu.memref_slice %arg13[%add3A, %dma_start3A_32] : memref<10240x32xf32, #tpu.memory_space<vmem_shared>> -> memref<160x32xf32, #tpu.memory_space<vmem_shared>>
        %dma_start3A_34 = arith.constant 0 : i32
        %dma_start3A_35 = arith.constant 0 : i32
        %dma_start3A_36 = tpu.memref_slice %arg9[%dma_start3A_34, %dma_start3A_35] : memref<256x32xf32, #tpu.memory_space<vmem>> -> memref<160x32xf32, #tpu.memory_space<vmem>>
        tpu.enqueue_dma source(%dma_start3A_36 : memref<160x32xf32, #tpu.memory_space<vmem>>) target(%dma_start3A_33 : memref<160x32xf32, #tpu.memory_space<vmem_shared>>) target_semaphore(%run_scoped3A : memref<!tpu.dma_semaphore, #tpu.memory_space<semaphore_mem>>)
        %dma_wait3A = arith.constant 0 : i32
        %dma_wait3A_37 = arith.constant 0 : i32
        %dma_wait3A_38 = tpu.memref_slice %arg9[%dma_wait3A, %dma_wait3A_37] : memref<256x32xf32, #tpu.memory_space<vmem>> -> memref<160x32xf32, #tpu.memory_space<vmem>>
        %dma_wait3A_39 = arith.constant 0 : i32
        %dma_wait3A_40 = tpu.memref_slice %arg13[%add3A, %dma_wait3A_39] : memref<10240x32xf32, #tpu.memory_space<vmem_shared>> -> memref<160x32xf32, #tpu.memory_space<vmem_shared>>
        %dma_wait3A_41 = arith.constant 0 : i32
        %dma_wait3A_42 = tpu.memref_slice %arg13[%add3A, %dma_wait3A_41] : memref<10240x32xf32, #tpu.memory_space<vmem_shared>> -> memref<160x32xf32, #tpu.memory_space<vmem_shared>>
        %dma_wait3A_43 = arith.constant 0 : i32
        %dma_wait3A_44 = arith.constant 0 : i32
        %dma_wait3A_45 = tpu.memref_slice %arg9[%dma_wait3A_43, %dma_wait3A_44] : memref<256x32xf32, #tpu.memory_space<vmem>> -> memref<160x32xf32, #tpu.memory_space<vmem>>
        tpu.wait_dma2 semaphore(%run_scoped3A : memref<!tpu.dma_semaphore, #tpu.memory_space<semaphore_mem>>) src(%dma_wait3A_45 : memref<160x32xf32, #tpu.memory_space<vmem>>) dst(%dma_wait3A_42 : memref<160x32xf32, #tpu.memory_space<vmem_shared>>)
        tpu.yield
      }) : () -> ()
    }
    %scan3A_10 = arith.constant 4 : i32
    %barrier3A = arith.constant 0 : index
    tpu.barrier barrier_id(%barrier3A)
    %scan3A_11 = arith.constant 0 : i32
    %scan3A_12 = arith.constant 0 : i32
    %scan3A_13 = arith.constant 10 : i32
    %scan3A_14 = arith.addi %scan3A_12, %scan3A_13 : i32
    %scan3A_15 = arith.constant 1 : i32
    scf.for %scan3A_24 = %scan3A_12 to %scan3A_14 step %scan3A_15  : i32 {
      %mul3A = arith.constant 10 : i32
      %mul3A_25 = arith.muli %arg1, %mul3A : i32
      %add3A = arith.addi %mul3A_25, %scan3A_24 : i32
      %mul3A_26 = arith.constant 256 : i32
      %mul3A_27 = arith.muli %add3A, %mul3A_26 : i32
      %jit3A = arith.constant 128 : i32
      %div3A = arith.divsi %mul3A_27, %jit3A : i32
      %sign3A = arith.constant 0 : i32
      %sign3A_28 = arith.cmpi sgt, %mul3A_27, %sign3A : i32
      %sign3A_29 = arith.extui %sign3A_28 : i1 to i32
      %sign3A_30 = arith.constant 0 : i32
      %sign3A_31 = arith.cmpi slt, %mul3A_27, %sign3A_30 : i32
      %sign3A_32 = arith.extui %sign3A_31 : i1 to i32
      %sign3A_33 = arith.subi %sign3A_29, %sign3A_32 : i32
      %sign3A_34 = arith.constant 0 : i32
      %sign3A_35 = arith.cmpi sgt, %jit3A, %sign3A_34 : i32
      %sign3A_36 = arith.extui %sign3A_35 : i1 to i32
      %sign3A_37 = arith.constant 0 : i32
      %sign3A_38 = arith.cmpi slt, %jit3A, %sign3A_37 : i32
      %sign3A_39 = arith.extui %sign3A_38 : i1 to i32
      %sign3A_40 = arith.subi %sign3A_36, %sign3A_39 : i32
      %ne3A = arith.cmpi ne, %sign3A_33, %sign3A_40 : i32
      %rem3A = arith.remsi %mul3A_27, %jit3A : i32
      %ne3A_41 = arith.constant 0 : i32
      %ne3A_42 = arith.cmpi ne, %rem3A, %ne3A_41 : i32
      %and3A = arith.andi %ne3A, %ne3A_42 : i1
      %sub3A = arith.constant 1 : i32
      %sub3A_43 = arith.subi %div3A, %sub3A : i32
      %select_n3A = arith.select %and3A, %sub3A_43, %div3A : i32
      "tpu.region"() ({
        %run_scoped3A = tpu.sem_alloc : memref<!tpu.dma_semaphore, #tpu.memory_space<semaphore_mem>>
        %dma_start3A_128 = arith.constant 0 : i32
        %dma_start3A_129 = tpu.memref_slice %arg3[%arg0, %select_n3A, %dma_start3A_128] : memref<2x320x128xi32, #tpu.memory_space<hbm>> -> memref<1x2x128xi32, #tpu.memory_space<hbm>>
        %dma_start3A_130 = tpu.memref_squeeze %dma_start3A_129 : memref<1x2x128xi32, #tpu.memory_space<hbm>> -> memref<2x128xi32, #tpu.memory_space<hbm>>
        %dma_start3A_131 = arith.constant 0 : i32
        %dma_start3A_132 = tpu.memref_slice %arg3[%arg0, %select_n3A, %dma_start3A_131] : memref<2x320x128xi32, #tpu.memory_space<hbm>> -> memref<1x2x128xi32, #tpu.memory_space<hbm>>
        %dma_start3A_133 = tpu.memref_squeeze %dma_start3A_132 : memref<1x2x128xi32, #tpu.memory_space<hbm>> -> memref<2x128xi32, #tpu.memory_space<hbm>>
        tpu.enqueue_dma source(%dma_start3A_133 : memref<2x128xi32, #tpu.memory_space<hbm>>) target(%arg7 : memref<2x128xi32, #tpu.memory_space<vmem>>) target_semaphore(%run_scoped3A : memref<!tpu.dma_semaphore, #tpu.memory_space<semaphore_mem>>)
        %dma_wait3A_134 = arith.constant 0 : i32
        %dma_wait3A_135 = tpu.memref_slice %arg3[%arg0, %select_n3A, %dma_wait3A_134] : memref<2x320x128xi32, #tpu.memory_space<hbm>> -> memref<1x2x128xi32, #tpu.memory_space<hbm>>
        %dma_wait3A_136 = tpu.memref_squeeze %dma_wait3A_135 : memref<1x2x128xi32, #tpu.memory_space<hbm>> -> memref<2x128xi32, #tpu.memory_space<hbm>>
        %dma_wait3A_137 = arith.constant 0 : i32
        %dma_wait3A_138 = tpu.memref_slice %arg3[%arg0, %select_n3A, %dma_wait3A_137] : memref<2x320x128xi32, #tpu.memory_space<hbm>> -> memref<1x2x128xi32, #tpu.memory_space<hbm>>
        %dma_wait3A_139 = tpu.memref_squeeze %dma_wait3A_138 : memref<1x2x128xi32, #tpu.memory_space<hbm>> -> memref<2x128xi32, #tpu.memory_space<hbm>>
        tpu.wait_dma2 semaphore(%run_scoped3A : memref<!tpu.dma_semaphore, #tpu.memory_space<semaphore_mem>>) src(%dma_wait3A_139 : memref<2x128xi32, #tpu.memory_space<hbm>>) dst(%arg7 : memref<2x128xi32, #tpu.memory_space<vmem>>)
        tpu.yield
      }) : () -> ()
      "tpu.region"() ({
        %run_scoped3A = tpu.sem_alloc : memref<!tpu.dma_semaphore, #tpu.memory_space<semaphore_mem>>
        %dma_start3A_128 = arith.constant 0 : i32
        %dma_start3A_129 = tpu.memref_slice %arg4[%select_n3A, %dma_start3A_128] : memref<320x128xi32, #tpu.memory_space<hbm>> -> memref<2x128xi32, #tpu.memory_space<hbm>>
        %dma_start3A_130 = arith.constant 0 : i32
        %dma_start3A_131 = tpu.memref_slice %arg4[%select_n3A, %dma_start3A_130] : memref<320x128xi32, #tpu.memory_space<hbm>> -> memref<2x128xi32, #tpu.memory_space<hbm>>
        tpu.enqueue_dma source(%dma_start3A_131 : memref<2x128xi32, #tpu.memory_space<hbm>>) target(%arg8 : memref<2x128xi32, #tpu.memory_space<vmem>>) target_semaphore(%run_scoped3A : memref<!tpu.dma_semaphore, #tpu.memory_space<semaphore_mem>>)
        %dma_wait3A_132 = arith.constant 0 : i32
        %dma_wait3A_133 = tpu.memref_slice %arg4[%select_n3A, %dma_wait3A_132] : memref<320x128xi32, #tpu.memory_space<hbm>> -> memref<2x128xi32, #tpu.memory_space<hbm>>
        %dma_wait3A_134 = arith.constant 0 : i32
        %dma_wait3A_135 = tpu.memref_slice %arg4[%select_n3A, %dma_wait3A_134] : memref<320x128xi32, #tpu.memory_space<hbm>> -> memref<2x128xi32, #tpu.memory_space<hbm>>
        tpu.wait_dma2 semaphore(%run_scoped3A : memref<!tpu.dma_semaphore, #tpu.memory_space<semaphore_mem>>) src(%dma_wait3A_135 : memref<2x128xi32, #tpu.memory_space<hbm>>) dst(%arg8 : memref<2x128xi32, #tpu.memory_space<vmem>>)
        tpu.yield
      }) : () -> ()
      "tpu.region"() ({
        %run_scoped3A = tpu.sem_alloc : memref<!tpu.dma_semaphore, #tpu.memory_space<semaphore_mem>>
        %dma_start3A_128 = arith.constant 0 : i32
        %dma_start3A_129 = tpu.memref_slice %arg5[%mul3A_27, %arg0, %dma_start3A_128] : memref<40960x2x32xf32, #tpu.memory_space<hbm>> -> memref<256x1x32xf32, #tpu.memory_space<hbm>>
        %dma_start3A_130 = tpu.memref_squeeze %dma_start3A_129 : memref<256x1x32xf32, #tpu.memory_space<hbm>> -> memref<256x32xf32, #tpu.memory_space<hbm>>
        %dma_start3A_131 = arith.constant 0 : i32
        %dma_start3A_132 = tpu.memref_slice %arg5[%mul3A_27, %arg0, %dma_start3A_131] : memref<40960x2x32xf32, #tpu.memory_space<hbm>> -> memref<256x1x32xf32, #tpu.memory_space<hbm>>
        %dma_start3A_133 = tpu.memref_squeeze %dma_start3A_132 : memref<256x1x32xf32, #tpu.memory_space<hbm>> -> memref<256x32xf32, #tpu.memory_space<hbm>>
        tpu.enqueue_dma source(%dma_start3A_133 : memref<256x32xf32, #tpu.memory_space<hbm>>) target(%arg10 : memref<256x32xf32, #tpu.memory_space<vmem>>) target_semaphore(%run_scoped3A : memref<!tpu.dma_semaphore, #tpu.memory_space<semaphore_mem>>)
        %dma_wait3A_134 = arith.constant 0 : i32
        %dma_wait3A_135 = tpu.memref_slice %arg5[%mul3A_27, %arg0, %dma_wait3A_134] : memref<40960x2x32xf32, #tpu.memory_space<hbm>> -> memref<256x1x32xf32, #tpu.memory_space<hbm>>
        %dma_wait3A_136 = tpu.memref_squeeze %dma_wait3A_135 : memref<256x1x32xf32, #tpu.memory_space<hbm>> -> memref<256x32xf32, #tpu.memory_space<hbm>>
        %dma_wait3A_137 = arith.constant 0 : i32
        %dma_wait3A_138 = tpu.memref_slice %arg5[%mul3A_27, %arg0, %dma_wait3A_137] : memref<40960x2x32xf32, #tpu.memory_space<hbm>> -> memref<256x1x32xf32, #tpu.memory_space<hbm>>
        %dma_wait3A_139 = tpu.memref_squeeze %dma_wait3A_138 : memref<256x1x32xf32, #tpu.memory_space<hbm>> -> memref<256x32xf32, #tpu.memory_space<hbm>>
        tpu.wait_dma2 semaphore(%run_scoped3A : memref<!tpu.dma_semaphore, #tpu.memory_space<semaphore_mem>>) src(%dma_wait3A_139 : memref<256x32xf32, #tpu.memory_space<hbm>>) dst(%arg10 : memref<256x32xf32, #tpu.memory_space<vmem>>)
        tpu.yield
      }) : () -> ()
      %dma_start3A = arith.constant 0 : i32
      %dma_start3A_44 = arith.constant 0 : i32
      %dma_start3A_45 = arith.constant 0 : i32
      %dma_start3A_46 = tpu.memref_slice %arg9[%dma_start3A_44, %dma_start3A_45] : memref<256x32xf32, #tpu.memory_space<vmem>> -> memref<128x32xf32, #tpu.memory_space<vmem>>
      %dma_start3A_47 = arith.constant 0 : i32
      %dma_start3A_48 = tpu.memref_slice %arg7[%dma_start3A, %dma_start3A_47] : memref<2x128xi32, #tpu.memory_space<vmem>> -> memref<1x128xi32, #tpu.memory_space<vmem>>
      %dma_start3A_49 = tpu.memref_squeeze %dma_start3A_48 : memref<1x128xi32, #tpu.memory_space<vmem>> -> memref<128xi32, #tpu.memory_space<vmem>>
      %dma_start3A_50 = arith.constant 0 : i32
      %dma_start3A_51 = arith.constant 0 : i32
      %dma_start3A_52 = tpu.memref_slice %arg2[%dma_start3A_50, %dma_start3A_51] : memref<20000x32xf32, #tpu.memory_space<hbm>> -> memref<20000x32xf32, #tpu.memory_space<hbm>>
      tpu.enqueue_indirect_dma source(%dma_start3A_52 : memref<20000x32xf32, #tpu.memory_space<hbm>>) target(%dma_start3A_46 : memref<128x32xf32, #tpu.memory_space<vmem>>) offsets(%dma_start3A_49 : memref<128xi32, #tpu.memory_space<vmem>>) semaphore(%arg11 : memref<!tpu.dma_semaphore, #tpu.memory_space<semaphore_mem>>)
      %dma_start3A_53 = arith.constant 1 : i32
      %dma_start3A_54 = arith.constant 128 : i32
      %dma_start3A_55 = arith.constant 0 : i32
      %dma_start3A_56 = tpu.memref_slice %arg9[%dma_start3A_54, %dma_start3A_55] : memref<256x32xf32, #tpu.memory_space<vmem>> -> memref<128x32xf32, #tpu.memory_space<vmem>>
      %dma_start3A_57 = arith.constant 0 : i32
      %dma_start3A_58 = tpu.memref_slice %arg7[%dma_start3A_53, %dma_start3A_57] : memref<2x128xi32, #tpu.memory_space<vmem>> -> memref<1x128xi32, #tpu.memory_space<vmem>>
      %dma_start3A_59 = tpu.memref_squeeze %dma_start3A_58 : memref<1x128xi32, #tpu.memory_space<vmem>> -> memref<128xi32, #tpu.memory_space<vmem>>
      %dma_start3A_60 = arith.constant 0 : i32
      %dma_start3A_61 = arith.constant 0 : i32
      %dma_start3A_62 = tpu.memref_slice %arg2[%dma_start3A_60, %dma_start3A_61] : memref<20000x32xf32, #tpu.memory_space<hbm>> -> memref<20000x32xf32, #tpu.memory_space<hbm>>
      tpu.enqueue_indirect_dma source(%dma_start3A_62 : memref<20000x32xf32, #tpu.memory_space<hbm>>) target(%dma_start3A_56 : memref<128x32xf32, #tpu.memory_space<vmem>>) offsets(%dma_start3A_59 : memref<128xi32, #tpu.memory_space<vmem>>) semaphore(%arg11 : memref<!tpu.dma_semaphore, #tpu.memory_space<semaphore_mem>>)
      %dma_wait3A = arith.constant 0 : i32
      %dma_wait3A_63 = arith.constant 0 : i32
      %dma_wait3A_64 = arith.constant 0 : i32
      %dma_wait3A_65 = tpu.memref_slice %arg9[%dma_wait3A_63, %dma_wait3A_64] : memref<256x32xf32, #tpu.memory_space<vmem>> -> memref<128x32xf32, #tpu.memory_space<vmem>>
      %dma_wait3A_66 = arith.constant 0 : i32
      %dma_wait3A_67 = tpu.memref_slice %arg7[%dma_wait3A, %dma_wait3A_66] : memref<2x128xi32, #tpu.memory_space<vmem>> -> memref<1x128xi32, #tpu.memory_space<vmem>>
      %dma_wait3A_68 = tpu.memref_squeeze %dma_wait3A_67 : memref<1x128xi32, #tpu.memory_space<vmem>> -> memref<128xi32, #tpu.memory_space<vmem>>
      %dma_wait3A_69 = arith.constant 0 : i32
      %dma_wait3A_70 = arith.constant 0 : i32
      %dma_wait3A_71 = tpu.memref_slice %arg2[%dma_wait3A_69, %dma_wait3A_70] : memref<20000x32xf32, #tpu.memory_space<hbm>> -> memref<20000x32xf32, #tpu.memory_space<hbm>>
      tpu.wait_indirect_dma semaphore(%arg11 : memref<!tpu.dma_semaphore, #tpu.memory_space<semaphore_mem>>) src(%dma_wait3A_71 : memref<20000x32xf32, #tpu.memory_space<hbm>>) dst(%dma_wait3A_65 : memref<128x32xf32, #tpu.memory_space<vmem>>)
      %dma_wait3A_72 = arith.constant 1 : i32
      %dma_wait3A_73 = arith.constant 128 : i32
      %dma_wait3A_74 = arith.constant 0 : i32
      %dma_wait3A_75 = tpu.memref_slice %arg9[%dma_wait3A_73, %dma_wait3A_74] : memref<256x32xf32, #tpu.memory_space<vmem>> -> memref<128x32xf32, #tpu.memory_space<vmem>>
      %dma_wait3A_76 = arith.constant 0 : i32
      %dma_wait3A_77 = tpu.memref_slice %arg7[%dma_wait3A_72, %dma_wait3A_76] : memref<2x128xi32, #tpu.memory_space<vmem>> -> memref<1x128xi32, #tpu.memory_space<vmem>>
      %dma_wait3A_78 = tpu.memref_squeeze %dma_wait3A_77 : memref<1x128xi32, #tpu.memory_space<vmem>> -> memref<128xi32, #tpu.memory_space<vmem>>
      %dma_wait3A_79 = arith.constant 0 : i32
      %dma_wait3A_80 = arith.constant 0 : i32
      %dma_wait3A_81 = tpu.memref_slice %arg2[%dma_wait3A_79, %dma_wait3A_80] : memref<20000x32xf32, #tpu.memory_space<hbm>> -> memref<20000x32xf32, #tpu.memory_space<hbm>>
      tpu.wait_indirect_dma semaphore(%arg11 : memref<!tpu.dma_semaphore, #tpu.memory_space<semaphore_mem>>) src(%dma_wait3A_81 : memref<20000x32xf32, #tpu.memory_space<hbm>>) dst(%dma_wait3A_75 : memref<128x32xf32, #tpu.memory_space<vmem>>)
      %scan3A_82 = arith.constant 0 : i32
      %scan3A_83 = arith.constant 0 : i32
      %scan3A_84 = arith.constant 64 : i32
      %scan3A_85 = arith.addi %scan3A_83, %scan3A_84 : i32
      %scan3A_86 = arith.constant 1 : i32
      scf.for %scan3A_128 = %scan3A_83 to %scan3A_85 step %scan3A_86  : i32 {
        %mul3A_129 = arith.constant 4 : i32
        %mul3A_130 = arith.muli %scan3A_128, %mul3A_129 : i32
        %add3A_131 = arith.constant 0 : i32
        %add3A_132 = arith.addi %mul3A_130, %add3A_131 : i32
        %get3A = arith.index_cast %add3A_132 : i32 to index
        %get3A_133 = arith.constant 0 : index
        %get3A_134 = tpu.vector_load %arg9[%get3A, %get3A_133] {strides = array<i32>} : memref<256x32xf32, #tpu.memory_space<vmem>>, vector<1x16xf32>,
        %get3A_135 = vector.shape_cast %get3A_134 : vector<1x16xf32> to vector<16xf32>
        %get3A_136 = arith.index_cast %add3A_132 : i32 to index
        %get3A_137 = arith.constant 0 : index
        %get3A_138 = tpu.vector_load %arg10[%get3A_136, %get3A_137] {strides = array<i32>} : memref<256x32xf32, #tpu.memory_space<vmem>>, vector<1x16xf32>,
        %get3A_139 = vector.shape_cast %get3A_138 : vector<1x16xf32> to vector<16xf32>
        %add3A_140 = arith.addf %get3A_135, %get3A_139 : vector<16xf32>
        %max3A = arith.constant 0.000000e+00 : f32
        %max3A_141 = vector.broadcast %max3A : f32 to vector<16xf32>
        %max3A_142 = arith.maximumf %add3A_140, %max3A_141 : vector<16xf32>
        %swap3A = arith.index_cast %add3A_132 : i32 to index
        %swap3A_143 = arith.constant 0 : index
        %swap3A_144 = tpu.vector_load %arg9[%swap3A, %swap3A_143] {strides = array<i32>} : memref<256x32xf32, #tpu.memory_space<vmem>>, vector<1x16xf32>,
        %swap3A_145 = vector.shape_cast %swap3A_144 : vector<1x16xf32> to vector<16xf32>
        %swap3A_146 = vector.shape_cast %max3A_142 : vector<16xf32> to vector<1x16xf32>
        tpu.vector_store %arg9[%swap3A, %swap3A_143], %swap3A_146 {strides = array<i32>} : memref<256x32xf32, #tpu.memory_space<vmem>>, vector<1x16xf32>,
        %get3A_147 = arith.index_cast %add3A_132 : i32 to index
        %get3A_148 = arith.constant 16 : index
        %get3A_149 = tpu.vector_load %arg9[%get3A_147, %get3A_148] {strides = array<i32>} : memref<256x32xf32, #tpu.memory_space<vmem>>, vector<1x16xf32>,
        %get3A_150 = vector.shape_cast %get3A_149 : vector<1x16xf32> to vector<16xf32>
        %get3A_151 = arith.index_cast %add3A_132 : i32 to index
        %get3A_152 = arith.constant 16 : index
        %get3A_153 = tpu.vector_load %arg10[%get3A_151, %get3A_152] {strides = array<i32>} : memref<256x32xf32, #tpu.memory_space<vmem>>, vector<1x16xf32>,
        %get3A_154 = vector.shape_cast %get3A_153 : vector<1x16xf32> to vector<16xf32>
        %add3A_155 = arith.addf %get3A_150, %get3A_154 : vector<16xf32>
        %max3A_156 = arith.constant 0.000000e+00 : f32
        %max3A_157 = vector.broadcast %max3A_156 : f32 to vector<16xf32>
        %max3A_158 = arith.maximumf %add3A_155, %max3A_157 : vector<16xf32>
        %swap3A_159 = arith.index_cast %add3A_132 : i32 to index
        %swap3A_160 = arith.constant 16 : index
        %swap3A_161 = tpu.vector_load %arg9[%swap3A_159, %swap3A_160] {strides = array<i32>} : memref<256x32xf32, #tpu.memory_space<vmem>>, vector<1x16xf32>,
        %swap3A_162 = vector.shape_cast %swap3A_161 : vector<1x16xf32> to vector<16xf32>
        %swap3A_163 = vector.shape_cast %max3A_158 : vector<16xf32> to vector<1x16xf32>
        tpu.vector_store %arg9[%swap3A_159, %swap3A_160], %swap3A_163 {strides = array<i32>} : memref<256x32xf32, #tpu.memory_space<vmem>>, vector<1x16xf32>,
        %mul3A_164 = arith.constant 4 : i32
        %mul3A_165 = arith.muli %scan3A_128, %mul3A_164 : i32
        %add3A_166 = arith.constant 1 : i32
        %add3A_167 = arith.addi %mul3A_165, %add3A_166 : i32
        %get3A_168 = arith.index_cast %add3A_167 : i32 to index
        %get3A_169 = arith.constant 0 : index
        %get3A_170 = tpu.vector_load %arg9[%get3A_168, %get3A_169] {strides = array<i32>} : memref<256x32xf32, #tpu.memory_space<vmem>>, vector<1x16xf32>,
        %get3A_171 = vector.shape_cast %get3A_170 : vector<1x16xf32> to vector<16xf32>
        %get3A_172 = arith.index_cast %add3A_167 : i32 to index
        %get3A_173 = arith.constant 0 : index
        %get3A_174 = tpu.vector_load %arg10[%get3A_172, %get3A_173] {strides = array<i32>} : memref<256x32xf32, #tpu.memory_space<vmem>>, vector<1x16xf32>,
        %get3A_175 = vector.shape_cast %get3A_174 : vector<1x16xf32> to vector<16xf32>
        %add3A_176 = arith.addf %get3A_171, %get3A_175 : vector<16xf32>
        %max3A_177 = arith.constant 0.000000e+00 : f32
        %max3A_178 = vector.broadcast %max3A_177 : f32 to vector<16xf32>
        %max3A_179 = arith.maximumf %add3A_176, %max3A_178 : vector<16xf32>
        %swap3A_180 = arith.index_cast %add3A_167 : i32 to index
        %swap3A_181 = arith.constant 0 : index
        %swap3A_182 = tpu.vector_load %arg9[%swap3A_180, %swap3A_181] {strides = array<i32>} : memref<256x32xf32, #tpu.memory_space<vmem>>, vector<1x16xf32>,
        %swap3A_183 = vector.shape_cast %swap3A_182 : vector<1x16xf32> to vector<16xf32>
        %swap3A_184 = vector.shape_cast %max3A_179 : vector<16xf32> to vector<1x16xf32>
        tpu.vector_store %arg9[%swap3A_180, %swap3A_181], %swap3A_184 {strides = array<i32>} : memref<256x32xf32, #tpu.memory_space<vmem>>, vector<1x16xf32>,
        %get3A_185 = arith.index_cast %add3A_167 : i32 to index
        %get3A_186 = arith.constant 16 : index
        %get3A_187 = tpu.vector_load %arg9[%get3A_185, %get3A_186] {strides = array<i32>} : memref<256x32xf32, #tpu.memory_space<vmem>>, vector<1x16xf32>,
        %get3A_188 = vector.shape_cast %get3A_187 : vector<1x16xf32> to vector<16xf32>
        %get3A_189 = arith.index_cast %add3A_167 : i32 to index
        %get3A_190 = arith.constant 16 : index
        %get3A_191 = tpu.vector_load %arg10[%get3A_189, %get3A_190] {strides = array<i32>} : memref<256x32xf32, #tpu.memory_space<vmem>>, vector<1x16xf32>,
        %get3A_192 = vector.shape_cast %get3A_191 : vector<1x16xf32> to vector<16xf32>
        %add3A_193 = arith.addf %get3A_188, %get3A_192 : vector<16xf32>
        %max3A_194 = arith.constant 0.000000e+00 : f32
        %max3A_195 = vector.broadcast %max3A_194 : f32 to vector<16xf32>
        %max3A_196 = arith.maximumf %add3A_193, %max3A_195 : vector<16xf32>
        %swap3A_197 = arith.index_cast %add3A_167 : i32 to index
        %swap3A_198 = arith.constant 16 : index
        %swap3A_199 = tpu.vector_load %arg9[%swap3A_197, %swap3A_198] {strides = array<i32>} : memref<256x32xf32, #tpu.memory_space<vmem>>, vector<1x16xf32>,
        %swap3A_200 = vector.shape_cast %swap3A_199 : vector<1x16xf32> to vector<16xf32>
        %swap3A_201 = vector.shape_cast %max3A_196 : vector<16xf32> to vector<1x16xf32>
        tpu.vector_store %arg9[%swap3A_197, %swap3A_198], %swap3A_201 {strides = array<i32>} : memref<256x32xf32, #tpu.memory_space<vmem>>, vector<1x16xf32>,
        %mul3A_202 = arith.constant 4 : i32
        %mul3A_203 = arith.muli %scan3A_128, %mul3A_202 : i32
        %add3A_204 = arith.constant 2 : i32
        %add3A_205 = arith.addi %mul3A_203, %add3A_204 : i32
        %get3A_206 = arith.index_cast %add3A_205 : i32 to index
        %get3A_207 = arith.constant 0 : index
        %get3A_208 = tpu.vector_load %arg9[%get3A_206, %get3A_207] {strides = array<i32>} : memref<256x32xf32, #tpu.memory_space<vmem>>, vector<1x16xf32>,
        %get3A_209 = vector.shape_cast %get3A_208 : vector<1x16xf32> to vector<16xf32>
        %get3A_210 = arith.index_cast %add3A_205 : i32 to index
        %get3A_211 = arith.constant 0 : index
        %get3A_212 = tpu.vector_load %arg10[%get3A_210, %get3A_211] {strides = array<i32>} : memref<256x32xf32, #tpu.memory_space<vmem>>, vector<1x16xf32>,
        %get3A_213 = vector.shape_cast %get3A_212 : vector<1x16xf32> to vector<16xf32>
        %add3A_214 = arith.addf %get3A_209, %get3A_213 : vector<16xf32>
        %max3A_215 = arith.constant 0.000000e+00 : f32
        %max3A_216 = vector.broadcast %max3A_215 : f32 to vector<16xf32>
        %max3A_217 = arith.maximumf %add3A_214, %max3A_216 : vector<16xf32>
        %swap3A_218 = arith.index_cast %add3A_205 : i32 to index
        %swap3A_219 = arith.constant 0 : index
        %swap3A_220 = tpu.vector_load %arg9[%swap3A_218, %swap3A_219] {strides = array<i32>} : memref<256x32xf32, #tpu.memory_space<vmem>>, vector<1x16xf32>,
        %swap3A_221 = vector.shape_cast %swap3A_220 : vector<1x16xf32> to vector<16xf32>
        %swap3A_222 = vector.shape_cast %max3A_217 : vector<16xf32> to vector<1x16xf32>
        tpu.vector_store %arg9[%swap3A_218, %swap3A_219], %swap3A_222 {strides = array<i32>} : memref<256x32xf32, #tpu.memory_space<vmem>>, vector<1x16xf32>,
        %get3A_223 = arith.index_cast %add3A_205 : i32 to index
        %get3A_224 = arith.constant 16 : index
        %get3A_225 = tpu.vector_load %arg9[%get3A_223, %get3A_224] {strides = array<i32>} : memref<256x32xf32, #tpu.memory_space<vmem>>, vector<1x16xf32>,
        %get3A_226 = vector.shape_cast %get3A_225 : vector<1x16xf32> to vector<16xf32>
        %get3A_227 = arith.index_cast %add3A_205 : i32 to index
        %get3A_228 = arith.constant 16 : index
        %get3A_229 = tpu.vector_load %arg10[%get3A_227, %get3A_228] {strides = array<i32>} : memref<256x32xf32, #tpu.memory_space<vmem>>, vector<1x16xf32>,
        %get3A_230 = vector.shape_cast %get3A_229 : vector<1x16xf32> to vector<16xf32>
        %add3A_231 = arith.addf %get3A_226, %get3A_230 : vector<16xf32>
        %max3A_232 = arith.constant 0.000000e+00 : f32
        %max3A_233 = vector.broadcast %max3A_232 : f32 to vector<16xf32>
        %max3A_234 = arith.maximumf %add3A_231, %max3A_233 : vector<16xf32>
        %swap3A_235 = arith.index_cast %add3A_205 : i32 to index
        %swap3A_236 = arith.constant 16 : index
        %swap3A_237 = tpu.vector_load %arg9[%swap3A_235, %swap3A_236] {strides = array<i32>} : memref<256x32xf32, #tpu.memory_space<vmem>>, vector<1x16xf32>,
        %swap3A_238 = vector.shape_cast %swap3A_237 : vector<1x16xf32> to vector<16xf32>
        %swap3A_239 = vector.shape_cast %max3A_234 : vector<16xf32> to vector<1x16xf32>
        tpu.vector_store %arg9[%swap3A_235, %swap3A_236], %swap3A_239 {strides = array<i32>} : memref<256x32xf32, #tpu.memory_space<vmem>>, vector<1x16xf32>,
        %mul3A_240 = arith.constant 4 : i32
        %mul3A_241 = arith.muli %scan3A_128, %mul3A_240 : i32
        %add3A_242 = arith.constant 3 : i32
        %add3A_243 = arith.addi %mul3A_241, %add3A_242 : i32
        %get3A_244 = arith.index_cast %add3A_243 : i32 to index
        %get3A_245 = arith.constant 0 : index
        %get3A_246 = tpu.vector_load %arg9[%get3A_244, %get3A_245] {strides = array<i32>} : memref<256x32xf32, #tpu.memory_space<vmem>>, vector<1x16xf32>,
        %get3A_247 = vector.shape_cast %get3A_246 : vector<1x16xf32> to vector<16xf32>
        %get3A_248 = arith.index_cast %add3A_243 : i32 to index
        %get3A_249 = arith.constant 0 : index
        %get3A_250 = tpu.vector_load %arg10[%get3A_248, %get3A_249] {strides = array<i32>} : memref<256x32xf32, #tpu.memory_space<vmem>>, vector<1x16xf32>,
        %get3A_251 = vector.shape_cast %get3A_250 : vector<1x16xf32> to vector<16xf32>
        %add3A_252 = arith.addf %get3A_247, %get3A_251 : vector<16xf32>
        %max3A_253 = arith.constant 0.000000e+00 : f32
        %max3A_254 = vector.broadcast %max3A_253 : f32 to vector<16xf32>
        %max3A_255 = arith.maximumf %add3A_252, %max3A_254 : vector<16xf32>
        %swap3A_256 = arith.index_cast %add3A_243 : i32 to index
        %swap3A_257 = arith.constant 0 : index
        %swap3A_258 = tpu.vector_load %arg9[%swap3A_256, %swap3A_257] {strides = array<i32>} : memref<256x32xf32, #tpu.memory_space<vmem>>, vector<1x16xf32>,
        %swap3A_259 = vector.shape_cast %swap3A_258 : vector<1x16xf32> to vector<16xf32>
        %swap3A_260 = vector.shape_cast %max3A_255 : vector<16xf32> to vector<1x16xf32>
        tpu.vector_store %arg9[%swap3A_256, %swap3A_257], %swap3A_260 {strides = array<i32>} : memref<256x32xf32, #tpu.memory_space<vmem>>, vector<1x16xf32>,
        %get3A_261 = arith.index_cast %add3A_243 : i32 to index
        %get3A_262 = arith.constant 16 : index
        %get3A_263 = tpu.vector_load %arg9[%get3A_261, %get3A_262] {strides = array<i32>} : memref<256x32xf32, #tpu.memory_space<vmem>>, vector<1x16xf32>,
        %get3A_264 = vector.shape_cast %get3A_263 : vector<1x16xf32> to vector<16xf32>
        %get3A_265 = arith.index_cast %add3A_243 : i32 to index
        %get3A_266 = arith.constant 16 : index
        %get3A_267 = tpu.vector_load %arg10[%get3A_265, %get3A_266] {strides = array<i32>} : memref<256x32xf32, #tpu.memory_space<vmem>>, vector<1x16xf32>,
        %get3A_268 = vector.shape_cast %get3A_267 : vector<1x16xf32> to vector<16xf32>
        %add3A_269 = arith.addf %get3A_264, %get3A_268 : vector<16xf32>
        %max3A_270 = arith.constant 0.000000e+00 : f32
        %max3A_271 = vector.broadcast %max3A_270 : f32 to vector<16xf32>
        %max3A_272 = arith.maximumf %add3A_269, %max3A_271 : vector<16xf32>
        %swap3A_273 = arith.index_cast %add3A_243 : i32 to index
        %swap3A_274 = arith.constant 16 : index
        %swap3A_275 = tpu.vector_load %arg9[%swap3A_273, %swap3A_274] {strides = array<i32>} : memref<256x32xf32, #tpu.memory_space<vmem>>, vector<1x16xf32>,
        %swap3A_276 = vector.shape_cast %swap3A_275 : vector<1x16xf32> to vector<16xf32>
        %swap3A_277 = vector.shape_cast %max3A_272 : vector<16xf32> to vector<1x16xf32>
        tpu.vector_store %arg9[%swap3A_273, %swap3A_274], %swap3A_277 {strides = array<i32>} : memref<256x32xf32, #tpu.memory_space<vmem>>, vector<1x16xf32>,
      }
      %scan3A_87 = arith.constant 64 : i32
      %dma_start3A_88 = arith.constant 0 : i32
      %dma_start3A_89 = arith.constant 0 : i32
      %dma_start3A_90 = arith.constant 0 : i32
      %dma_start3A_91 = tpu.memref_slice %arg9[%dma_start3A_89, %dma_start3A_90] : memref<256x32xf32, #tpu.memory_space<vmem>> -> memref<128x32xf32, #tpu.memory_space<vmem>>
      %dma_start3A_92 = arith.constant 0 : i32
      %dma_start3A_93 = tpu.memref_slice %arg8[%dma_start3A_88, %dma_start3A_92] : memref<2x128xi32, #tpu.memory_space<vmem>> -> memref<1x128xi32, #tpu.memory_space<vmem>>
      %dma_start3A_94 = tpu.memref_squeeze %dma_start3A_93 : memref<1x128xi32, #tpu.memory_space<vmem>> -> memref<128xi32, #tpu.memory_space<vmem>>
      %dma_start3A_95 = arith.constant 0 : i32
      %dma_start3A_96 = arith.constant 0 : i32
      %dma_start3A_97 = tpu.memref_slice %arg13[%dma_start3A_95, %dma_start3A_96] : memref<10240x32xf32, #tpu.memory_space<vmem_shared>> -> memref<10240x32xf32, #tpu.memory_space<vmem_shared>>
      tpu.enqueue_indirect_dma source(%dma_start3A_91 : memref<128x32xf32, #tpu.memory_space<vmem>>) target(%dma_start3A_97 : memref<10240x32xf32, #tpu.memory_space<vmem_shared>>) offsets(%dma_start3A_94 : memref<128xi32, #tpu.memory_space<vmem>>) semaphore(%arg12 : memref<!tpu.dma_semaphore, #tpu.memory_space<semaphore_mem>>) {add = true}
      %dma_start3A_98 = arith.constant 1 : i32
      %dma_start3A_99 = arith.constant 128 : i32
      %dma_start3A_100 = arith.constant 0 : i32
      %dma_start3A_101 = tpu.memref_slice %arg9[%dma_start3A_99, %dma_start3A_100] : memref<256x32xf32, #tpu.memory_space<vmem>> -> memref<128x32xf32, #tpu.memory_space<vmem>>
      %dma_start3A_102 = arith.constant 0 : i32
      %dma_start3A_103 = tpu.memref_slice %arg8[%dma_start3A_98, %dma_start3A_102] : memref<2x128xi32, #tpu.memory_space<vmem>> -> memref<1x128xi32, #tpu.memory_space<vmem>>
      %dma_start3A_104 = tpu.memref_squeeze %dma_start3A_103 : memref<1x128xi32, #tpu.memory_space<vmem>> -> memref<128xi32, #tpu.memory_space<vmem>>
      %dma_start3A_105 = arith.constant 0 : i32
      %dma_start3A_106 = arith.constant 0 : i32
      %dma_start3A_107 = tpu.memref_slice %arg13[%dma_start3A_105, %dma_start3A_106] : memref<10240x32xf32, #tpu.memory_space<vmem_shared>> -> memref<10240x32xf32, #tpu.memory_space<vmem_shared>>
      tpu.enqueue_indirect_dma source(%dma_start3A_101 : memref<128x32xf32, #tpu.memory_space<vmem>>) target(%dma_start3A_107 : memref<10240x32xf32, #tpu.memory_space<vmem_shared>>) offsets(%dma_start3A_104 : memref<128xi32, #tpu.memory_space<vmem>>) semaphore(%arg12 : memref<!tpu.dma_semaphore, #tpu.memory_space<semaphore_mem>>) {add = true}
      %dma_wait3A_108 = arith.constant 0 : i32
      %dma_wait3A_109 = arith.constant 0 : i32
      %dma_wait3A_110 = arith.constant 0 : i32
      %dma_wait3A_111 = tpu.memref_slice %arg9[%dma_wait3A_109, %dma_wait3A_110] : memref<256x32xf32, #tpu.memory_space<vmem>> -> memref<128x32xf32, #tpu.memory_space<vmem>>
      %dma_wait3A_112 = arith.constant 0 : i32
      %dma_wait3A_113 = tpu.memref_slice %arg8[%dma_wait3A_108, %dma_wait3A_112] : memref<2x128xi32, #tpu.memory_space<vmem>> -> memref<1x128xi32, #tpu.memory_space<vmem>>
      %dma_wait3A_114 = tpu.memref_squeeze %dma_wait3A_113 : memref<1x128xi32, #tpu.memory_space<vmem>> -> memref<128xi32, #tpu.memory_space<vmem>>
      %dma_wait3A_115 = arith.constant 0 : i32
      %dma_wait3A_116 = arith.constant 0 : i32
      %dma_wait3A_117 = tpu.memref_slice %arg13[%dma_wait3A_115, %dma_wait3A_116] : memref<10240x32xf32, #tpu.memory_space<vmem_shared>> -> memref<10240x32xf32, #tpu.memory_space<vmem_shared>>
      tpu.wait_indirect_dma semaphore(%arg12 : memref<!tpu.dma_semaphore, #tpu.memory_space<semaphore_mem>>) src(%dma_wait3A_111 : memref<128x32xf32, #tpu.memory_space<vmem>>) dst(%dma_wait3A_117 : memref<10240x32xf32, #tpu.memory_space<vmem_shared>>)
      %dma_wait3A_118 = arith.constant 1 : i32
      %dma_wait3A_119 = arith.constant 128 : i32
      %dma_wait3A_120 = arith.constant 0 : i32
      %dma_wait3A_121 = tpu.memref_slice %arg9[%dma_wait3A_119, %dma_wait3A_120] : memref<256x32xf32, #tpu.memory_space<vmem>> -> memref<128x32xf32, #tpu.memory_space<vmem>>
      %dma_wait3A_122 = arith.constant 0 : i32
      %dma_wait3A_123 = tpu.memref_slice %arg8[%dma_wait3A_118, %dma_wait3A_122] : memref<2x128xi32, #tpu.memory_space<vmem>> -> memref<1x128xi32, #tpu.memory_space<vmem>>
      %dma_wait3A_124 = tpu.memref_squeeze %dma_wait3A_123 : memref<1x128xi32, #tpu.memory_space<vmem>> -> memref<128xi32, #tpu.memory_space<vmem>>
      %dma_wait3A_125 = arith.constant 0 : i32
      %dma_wait3A_126 = arith.constant 0 : i32
      %dma_wait3A_127 = tpu.memref_slice %arg13[%dma_wait3A_125, %dma_wait3A_126] : memref<10240x32xf32, #tpu.memory_space<vmem_shared>> -> memref<10240x32xf32, #tpu.memory_space<vmem_shared>>
      tpu.wait_indirect_dma semaphore(%arg12 : memref<!tpu.dma_semaphore, #tpu.memory_space<semaphore_mem>>) src(%dma_wait3A_121 : memref<128x32xf32, #tpu.memory_space<vmem>>) dst(%dma_wait3A_127 : memref<10240x32xf32, #tpu.memory_space<vmem_shared>>)
    }
    %scan3A_16 = arith.constant 10 : i32
    %barrier3A_17 = arith.constant 0 : index
    tpu.barrier barrier_id(%barrier3A_17)
    %scan3A_18 = arith.constant 0 : i32
    %scan3A_19 = arith.constant 0 : i32
    %scan3A_20 = arith.constant 4 : i32
    %scan3A_21 = arith.addi %scan3A_19, %scan3A_20 : i32
    %scan3A_22 = arith.constant 1 : i32
    scf.for %scan3A_24 = %scan3A_19 to %scan3A_21 step %scan3A_22  : i32 {
      %mul3A = arith.constant 640 : i32
      %mul3A_25 = arith.muli %arg1, %mul3A : i32
      %mul3A_26 = arith.constant 160 : i32
      %mul3A_27 = arith.muli %scan3A_24, %mul3A_26 : i32
      %add3A = arith.addi %mul3A_25, %mul3A_27 : i32
      "tpu.region"() ({
        %run_scoped3A = tpu.sem_alloc : memref<!tpu.dma_semaphore, #tpu.memory_space<semaphore_mem>>
        %dma_start3A = arith.constant 0 : i32
        %dma_start3A_28 = tpu.memref_slice %arg6[%add3A, %arg0, %dma_start3A] : memref<10240x2x32xf32, #tpu.memory_space<hbm>> -> memref<160x1x32xf32, #tpu.memory_space<hbm>>
        %dma_start3A_29 = tpu.memref_squeeze %dma_start3A_28 : memref<160x1x32xf32, #tpu.memory_space<hbm>> -> memref<160x32xf32, #tpu.memory_space<hbm>>
        %dma_start3A_30 = arith.constant 0 : i32
        %dma_start3A_31 = tpu.memref_slice %arg13[%add3A, %dma_start3A_30] : memref<10240x32xf32, #tpu.memory_space<vmem_shared>> -> memref<160x32xf32, #tpu.memory_space<vmem_shared>>
        tpu.enqueue_dma source(%dma_start3A_31 : memref<160x32xf32, #tpu.memory_space<vmem_shared>>) target(%dma_start3A_29 : memref<160x32xf32, #tpu.memory_space<hbm>>) target_semaphore(%run_scoped3A : memref<!tpu.dma_semaphore, #tpu.memory_space<semaphore_mem>>)
        %dma_wait3A = arith.constant 0 : i32
        %dma_wait3A_32 = tpu.memref_slice %arg6[%add3A, %arg0, %dma_wait3A] : memref<10240x2x32xf32, #tpu.memory_space<hbm>> -> memref<160x1x32xf32, #tpu.memory_space<hbm>>
        %dma_wait3A_33 = tpu.memref_squeeze %dma_wait3A_32 : memref<160x1x32xf32, #tpu.memory_space<hbm>> -> memref<160x32xf32, #tpu.memory_space<hbm>>
        %dma_wait3A_34 = arith.constant 0 : i32
        %dma_wait3A_35 = tpu.memref_slice %arg13[%add3A, %dma_wait3A_34] : memref<10240x32xf32, #tpu.memory_space<vmem_shared>> -> memref<160x32xf32, #tpu.memory_space<vmem_shared>>
        tpu.wait_dma2 semaphore(%run_scoped3A : memref<!tpu.dma_semaphore, #tpu.memory_space<semaphore_mem>>) src(%dma_wait3A_35 : memref<160x32xf32, #tpu.memory_space<vmem_shared>>) dst(%dma_wait3A_33 : memref<160x32xf32, #tpu.memory_space<hbm>>)
        tpu.yield
      }) : () -> ()
    }
    %scan3A_23 = arith.constant 4 : i32
    return
  }
}

#map = affine_map<(d0, d1) -> (0, 0)>
#map1 = affine_map<(d0, d1) -> (0, 0, 0)>
module attributes {stable_mosaic.version = 14 : i64} {
  func.func @body(%arg0: i32, %arg1: i32, %arg2: memref<20000x32xf32, #tpu.memory_space<hbm>>, %arg3: memref<2x320x128xi32, #tpu.memory_space<hbm>>, %arg4: memref<320x128xi32, #tpu.memory_space<hbm>>, %arg5: memref<40960x2x32xf32, #tpu.memory_space<hbm>>, %arg6: memref<10240x2x32xf32, #tpu.memory_space<hbm>>, %arg7: memref<2x128xi32, #tpu.memory_space<vmem>>, %arg8: memref<2x128xi32, #tpu.memory_space<vmem>>, %arg9: memref<256x32xf32, #tpu.memory_space<vmem>>, %arg10: memref<256x32xf32, #tpu.memory_space<vmem>>, %arg11: memref<!tpu.dma_semaphore, #tpu.memory_space<semaphore_mem>>, %arg12: memref<!tpu.dma_semaphore, #tpu.memory_space<semaphore_mem>>, %arg13: memref<10240x32xf32, #tpu.memory_space<vmem_shared>>) attributes {dimension_semantics = [#tpu.dimension_semantics<core_parallel>, #tpu.dimension_semantics<subcore_parallel>], iteration_bounds = array<i64: 2, 16>, scalar_prefetch = 0 : i64, scratch_operands = 7 : i64, tpu.core_type = #tpu.core_type<sc_vector_subcore>, window_params = [{transform_indices = #map}, {transform_indices = #map1}, {transform_indices = #map}, {transform_indices = #map1}, {transform_indices = #map1}]} {
    %scan3A = arith.constant 0 : i32
    %scan3A_0 = arith.constant 0 : i32
    %scan3A_1 = arith.constant 64 : i32
    %scan3A_2 = arith.addi %scan3A_0, %scan3A_1 : i32
    %scan3A_3 = arith.constant 1 : i32
    scf.for %scan3A_24 = %scan3A_0 to %scan3A_2 step %scan3A_3  : i32 {
      %broadcast_in_dim3A = arith.constant 0.000000e+00 : f32
      %broadcast_in_dim3A_25 = vector.broadcast %broadcast_in_dim3A : f32 to vector<16xf32>
      %mul3A = arith.constant 4 : i32
      %mul3A_26 = arith.muli %scan3A_24, %mul3A : i32
      %add3A = arith.constant 0 : i32
      %add3A_27 = arith.addi %mul3A_26, %add3A : i32
      %swap3A = arith.index_cast %add3A_27 : i32 to index
      %swap3A_28 = arith.constant 0 : index
      %swap3A_29 = tpu.vector_load %arg9[%swap3A, %swap3A_28] {strides = array<i32>} : memref<256x32xf32, #tpu.memory_space<vmem>>, vector<1x16xf32>,
      %swap3A_30 = vector.shape_cast %swap3A_29 : vector<1x16xf32> to vector<16xf32>
      %swap3A_31 = vector.shape_cast %broadcast_in_dim3A_25 : vector<16xf32> to vector<1x16xf32>
      tpu.vector_store %arg9[%swap3A, %swap3A_28], %swap3A_31 {strides = array<i32>} : memref<256x32xf32, #tpu.memory_space<vmem>>, vector<1x16xf32>,
      %broadcast_in_dim3A_32 = arith.constant 0.000000e+00 : f32
      %broadcast_in_dim3A_33 = vector.broadcast %broadcast_in_dim3A_32 : f32 to vector<16xf32>
      %mul3A_34 = arith.constant 4 : i32
      %mul3A_35 = arith.muli %scan3A_24, %mul3A_34 : i32
      %add3A_36 = arith.constant 0 : i32
      %add3A_37 = arith.addi %mul3A_35, %add3A_36 : i32
      %swap3A_38 = arith.index_cast %add3A_37 : i32 to index
      %swap3A_39 = arith.constant 16 : index
      %swap3A_40 = tpu.vector_load %arg9[%swap3A_38, %swap3A_39] {strides = array<i32>} : memref<256x32xf32, #tpu.memory_space<vmem>>, vector<1x16xf32>,
      %swap3A_41 = vector.shape_cast %swap3A_40 : vector<1x16xf32> to vector<16xf32>
      %swap3A_42 = vector.shape_cast %broadcast_in_dim3A_33 : vector<16xf32> to vector<1x16xf32>
      tpu.vector_store %arg9[%swap3A_38, %swap3A_39], %swap3A_42 {strides = array<i32>} : memref<256x32xf32, #tpu.memory_space<vmem>>, vector<1x16xf32>,
      %broadcast_in_dim3A_43 = arith.constant 0.000000e+00 : f32
      %broadcast_in_dim3A_44 = vector.broadcast %broadcast_in_dim3A_43 : f32 to vector<16xf32>
      %mul3A_45 = arith.constant 4 : i32
      %mul3A_46 = arith.muli %scan3A_24, %mul3A_45 : i32
      %add3A_47 = arith.constant 1 : i32
      %add3A_48 = arith.addi %mul3A_46, %add3A_47 : i32
      %swap3A_49 = arith.index_cast %add3A_48 : i32 to index
      %swap3A_50 = arith.constant 0 : index
      %swap3A_51 = tpu.vector_load %arg9[%swap3A_49, %swap3A_50] {strides = array<i32>} : memref<256x32xf32, #tpu.memory_space<vmem>>, vector<1x16xf32>,
      %swap3A_52 = vector.shape_cast %swap3A_51 : vector<1x16xf32> to vector<16xf32>
      %swap3A_53 = vector.shape_cast %broadcast_in_dim3A_44 : vector<16xf32> to vector<1x16xf32>
      tpu.vector_store %arg9[%swap3A_49, %swap3A_50], %swap3A_53 {strides = array<i32>} : memref<256x32xf32, #tpu.memory_space<vmem>>, vector<1x16xf32>,
      %broadcast_in_dim3A_54 = arith.constant 0.000000e+00 : f32
      %broadcast_in_dim3A_55 = vector.broadcast %broadcast_in_dim3A_54 : f32 to vector<16xf32>
      %mul3A_56 = arith.constant 4 : i32
      %mul3A_57 = arith.muli %scan3A_24, %mul3A_56 : i32
      %add3A_58 = arith.constant 1 : i32
      %add3A_59 = arith.addi %mul3A_57, %add3A_58 : i32
      %swap3A_60 = arith.index_cast %add3A_59 : i32 to index
      %swap3A_61 = arith.constant 16 : index
      %swap3A_62 = tpu.vector_load %arg9[%swap3A_60, %swap3A_61] {strides = array<i32>} : memref<256x32xf32, #tpu.memory_space<vmem>>, vector<1x16xf32>,
      %swap3A_63 = vector.shape_cast %swap3A_62 : vector<1x16xf32> to vector<16xf32>
      %swap3A_64 = vector.shape_cast %broadcast_in_dim3A_55 : vector<16xf32> to vector<1x16xf32>
      tpu.vector_store %arg9[%swap3A_60, %swap3A_61], %swap3A_64 {strides = array<i32>} : memref<256x32xf32, #tpu.memory_space<vmem>>, vector<1x16xf32>,
      %broadcast_in_dim3A_65 = arith.constant 0.000000e+00 : f32
      %broadcast_in_dim3A_66 = vector.broadcast %broadcast_in_dim3A_65 : f32 to vector<16xf32>
      %mul3A_67 = arith.constant 4 : i32
      %mul3A_68 = arith.muli %scan3A_24, %mul3A_67 : i32
      %add3A_69 = arith.constant 2 : i32
      %add3A_70 = arith.addi %mul3A_68, %add3A_69 : i32
      %swap3A_71 = arith.index_cast %add3A_70 : i32 to index
      %swap3A_72 = arith.constant 0 : index
      %swap3A_73 = tpu.vector_load %arg9[%swap3A_71, %swap3A_72] {strides = array<i32>} : memref<256x32xf32, #tpu.memory_space<vmem>>, vector<1x16xf32>,
      %swap3A_74 = vector.shape_cast %swap3A_73 : vector<1x16xf32> to vector<16xf32>
      %swap3A_75 = vector.shape_cast %broadcast_in_dim3A_66 : vector<16xf32> to vector<1x16xf32>
      tpu.vector_store %arg9[%swap3A_71, %swap3A_72], %swap3A_75 {strides = array<i32>} : memref<256x32xf32, #tpu.memory_space<vmem>>, vector<1x16xf32>,
      %broadcast_in_dim3A_76 = arith.constant 0.000000e+00 : f32
      %broadcast_in_dim3A_77 = vector.broadcast %broadcast_in_dim3A_76 : f32 to vector<16xf32>
      %mul3A_78 = arith.constant 4 : i32
      %mul3A_79 = arith.muli %scan3A_24, %mul3A_78 : i32
      %add3A_80 = arith.constant 2 : i32
      %add3A_81 = arith.addi %mul3A_79, %add3A_80 : i32
      %swap3A_82 = arith.index_cast %add3A_81 : i32 to index
      %swap3A_83 = arith.constant 16 : index
      %swap3A_84 = tpu.vector_load %arg9[%swap3A_82, %swap3A_83] {strides = array<i32>} : memref<256x32xf32, #tpu.memory_space<vmem>>, vector<1x16xf32>,
      %swap3A_85 = vector.shape_cast %swap3A_84 : vector<1x16xf32> to vector<16xf32>
      %swap3A_86 = vector.shape_cast %broadcast_in_dim3A_77 : vector<16xf32> to vector<1x16xf32>
      tpu.vector_store %arg9[%swap3A_82, %swap3A_83], %swap3A_86 {strides = array<i32>} : memref<256x32xf32, #tpu.memory_space<vmem>>, vector<1x16xf32>,
      %broadcast_in_dim3A_87 = arith.constant 0.000000e+00 : f32
      %broadcast_in_dim3A_88 = vector.broadcast %broadcast_in_dim3A_87 : f32 to vector<16xf32>
      %mul3A_89 = arith.constant 4 : i32
      %mul3A_90 = arith.muli %scan3A_24, %mul3A_89 : i32
      %add3A_91 = arith.constant 3 : i32
      %add3A_92 = arith.addi %mul3A_90, %add3A_91 : i32
      %swap3A_93 = arith.index_cast %add3A_92 : i32 to index
      %swap3A_94 = arith.constant 0 : index
      %swap3A_95 = tpu.vector_load %arg9[%swap3A_93, %swap3A_94] {strides = array<i32>} : memref<256x32xf32, #tpu.memory_space<vmem>>, vector<1x16xf32>,
      %swap3A_96 = vector.shape_cast %swap3A_95 : vector<1x16xf32> to vector<16xf32>
      %swap3A_97 = vector.shape_cast %broadcast_in_dim3A_88 : vector<16xf32> to vector<1x16xf32>
      tpu.vector_store %arg9[%swap3A_93, %swap3A_94], %swap3A_97 {strides = array<i32>} : memref<256x32xf32, #tpu.memory_space<vmem>>, vector<1x16xf32>,
      %broadcast_in_dim3A_98 = arith.constant 0.000000e+00 : f32
      %broadcast_in_dim3A_99 = vector.broadcast %broadcast_in_dim3A_98 : f32 to vector<16xf32>
      %mul3A_100 = arith.constant 4 : i32
      %mul3A_101 = arith.muli %scan3A_24, %mul3A_100 : i32
      %add3A_102 = arith.constant 3 : i32
      %add3A_103 = arith.addi %mul3A_101, %add3A_102 : i32
      %swap3A_104 = arith.index_cast %add3A_103 : i32 to index
      %swap3A_105 = arith.constant 16 : index
      %swap3A_106 = tpu.vector_load %arg9[%swap3A_104, %swap3A_105] {strides = array<i32>} : memref<256x32xf32, #tpu.memory_space<vmem>>, vector<1x16xf32>,
      %swap3A_107 = vector.shape_cast %swap3A_106 : vector<1x16xf32> to vector<16xf32>
      %swap3A_108 = vector.shape_cast %broadcast_in_dim3A_99 : vector<16xf32> to vector<1x16xf32>
      tpu.vector_store %arg9[%swap3A_104, %swap3A_105], %swap3A_108 {strides = array<i32>} : memref<256x32xf32, #tpu.memory_space<vmem>>, vector<1x16xf32>,
    }
    %scan3A_4 = arith.constant 64 : i32
    %scan3A_5 = arith.constant 0 : i32
    %scan3A_6 = arith.constant 0 : i32
    %scan3A_7 = arith.constant 4 : i32
    %scan3A_8 = arith.addi %scan3A_6, %scan3A_7 : i32
    %scan3A_9 = arith.constant 1 : i32
    scf.for %scan3A_24 = %scan3A_6 to %scan3A_8 step %scan3A_9  : i32 {
      %mul3A = arith.constant 640 : i32
      %mul3A_25 = arith.muli %arg1, %mul3A : i32
      %mul3A_26 = arith.constant 160 : i32
      %mul3A_27 = arith.muli %scan3A_24, %mul3A_26 : i32
      %add3A = arith.addi %mul3A_25, %mul3A_27 : i32
      "tpu.region"() ({
        %run_scoped3A = tpu.sem_alloc : memref<!tpu.dma_semaphore, #tpu.memory_space<semaphore_mem>>
        %dma_start3A = arith.constant 0 : i32
        %dma_start3A_28 = arith.constant 0 : i32
        %dma_start3A_29 = tpu.memref_slice %arg9[%dma_start3A, %dma_start3A_28] : memref<256x32xf32, #tpu.memory_space<vmem>> -> memref<160x32xf32, #tpu.memory_space<vmem>>
        %dma_start3A_30 = arith.constant 0 : i32
        %dma_start3A_31 = tpu.memref_slice %arg13[%add3A, %dma_start3A_30] : memref<10240x32xf32, #tpu.memory_space<vmem_shared>> -> memref<160x32xf32, #tpu.memory_space<vmem_shared>>
        %dma_start3A_32 = arith.constant 0 : i32
        %dma_start3A_33 = tpu.memref_slice %arg13[%add3A, %dma_start3A_32] : memref<10240x32xf32, #tpu.memory_space<vmem_shared>> -> memref<160x32xf32, #tpu.memory_space<vmem_shared>>
        %dma_start3A_34 = arith.constant 0 : i32
        %dma_start3A_35 = arith.constant 0 : i32
        %dma_start3A_36 = tpu.memref_slice %arg9[%dma_start3A_34, %dma_start3A_35] : memref<256x32xf32, #tpu.memory_space<vmem>> -> memref<160x32xf32, #tpu.memory_space<vmem>>
        tpu.enqueue_dma source(%dma_start3A_36 : memref<160x32xf32, #tpu.memory_space<vmem>>) target(%dma_start3A_33 : memref<160x32xf32, #tpu.memory_space<vmem_shared>>) target_semaphore(%run_scoped3A : memref<!tpu.dma_semaphore, #tpu.memory_space<semaphore_mem>>)
        %dma_wait3A = arith.constant 0 : i32
        %dma_wait3A_37 = arith.constant 0 : i32
        %dma_wait3A_38 = tpu.memref_slice %arg9[%dma_wait3A, %dma_wait3A_37] : memref<256x32xf32, #tpu.memory_space<vmem>> -> memref<160x32xf32, #tpu.memory_space<vmem>>
        %dma_wait3A_39 = arith.constant 0 : i32
        %dma_wait3A_40 = tpu.memref_slice %arg13[%add3A, %dma_wait3A_39] : memref<10240x32xf32, #tpu.memory_space<vmem_shared>> -> memref<160x32xf32, #tpu.memory_space<vmem_shared>>
        %dma_wait3A_41 = arith.constant 0 : i32
        %dma_wait3A_42 = tpu.memref_slice %arg13[%add3A, %dma_wait3A_41] : memref<10240x32xf32, #tpu.memory_space<vmem_shared>> -> memref<160x32xf32, #tpu.memory_space<vmem_shared>>
        %dma_wait3A_43 = arith.constant 0 : i32
        %dma_wait3A_44 = arith.constant 0 : i32
        %dma_wait3A_45 = tpu.memref_slice %arg9[%dma_wait3A_43, %dma_wait3A_44] : memref<256x32xf32, #tpu.memory_space<vmem>> -> memref<160x32xf32, #tpu.memory_space<vmem>>
        tpu.wait_dma2 semaphore(%run_scoped3A : memref<!tpu.dma_semaphore, #tpu.memory_space<semaphore_mem>>) src(%dma_wait3A_45 : memref<160x32xf32, #tpu.memory_space<vmem>>) dst(%dma_wait3A_42 : memref<160x32xf32, #tpu.memory_space<vmem_shared>>)
        tpu.yield
      }) : () -> ()
    }
    %scan3A_10 = arith.constant 4 : i32
    %barrier3A = arith.constant 0 : index
    tpu.barrier barrier_id(%barrier3A)
    %scan3A_11 = arith.constant 0 : i32
    %scan3A_12 = arith.constant 0 : i32
    %scan3A_13 = arith.constant 10 : i32
    %scan3A_14 = arith.addi %scan3A_12, %scan3A_13 : i32
    %scan3A_15 = arith.constant 1 : i32
    scf.for %scan3A_24 = %scan3A_12 to %scan3A_14 step %scan3A_15  : i32 {
      %mul3A = arith.constant 10 : i32
      %mul3A_25 = arith.muli %arg1, %mul3A : i32
      %add3A = arith.addi %mul3A_25, %scan3A_24 : i32
      %mul3A_26 = arith.constant 256 : i32
      %mul3A_27 = arith.muli %add3A, %mul3A_26 : i32
      %jit3A = arith.constant 128 : i32
      %div3A = arith.divsi %mul3A_27, %jit3A : i32
      %sign3A = arith.constant 0 : i32
      %sign3A_28 = arith.cmpi sgt, %mul3A_27, %sign3A : i32
      %sign3A_29 = arith.extui %sign3A_28 : i1 to i32
      %sign3A_30 = arith.constant 0 : i32
      %sign3A_31 = arith.cmpi slt, %mul3A_27, %sign3A_30 : i32
      %sign3A_32 = arith.extui %sign3A_31 : i1 to i32
      %sign3A_33 = arith.subi %sign3A_29, %sign3A_32 : i32
      %sign3A_34 = arith.constant 0 : i32
      %sign3A_35 = arith.cmpi sgt, %jit3A, %sign3A_34 : i32
      %sign3A_36 = arith.extui %sign3A_35 : i1 to i32
      %sign3A_37 = arith.constant 0 : i32
      %sign3A_38 = arith.cmpi slt, %jit3A, %sign3A_37 : i32
      %sign3A_39 = arith.extui %sign3A_38 : i1 to i32
      %sign3A_40 = arith.subi %sign3A_36, %sign3A_39 : i32
      %ne3A = arith.cmpi ne, %sign3A_33, %sign3A_40 : i32
      %rem3A = arith.remsi %mul3A_27, %jit3A : i32
      %ne3A_41 = arith.constant 0 : i32
      %ne3A_42 = arith.cmpi ne, %rem3A, %ne3A_41 : i32
      %and3A = arith.andi %ne3A, %ne3A_42 : i1
      %sub3A = arith.constant 1 : i32
      %sub3A_43 = arith.subi %div3A, %sub3A : i32
      %select_n3A = arith.select %and3A, %sub3A_43, %div3A : i32
      "tpu.region"() ({
        %run_scoped3A = tpu.sem_alloc : memref<!tpu.dma_semaphore, #tpu.memory_space<semaphore_mem>>
        %dma_start3A_128 = arith.constant 0 : i32
        %dma_start3A_129 = tpu.memref_slice %arg3[%arg0, %select_n3A, %dma_start3A_128] : memref<2x320x128xi32, #tpu.memory_space<hbm>> -> memref<1x2x128xi32, #tpu.memory_space<hbm>>
        %dma_start3A_130 = tpu.memref_squeeze %dma_start3A_129 : memref<1x2x128xi32, #tpu.memory_space<hbm>> -> memref<2x128xi32, #tpu.memory_space<hbm>>
        %dma_start3A_131 = arith.constant 0 : i32
        %dma_start3A_132 = tpu.memref_slice %arg3[%arg0, %select_n3A, %dma_start3A_131] : memref<2x320x128xi32, #tpu.memory_space<hbm>> -> memref<1x2x128xi32, #tpu.memory_space<hbm>>
        %dma_start3A_133 = tpu.memref_squeeze %dma_start3A_132 : memref<1x2x128xi32, #tpu.memory_space<hbm>> -> memref<2x128xi32, #tpu.memory_space<hbm>>
        tpu.enqueue_dma source(%dma_start3A_133 : memref<2x128xi32, #tpu.memory_space<hbm>>) target(%arg7 : memref<2x128xi32, #tpu.memory_space<vmem>>) target_semaphore(%run_scoped3A : memref<!tpu.dma_semaphore, #tpu.memory_space<semaphore_mem>>)
        %dma_wait3A_134 = arith.constant 0 : i32
        %dma_wait3A_135 = tpu.memref_slice %arg3[%arg0, %select_n3A, %dma_wait3A_134] : memref<2x320x128xi32, #tpu.memory_space<hbm>> -> memref<1x2x128xi32, #tpu.memory_space<hbm>>
        %dma_wait3A_136 = tpu.memref_squeeze %dma_wait3A_135 : memref<1x2x128xi32, #tpu.memory_space<hbm>> -> memref<2x128xi32, #tpu.memory_space<hbm>>
        %dma_wait3A_137 = arith.constant 0 : i32
        %dma_wait3A_138 = tpu.memref_slice %arg3[%arg0, %select_n3A, %dma_wait3A_137] : memref<2x320x128xi32, #tpu.memory_space<hbm>> -> memref<1x2x128xi32, #tpu.memory_space<hbm>>
        %dma_wait3A_139 = tpu.memref_squeeze %dma_wait3A_138 : memref<1x2x128xi32, #tpu.memory_space<hbm>> -> memref<2x128xi32, #tpu.memory_space<hbm>>
        tpu.wait_dma2 semaphore(%run_scoped3A : memref<!tpu.dma_semaphore, #tpu.memory_space<semaphore_mem>>) src(%dma_wait3A_139 : memref<2x128xi32, #tpu.memory_space<hbm>>) dst(%arg7 : memref<2x128xi32, #tpu.memory_space<vmem>>)
        tpu.yield
      }) : () -> ()
      "tpu.region"() ({
        %run_scoped3A = tpu.sem_alloc : memref<!tpu.dma_semaphore, #tpu.memory_space<semaphore_mem>>
        %dma_start3A_128 = arith.constant 0 : i32
        %dma_start3A_129 = tpu.memref_slice %arg4[%select_n3A, %dma_start3A_128] : memref<320x128xi32, #tpu.memory_space<hbm>> -> memref<2x128xi32, #tpu.memory_space<hbm>>
        %dma_start3A_130 = arith.constant 0 : i32
        %dma_start3A_131 = tpu.memref_slice %arg4[%select_n3A, %dma_start3A_130] : memref<320x128xi32, #tpu.memory_space<hbm>> -> memref<2x128xi32, #tpu.memory_space<hbm>>
        tpu.enqueue_dma source(%dma_start3A_131 : memref<2x128xi32, #tpu.memory_space<hbm>>) target(%arg8 : memref<2x128xi32, #tpu.memory_space<vmem>>) target_semaphore(%run_scoped3A : memref<!tpu.dma_semaphore, #tpu.memory_space<semaphore_mem>>)
        %dma_wait3A_132 = arith.constant 0 : i32
        %dma_wait3A_133 = tpu.memref_slice %arg4[%select_n3A, %dma_wait3A_132] : memref<320x128xi32, #tpu.memory_space<hbm>> -> memref<2x128xi32, #tpu.memory_space<hbm>>
        %dma_wait3A_134 = arith.constant 0 : i32
        %dma_wait3A_135 = tpu.memref_slice %arg4[%select_n3A, %dma_wait3A_134] : memref<320x128xi32, #tpu.memory_space<hbm>> -> memref<2x128xi32, #tpu.memory_space<hbm>>
        tpu.wait_dma2 semaphore(%run_scoped3A : memref<!tpu.dma_semaphore, #tpu.memory_space<semaphore_mem>>) src(%dma_wait3A_135 : memref<2x128xi32, #tpu.memory_space<hbm>>) dst(%arg8 : memref<2x128xi32, #tpu.memory_space<vmem>>)
        tpu.yield
      }) : () -> ()
      "tpu.region"() ({
        %run_scoped3A = tpu.sem_alloc : memref<!tpu.dma_semaphore, #tpu.memory_space<semaphore_mem>>
        %dma_start3A_128 = arith.constant 0 : i32
        %dma_start3A_129 = tpu.memref_slice %arg5[%mul3A_27, %arg0, %dma_start3A_128] : memref<40960x2x32xf32, #tpu.memory_space<hbm>> -> memref<256x1x32xf32, #tpu.memory_space<hbm>>
        %dma_start3A_130 = tpu.memref_squeeze %dma_start3A_129 : memref<256x1x32xf32, #tpu.memory_space<hbm>> -> memref<256x32xf32, #tpu.memory_space<hbm>>
        %dma_start3A_131 = arith.constant 0 : i32
        %dma_start3A_132 = tpu.memref_slice %arg5[%mul3A_27, %arg0, %dma_start3A_131] : memref<40960x2x32xf32, #tpu.memory_space<hbm>> -> memref<256x1x32xf32, #tpu.memory_space<hbm>>
        %dma_start3A_133 = tpu.memref_squeeze %dma_start3A_132 : memref<256x1x32xf32, #tpu.memory_space<hbm>> -> memref<256x32xf32, #tpu.memory_space<hbm>>
        tpu.enqueue_dma source(%dma_start3A_133 : memref<256x32xf32, #tpu.memory_space<hbm>>) target(%arg10 : memref<256x32xf32, #tpu.memory_space<vmem>>) target_semaphore(%run_scoped3A : memref<!tpu.dma_semaphore, #tpu.memory_space<semaphore_mem>>)
        %dma_wait3A_134 = arith.constant 0 : i32
        %dma_wait3A_135 = tpu.memref_slice %arg5[%mul3A_27, %arg0, %dma_wait3A_134] : memref<40960x2x32xf32, #tpu.memory_space<hbm>> -> memref<256x1x32xf32, #tpu.memory_space<hbm>>
        %dma_wait3A_136 = tpu.memref_squeeze %dma_wait3A_135 : memref<256x1x32xf32, #tpu.memory_space<hbm>> -> memref<256x32xf32, #tpu.memory_space<hbm>>
        %dma_wait3A_137 = arith.constant 0 : i32
        %dma_wait3A_138 = tpu.memref_slice %arg5[%mul3A_27, %arg0, %dma_wait3A_137] : memref<40960x2x32xf32, #tpu.memory_space<hbm>> -> memref<256x1x32xf32, #tpu.memory_space<hbm>>
        %dma_wait3A_139 = tpu.memref_squeeze %dma_wait3A_138 : memref<256x1x32xf32, #tpu.memory_space<hbm>> -> memref<256x32xf32, #tpu.memory_space<hbm>>
        tpu.wait_dma2 semaphore(%run_scoped3A : memref<!tpu.dma_semaphore, #tpu.memory_space<semaphore_mem>>) src(%dma_wait3A_139 : memref<256x32xf32, #tpu.memory_space<hbm>>) dst(%arg10 : memref<256x32xf32, #tpu.memory_space<vmem>>)
        tpu.yield
      }) : () -> ()
      %dma_start3A = arith.constant 0 : i32
      %dma_start3A_44 = arith.constant 0 : i32
      %dma_start3A_45 = arith.constant 0 : i32
      %dma_start3A_46 = tpu.memref_slice %arg9[%dma_start3A_44, %dma_start3A_45] : memref<256x32xf32, #tpu.memory_space<vmem>> -> memref<128x32xf32, #tpu.memory_space<vmem>>
      %dma_start3A_47 = arith.constant 0 : i32
      %dma_start3A_48 = tpu.memref_slice %arg7[%dma_start3A, %dma_start3A_47] : memref<2x128xi32, #tpu.memory_space<vmem>> -> memref<1x128xi32, #tpu.memory_space<vmem>>
      %dma_start3A_49 = tpu.memref_squeeze %dma_start3A_48 : memref<1x128xi32, #tpu.memory_space<vmem>> -> memref<128xi32, #tpu.memory_space<vmem>>
      %dma_start3A_50 = arith.constant 0 : i32
      %dma_start3A_51 = arith.constant 0 : i32
      %dma_start3A_52 = tpu.memref_slice %arg2[%dma_start3A_50, %dma_start3A_51] : memref<20000x32xf32, #tpu.memory_space<hbm>> -> memref<20000x32xf32, #tpu.memory_space<hbm>>
      tpu.enqueue_indirect_dma source(%dma_start3A_52 : memref<20000x32xf32, #tpu.memory_space<hbm>>) target(%dma_start3A_46 : memref<128x32xf32, #tpu.memory_space<vmem>>) offsets(%dma_start3A_49 : memref<128xi32, #tpu.memory_space<vmem>>) semaphore(%arg11 : memref<!tpu.dma_semaphore, #tpu.memory_space<semaphore_mem>>)
      %dma_start3A_53 = arith.constant 1 : i32
      %dma_start3A_54 = arith.constant 128 : i32
      %dma_start3A_55 = arith.constant 0 : i32
      %dma_start3A_56 = tpu.memref_slice %arg9[%dma_start3A_54, %dma_start3A_55] : memref<256x32xf32, #tpu.memory_space<vmem>> -> memref<128x32xf32, #tpu.memory_space<vmem>>
      %dma_start3A_57 = arith.constant 0 : i32
      %dma_start3A_58 = tpu.memref_slice %arg7[%dma_start3A_53, %dma_start3A_57] : memref<2x128xi32, #tpu.memory_space<vmem>> -> memref<1x128xi32, #tpu.memory_space<vmem>>
      %dma_start3A_59 = tpu.memref_squeeze %dma_start3A_58 : memref<1x128xi32, #tpu.memory_space<vmem>> -> memref<128xi32, #tpu.memory_space<vmem>>
      %dma_start3A_60 = arith.constant 0 : i32
      %dma_start3A_61 = arith.constant 0 : i32
      %dma_start3A_62 = tpu.memref_slice %arg2[%dma_start3A_60, %dma_start3A_61] : memref<20000x32xf32, #tpu.memory_space<hbm>> -> memref<20000x32xf32, #tpu.memory_space<hbm>>
      tpu.enqueue_indirect_dma source(%dma_start3A_62 : memref<20000x32xf32, #tpu.memory_space<hbm>>) target(%dma_start3A_56 : memref<128x32xf32, #tpu.memory_space<vmem>>) offsets(%dma_start3A_59 : memref<128xi32, #tpu.memory_space<vmem>>) semaphore(%arg11 : memref<!tpu.dma_semaphore, #tpu.memory_space<semaphore_mem>>)
      %dma_wait3A = arith.constant 0 : i32
      %dma_wait3A_63 = arith.constant 0 : i32
      %dma_wait3A_64 = arith.constant 0 : i32
      %dma_wait3A_65 = tpu.memref_slice %arg9[%dma_wait3A_63, %dma_wait3A_64] : memref<256x32xf32, #tpu.memory_space<vmem>> -> memref<128x32xf32, #tpu.memory_space<vmem>>
      %dma_wait3A_66 = arith.constant 0 : i32
      %dma_wait3A_67 = tpu.memref_slice %arg7[%dma_wait3A, %dma_wait3A_66] : memref<2x128xi32, #tpu.memory_space<vmem>> -> memref<1x128xi32, #tpu.memory_space<vmem>>
      %dma_wait3A_68 = tpu.memref_squeeze %dma_wait3A_67 : memref<1x128xi32, #tpu.memory_space<vmem>> -> memref<128xi32, #tpu.memory_space<vmem>>
      %dma_wait3A_69 = arith.constant 0 : i32
      %dma_wait3A_70 = arith.constant 0 : i32
      %dma_wait3A_71 = tpu.memref_slice %arg2[%dma_wait3A_69, %dma_wait3A_70] : memref<20000x32xf32, #tpu.memory_space<hbm>> -> memref<20000x32xf32, #tpu.memory_space<hbm>>
      tpu.wait_indirect_dma semaphore(%arg11 : memref<!tpu.dma_semaphore, #tpu.memory_space<semaphore_mem>>) src(%dma_wait3A_71 : memref<20000x32xf32, #tpu.memory_space<hbm>>) dst(%dma_wait3A_65 : memref<128x32xf32, #tpu.memory_space<vmem>>)
      %dma_wait3A_72 = arith.constant 1 : i32
      %dma_wait3A_73 = arith.constant 128 : i32
      %dma_wait3A_74 = arith.constant 0 : i32
      %dma_wait3A_75 = tpu.memref_slice %arg9[%dma_wait3A_73, %dma_wait3A_74] : memref<256x32xf32, #tpu.memory_space<vmem>> -> memref<128x32xf32, #tpu.memory_space<vmem>>
      %dma_wait3A_76 = arith.constant 0 : i32
      %dma_wait3A_77 = tpu.memref_slice %arg7[%dma_wait3A_72, %dma_wait3A_76] : memref<2x128xi32, #tpu.memory_space<vmem>> -> memref<1x128xi32, #tpu.memory_space<vmem>>
      %dma_wait3A_78 = tpu.memref_squeeze %dma_wait3A_77 : memref<1x128xi32, #tpu.memory_space<vmem>> -> memref<128xi32, #tpu.memory_space<vmem>>
      %dma_wait3A_79 = arith.constant 0 : i32
      %dma_wait3A_80 = arith.constant 0 : i32
      %dma_wait3A_81 = tpu.memref_slice %arg2[%dma_wait3A_79, %dma_wait3A_80] : memref<20000x32xf32, #tpu.memory_space<hbm>> -> memref<20000x32xf32, #tpu.memory_space<hbm>>
      tpu.wait_indirect_dma semaphore(%arg11 : memref<!tpu.dma_semaphore, #tpu.memory_space<semaphore_mem>>) src(%dma_wait3A_81 : memref<20000x32xf32, #tpu.memory_space<hbm>>) dst(%dma_wait3A_75 : memref<128x32xf32, #tpu.memory_space<vmem>>)
      %scan3A_82 = arith.constant 0 : i32
      %scan3A_83 = arith.constant 0 : i32
      %scan3A_84 = arith.constant 64 : i32
      %scan3A_85 = arith.addi %scan3A_83, %scan3A_84 : i32
      %scan3A_86 = arith.constant 1 : i32
      scf.for %scan3A_128 = %scan3A_83 to %scan3A_85 step %scan3A_86  : i32 {
        %mul3A_129 = arith.constant 4 : i32
        %mul3A_130 = arith.muli %scan3A_128, %mul3A_129 : i32
        %add3A_131 = arith.constant 0 : i32
        %add3A_132 = arith.addi %mul3A_130, %add3A_131 : i32
        %get3A = arith.index_cast %add3A_132 : i32 to index
        %get3A_133 = arith.constant 0 : index
        %get3A_134 = tpu.vector_load %arg9[%get3A, %get3A_133] {strides = array<i32>} : memref<256x32xf32, #tpu.memory_space<vmem>>, vector<1x16xf32>,
        %get3A_135 = vector.shape_cast %get3A_134 : vector<1x16xf32> to vector<16xf32>
        %get3A_136 = arith.index_cast %add3A_132 : i32 to index
        %get3A_137 = arith.constant 0 : index
        %get3A_138 = tpu.vector_load %arg10[%get3A_136, %get3A_137] {strides = array<i32>} : memref<256x32xf32, #tpu.memory_space<vmem>>, vector<1x16xf32>,
        %get3A_139 = vector.shape_cast %get3A_138 : vector<1x16xf32> to vector<16xf32>
        %add3A_140 = arith.addf %get3A_135, %get3A_139 : vector<16xf32>
        %max3A = arith.constant 0.000000e+00 : f32
        %max3A_141 = vector.broadcast %max3A : f32 to vector<16xf32>
        %max3A_142 = arith.maximumf %add3A_140, %max3A_141 : vector<16xf32>
        %swap3A = arith.index_cast %add3A_132 : i32 to index
        %swap3A_143 = arith.constant 0 : index
        %swap3A_144 = tpu.vector_load %arg9[%swap3A, %swap3A_143] {strides = array<i32>} : memref<256x32xf32, #tpu.memory_space<vmem>>, vector<1x16xf32>,
        %swap3A_145 = vector.shape_cast %swap3A_144 : vector<1x16xf32> to vector<16xf32>
        %swap3A_146 = vector.shape_cast %max3A_142 : vector<16xf32> to vector<1x16xf32>
        tpu.vector_store %arg9[%swap3A, %swap3A_143], %swap3A_146 {strides = array<i32>} : memref<256x32xf32, #tpu.memory_space<vmem>>, vector<1x16xf32>,
        %get3A_147 = arith.index_cast %add3A_132 : i32 to index
        %get3A_148 = arith.constant 16 : index
        %get3A_149 = tpu.vector_load %arg9[%get3A_147, %get3A_148] {strides = array<i32>} : memref<256x32xf32, #tpu.memory_space<vmem>>, vector<1x16xf32>,
        %get3A_150 = vector.shape_cast %get3A_149 : vector<1x16xf32> to vector<16xf32>
        %get3A_151 = arith.index_cast %add3A_132 : i32 to index
        %get3A_152 = arith.constant 16 : index
        %get3A_153 = tpu.vector_load %arg10[%get3A_151, %get3A_152] {strides = array<i32>} : memref<256x32xf32, #tpu.memory_space<vmem>>, vector<1x16xf32>,
        %get3A_154 = vector.shape_cast %get3A_153 : vector<1x16xf32> to vector<16xf32>
        %add3A_155 = arith.addf %get3A_150, %get3A_154 : vector<16xf32>
        %max3A_156 = arith.constant 0.000000e+00 : f32
        %max3A_157 = vector.broadcast %max3A_156 : f32 to vector<16xf32>
        %max3A_158 = arith.maximumf %add3A_155, %max3A_157 : vector<16xf32>
        %swap3A_159 = arith.index_cast %add3A_132 : i32 to index
        %swap3A_160 = arith.constant 16 : index
        %swap3A_161 = tpu.vector_load %arg9[%swap3A_159, %swap3A_160] {strides = array<i32>} : memref<256x32xf32, #tpu.memory_space<vmem>>, vector<1x16xf32>,
        %swap3A_162 = vector.shape_cast %swap3A_161 : vector<1x16xf32> to vector<16xf32>
        %swap3A_163 = vector.shape_cast %max3A_158 : vector<16xf32> to vector<1x16xf32>
        tpu.vector_store %arg9[%swap3A_159, %swap3A_160], %swap3A_163 {strides = array<i32>} : memref<256x32xf32, #tpu.memory_space<vmem>>, vector<1x16xf32>,
        %mul3A_164 = arith.constant 4 : i32
        %mul3A_165 = arith.muli %scan3A_128, %mul3A_164 : i32
        %add3A_166 = arith.constant 1 : i32
        %add3A_167 = arith.addi %mul3A_165, %add3A_166 : i32
        %get3A_168 = arith.index_cast %add3A_167 : i32 to index
        %get3A_169 = arith.constant 0 : index
        %get3A_170 = tpu.vector_load %arg9[%get3A_168, %get3A_169] {strides = array<i32>} : memref<256x32xf32, #tpu.memory_space<vmem>>, vector<1x16xf32>,
        %get3A_171 = vector.shape_cast %get3A_170 : vector<1x16xf32> to vector<16xf32>
        %get3A_172 = arith.index_cast %add3A_167 : i32 to index
        %get3A_173 = arith.constant 0 : index
        %get3A_174 = tpu.vector_load %arg10[%get3A_172, %get3A_173] {strides = array<i32>} : memref<256x32xf32, #tpu.memory_space<vmem>>, vector<1x16xf32>,
        %get3A_175 = vector.shape_cast %get3A_174 : vector<1x16xf32> to vector<16xf32>
        %add3A_176 = arith.addf %get3A_171, %get3A_175 : vector<16xf32>
        %max3A_177 = arith.constant 0.000000e+00 : f32
        %max3A_178 = vector.broadcast %max3A_177 : f32 to vector<16xf32>
        %max3A_179 = arith.maximumf %add3A_176, %max3A_178 : vector<16xf32>
        %swap3A_180 = arith.index_cast %add3A_167 : i32 to index
        %swap3A_181 = arith.constant 0 : index
        %swap3A_182 = tpu.vector_load %arg9[%swap3A_180, %swap3A_181] {strides = array<i32>} : memref<256x32xf32, #tpu.memory_space<vmem>>, vector<1x16xf32>,
        %swap3A_183 = vector.shape_cast %swap3A_182 : vector<1x16xf32> to vector<16xf32>
        %swap3A_184 = vector.shape_cast %max3A_179 : vector<16xf32> to vector<1x16xf32>
        tpu.vector_store %arg9[%swap3A_180, %swap3A_181], %swap3A_184 {strides = array<i32>} : memref<256x32xf32, #tpu.memory_space<vmem>>, vector<1x16xf32>,
        %get3A_185 = arith.index_cast %add3A_167 : i32 to index
        %get3A_186 = arith.constant 16 : index
        %get3A_187 = tpu.vector_load %arg9[%get3A_185, %get3A_186] {strides = array<i32>} : memref<256x32xf32, #tpu.memory_space<vmem>>, vector<1x16xf32>,
        %get3A_188 = vector.shape_cast %get3A_187 : vector<1x16xf32> to vector<16xf32>
        %get3A_189 = arith.index_cast %add3A_167 : i32 to index
        %get3A_190 = arith.constant 16 : index
        %get3A_191 = tpu.vector_load %arg10[%get3A_189, %get3A_190] {strides = array<i32>} : memref<256x32xf32, #tpu.memory_space<vmem>>, vector<1x16xf32>,
        %get3A_192 = vector.shape_cast %get3A_191 : vector<1x16xf32> to vector<16xf32>
        %add3A_193 = arith.addf %get3A_188, %get3A_192 : vector<16xf32>
        %max3A_194 = arith.constant 0.000000e+00 : f32
        %max3A_195 = vector.broadcast %max3A_194 : f32 to vector<16xf32>
        %max3A_196 = arith.maximumf %add3A_193, %max3A_195 : vector<16xf32>
        %swap3A_197 = arith.index_cast %add3A_167 : i32 to index
        %swap3A_198 = arith.constant 16 : index
        %swap3A_199 = tpu.vector_load %arg9[%swap3A_197, %swap3A_198] {strides = array<i32>} : memref<256x32xf32, #tpu.memory_space<vmem>>, vector<1x16xf32>,
        %swap3A_200 = vector.shape_cast %swap3A_199 : vector<1x16xf32> to vector<16xf32>
        %swap3A_201 = vector.shape_cast %max3A_196 : vector<16xf32> to vector<1x16xf32>
        tpu.vector_store %arg9[%swap3A_197, %swap3A_198], %swap3A_201 {strides = array<i32>} : memref<256x32xf32, #tpu.memory_space<vmem>>, vector<1x16xf32>,
        %mul3A_202 = arith.constant 4 : i32
        %mul3A_203 = arith.muli %scan3A_128, %mul3A_202 : i32
        %add3A_204 = arith.constant 2 : i32
        %add3A_205 = arith.addi %mul3A_203, %add3A_204 : i32
        %get3A_206 = arith.index_cast %add3A_205 : i32 to index
        %get3A_207 = arith.constant 0 : index
        %get3A_208 = tpu.vector_load %arg9[%get3A_206, %get3A_207] {strides = array<i32>} : memref<256x32xf32, #tpu.memory_space<vmem>>, vector<1x16xf32>,
        %get3A_209 = vector.shape_cast %get3A_208 : vector<1x16xf32> to vector<16xf32>
        %get3A_210 = arith.index_cast %add3A_205 : i32 to index
        %get3A_211 = arith.constant 0 : index
        %get3A_212 = tpu.vector_load %arg10[%get3A_210, %get3A_211] {strides = array<i32>} : memref<256x32xf32, #tpu.memory_space<vmem>>, vector<1x16xf32>,
        %get3A_213 = vector.shape_cast %get3A_212 : vector<1x16xf32> to vector<16xf32>
        %add3A_214 = arith.addf %get3A_209, %get3A_213 : vector<16xf32>
        %max3A_215 = arith.constant 0.000000e+00 : f32
        %max3A_216 = vector.broadcast %max3A_215 : f32 to vector<16xf32>
        %max3A_217 = arith.maximumf %add3A_214, %max3A_216 : vector<16xf32>
        %swap3A_218 = arith.index_cast %add3A_205 : i32 to index
        %swap3A_219 = arith.constant 0 : index
        %swap3A_220 = tpu.vector_load %arg9[%swap3A_218, %swap3A_219] {strides = array<i32>} : memref<256x32xf32, #tpu.memory_space<vmem>>, vector<1x16xf32>,
        %swap3A_221 = vector.shape_cast %swap3A_220 : vector<1x16xf32> to vector<16xf32>
        %swap3A_222 = vector.shape_cast %max3A_217 : vector<16xf32> to vector<1x16xf32>
        tpu.vector_store %arg9[%swap3A_218, %swap3A_219], %swap3A_222 {strides = array<i32>} : memref<256x32xf32, #tpu.memory_space<vmem>>, vector<1x16xf32>,
        %get3A_223 = arith.index_cast %add3A_205 : i32 to index
        %get3A_224 = arith.constant 16 : index
        %get3A_225 = tpu.vector_load %arg9[%get3A_223, %get3A_224] {strides = array<i32>} : memref<256x32xf32, #tpu.memory_space<vmem>>, vector<1x16xf32>,
        %get3A_226 = vector.shape_cast %get3A_225 : vector<1x16xf32> to vector<16xf32>
        %get3A_227 = arith.index_cast %add3A_205 : i32 to index
        %get3A_228 = arith.constant 16 : index
        %get3A_229 = tpu.vector_load %arg10[%get3A_227, %get3A_228] {strides = array<i32>} : memref<256x32xf32, #tpu.memory_space<vmem>>, vector<1x16xf32>,
        %get3A_230 = vector.shape_cast %get3A_229 : vector<1x16xf32> to vector<16xf32>
        %add3A_231 = arith.addf %get3A_226, %get3A_230 : vector<16xf32>
        %max3A_232 = arith.constant 0.000000e+00 : f32
        %max3A_233 = vector.broadcast %max3A_232 : f32 to vector<16xf32>
        %max3A_234 = arith.maximumf %add3A_231, %max3A_233 : vector<16xf32>
        %swap3A_235 = arith.index_cast %add3A_205 : i32 to index
        %swap3A_236 = arith.constant 16 : index
        %swap3A_237 = tpu.vector_load %arg9[%swap3A_235, %swap3A_236] {strides = array<i32>} : memref<256x32xf32, #tpu.memory_space<vmem>>, vector<1x16xf32>,
        %swap3A_238 = vector.shape_cast %swap3A_237 : vector<1x16xf32> to vector<16xf32>
        %swap3A_239 = vector.shape_cast %max3A_234 : vector<16xf32> to vector<1x16xf32>
        tpu.vector_store %arg9[%swap3A_235, %swap3A_236], %swap3A_239 {strides = array<i32>} : memref<256x32xf32, #tpu.memory_space<vmem>>, vector<1x16xf32>,
        %mul3A_240 = arith.constant 4 : i32
        %mul3A_241 = arith.muli %scan3A_128, %mul3A_240 : i32
        %add3A_242 = arith.constant 3 : i32
        %add3A_243 = arith.addi %mul3A_241, %add3A_242 : i32
        %get3A_244 = arith.index_cast %add3A_243 : i32 to index
        %get3A_245 = arith.constant 0 : index
        %get3A_246 = tpu.vector_load %arg9[%get3A_244, %get3A_245] {strides = array<i32>} : memref<256x32xf32, #tpu.memory_space<vmem>>, vector<1x16xf32>,
        %get3A_247 = vector.shape_cast %get3A_246 : vector<1x16xf32> to vector<16xf32>
        %get3A_248 = arith.index_cast %add3A_243 : i32 to index
        %get3A_249 = arith.constant 0 : index
        %get3A_250 = tpu.vector_load %arg10[%get3A_248, %get3A_249] {strides = array<i32>} : memref<256x32xf32, #tpu.memory_space<vmem>>, vector<1x16xf32>,
        %get3A_251 = vector.shape_cast %get3A_250 : vector<1x16xf32> to vector<16xf32>
        %add3A_252 = arith.addf %get3A_247, %get3A_251 : vector<16xf32>
        %max3A_253 = arith.constant 0.000000e+00 : f32
        %max3A_254 = vector.broadcast %max3A_253 : f32 to vector<16xf32>
        %max3A_255 = arith.maximumf %add3A_252, %max3A_254 : vector<16xf32>
        %swap3A_256 = arith.index_cast %add3A_243 : i32 to index
        %swap3A_257 = arith.constant 0 : index
        %swap3A_258 = tpu.vector_load %arg9[%swap3A_256, %swap3A_257] {strides = array<i32>} : memref<256x32xf32, #tpu.memory_space<vmem>>, vector<1x16xf32>,
        %swap3A_259 = vector.shape_cast %swap3A_258 : vector<1x16xf32> to vector<16xf32>
        %swap3A_260 = vector.shape_cast %max3A_255 : vector<16xf32> to vector<1x16xf32>
        tpu.vector_store %arg9[%swap3A_256, %swap3A_257], %swap3A_260 {strides = array<i32>} : memref<256x32xf32, #tpu.memory_space<vmem>>, vector<1x16xf32>,
        %get3A_261 = arith.index_cast %add3A_243 : i32 to index
        %get3A_262 = arith.constant 16 : index
        %get3A_263 = tpu.vector_load %arg9[%get3A_261, %get3A_262] {strides = array<i32>} : memref<256x32xf32, #tpu.memory_space<vmem>>, vector<1x16xf32>,
        %get3A_264 = vector.shape_cast %get3A_263 : vector<1x16xf32> to vector<16xf32>
        %get3A_265 = arith.index_cast %add3A_243 : i32 to index
        %get3A_266 = arith.constant 16 : index
        %get3A_267 = tpu.vector_load %arg10[%get3A_265, %get3A_266] {strides = array<i32>} : memref<256x32xf32, #tpu.memory_space<vmem>>, vector<1x16xf32>,
        %get3A_268 = vector.shape_cast %get3A_267 : vector<1x16xf32> to vector<16xf32>
        %add3A_269 = arith.addf %get3A_264, %get3A_268 : vector<16xf32>
        %max3A_270 = arith.constant 0.000000e+00 : f32
        %max3A_271 = vector.broadcast %max3A_270 : f32 to vector<16xf32>
        %max3A_272 = arith.maximumf %add3A_269, %max3A_271 : vector<16xf32>
        %swap3A_273 = arith.index_cast %add3A_243 : i32 to index
        %swap3A_274 = arith.constant 16 : index
        %swap3A_275 = tpu.vector_load %arg9[%swap3A_273, %swap3A_274] {strides = array<i32>} : memref<256x32xf32, #tpu.memory_space<vmem>>, vector<1x16xf32>,
        %swap3A_276 = vector.shape_cast %swap3A_275 : vector<1x16xf32> to vector<16xf32>
        %swap3A_277 = vector.shape_cast %max3A_272 : vector<16xf32> to vector<1x16xf32>
        tpu.vector_store %arg9[%swap3A_273, %swap3A_274], %swap3A_277 {strides = array<i32>} : memref<256x32xf32, #tpu.memory_space<vmem>>, vector<1x16xf32>,
      }
      %scan3A_87 = arith.constant 64 : i32
      %dma_start3A_88 = arith.constant 0 : i32
      %dma_start3A_89 = arith.constant 0 : i32
      %dma_start3A_90 = arith.constant 0 : i32
      %dma_start3A_91 = tpu.memref_slice %arg9[%dma_start3A_89, %dma_start3A_90] : memref<256x32xf32, #tpu.memory_space<vmem>> -> memref<128x32xf32, #tpu.memory_space<vmem>>
      %dma_start3A_92 = arith.constant 0 : i32
      %dma_start3A_93 = tpu.memref_slice %arg8[%dma_start3A_88, %dma_start3A_92] : memref<2x128xi32, #tpu.memory_space<vmem>> -> memref<1x128xi32, #tpu.memory_space<vmem>>
      %dma_start3A_94 = tpu.memref_squeeze %dma_start3A_93 : memref<1x128xi32, #tpu.memory_space<vmem>> -> memref<128xi32, #tpu.memory_space<vmem>>
      %dma_start3A_95 = arith.constant 0 : i32
      %dma_start3A_96 = arith.constant 0 : i32
      %dma_start3A_97 = tpu.memref_slice %arg13[%dma_start3A_95, %dma_start3A_96] : memref<10240x32xf32, #tpu.memory_space<vmem_shared>> -> memref<10240x32xf32, #tpu.memory_space<vmem_shared>>
      tpu.enqueue_indirect_dma source(%dma_start3A_91 : memref<128x32xf32, #tpu.memory_space<vmem>>) target(%dma_start3A_97 : memref<10240x32xf32, #tpu.memory_space<vmem_shared>>) offsets(%dma_start3A_94 : memref<128xi32, #tpu.memory_space<vmem>>) semaphore(%arg12 : memref<!tpu.dma_semaphore, #tpu.memory_space<semaphore_mem>>) {add = true}
      %dma_start3A_98 = arith.constant 1 : i32
      %dma_start3A_99 = arith.constant 128 : i32
      %dma_start3A_100 = arith.constant 0 : i32
      %dma_start3A_101 = tpu.memref_slice %arg9[%dma_start3A_99, %dma_start3A_100] : memref<256x32xf32, #tpu.memory_space<vmem>> -> memref<128x32xf32, #tpu.memory_space<vmem>>
      %dma_start3A_102 = arith.constant 0 : i32
      %dma_start3A_103 = tpu.memref_slice %arg8[%dma_start3A_98, %dma_start3A_102] : memref<2x128xi32, #tpu.memory_space<vmem>> -> memref<1x128xi32, #tpu.memory_space<vmem>>
      %dma_start3A_104 = tpu.memref_squeeze %dma_start3A_103 : memref<1x128xi32, #tpu.memory_space<vmem>> -> memref<128xi32, #tpu.memory_space<vmem>>
      %dma_start3A_105 = arith.constant 0 : i32
      %dma_start3A_106 = arith.constant 0 : i32
      %dma_start3A_107 = tpu.memref_slice %arg13[%dma_start3A_105, %dma_start3A_106] : memref<10240x32xf32, #tpu.memory_space<vmem_shared>> -> memref<10240x32xf32, #tpu.memory_space<vmem_shared>>
      tpu.enqueue_indirect_dma source(%dma_start3A_101 : memref<128x32xf32, #tpu.memory_space<vmem>>) target(%dma_start3A_107 : memref<10240x32xf32, #tpu.memory_space<vmem_shared>>) offsets(%dma_start3A_104 : memref<128xi32, #tpu.memory_space<vmem>>) semaphore(%arg12 : memref<!tpu.dma_semaphore, #tpu.memory_space<semaphore_mem>>) {add = true}
      %dma_wait3A_108 = arith.constant 0 : i32
      %dma_wait3A_109 = arith.constant 0 : i32
      %dma_wait3A_110 = arith.constant 0 : i32
      %dma_wait3A_111 = tpu.memref_slice %arg9[%dma_wait3A_109, %dma_wait3A_110] : memref<256x32xf32, #tpu.memory_space<vmem>> -> memref<128x32xf32, #tpu.memory_space<vmem>>
      %dma_wait3A_112 = arith.constant 0 : i32
      %dma_wait3A_113 = tpu.memref_slice %arg8[%dma_wait3A_108, %dma_wait3A_112] : memref<2x128xi32, #tpu.memory_space<vmem>> -> memref<1x128xi32, #tpu.memory_space<vmem>>
      %dma_wait3A_114 = tpu.memref_squeeze %dma_wait3A_113 : memref<1x128xi32, #tpu.memory_space<vmem>> -> memref<128xi32, #tpu.memory_space<vmem>>
      %dma_wait3A_115 = arith.constant 0 : i32
      %dma_wait3A_116 = arith.constant 0 : i32
      %dma_wait3A_117 = tpu.memref_slice %arg13[%dma_wait3A_115, %dma_wait3A_116] : memref<10240x32xf32, #tpu.memory_space<vmem_shared>> -> memref<10240x32xf32, #tpu.memory_space<vmem_shared>>
      tpu.wait_indirect_dma semaphore(%arg12 : memref<!tpu.dma_semaphore, #tpu.memory_space<semaphore_mem>>) src(%dma_wait3A_111 : memref<128x32xf32, #tpu.memory_space<vmem>>) dst(%dma_wait3A_117 : memref<10240x32xf32, #tpu.memory_space<vmem_shared>>)
      %dma_wait3A_118 = arith.constant 1 : i32
      %dma_wait3A_119 = arith.constant 128 : i32
      %dma_wait3A_120 = arith.constant 0 : i32
      %dma_wait3A_121 = tpu.memref_slice %arg9[%dma_wait3A_119, %dma_wait3A_120] : memref<256x32xf32, #tpu.memory_space<vmem>> -> memref<128x32xf32, #tpu.memory_space<vmem>>
      %dma_wait3A_122 = arith.constant 0 : i32
      %dma_wait3A_123 = tpu.memref_slice %arg8[%dma_wait3A_118, %dma_wait3A_122] : memref<2x128xi32, #tpu.memory_space<vmem>> -> memref<1x128xi32, #tpu.memory_space<vmem>>
      %dma_wait3A_124 = tpu.memref_squeeze %dma_wait3A_123 : memref<1x128xi32, #tpu.memory_space<vmem>> -> memref<128xi32, #tpu.memory_space<vmem>>
      %dma_wait3A_125 = arith.constant 0 : i32
      %dma_wait3A_126 = arith.constant 0 : i32
      %dma_wait3A_127 = tpu.memref_slice %arg13[%dma_wait3A_125, %dma_wait3A_126] : memref<10240x32xf32, #tpu.memory_space<vmem_shared>> -> memref<10240x32xf32, #tpu.memory_space<vmem_shared>>
      tpu.wait_indirect_dma semaphore(%arg12 : memref<!tpu.dma_semaphore, #tpu.memory_space<semaphore_mem>>) src(%dma_wait3A_121 : memref<128x32xf32, #tpu.memory_space<vmem>>) dst(%dma_wait3A_127 : memref<10240x32xf32, #tpu.memory_space<vmem_shared>>)
    }
    %scan3A_16 = arith.constant 10 : i32
    %barrier3A_17 = arith.constant 0 : index
    tpu.barrier barrier_id(%barrier3A_17)
    %scan3A_18 = arith.constant 0 : i32
    %scan3A_19 = arith.constant 0 : i32
    %scan3A_20 = arith.constant 4 : i32
    %scan3A_21 = arith.addi %scan3A_19, %scan3A_20 : i32
    %scan3A_22 = arith.constant 1 : i32
    scf.for %scan3A_24 = %scan3A_19 to %scan3A_21 step %scan3A_22  : i32 {
      %mul3A = arith.constant 640 : i32
      %mul3A_25 = arith.muli %arg1, %mul3A : i32
      %mul3A_26 = arith.constant 160 : i32
      %mul3A_27 = arith.muli %scan3A_24, %mul3A_26 : i32
      %add3A = arith.addi %mul3A_25, %mul3A_27 : i32
      "tpu.region"() ({
        %run_scoped3A = tpu.sem_alloc : memref<!tpu.dma_semaphore, #tpu.memory_space<semaphore_mem>>
        %dma_start3A = arith.constant 0 : i32
        %dma_start3A_28 = tpu.memref_slice %arg6[%add3A, %arg0, %dma_start3A] : memref<10240x2x32xf32, #tpu.memory_space<hbm>> -> memref<160x1x32xf32, #tpu.memory_space<hbm>>
        %dma_start3A_29 = tpu.memref_squeeze %dma_start3A_28 : memref<160x1x32xf32, #tpu.memory_space<hbm>> -> memref<160x32xf32, #tpu.memory_space<hbm>>
        %dma_start3A_30 = arith.constant 0 : i32
        %dma_start3A_31 = tpu.memref_slice %arg13[%add3A, %dma_start3A_30] : memref<10240x32xf32, #tpu.memory_space<vmem_shared>> -> memref<160x32xf32, #tpu.memory_space<vmem_shared>>
        tpu.enqueue_dma source(%dma_start3A_31 : memref<160x32xf32, #tpu.memory_space<vmem_shared>>) target(%dma_start3A_29 : memref<160x32xf32, #tpu.memory_space<hbm>>) target_semaphore(%run_scoped3A : memref<!tpu.dma_semaphore, #tpu.memory_space<semaphore_mem>>)
        %dma_wait3A = arith.constant 0 : i32
        %dma_wait3A_32 = tpu.memref_slice %arg6[%add3A, %arg0, %dma_wait3A] : memref<10240x2x32xf32, #tpu.memory_space<hbm>> -> memref<160x1x32xf32, #tpu.memory_space<hbm>>
        %dma_wait3A_33 = tpu.memref_squeeze %dma_wait3A_32 : memref<160x1x32xf32, #tpu.memory_space<hbm>> -> memref<160x32xf32, #tpu.memory_space<hbm>>
        %dma_wait3A_34 = arith.constant 0 : i32
        %dma_wait3A_35 = tpu.memref_slice %arg13[%add3A, %dma_wait3A_34] : memref<10240x32xf32, #tpu.memory_space<vmem_shared>> -> memref<160x32xf32, #tpu.memory_space<vmem_shared>>
        tpu.wait_dma2 semaphore(%run_scoped3A : memref<!tpu.dma_semaphore, #tpu.memory_space<semaphore_mem>>) src(%dma_wait3A_35 : memref<160x32xf32, #tpu.memory_space<vmem_shared>>) dst(%dma_wait3A_33 : memref<160x32xf32, #tpu.memory_space<hbm>>)
        tpu.yield
      }) : () -> ()
    }
    %scan3A_23 = arith.constant 4 : i32
    return
  }
}

module attributes {stable_mosaic.version = 14 : i64} {
  func.func @body(%arg0: i32, %arg1: memref<2000x128xf32, #tpu.memory_space<vmem>>, %arg2: memref<128x64xf32, #tpu.memory_space<vmem>>, %arg3: memref<1x64xf32, #tpu.memory_space<vmem>>, %arg4: memref<2000x64xf32, #tpu.memory_space<vmem>>) attributes {dimension_semantics = [#tpu.dimension_semantics<arbitrary>], iteration_bounds = array<i64: 25>, scalar_prefetch = 0 : i64, scratch_operands = 0 : i64, tpu.core_type = #tpu.core_type<tc>, window_params = [{transform_indices = @transform_0, window_bounds = array<i64: 2000, 128>}, {pipeline_mode = #tpu.pipeline_mode<synchronous>, transform_indices = @transform_1, window_bounds = array<i64: 128, 64>}, {pipeline_mode = #tpu.pipeline_mode<synchronous>, transform_indices = @transform_2, window_bounds = array<i64: 1, 64>}, {transform_indices = @transform_3, window_bounds = array<i64: 2000, 64>}]} {
    %get3A = arith.constant 0 : index
    %get3A_0 = arith.constant 0 : index
    %get3A_1 = vector.load %arg1[%get3A, %get3A_0] : memref<2000x128xf32, #tpu.memory_space<vmem>>, vector<2000x128xf32>
    %get3A_2 = arith.constant 0 : index
    %get3A_3 = arith.constant 0 : index
    %get3A_4 = vector.load %arg2[%get3A_2, %get3A_3] : memref<128x64xf32, #tpu.memory_space<vmem>>, vector<128x64xf32>
    %dot_general3A = arith.constant dense<0.000000e+00> : vector<2000x64xf32>
    %dot_general3A_5 = tpu.matmul %get3A_1, %get3A_4, %dot_general3A {dimension_numbers = #tpu.dot_dimension_numbers<[1], [0], [0], [1], [0, 0, 1, 1], [], []>, transpose_lhs_hint = false} : vector<2000x128xf32>, vector<128x64xf32>, vector<2000x64xf32> -> vector<2000x64xf32>
    %get3A_6 = arith.constant 0 : index
    %get3A_7 = arith.constant 0 : index
    %get3A_8 = vector.load %arg3[%get3A_6, %get3A_7] : memref<1x64xf32, #tpu.memory_space<vmem>>, vector<1x64xf32>
    %add3A = vector.broadcast %get3A_8 : vector<1x64xf32> to vector<2000x64xf32>
    %add3A_9 = arith.addf %dot_general3A_5, %add3A : vector<2000x64xf32>
    %max3A = arith.constant 0.000000e+00 : f32
    %max3A_10 = vector.broadcast %max3A : f32 to vector<2000x64xf32>
    %max3A_11 = arith.maximumf %add3A_9, %max3A_10 : vector<2000x64xf32>
    %swap3A = arith.constant 0 : index
    %swap3A_12 = arith.constant 0 : index
    %swap3A_13 = vector.load %arg4[%swap3A, %swap3A_12] : memref<2000x64xf32, #tpu.memory_space<vmem>>, vector<2000x64xf32>
    tpu.vector_store %arg4[%swap3A, %swap3A_12], %max3A_11 {strides = array<i32>} : memref<2000x64xf32, #tpu.memory_space<vmem>>, vector<2000x64xf32>,
    return
  }
  func.func @transform_0(%arg0: i32) -> (i32, i32) {
    %c0_i32 = arith.constant 0 : i32
    %c0_i32_0 = arith.constant 0 : i32
    return %arg0, %c0_i32 : i32, i32
  }
  func.func @transform_1(%arg0: i32) -> (i32, i32) {
    %c0_i32 = arith.constant 0 : i32
    %c0_i32_0 = arith.constant 0 : i32
    %c0_i32_1 = arith.constant 0 : i32
    return %c0_i32, %c0_i32_0 : i32, i32
  }
  func.func @transform_2(%arg0: i32) -> (i32, i32) {
    %c0_i32 = arith.constant 0 : i32
    %c0_i32_0 = arith.constant 0 : i32
    %c0_i32_1 = arith.constant 0 : i32
    return %c0_i32, %c0_i32_0 : i32, i32
  }
  func.func @transform_3(%arg0: i32) -> (i32, i32) {
    %c0_i32 = arith.constant 0 : i32
    %c0_i32_0 = arith.constant 0 : i32
    return %arg0, %c0_i32 : i32, i32
  }
}

module attributes {stable_mosaic.version = 14 : i64} {
  func.func @body(%arg0: i32, %arg1: memref<1600x16xf32, #tpu.memory_space<vmem>>, %arg2: memref<16x64xf32, #tpu.memory_space<vmem>>, %arg3: memref<1x64xf32, #tpu.memory_space<vmem>>, %arg4: memref<1600x64xf32, #tpu.memory_space<vmem>>) attributes {dimension_semantics = [#tpu.dimension_semantics<arbitrary>], iteration_bounds = array<i64: 500>, scalar_prefetch = 0 : i64, scratch_operands = 0 : i64, tpu.core_type = #tpu.core_type<tc>, window_params = [{transform_indices = @transform_0, window_bounds = array<i64: 1600, 16>}, {pipeline_mode = #tpu.pipeline_mode<synchronous>, transform_indices = @transform_1, window_bounds = array<i64: 16, 64>}, {pipeline_mode = #tpu.pipeline_mode<synchronous>, transform_indices = @transform_2, window_bounds = array<i64: 1, 64>}, {transform_indices = @transform_3, window_bounds = array<i64: 1600, 64>}]} {
    %get3A = arith.constant 0 : index
    %get3A_0 = arith.constant 0 : index
    %get3A_1 = vector.load %arg1[%get3A, %get3A_0] : memref<1600x16xf32, #tpu.memory_space<vmem>>, vector<1600x16xf32>
    %get3A_2 = arith.constant 0 : index
    %get3A_3 = arith.constant 0 : index
    %get3A_4 = vector.load %arg2[%get3A_2, %get3A_3] : memref<16x64xf32, #tpu.memory_space<vmem>>, vector<16x64xf32>
    %dot_general3A = arith.constant dense<0.000000e+00> : vector<1600x64xf32>
    %dot_general3A_5 = tpu.matmul %get3A_1, %get3A_4, %dot_general3A {dimension_numbers = #tpu.dot_dimension_numbers<[1], [0], [0], [1], [0, 0, 1, 1], [], []>, transpose_lhs_hint = false} : vector<1600x16xf32>, vector<16x64xf32>, vector<1600x64xf32> -> vector<1600x64xf32>
    %get3A_6 = arith.constant 0 : index
    %get3A_7 = arith.constant 0 : index
    %get3A_8 = vector.load %arg3[%get3A_6, %get3A_7] : memref<1x64xf32, #tpu.memory_space<vmem>>, vector<1x64xf32>
    %add3A = vector.broadcast %get3A_8 : vector<1x64xf32> to vector<1600x64xf32>
    %add3A_9 = arith.addf %dot_general3A_5, %add3A : vector<1600x64xf32>
    %max3A = arith.constant 0.000000e+00 : f32
    %max3A_10 = vector.broadcast %max3A : f32 to vector<1600x64xf32>
    %max3A_11 = arith.maximumf %add3A_9, %max3A_10 : vector<1600x64xf32>
    %swap3A = arith.constant 0 : index
    %swap3A_12 = arith.constant 0 : index
    %swap3A_13 = vector.load %arg4[%swap3A, %swap3A_12] : memref<1600x64xf32, #tpu.memory_space<vmem>>, vector<1600x64xf32>
    tpu.vector_store %arg4[%swap3A, %swap3A_12], %max3A_11 {strides = array<i32>} : memref<1600x64xf32, #tpu.memory_space<vmem>>, vector<1600x64xf32>,
    return
  }
  func.func @transform_0(%arg0: i32) -> (i32, i32) {
    %c0_i32 = arith.constant 0 : i32
    %c0_i32_0 = arith.constant 0 : i32
    return %arg0, %c0_i32 : i32, i32
  }
  func.func @transform_1(%arg0: i32) -> (i32, i32) {
    %c0_i32 = arith.constant 0 : i32
    %c0_i32_0 = arith.constant 0 : i32
    %c0_i32_1 = arith.constant 0 : i32
    return %c0_i32, %c0_i32_0 : i32, i32
  }
  func.func @transform_2(%arg0: i32) -> (i32, i32) {
    %c0_i32 = arith.constant 0 : i32
    %c0_i32_0 = arith.constant 0 : i32
    %c0_i32_1 = arith.constant 0 : i32
    return %c0_i32, %c0_i32_0 : i32, i32
  }
  func.func @transform_3(%arg0: i32) -> (i32, i32) {
    %c0_i32 = arith.constant 0 : i32
    %c0_i32_0 = arith.constant 0 : i32
    return %arg0, %c0_i32 : i32, i32
  }
}

module attributes {stable_mosaic.version = 14 : i64} {
  func.func @body(%arg0: i32, %arg1: memref<2000x64xf32, #tpu.memory_space<vmem>>, %arg2: memref<2000x64xf32, #tpu.memory_space<vmem>>, %arg3: memref<64x64xf32, #tpu.memory_space<vmem>>, %arg4: memref<1x64xf32, #tpu.memory_space<vmem>>, %arg5: memref<64x64xf32, #tpu.memory_space<vmem>>, %arg6: memref<1x64xf32, #tpu.memory_space<vmem>>, %arg7: memref<2000x64xf32, #tpu.memory_space<vmem>>) attributes {dimension_semantics = [#tpu.dimension_semantics<arbitrary>], iteration_bounds = array<i64: 25>, scalar_prefetch = 0 : i64, scratch_operands = 0 : i64, tpu.core_type = #tpu.core_type<tc>, window_params = [{transform_indices = @transform_0, window_bounds = array<i64: 2000, 64>}, {transform_indices = @transform_1, window_bounds = array<i64: 2000, 64>}, {pipeline_mode = #tpu.pipeline_mode<synchronous>, transform_indices = @transform_2, window_bounds = array<i64: 64, 64>}, {pipeline_mode = #tpu.pipeline_mode<synchronous>, transform_indices = @transform_3, window_bounds = array<i64: 1, 64>}, {pipeline_mode = #tpu.pipeline_mode<synchronous>, transform_indices = @transform_4, window_bounds = array<i64: 64, 64>}, {pipeline_mode = #tpu.pipeline_mode<synchronous>, transform_indices = @transform_5, window_bounds = array<i64: 1, 64>}, {transform_indices = @transform_6, window_bounds = array<i64: 2000, 64>}]} {
    %get3A = arith.constant 0 : index
    %get3A_0 = arith.constant 0 : index
    %get3A_1 = vector.load %arg1[%get3A, %get3A_0] : memref<2000x64xf32, #tpu.memory_space<vmem>>, vector<2000x64xf32>
    %get3A_2 = arith.constant 0 : index
    %get3A_3 = arith.constant 0 : index
    %get3A_4 = vector.load %arg2[%get3A_2, %get3A_3] : memref<2000x64xf32, #tpu.memory_space<vmem>>, vector<2000x64xf32>
    %add3A = arith.addf %get3A_1, %get3A_4 : vector<2000x64xf32>
    %get3A_5 = arith.constant 0 : index
    %get3A_6 = arith.constant 0 : index
    %get3A_7 = vector.load %arg3[%get3A_5, %get3A_6] : memref<64x64xf32, #tpu.memory_space<vmem>>, vector<64x64xf32>
    %dot_general3A = arith.constant dense<0.000000e+00> : vector<2000x64xf32>
    %dot_general3A_8 = tpu.matmul %add3A, %get3A_7, %dot_general3A {dimension_numbers = #tpu.dot_dimension_numbers<[1], [0], [0], [1], [0, 0, 1, 1], [], []>, transpose_lhs_hint = false} : vector<2000x64xf32>, vector<64x64xf32>, vector<2000x64xf32> -> vector<2000x64xf32>
    %get3A_9 = arith.constant 0 : index
    %get3A_10 = arith.constant 0 : index
    %get3A_11 = vector.load %arg4[%get3A_9, %get3A_10] : memref<1x64xf32, #tpu.memory_space<vmem>>, vector<1x64xf32>
    %add3A_12 = vector.broadcast %get3A_11 : vector<1x64xf32> to vector<2000x64xf32>
    %add3A_13 = arith.addf %dot_general3A_8, %add3A_12 : vector<2000x64xf32>
    %max3A = arith.constant 0.000000e+00 : f32
    %max3A_14 = vector.broadcast %max3A : f32 to vector<2000x64xf32>
    %max3A_15 = arith.maximumf %add3A_13, %max3A_14 : vector<2000x64xf32>
    %get3A_16 = arith.constant 0 : index
    %get3A_17 = arith.constant 0 : index
    %get3A_18 = vector.load %arg5[%get3A_16, %get3A_17] : memref<64x64xf32, #tpu.memory_space<vmem>>, vector<64x64xf32>
    %dot_general3A_19 = arith.constant dense<0.000000e+00> : vector<2000x64xf32>
    %dot_general3A_20 = tpu.matmul %max3A_15, %get3A_18, %dot_general3A_19 {dimension_numbers = #tpu.dot_dimension_numbers<[1], [0], [0], [1], [0, 0, 1, 1], [], []>, transpose_lhs_hint = false} : vector<2000x64xf32>, vector<64x64xf32>, vector<2000x64xf32> -> vector<2000x64xf32>
    %get3A_21 = arith.constant 0 : index
    %get3A_22 = arith.constant 0 : index
    %get3A_23 = vector.load %arg6[%get3A_21, %get3A_22] : memref<1x64xf32, #tpu.memory_space<vmem>>, vector<1x64xf32>
    %add3A_24 = vector.broadcast %get3A_23 : vector<1x64xf32> to vector<2000x64xf32>
    %add3A_25 = arith.addf %dot_general3A_20, %add3A_24 : vector<2000x64xf32>
    %swap3A = arith.constant 0 : index
    %swap3A_26 = arith.constant 0 : index
    %swap3A_27 = vector.load %arg7[%swap3A, %swap3A_26] : memref<2000x64xf32, #tpu.memory_space<vmem>>, vector<2000x64xf32>
    tpu.vector_store %arg7[%swap3A, %swap3A_26], %add3A_25 {strides = array<i32>} : memref<2000x64xf32, #tpu.memory_space<vmem>>, vector<2000x64xf32>,
    return
  }
  func.func @transform_0(%arg0: i32) -> (i32, i32) {
    %c0_i32 = arith.constant 0 : i32
    %c0_i32_0 = arith.constant 0 : i32
    return %arg0, %c0_i32 : i32, i32
  }
  func.func @transform_1(%arg0: i32) -> (i32, i32) {
    %c0_i32 = arith.constant 0 : i32
    %c0_i32_0 = arith.constant 0 : i32
    return %arg0, %c0_i32 : i32, i32
  }
  func.func @transform_2(%arg0: i32) -> (i32, i32) {
    %c0_i32 = arith.constant 0 : i32
    %c0_i32_0 = arith.constant 0 : i32
    %c0_i32_1 = arith.constant 0 : i32
    return %c0_i32, %c0_i32_0 : i32, i32
  }
  func.func @transform_3(%arg0: i32) -> (i32, i32) {
    %c0_i32 = arith.constant 0 : i32
    %c0_i32_0 = arith.constant 0 : i32
    %c0_i32_1 = arith.constant 0 : i32
    return %c0_i32, %c0_i32_0 : i32, i32
  }
  func.func @transform_4(%arg0: i32) -> (i32, i32) {
    %c0_i32 = arith.constant 0 : i32
    %c0_i32_0 = arith.constant 0 : i32
    %c0_i32_1 = arith.constant 0 : i32
    return %c0_i32, %c0_i32_0 : i32, i32
  }
  func.func @transform_5(%arg0: i32) -> (i32, i32) {
    %c0_i32 = arith.constant 0 : i32
    %c0_i32_0 = arith.constant 0 : i32
    %c0_i32_1 = arith.constant 0 : i32
    return %c0_i32, %c0_i32_0 : i32, i32
  }
  func.func @transform_6(%arg0: i32) -> (i32, i32) {
    %c0_i32 = arith.constant 0 : i32
    %c0_i32_0 = arith.constant 0 : i32
    return %arg0, %c0_i32 : i32, i32
  }
}

module attributes {stable_mosaic.version = 14 : i64} {
  func.func @body(%arg0: i32, %arg1: memref<1000x1xi32, #tpu.memory_space<vmem>>, %arg2: memref<1000x1xi32, #tpu.memory_space<vmem>>, %arg3: memref<1000x16xf32, #tpu.memory_space<vmem>>, %arg4: memref<1000x64xf32, #tpu.memory_space<vmem>>, %arg5: memref<4x16xf32, #tpu.memory_space<vmem>>, %arg6: memref<144x64xf32, #tpu.memory_space<vmem>>, %arg7: memref<1x64xf32, #tpu.memory_space<vmem>>, %arg8: memref<16x64xf32, #tpu.memory_space<vmem>>, %arg9: memref<1x64xf32, #tpu.memory_space<vmem>>, %arg10: memref<64x64xf32, #tpu.memory_space<vmem>>, %arg11: memref<1x64xf32, #tpu.memory_space<vmem>>, %arg12: memref<64x64xf32, #tpu.memory_space<vmem>>, %arg13: memref<1x64xf32, #tpu.memory_space<vmem>>, %arg14: memref<1000x64xf32, #tpu.memory_space<vmem>>, %arg15: memref<1000x64xf32, #tpu.memory_space<vmem>>) attributes {dimension_semantics = [#tpu.dimension_semantics<arbitrary>], iteration_bounds = array<i64: 40>, scalar_prefetch = 0 : i64, scratch_operands = 0 : i64, tpu.core_type = #tpu.core_type<tc>, window_params = [{transform_indices = @transform_0, window_bounds = array<i64: 1000, 1>}, {transform_indices = @transform_1, window_bounds = array<i64: 1000, 1>}, {transform_indices = @transform_2, window_bounds = array<i64: 1000, 16>}, {transform_indices = @transform_3, window_bounds = array<i64: 1000, 64>}, {pipeline_mode = #tpu.pipeline_mode<synchronous>, transform_indices = @transform_4, window_bounds = array<i64: 4, 16>}, {pipeline_mode = #tpu.pipeline_mode<synchronous>, transform_indices = @transform_5, window_bounds = array<i64: 144, 64>}, {pipeline_mode = #tpu.pipeline_mode<synchronous>, transform_indices = @transform_6, window_bounds = array<i64: 1, 64>}, {pipeline_mode = #tpu.pipeline_mode<synchronous>, transform_indices = @transform_7, window_bounds = array<i64: 16, 64>}, {pipeline_mode = #tpu.pipeline_mode<synchronous>, transform_indices = @transform_8, window_bounds = array<i64: 1, 64>}, {pipeline_mode = #tpu.pipeline_mode<synchronous>, transform_indices = @transform_9, window_bounds = array<i64: 64, 64>}, {pipeline_mode = #tpu.pipeline_mode<synchronous>, transform_indices = @transform_10, window_bounds = array<i64: 1, 64>}, {pipeline_mode = #tpu.pipeline_mode<synchronous>, transform_indices = @transform_11, window_bounds = array<i64: 64, 64>}, {pipeline_mode = #tpu.pipeline_mode<synchronous>, transform_indices = @transform_12, window_bounds = array<i64: 1, 64>}, {transform_indices = @transform_13, window_bounds = array<i64: 1000, 64>}, {transform_indices = @transform_14, window_bounds = array<i64: 1000, 64>}]} {
    %get3A = arith.constant 0 : index
    %get3A_0 = arith.constant 0 : index
    %get3A_1 = vector.load %arg5[%get3A, %get3A_0] : memref<4x16xf32, #tpu.memory_space<vmem>>, vector<4x16xf32>
    %get3A_2 = arith.constant 0 : index
    %get3A_3 = arith.constant 0 : index
    %get3A_4 = vector.load %arg6[%get3A_2, %get3A_3] : memref<144x64xf32, #tpu.memory_space<vmem>>, vector<16x64xf32>
    %dot_general3A = arith.constant dense<0.000000e+00> : vector<4x64xf32>
    %dot_general3A_5 = tpu.matmul %get3A_1, %get3A_4, %dot_general3A {dimension_numbers = #tpu.dot_dimension_numbers<[1], [0], [0], [1], [0, 0, 1, 1], [], []>, transpose_lhs_hint = false} : vector<4x16xf32>, vector<16x64xf32>, vector<4x64xf32> -> vector<4x64xf32>
    %iota3A = tpu.iota {dimensions = array<i32: 1>} : vector<1000x4xi32>
    %get3A_6 = arith.constant 0 : index
    %get3A_7 = arith.constant 0 : index
    %get3A_8 = vector.load %arg1[%get3A_6, %get3A_7] : memref<1000x1xi32, #tpu.memory_space<vmem>>, vector<1000x1xi32>
    %eq3A = vector.broadcast %get3A_8 : vector<1000x1xi32> to vector<1000x4xi32>
    %eq3A_9 = arith.cmpi eq, %eq3A, %iota3A : vector<1000x4xi32>
    %convert_element_type3A = arith.extui %eq3A_9 : vector<1000x4xi1> to vector<1000x4xi32>
    %convert_element_type3A_10 = arith.sitofp %convert_element_type3A : vector<1000x4xi32> to vector<1000x4xf32>
    %get3A_11 = arith.constant 0 : index
    %get3A_12 = arith.constant 0 : index
    %get3A_13 = vector.load %arg2[%get3A_11, %get3A_12] : memref<1000x1xi32, #tpu.memory_space<vmem>>, vector<1000x1xi32>
    %eq3A_14 = vector.broadcast %get3A_13 : vector<1000x1xi32> to vector<1000x4xi32>
    %eq3A_15 = arith.cmpi eq, %eq3A_14, %iota3A : vector<1000x4xi32>
    %convert_element_type3A_16 = arith.extui %eq3A_15 : vector<1000x4xi1> to vector<1000x4xi32>
    %convert_element_type3A_17 = arith.sitofp %convert_element_type3A_16 : vector<1000x4xi32> to vector<1000x4xf32>
    %add3A = arith.addf %convert_element_type3A_10, %convert_element_type3A_17 : vector<1000x4xf32>
    %dot_general3A_18 = arith.constant dense<0.000000e+00> : vector<1000x64xf32>
    %dot_general3A_19 = tpu.matmul %add3A, %dot_general3A_5, %dot_general3A_18 {dimension_numbers = #tpu.dot_dimension_numbers<[1], [0], [0], [1], [0, 0, 1, 1], [], []>, transpose_lhs_hint = false} : vector<1000x4xf32>, vector<4x64xf32>, vector<1000x64xf32> -> vector<1000x64xf32>
    %get3A_20 = arith.constant 0 : index
    %get3A_21 = arith.constant 0 : index
    %get3A_22 = vector.load %arg3[%get3A_20, %get3A_21] : memref<1000x16xf32, #tpu.memory_space<vmem>>, vector<1000x16xf32>
    %get3A_23 = arith.constant 0 : index
    %get3A_24 = arith.constant 0 : index
    %get3A_25 = vector.load %arg8[%get3A_23, %get3A_24] : memref<16x64xf32, #tpu.memory_space<vmem>>, vector<16x64xf32>
    %dot_general3A_26 = arith.constant dense<0.000000e+00> : vector<1000x64xf32>
    %dot_general3A_27 = tpu.matmul %get3A_22, %get3A_25, %dot_general3A_26 {dimension_numbers = #tpu.dot_dimension_numbers<[1], [0], [0], [1], [0, 0, 1, 1], [], []>, transpose_lhs_hint = false} : vector<1000x16xf32>, vector<16x64xf32>, vector<1000x64xf32> -> vector<1000x64xf32>
    %get3A_28 = arith.constant 0 : index
    %get3A_29 = arith.constant 0 : index
    %get3A_30 = vector.load %arg9[%get3A_28, %get3A_29] : memref<1x64xf32, #tpu.memory_space<vmem>>, vector<1x64xf32>
    %add3A_31 = vector.broadcast %get3A_30 : vector<1x64xf32> to vector<1000x64xf32>
    %add3A_32 = arith.addf %dot_general3A_27, %add3A_31 : vector<1000x64xf32>
    %max3A = arith.constant 0.000000e+00 : f32
    %max3A_33 = vector.broadcast %max3A : f32 to vector<1000x64xf32>
    %max3A_34 = arith.maximumf %add3A_32, %max3A_33 : vector<1000x64xf32>
    %get3A_35 = arith.constant 16 : index
    %get3A_36 = arith.constant 0 : index
    %get3A_37 = vector.load %arg6[%get3A_35, %get3A_36] : memref<144x64xf32, #tpu.memory_space<vmem>>, vector<64x64xf32>
    %dot_general3A_38 = arith.constant dense<0.000000e+00> : vector<1000x64xf32>
    %dot_general3A_39 = tpu.matmul %max3A_34, %get3A_37, %dot_general3A_38 {dimension_numbers = #tpu.dot_dimension_numbers<[1], [0], [0], [1], [0, 0, 1, 1], [], []>, transpose_lhs_hint = false} : vector<1000x64xf32>, vector<64x64xf32>, vector<1000x64xf32> -> vector<1000x64xf32>
    %add3A_40 = arith.addf %dot_general3A_19, %dot_general3A_39 : vector<1000x64xf32>
    %get3A_41 = arith.constant 0 : index
    %get3A_42 = arith.constant 0 : index
    %get3A_43 = vector.load %arg4[%get3A_41, %get3A_42] : memref<1000x64xf32, #tpu.memory_space<vmem>>, vector<1000x64xf32>
    %get3A_44 = arith.constant 80 : index
    %get3A_45 = arith.constant 0 : index
    %get3A_46 = vector.load %arg6[%get3A_44, %get3A_45] : memref<144x64xf32, #tpu.memory_space<vmem>>, vector<64x64xf32>
    %dot_general3A_47 = arith.constant dense<0.000000e+00> : vector<1000x64xf32>
    %dot_general3A_48 = tpu.matmul %get3A_43, %get3A_46, %dot_general3A_47 {dimension_numbers = #tpu.dot_dimension_numbers<[1], [0], [0], [1], [0, 0, 1, 1], [], []>, transpose_lhs_hint = false} : vector<1000x64xf32>, vector<64x64xf32>, vector<1000x64xf32> -> vector<1000x64xf32>
    %add3A_49 = arith.addf %add3A_40, %dot_general3A_48 : vector<1000x64xf32>
    %get3A_50 = arith.constant 0 : index
    %get3A_51 = arith.constant 0 : index
    %get3A_52 = vector.load %arg7[%get3A_50, %get3A_51] : memref<1x64xf32, #tpu.memory_space<vmem>>, vector<1x64xf32>
    %add3A_53 = vector.broadcast %get3A_52 : vector<1x64xf32> to vector<1000x64xf32>
    %add3A_54 = arith.addf %add3A_49, %add3A_53 : vector<1000x64xf32>
    %get3A_55 = arith.constant 0 : index
    %get3A_56 = arith.constant 0 : index
    %get3A_57 = vector.load %arg10[%get3A_55, %get3A_56] : memref<64x64xf32, #tpu.memory_space<vmem>>, vector<64x64xf32>
    %dot_general3A_58 = arith.constant dense<0.000000e+00> : vector<1000x64xf32>
    %dot_general3A_59 = tpu.matmul %add3A_54, %get3A_57, %dot_general3A_58 {dimension_numbers = #tpu.dot_dimension_numbers<[1], [0], [0], [1], [0, 0, 1, 1], [], []>, transpose_lhs_hint = false} : vector<1000x64xf32>, vector<64x64xf32>, vector<1000x64xf32> -> vector<1000x64xf32>
    %get3A_60 = arith.constant 0 : index
    %get3A_61 = arith.constant 0 : index
    %get3A_62 = vector.load %arg11[%get3A_60, %get3A_61] : memref<1x64xf32, #tpu.memory_space<vmem>>, vector<1x64xf32>
    %add3A_63 = vector.broadcast %get3A_62 : vector<1x64xf32> to vector<1000x64xf32>
    %add3A_64 = arith.addf %dot_general3A_59, %add3A_63 : vector<1000x64xf32>
    %swap3A = arith.constant 0 : index
    %swap3A_65 = arith.constant 0 : index
    %swap3A_66 = vector.load %arg14[%swap3A, %swap3A_65] : memref<1000x64xf32, #tpu.memory_space<vmem>>, vector<1000x64xf32>
    tpu.vector_store %arg14[%swap3A, %swap3A_65], %add3A_64 {strides = array<i32>} : memref<1000x64xf32, #tpu.memory_space<vmem>>, vector<1000x64xf32>,
    %get3A_67 = arith.constant 0 : index
    %get3A_68 = arith.constant 0 : index
    %get3A_69 = vector.load %arg12[%get3A_67, %get3A_68] : memref<64x64xf32, #tpu.memory_space<vmem>>, vector<64x64xf32>
    %dot_general3A_70 = arith.constant dense<0.000000e+00> : vector<1000x64xf32>
    %dot_general3A_71 = tpu.matmul %add3A_54, %get3A_69, %dot_general3A_70 {dimension_numbers = #tpu.dot_dimension_numbers<[1], [0], [0], [1], [0, 0, 1, 1], [], []>, transpose_lhs_hint = false} : vector<1000x64xf32>, vector<64x64xf32>, vector<1000x64xf32> -> vector<1000x64xf32>
    %get3A_72 = arith.constant 0 : index
    %get3A_73 = arith.constant 0 : index
    %get3A_74 = vector.load %arg13[%get3A_72, %get3A_73] : memref<1x64xf32, #tpu.memory_space<vmem>>, vector<1x64xf32>
    %add3A_75 = vector.broadcast %get3A_74 : vector<1x64xf32> to vector<1000x64xf32>
    %add3A_76 = arith.addf %dot_general3A_71, %add3A_75 : vector<1000x64xf32>
    %swap3A_77 = arith.constant 0 : index
    %swap3A_78 = arith.constant 0 : index
    %swap3A_79 = vector.load %arg15[%swap3A_77, %swap3A_78] : memref<1000x64xf32, #tpu.memory_space<vmem>>, vector<1000x64xf32>
    tpu.vector_store %arg15[%swap3A_77, %swap3A_78], %add3A_76 {strides = array<i32>} : memref<1000x64xf32, #tpu.memory_space<vmem>>, vector<1000x64xf32>,
    return
  }
  func.func @transform_0(%arg0: i32) -> (i32, i32) {
    %c0_i32 = arith.constant 0 : i32
    %c0_i32_0 = arith.constant 0 : i32
    return %arg0, %c0_i32 : i32, i32
  }
  func.func @transform_1(%arg0: i32) -> (i32, i32) {
    %c0_i32 = arith.constant 0 : i32
    %c0_i32_0 = arith.constant 0 : i32
    return %arg0, %c0_i32 : i32, i32
  }
  func.func @transform_2(%arg0: i32) -> (i32, i32) {
    %c0_i32 = arith.constant 0 : i32
    %c0_i32_0 = arith.constant 0 : i32
    return %arg0, %c0_i32 : i32, i32
  }
  func.func @transform_3(%arg0: i32) -> (i32, i32) {
    %c0_i32 = arith.constant 0 : i32
    %c0_i32_0 = arith.constant 0 : i32
    return %arg0, %c0_i32 : i32, i32
  }
  func.func @transform_4(%arg0: i32) -> (i32, i32) {
    %c0_i32 = arith.constant 0 : i32
    %c0_i32_0 = arith.constant 0 : i32
    %c0_i32_1 = arith.constant 0 : i32
    return %c0_i32, %c0_i32_0 : i32, i32
  }
  func.func @transform_5(%arg0: i32) -> (i32, i32) {
    %c0_i32 = arith.constant 0 : i32
    %c0_i32_0 = arith.constant 0 : i32
    %c0_i32_1 = arith.constant 0 : i32
    return %c0_i32, %c0_i32_0 : i32, i32
  }
  func.func @transform_6(%arg0: i32) -> (i32, i32) {
    %c0_i32 = arith.constant 0 : i32
    %c0_i32_0 = arith.constant 0 : i32
    %c0_i32_1 = arith.constant 0 : i32
    return %c0_i32, %c0_i32_0 : i32, i32
  }
  func.func @transform_7(%arg0: i32) -> (i32, i32) {
    %c0_i32 = arith.constant 0 : i32
    %c0_i32_0 = arith.constant 0 : i32
    %c0_i32_1 = arith.constant 0 : i32
    return %c0_i32, %c0_i32_0 : i32, i32
  }
  func.func @transform_8(%arg0: i32) -> (i32, i32) {
    %c0_i32 = arith.constant 0 : i32
    %c0_i32_0 = arith.constant 0 : i32
    %c0_i32_1 = arith.constant 0 : i32
    return %c0_i32, %c0_i32_0 : i32, i32
  }
  func.func @transform_9(%arg0: i32) -> (i32, i32) {
    %c0_i32 = arith.constant 0 : i32
    %c0_i32_0 = arith.constant 0 : i32
    %c0_i32_1 = arith.constant 0 : i32
    return %c0_i32, %c0_i32_0 : i32, i32
  }
  func.func @transform_10(%arg0: i32) -> (i32, i32) {
    %c0_i32 = arith.constant 0 : i32
    %c0_i32_0 = arith.constant 0 : i32
    %c0_i32_1 = arith.constant 0 : i32
    return %c0_i32, %c0_i32_0 : i32, i32
  }
  func.func @transform_11(%arg0: i32) -> (i32, i32) {
    %c0_i32 = arith.constant 0 : i32
    %c0_i32_0 = arith.constant 0 : i32
    %c0_i32_1 = arith.constant 0 : i32
    return %c0_i32, %c0_i32_0 : i32, i32
  }
  func.func @transform_12(%arg0: i32) -> (i32, i32) {
    %c0_i32 = arith.constant 0 : i32
    %c0_i32_0 = arith.constant 0 : i32
    %c0_i32_1 = arith.constant 0 : i32
    return %c0_i32, %c0_i32_0 : i32, i32
  }
  func.func @transform_13(%arg0: i32) -> (i32, i32) {
    %c0_i32 = arith.constant 0 : i32
    %c0_i32_0 = arith.constant 0 : i32
    return %arg0, %c0_i32 : i32, i32
  }
  func.func @transform_14(%arg0: i32) -> (i32, i32) {
    %c0_i32 = arith.constant 0 : i32
    %c0_i32_0 = arith.constant 0 : i32
    return %arg0, %c0_i32 : i32, i32
  }
}

module attributes {stable_mosaic.version = 14 : i64} {
  func.func @body(%arg0: i32, %arg1: memref<1000x1xi32, #tpu.memory_space<vmem>>, %arg2: memref<1000x64xf32, #tpu.memory_space<vmem>>, %arg3: memref<4x16xf32, #tpu.memory_space<vmem>>, %arg4: memref<80x64xf32, #tpu.memory_space<vmem>>, %arg5: memref<1x64xf32, #tpu.memory_space<vmem>>, %arg6: memref<1000x64xf32, #tpu.memory_space<vmem>>) attributes {dimension_semantics = [#tpu.dimension_semantics<arbitrary>], iteration_bounds = array<i64: 10>, scalar_prefetch = 0 : i64, scratch_operands = 0 : i64, tpu.core_type = #tpu.core_type<tc>, window_params = [{transform_indices = @transform_0, window_bounds = array<i64: 1000, 1>}, {transform_indices = @transform_1, window_bounds = array<i64: 1000, 64>}, {pipeline_mode = #tpu.pipeline_mode<synchronous>, transform_indices = @transform_2, window_bounds = array<i64: 4, 16>}, {pipeline_mode = #tpu.pipeline_mode<synchronous>, transform_indices = @transform_3, window_bounds = array<i64: 80, 64>}, {pipeline_mode = #tpu.pipeline_mode<synchronous>, transform_indices = @transform_4, window_bounds = array<i64: 1, 64>}, {transform_indices = @transform_5, window_bounds = array<i64: 1000, 64>}]} {
    %get3A = arith.constant 0 : index
    %get3A_0 = arith.constant 0 : index
    %get3A_1 = vector.load %arg3[%get3A, %get3A_0] : memref<4x16xf32, #tpu.memory_space<vmem>>, vector<4x16xf32>
    %get3A_2 = arith.constant 0 : index
    %get3A_3 = arith.constant 0 : index
    %get3A_4 = vector.load %arg4[%get3A_2, %get3A_3] : memref<80x64xf32, #tpu.memory_space<vmem>>, vector<16x64xf32>
    %dot_general3A = arith.constant dense<0.000000e+00> : vector<4x64xf32>
    %dot_general3A_5 = tpu.matmul %get3A_1, %get3A_4, %dot_general3A {dimension_numbers = #tpu.dot_dimension_numbers<[1], [0], [0], [1], [0, 0, 1, 1], [], []>, transpose_lhs_hint = false} : vector<4x16xf32>, vector<16x64xf32>, vector<4x64xf32> -> vector<4x64xf32>
    %get3A_6 = arith.constant 0 : index
    %get3A_7 = arith.constant 0 : index
    %get3A_8 = vector.load %arg1[%get3A_6, %get3A_7] : memref<1000x1xi32, #tpu.memory_space<vmem>>, vector<1000x1xi32>
    %iota3A = tpu.iota {dimensions = array<i32: 1>} : vector<1000x4xi32>
    %eq3A = vector.broadcast %get3A_8 : vector<1000x1xi32> to vector<1000x4xi32>
    %eq3A_9 = arith.cmpi eq, %eq3A, %iota3A : vector<1000x4xi32>
    %convert_element_type3A = arith.extui %eq3A_9 : vector<1000x4xi1> to vector<1000x4xi32>
    %convert_element_type3A_10 = arith.sitofp %convert_element_type3A : vector<1000x4xi32> to vector<1000x4xf32>
    %dot_general3A_11 = arith.constant dense<0.000000e+00> : vector<1000x64xf32>
    %dot_general3A_12 = tpu.matmul %convert_element_type3A_10, %dot_general3A_5, %dot_general3A_11 {dimension_numbers = #tpu.dot_dimension_numbers<[1], [0], [0], [1], [0, 0, 1, 1], [], []>, transpose_lhs_hint = false} : vector<1000x4xf32>, vector<4x64xf32>, vector<1000x64xf32> -> vector<1000x64xf32>
    %get3A_13 = arith.constant 0 : index
    %get3A_14 = arith.constant 0 : index
    %get3A_15 = vector.load %arg2[%get3A_13, %get3A_14] : memref<1000x64xf32, #tpu.memory_space<vmem>>, vector<1000x64xf32>
    %get3A_16 = arith.constant 16 : index
    %get3A_17 = arith.constant 0 : index
    %get3A_18 = vector.load %arg4[%get3A_16, %get3A_17] : memref<80x64xf32, #tpu.memory_space<vmem>>, vector<64x64xf32>
    %dot_general3A_19 = arith.constant dense<0.000000e+00> : vector<1000x64xf32>
    %dot_general3A_20 = tpu.matmul %get3A_15, %get3A_18, %dot_general3A_19 {dimension_numbers = #tpu.dot_dimension_numbers<[1], [0], [0], [1], [0, 0, 1, 1], [], []>, transpose_lhs_hint = false} : vector<1000x64xf32>, vector<64x64xf32>, vector<1000x64xf32> -> vector<1000x64xf32>
    %add3A = arith.addf %dot_general3A_12, %dot_general3A_20 : vector<1000x64xf32>
    %get3A_21 = arith.constant 0 : index
    %get3A_22 = arith.constant 0 : index
    %get3A_23 = vector.load %arg5[%get3A_21, %get3A_22] : memref<1x64xf32, #tpu.memory_space<vmem>>, vector<1x64xf32>
    %add3A_24 = vector.broadcast %get3A_23 : vector<1x64xf32> to vector<1000x64xf32>
    %add3A_25 = arith.addf %add3A, %add3A_24 : vector<1000x64xf32>
    %swap3A = arith.constant 0 : index
    %swap3A_26 = arith.constant 0 : index
    %swap3A_27 = vector.load %arg6[%swap3A, %swap3A_26] : memref<1000x64xf32, #tpu.memory_space<vmem>>, vector<1000x64xf32>
    tpu.vector_store %arg6[%swap3A, %swap3A_26], %add3A_25 {strides = array<i32>} : memref<1000x64xf32, #tpu.memory_space<vmem>>, vector<1000x64xf32>,
    return
  }
  func.func @transform_0(%arg0: i32) -> (i32, i32) {
    %c0_i32 = arith.constant 0 : i32
    %c0_i32_0 = arith.constant 0 : i32
    return %arg0, %c0_i32 : i32, i32
  }
  func.func @transform_1(%arg0: i32) -> (i32, i32) {
    %c0_i32 = arith.constant 0 : i32
    %c0_i32_0 = arith.constant 0 : i32
    return %arg0, %c0_i32 : i32, i32
  }
  func.func @transform_2(%arg0: i32) -> (i32, i32) {
    %c0_i32 = arith.constant 0 : i32
    %c0_i32_0 = arith.constant 0 : i32
    %c0_i32_1 = arith.constant 0 : i32
    return %c0_i32, %c0_i32_0 : i32, i32
  }
  func.func @transform_3(%arg0: i32) -> (i32, i32) {
    %c0_i32 = arith.constant 0 : i32
    %c0_i32_0 = arith.constant 0 : i32
    %c0_i32_1 = arith.constant 0 : i32
    return %c0_i32, %c0_i32_0 : i32, i32
  }
  func.func @transform_4(%arg0: i32) -> (i32, i32) {
    %c0_i32 = arith.constant 0 : i32
    %c0_i32_0 = arith.constant 0 : i32
    %c0_i32_1 = arith.constant 0 : i32
    return %c0_i32, %c0_i32_0 : i32, i32
  }
  func.func @transform_5(%arg0: i32) -> (i32, i32) {
    %c0_i32 = arith.constant 0 : i32
    %c0_i32_0 = arith.constant 0 : i32
    return %arg0, %c0_i32 : i32, i32
  }
}

module attributes {stable_mosaic.version = 14 : i64} {
  func.func @body(%arg0: i32, %arg1: memref<1000x64xf32, #tpu.memory_space<vmem>>, %arg2: memref<1000x64xf32, #tpu.memory_space<vmem>>, %arg3: memref<64x64xf32, #tpu.memory_space<vmem>>, %arg4: memref<1x64xf32, #tpu.memory_space<vmem>>, %arg5: memref<64x64xf32, #tpu.memory_space<vmem>>, %arg6: memref<1x64xf32, #tpu.memory_space<vmem>>, %arg7: memref<1000x64xf32, #tpu.memory_space<vmem>>) attributes {dimension_semantics = [#tpu.dimension_semantics<arbitrary>], iteration_bounds = array<i64: 10>, scalar_prefetch = 0 : i64, scratch_operands = 0 : i64, tpu.core_type = #tpu.core_type<tc>, window_params = [{transform_indices = @transform_0, window_bounds = array<i64: 1000, 64>}, {transform_indices = @transform_1, window_bounds = array<i64: 1000, 64>}, {pipeline_mode = #tpu.pipeline_mode<synchronous>, transform_indices = @transform_2, window_bounds = array<i64: 64, 64>}, {pipeline_mode = #tpu.pipeline_mode<synchronous>, transform_indices = @transform_3, window_bounds = array<i64: 1, 64>}, {pipeline_mode = #tpu.pipeline_mode<synchronous>, transform_indices = @transform_4, window_bounds = array<i64: 64, 64>}, {pipeline_mode = #tpu.pipeline_mode<synchronous>, transform_indices = @transform_5, window_bounds = array<i64: 1, 64>}, {transform_indices = @transform_6, window_bounds = array<i64: 1000, 64>}]} {
    %get3A = arith.constant 0 : index
    %get3A_0 = arith.constant 0 : index
    %get3A_1 = vector.load %arg1[%get3A, %get3A_0] : memref<1000x64xf32, #tpu.memory_space<vmem>>, vector<1000x64xf32>
    %get3A_2 = arith.constant 0 : index
    %get3A_3 = arith.constant 0 : index
    %get3A_4 = vector.load %arg2[%get3A_2, %get3A_3] : memref<1000x64xf32, #tpu.memory_space<vmem>>, vector<1000x64xf32>
    %add3A = arith.addf %get3A_1, %get3A_4 : vector<1000x64xf32>
    %get3A_5 = arith.constant 0 : index
    %get3A_6 = arith.constant 0 : index
    %get3A_7 = vector.load %arg3[%get3A_5, %get3A_6] : memref<64x64xf32, #tpu.memory_space<vmem>>, vector<64x64xf32>
    %dot_general3A = arith.constant dense<0.000000e+00> : vector<1000x64xf32>
    %dot_general3A_8 = tpu.matmul %add3A, %get3A_7, %dot_general3A {dimension_numbers = #tpu.dot_dimension_numbers<[1], [0], [0], [1], [0, 0, 1, 1], [], []>, transpose_lhs_hint = false} : vector<1000x64xf32>, vector<64x64xf32>, vector<1000x64xf32> -> vector<1000x64xf32>
    %get3A_9 = arith.constant 0 : index
    %get3A_10 = arith.constant 0 : index
    %get3A_11 = vector.load %arg4[%get3A_9, %get3A_10] : memref<1x64xf32, #tpu.memory_space<vmem>>, vector<1x64xf32>
    %add3A_12 = vector.broadcast %get3A_11 : vector<1x64xf32> to vector<1000x64xf32>
    %add3A_13 = arith.addf %dot_general3A_8, %add3A_12 : vector<1000x64xf32>
    %max3A = arith.constant 0.000000e+00 : f32
    %max3A_14 = vector.broadcast %max3A : f32 to vector<1000x64xf32>
    %max3A_15 = arith.maximumf %add3A_13, %max3A_14 : vector<1000x64xf32>
    %get3A_16 = arith.constant 0 : index
    %get3A_17 = arith.constant 0 : index
    %get3A_18 = vector.load %arg5[%get3A_16, %get3A_17] : memref<64x64xf32, #tpu.memory_space<vmem>>, vector<64x64xf32>
    %dot_general3A_19 = arith.constant dense<0.000000e+00> : vector<1000x64xf32>
    %dot_general3A_20 = tpu.matmul %max3A_15, %get3A_18, %dot_general3A_19 {dimension_numbers = #tpu.dot_dimension_numbers<[1], [0], [0], [1], [0, 0, 1, 1], [], []>, transpose_lhs_hint = false} : vector<1000x64xf32>, vector<64x64xf32>, vector<1000x64xf32> -> vector<1000x64xf32>
    %get3A_21 = arith.constant 0 : index
    %get3A_22 = arith.constant 0 : index
    %get3A_23 = vector.load %arg6[%get3A_21, %get3A_22] : memref<1x64xf32, #tpu.memory_space<vmem>>, vector<1x64xf32>
    %add3A_24 = vector.broadcast %get3A_23 : vector<1x64xf32> to vector<1000x64xf32>
    %add3A_25 = arith.addf %dot_general3A_20, %add3A_24 : vector<1000x64xf32>
    %swap3A = arith.constant 0 : index
    %swap3A_26 = arith.constant 0 : index
    %swap3A_27 = vector.load %arg7[%swap3A, %swap3A_26] : memref<1000x64xf32, #tpu.memory_space<vmem>>, vector<1000x64xf32>
    tpu.vector_store %arg7[%swap3A, %swap3A_26], %add3A_25 {strides = array<i32>} : memref<1000x64xf32, #tpu.memory_space<vmem>>, vector<1000x64xf32>,
    return
  }
  func.func @transform_0(%arg0: i32) -> (i32, i32) {
    %c0_i32 = arith.constant 0 : i32
    %c0_i32_0 = arith.constant 0 : i32
    return %arg0, %c0_i32 : i32, i32
  }
  func.func @transform_1(%arg0: i32) -> (i32, i32) {
    %c0_i32 = arith.constant 0 : i32
    %c0_i32_0 = arith.constant 0 : i32
    return %arg0, %c0_i32 : i32, i32
  }
  func.func @transform_2(%arg0: i32) -> (i32, i32) {
    %c0_i32 = arith.constant 0 : i32
    %c0_i32_0 = arith.constant 0 : i32
    %c0_i32_1 = arith.constant 0 : i32
    return %c0_i32, %c0_i32_0 : i32, i32
  }
  func.func @transform_3(%arg0: i32) -> (i32, i32) {
    %c0_i32 = arith.constant 0 : i32
    %c0_i32_0 = arith.constant 0 : i32
    %c0_i32_1 = arith.constant 0 : i32
    return %c0_i32, %c0_i32_0 : i32, i32
  }
  func.func @transform_4(%arg0: i32) -> (i32, i32) {
    %c0_i32 = arith.constant 0 : i32
    %c0_i32_0 = arith.constant 0 : i32
    %c0_i32_1 = arith.constant 0 : i32
    return %c0_i32, %c0_i32_0 : i32, i32
  }
  func.func @transform_5(%arg0: i32) -> (i32, i32) {
    %c0_i32 = arith.constant 0 : i32
    %c0_i32_0 = arith.constant 0 : i32
    %c0_i32_1 = arith.constant 0 : i32
    return %c0_i32, %c0_i32_0 : i32, i32
  }
  func.func @transform_6(%arg0: i32) -> (i32, i32) {
    %c0_i32 = arith.constant 0 : i32
    %c0_i32_0 = arith.constant 0 : i32
    return %arg0, %c0_i32 : i32, i32
  }
}

module attributes {stable_mosaic.version = 14 : i64} {
  func.func @body(%arg0: i32, %arg1: memref<1000x64xf32, #tpu.memory_space<vmem>>, %arg2: memref<1000x64xf32, #tpu.memory_space<vmem>>, %arg3: memref<64x64xf32, #tpu.memory_space<vmem>>, %arg4: memref<1x64xf32, #tpu.memory_space<vmem>>, %arg5: memref<64x64xf32, #tpu.memory_space<vmem>>, %arg6: memref<1x64xf32, #tpu.memory_space<vmem>>, %arg7: memref<1000x64xf32, #tpu.memory_space<vmem>>, %arg8: memref<8x64xf32, #tpu.memory_space<vmem>>) attributes {dimension_semantics = [#tpu.dimension_semantics<arbitrary>], iteration_bounds = array<i64: 10>, scalar_prefetch = 0 : i64, scratch_operands = 0 : i64, tpu.core_type = #tpu.core_type<tc>, window_params = [{transform_indices = @transform_0, window_bounds = array<i64: 1000, 64>}, {transform_indices = @transform_1, window_bounds = array<i64: 1000, 64>}, {pipeline_mode = #tpu.pipeline_mode<synchronous>, transform_indices = @transform_2, window_bounds = array<i64: 64, 64>}, {pipeline_mode = #tpu.pipeline_mode<synchronous>, transform_indices = @transform_3, window_bounds = array<i64: 1, 64>}, {pipeline_mode = #tpu.pipeline_mode<synchronous>, transform_indices = @transform_4, window_bounds = array<i64: 64, 64>}, {pipeline_mode = #tpu.pipeline_mode<synchronous>, transform_indices = @transform_5, window_bounds = array<i64: 1, 64>}, {transform_indices = @transform_6, window_bounds = array<i64: 1000, 64>}, {pipeline_mode = #tpu.pipeline_mode<synchronous>, transform_indices = @transform_7, window_bounds = array<i64: 8, 64>}]} {
    %get3A = arith.constant 0 : index
    %get3A_0 = arith.constant 0 : index
    %get3A_1 = vector.load %arg1[%get3A, %get3A_0] : memref<1000x64xf32, #tpu.memory_space<vmem>>, vector<1000x64xf32>
    %get3A_2 = arith.constant 0 : index
    %get3A_3 = arith.constant 0 : index
    %get3A_4 = vector.load %arg2[%get3A_2, %get3A_3] : memref<1000x64xf32, #tpu.memory_space<vmem>>, vector<1000x64xf32>
    %add3A = arith.addf %get3A_1, %get3A_4 : vector<1000x64xf32>
    %get3A_5 = arith.constant 0 : index
    %get3A_6 = arith.constant 0 : index
    %get3A_7 = vector.load %arg3[%get3A_5, %get3A_6] : memref<64x64xf32, #tpu.memory_space<vmem>>, vector<64x64xf32>
    %dot_general3A = arith.constant dense<0.000000e+00> : vector<1000x64xf32>
    %dot_general3A_8 = tpu.matmul %add3A, %get3A_7, %dot_general3A {dimension_numbers = #tpu.dot_dimension_numbers<[1], [0], [0], [1], [0, 0, 1, 1], [], []>, transpose_lhs_hint = false} : vector<1000x64xf32>, vector<64x64xf32>, vector<1000x64xf32> -> vector<1000x64xf32>
    %get3A_9 = arith.constant 0 : index
    %get3A_10 = arith.constant 0 : index
    %get3A_11 = vector.load %arg4[%get3A_9, %get3A_10] : memref<1x64xf32, #tpu.memory_space<vmem>>, vector<1x64xf32>
    %add3A_12 = vector.broadcast %get3A_11 : vector<1x64xf32> to vector<1000x64xf32>
    %add3A_13 = arith.addf %dot_general3A_8, %add3A_12 : vector<1000x64xf32>
    %max3A = arith.constant 0.000000e+00 : f32
    %max3A_14 = vector.broadcast %max3A : f32 to vector<1000x64xf32>
    %max3A_15 = arith.maximumf %add3A_13, %max3A_14 : vector<1000x64xf32>
    %get3A_16 = arith.constant 0 : index
    %get3A_17 = arith.constant 0 : index
    %get3A_18 = vector.load %arg5[%get3A_16, %get3A_17] : memref<64x64xf32, #tpu.memory_space<vmem>>, vector<64x64xf32>
    %dot_general3A_19 = arith.constant dense<0.000000e+00> : vector<1000x64xf32>
    %dot_general3A_20 = tpu.matmul %max3A_15, %get3A_18, %dot_general3A_19 {dimension_numbers = #tpu.dot_dimension_numbers<[1], [0], [0], [1], [0, 0, 1, 1], [], []>, transpose_lhs_hint = false} : vector<1000x64xf32>, vector<64x64xf32>, vector<1000x64xf32> -> vector<1000x64xf32>
    %get3A_21 = arith.constant 0 : index
    %get3A_22 = arith.constant 0 : index
    %get3A_23 = vector.load %arg6[%get3A_21, %get3A_22] : memref<1x64xf32, #tpu.memory_space<vmem>>, vector<1x64xf32>
    %add3A_24 = vector.broadcast %get3A_23 : vector<1x64xf32> to vector<1000x64xf32>
    %add3A_25 = arith.addf %dot_general3A_20, %add3A_24 : vector<1000x64xf32>
    %swap3A = arith.constant 0 : index
    %swap3A_26 = arith.constant 0 : index
    %swap3A_27 = vector.load %arg7[%swap3A, %swap3A_26] : memref<1000x64xf32, #tpu.memory_space<vmem>>, vector<1000x64xf32>
    tpu.vector_store %arg7[%swap3A, %swap3A_26], %add3A_25 {strides = array<i32>} : memref<1000x64xf32, #tpu.memory_space<vmem>>, vector<1000x64xf32>,
    %eq3A = arith.constant 0 : i32
    %eq3A_28 = arith.cmpi eq, %arg0, %eq3A : i32
    %convert_element_type3A = arith.extui %eq3A_28 : i1 to i32
    %cond3A = arith.constant 0 : i32
    %cond3A_29 = arith.cmpi ne, %convert_element_type3A, %cond3A : i32
    scf.if %cond3A_29 {
      %broadcast_in_dim3A_45 = arith.constant 0.000000e+00 : f32
      %broadcast_in_dim3A_46 = vector.broadcast %broadcast_in_dim3A_45 : f32 to vector<8x64xf32>
      %swap3A_47 = arith.constant 0 : index
      %swap3A_48 = arith.constant 0 : index
      %swap3A_49 = vector.load %arg8[%swap3A_47, %swap3A_48] : memref<8x64xf32, #tpu.memory_space<vmem>>, vector<8x64xf32>
      tpu.vector_store %arg8[%swap3A_47, %swap3A_48], %broadcast_in_dim3A_46 {strides = array<i32>} : memref<8x64xf32, #tpu.memory_space<vmem>>, vector<8x64xf32>,
    } else {
    }
    %reduce_sum3A = arith.constant dense<0.000000e+00> : vector<64xf32>
    %reduce_sum3A_30 = vector.multi_reduction <add>, %add3A_25, %reduce_sum3A [0] : vector<1000x64xf32> to vector<64xf32>
    %iota3A = tpu.iota {dimensions = array<i32: 0>} : vector<8x1xi32>
    %eq3A_31 = arith.constant 0 : i32
    %eq3A_32 = vector.broadcast %eq3A_31 : i32 to vector<8x1xi32>
    %eq3A_33 = arith.cmpi eq, %iota3A, %eq3A_32 : vector<8x1xi32>
    %get3A_34 = arith.constant 0 : index
    %get3A_35 = arith.constant 0 : index
    %get3A_36 = vector.load %arg8[%get3A_34, %get3A_35] : memref<8x64xf32, #tpu.memory_space<vmem>>, vector<8x64xf32>
    %convert_element_type3A_37 = arith.extui %eq3A_33 : vector<8x1xi1> to vector<8x1xi32>
    %convert_element_type3A_38 = arith.sitofp %convert_element_type3A_37 : vector<8x1xi32> to vector<8x1xf32>
    %broadcast_in_dim3A = vector.shape_cast %reduce_sum3A_30 : vector<64xf32> to vector<1x64xf32>
    %mul3A = vector.broadcast %convert_element_type3A_38 : vector<8x1xf32> to vector<8x64xf32>
    %mul3A_39 = vector.broadcast %broadcast_in_dim3A : vector<1x64xf32> to vector<8x64xf32>
    %mul3A_40 = arith.mulf %mul3A, %mul3A_39 : vector<8x64xf32>
    %add3A_41 = arith.addf %get3A_36, %mul3A_40 : vector<8x64xf32>
    %swap3A_42 = arith.constant 0 : index
    %swap3A_43 = arith.constant 0 : index
    %swap3A_44 = vector.load %arg8[%swap3A_42, %swap3A_43] : memref<8x64xf32, #tpu.memory_space<vmem>>, vector<8x64xf32>
    tpu.vector_store %arg8[%swap3A_42, %swap3A_43], %add3A_41 {strides = array<i32>} : memref<8x64xf32, #tpu.memory_space<vmem>>, vector<8x64xf32>,
    return
  }
  func.func @transform_0(%arg0: i32) -> (i32, i32) {
    %c0_i32 = arith.constant 0 : i32
    %c0_i32_0 = arith.constant 0 : i32
    return %arg0, %c0_i32 : i32, i32
  }
  func.func @transform_1(%arg0: i32) -> (i32, i32) {
    %c0_i32 = arith.constant 0 : i32
    %c0_i32_0 = arith.constant 0 : i32
    return %arg0, %c0_i32 : i32, i32
  }
  func.func @transform_2(%arg0: i32) -> (i32, i32) {
    %c0_i32 = arith.constant 0 : i32
    %c0_i32_0 = arith.constant 0 : i32
    %c0_i32_1 = arith.constant 0 : i32
    return %c0_i32, %c0_i32_0 : i32, i32
  }
  func.func @transform_3(%arg0: i32) -> (i32, i32) {
    %c0_i32 = arith.constant 0 : i32
    %c0_i32_0 = arith.constant 0 : i32
    %c0_i32_1 = arith.constant 0 : i32
    return %c0_i32, %c0_i32_0 : i32, i32
  }
  func.func @transform_4(%arg0: i32) -> (i32, i32) {
    %c0_i32 = arith.constant 0 : i32
    %c0_i32_0 = arith.constant 0 : i32
    %c0_i32_1 = arith.constant 0 : i32
    return %c0_i32, %c0_i32_0 : i32, i32
  }
  func.func @transform_5(%arg0: i32) -> (i32, i32) {
    %c0_i32 = arith.constant 0 : i32
    %c0_i32_0 = arith.constant 0 : i32
    %c0_i32_1 = arith.constant 0 : i32
    return %c0_i32, %c0_i32_0 : i32, i32
  }
  func.func @transform_6(%arg0: i32) -> (i32, i32) {
    %c0_i32 = arith.constant 0 : i32
    %c0_i32_0 = arith.constant 0 : i32
    return %arg0, %c0_i32 : i32, i32
  }
  func.func @transform_7(%arg0: i32) -> (i32, i32) {
    %c0_i32 = arith.constant 0 : i32
    %c0_i32_0 = arith.constant 0 : i32
    %c0_i32_1 = arith.constant 0 : i32
    return %c0_i32, %c0_i32_0 : i32, i32
  }
}

</mosaic_0001>

<sc_bundles>
// kernel: kernel.16.cloned.1.call-start
scs
__scs_entry_jumppad:
0x0: {  	(pc) =	sbr.rel $0x88, $3  }
0x1: {  	(tag) =	ssettag $0x0;
	lr =	simm.s32 $0x1  }
0x2: {  	[smem:$0x3F7A] =	sst lr;
	_ =	strace $0xD0000000  }
0x3: {  	_ = 	snop  }
0x4: {  	_ = 	snop  }
0x5: {  	_ = 	snop  }
0x6: {  	_ = 	snop  }
0x7: {  	_ = 	snop  }
__scs_overlays_trampoline_lowered:
0x8: {  	[smem:$0x3F89] =	sst s0  }
0x9: {  	[smem:$0x3F8A] =	sst s1  }
0xa: {  	[smem:$0x3F8B] =	sst s2  }
0xb: {  	[smem:$0x3F8C] =	sst s3  }
0xc: {  	[smem:$0x3F8D] =	sst s4  }
0xd: {  	[smem:$0x3F8E] =	sst s5  }
0xe: {  	[smem:$0x3F8F] =	sst s6  }
0xf: {  	[smem:$0x3F90] =	sst s7  }
0x10: {  	[smem:$0x3F91] =	sst s8  }
0x11: {  	[smem:$0x3F92] =	sst s9;
	s0 =	simm.s32 @!p0 $0x0  }
0x12: {  	s1 =	sld [smem:$0x3F78];
	s0 =	simm.s32 @p0 $0x1  }
0x13: {  	[smem:$0x3F93] =	sst s0;
	s0 =	simm.s32 @!p1 $0x0  }
0x14: {  	s2 =	sld [smem:$0x3F77];
	s0 =	simm.s32 @p1 $0x1  }
0x15: {  	[smem:$0x3F94] =	sst s0;
	s0 =	simm.s32 @!p2 $0x0  }
0x16: {  	s3 =	sld [smem:$0x3FDB];
	s0 =	simm.s32 @p2 $0x1  }
0x17: {  	s4 =	simm.s32 $0x1BF5;
	[smem:$0x3F96] =	sst s0  }
0x18: {  	s0 =	sld [smem:$0x3F79];
	_ =	swait.ge [sflag:s4], $0x0  }
0x19: {  	s7 =	sld [smem:$0x3F7A]  }
0x1a: {  	s8 =	sadd.s32 $0xFFFFE003, lr  }
0x1b: {  	s9 =	sadd.s32 $0xFFFFFEF7, lr;
	s5 =	simm.s32 $0xFFFFFFFF;
	p2 =	slt.u32 s8, $0xFFFFF086  }
0x1c: {  	p1 =	slt.u32 s9, $0xF7A;
	s5 =	simm.s32 @!p2 $0x0  }
0x1d: {  	s5 =	simm.s32 @p1 $0x1;
	p0 =	seq.s32 s7, s2  }
0x1e: {  	s7 =	smul.u32 @!p0 $0xF7A, s2;
	p2 =	seq.s32 @!p0 s5, $0x0  }
0x1f: {  	s9 =	smul.u32 $0xF7A, s1;
	s8 =	simm.s32 @!p0 $0x1BF5;
	p2 =	por !p2, p0  }
0x20: {  	[sflag:s8] =	ssyncset.s32 @!p0 $0xFFFFF086;
	s6 =	sadd.s32 @!p0 s3, s7;
	s7 =	simm.s32 @!p0 $0x108  }
0x21: {  	s3 =	sadd.s32 s3, s9;
	s6 =	sadd.s32 @!p0 $0x88, s6;
	s7 =	simm.s32 @p2 $0x1082  }
0x22: {  	[simem:s7], [sflag:s8] =	dma.local @!p0 [hbm:s6], $0xF7A  }
0x23: {  	s9 =	sor.u32 $0xD0000000, s2;
	s6 =	simm.s32 $0x108;
	_ =	swait.ge @!p0 [sflag:s8], $0x0  }
0x24: {  	s3 =	sadd.s32 $0x88, s3;
	s6 =	simm.s32 @!p1 $0x1082;
	[sflag:s4] =	ssyncset.s32 $0xFFFFF086  }
0x25: {  	[simem:s6], [sflag:s4] =	dma.local [hbm:s3], $0xF7A  }
0x26: {  	[smem:$0x3F7A] =	sst s1;
	(tag) =	ssettag s2;
	_ =	strace s9  }
0x27: {  	s1 =	sld [smem:$0x3F8A]  }
0x28: {  	s2 =	sld [smem:$0x3F8B]  }
0x29: {  	s4 =	sld [smem:$0x3F8D]  }
0x2a: {  	p0 =	seq.s32 s5, $0x0;
	s5 =	sld [smem:$0x3F8E]  }
0x2b: {  	s6 =	sld [smem:$0x3F8F]  }
0x2c: {  	s7 =	sld [smem:$0x3F90]  }
0x2d: {  	s3 =	simm.s32 $0x108;
	s8 =	sld [smem:$0x3F91]  }
0x2e: {  	s3 =	simm.s32 @!p0 $0x1082;
	s9 =	sld [smem:$0x3F92]  }
0x2f: {  	lr =	sadd.s32 s0, s3;
	s0 =	sld [smem:$0x3F89]  }
0x30: {  	s3 =	sld [smem:$0x3F8C]  }
0x31: {  	[smem:$0x3F95] =	sst s10  }
0x32: {  	s10 =	sld [smem:$0x3F93];
	_ =	sdelay $0x3  }
0x33: {  	p0 =	seq.s32 s10, $0x1;
	s10 =	sld [smem:$0x3F95];
	_ =	sdelay $0x3  }
0x34: {  	[smem:$0x3F95] =	sst s10  }
0x35: {  	s10 =	sld [smem:$0x3F94];
	_ =	sdelay $0x3  }
0x36: {  	p1 =	seq.s32 s10, $0x1;
	s10 =	sld [smem:$0x3F95];
	_ =	sdelay $0x3  }
0x37: {  	[smem:$0x3F95] =	sst s10  }
0x38: {  	s10 =	sld [smem:$0x3F96]  }
0x39: {  	_ = 	snop;
	(pc) =	sbr.ind lr, $3  }
0x3a: {  	_ = 	snop  }
0x3b: {  	_ = 	snop  }
0x3c: {  	p2 =	seq.s32 s10, $0x1;
	s10 =	sld [smem:$0x3F95]  }
0x3d: {  	_ =	shalt  }
0x3e: {  	_ =	shalt  }
0x3f: {  	_ =	shalt  }
0x40: {  	_ =	shalt  }
0x41: {  	_ =	shalt  }
0x42: {  	_ =	shalt  }
0x43: {  	_ =	shalt  }
0x44: {  	_ =	shalt  }
0x45: {  	_ =	shalt  }
0x46: {  	_ =	shalt  }
0x47: {  	_ =	shalt  }
0x48: {  	_ =	shalt  }
0x49: {  	_ =	shalt  }
0x4a: {  	_ =	shalt  }
0x4b: {  	_ =	shalt  }
0x4c: {  	_ =	shalt  }
0x4d: {  	_ =	shalt  }
0x4e: {  	_ =	shalt  }
0x4f: {  	_ =	shalt  }
0x50: {  	_ =	shalt  }
0x51: {  	_ =	shalt  }
0x52: {  	_ =	shalt  }
0x53: {  	_ =	shalt  }
0x54: {  	_ =	shalt  }
0x55: {  	_ =	shalt  }
0x56: {  	_ =	shalt  }
0x57: {  	_ =	shalt  }
0x58: {  	_ =	shalt  }
0x59: {  	_ =	shalt  }
0x5a: {  	_ =	shalt  }
0x5b: {  	_ =	shalt  }
0x5c: {  	_ =	shalt  }
0x5d: {  	_ =	shalt  }
0x5e: {  	_ =	shalt  }
0x5f: {  	_ =	shalt  }
0x60: {  	_ =	shalt  }
0x61: {  	_ =	shalt  }
0x62: {  	_ =	shalt  }
0x63: {  	_ =	shalt  }
0x64: {  	_ =	shalt  }
0x65: {  	_ =	shalt  }
0x66: {  	_ =	shalt  }
0x67: {  	_ =	shalt  }
0x68: {  	_ =	shalt  }
0x69: {  	_ =	shalt  }
0x6a: {  	_ =	shalt  }
0x6b: {  	_ =	shalt  }
0x6c: {  	_ =	shalt  }
0x6d: {  	_ =	shalt  }
0x6e: {  	_ =	shalt  }
0x6f: {  	_ =	shalt  }
0x70: {  	_ =	shalt  }
0x71: {  	_ =	shalt  }
0x72: {  	_ =	shalt  }
0x73: {  	_ =	shalt  }
0x74: {  	_ =	shalt  }
0x75: {  	_ =	shalt  }
0x76: {  	_ =	shalt  }
0x77: {  	_ =	shalt  }
0x78: {  	_ =	shalt  }
0x79: {  	_ =	shalt  }
0x7a: {  	_ =	shalt  }
0x7b: {  	_ =	shalt  }
0x7c: {  	_ =	shalt  }
0x7d: {  	_ =	shalt  }
0x7e: {  	_ =	shalt  }
0x7f: {  	_ =	shalt  }
0x80: {  	_ =	shalt  }
0x81: {  	_ =	shalt  }
0x82: {  	_ =	shalt  }
0x83: {  	_ =	shalt  }
0x84: {  	_ =	shalt  }
0x85: {  	_ =	shalt  }
0x86: {  	_ =	shalt  }
0x87: {  	_ =	shalt  }
.Lfunc_end0:
.L_simem_size_0:
called_computation.1_lowered:
.L_overlay_start_0:
0x88: {  	s2 =	sld [smem:$0x3FD9]  }
0x89: {  	s3 =	sld [smem:$0x3FFE];
	_ =	sdelay $0x1  }
0x8a: {  	s1 =	srdreg.scid  }
0x8b: {  	s0 =	sand.u32 $0x1, s1  }
0x8c: {  	s14 =	sshll.u32 s0, $0xA;
	s2 =	sadd.s32 s3, s2  }
0x8d: {  	s2 =	sadd.s32 s2, s14  }
0x8e: {  	[smem:$0x3FA1] =	sst s2  }
0x8f: {  	_ = 	snop  }
0x90: {  	s2 =	sld [smem:$0x3FD0];
	_ =	sdelay $0x2  }
0x91: {  	s15 =	simm.s32 $0xB;
	s4 =	simm.s32 $0x10  }
0x92: {  	[smem:s4], [sflag:s15] =	dma.local [hbm:s2], $0x1  }
0x93: {  	_ =	swait.eq [sflag:s15], $0x1  }
0x94: {  	[sflag:s15] =	ssyncset.done $0x0  }
0x95: {  	[sflag:s15] =	ssyncadd.s32 $0xFFFFFFFF  }
0x96: {  	s16 =	sld [smem:$0x11];
	(tm) =	ssettm $0x1  }
0x97: {  	s17 =	sld [smem:$0x3FFB];
	_ =	sdelay $0x3  }
0x98: {  	_ =	strace s17  }
0x99: {  	s3 =	sld [smem:$0x3FFC];
	_ =	sdelay $0x3  }
0x9a: {  	_ =	strace s3  }
0x9b: {  	s3 =	sld [smem:$0x3FFD];
	_ =	sdelay $0x3  }
0x9c: {  	_ =	strace s3  }
0x9d: {  	_ =	strace $0x8FFFFFFF  }
0x9e: {  	s18 =	sld [smem:$0x3FDB];
	_ =	sdelay $0x1  }
0x9f: {  	s19 =	simm.s32 $_scs_section_size  }
0xa0: {  	s5 =	simm.s32 $_size__tile_overlayer_lowered;
	s6 =	simm.s32 $_tile_overlayer_lowered  }
0xa1: {  	s22 =	simm.s32 $0x1BFF;
	s21 =	sshll.u32 s6, $0x1;
	s3 =	sadd.s32 s19, s18  }
0xa2: {  	s7 =	simm.s32 $0x0;
	s20 =	sshll.u32 s5, $0x1;
	s5 =	sadd.s32 s21, s3  }
0xa3: {  	[timem:s7], [sflag:s22] =	dma.local [hbm:s5], s20  }
0xa4: {  	_ =	swait.ge [sflag:s22], s20  }
0xa5: {  	s4 =	ssub.s32 $0x0, s20;
	[sflag:s22] =	ssyncset.done $0x0  }
0xa6: {  	[sflag:s22] =	ssyncadd.s32 s4;
	_ =	sdelay $0x1  }
0xa7: {  	s23 =	simm.s32 $0x1B8B  }
0xa8: {  	_ =	swait.ge [sflag:s23], $0x1  }
0xa9: {  	[sflag:s23] =	ssyncset.done $0x0  }
0xaa: {  	s25 =	simm.s32 $0x1B8E;
	s24 =	sld [smem:$0x3FFE];
	[sflag:s23] =	ssyncadd.s32 $0xFFFFFFFF  }
0xab: {  	s26 =	simm.s32 $execute0_lowered;
	[smem:$0x3FD2] =	sst s25  }
0xac: {  	s5 =	sshll.u32 s26, $0x1;
	_ =	strace $0x80000049;
	[dreg:$0x1] =	wrdreg $0xFFFFFFFF  }
0xad: {  	s28 =	simm.s32 $_size_execute0_lowered;
	s3 =	sadd.s32 s3, s5;
	[dreg:$0x0] =	wrdreg $0x0  }
0xae: {  	s5 =	sshll.u32 s28, $0x1;
	[dreg:$0x2] =	wrdreg s3  }
0xaf: {  	[dreg:$0x3] =	wrdreg s5  }
0xb0: {  	[dreg:$0x4] =	wrdreg $0xC0  }
0xb1: {  	_ =	task [dreg:s7], $0x5FFFF  }
0xb2: {  	[dreg:$0x1] =	wrdreg $0xFFFFFFFF  }
0xb3: {  	[dreg:$0x0] =	wrdreg $0x60  }
0xb4: {  	[dreg:$0x2] =	wrdreg s16  }
0xb5: {  	[dreg:$0x3] =	wrdreg s24  }
0xb6: {  	[dreg:$0x4] =	wrdreg $0x42000  }
0xb7: {  	[dreg:$0x5] =	wrdreg $0x9  }
0xb8: {  	_ =	task.clear_ibuf [dreg:s7], $0x6FFFF;
	_ =	strace $0x90000049  }
0xb9: {  	s29 =	simm.s32 $0x9;
	_ =	strace $0x8000004B  }
0xba: {  	_ =	swait.ge [sflag:s29], $0x1  }
0xbb: {  	[sflag:s29] =	ssyncadd.s32 $0xFFFFFFFF  }
0xbc: {  	_ =	strace $0x9000004B  }
0xbd: {  	_ =	sfence  }
0xbe: {  	s30 =	sld [smem:$0x0];
	_ =	sdelay $0x2  }
0xbf: {  	s31 =	sshll.u32 s1, $0xD;
	s1 =	sshrl.u32 s1, $0x2  }
0xc0: {  	s3 =	sand.u32 $0x4000, s31;
	s1 =	sadd.s32 s1, s30  }
0xc1: {  	s0 =	sor.u32 s3, s0;
	s1 =	sshll.u32 s1, $0x11  }
0xc2: {  	s0 =	sor.u32 s1, s0  }
0xc3: {  	s0 =	sadd.s32 $0x8F2B, s0  }
0xc4: {  	[sflag:s0] =	ssyncadd.remote.s32 $0x1  }
0xc5: {  	_ =	sfence.sel $0xFFFF  }
0xc6: {  	[dreg:$0x0] =	wrdreg $0xFFFFFFFF;
	(pc) =	sbr.abs _section_cstart, $3  }
0xc7: {  	[dreg:$0x1] =	wrdreg $0xFFFFFFFF  }
0xc8: {  	_ =	task.clear_ibuf [dreg:s7], $0x2FFFF;
	_ =	strace $0x9FFFFFFF  }
0xc9: {  	(tm) =	ssettm $0x7FFFFFFF  }
tec
execute0_lowered:
.L_overlay_start_1:
0x0: {  	(tag) =	ssettag $0x1  }
0x1: {  	s1 =	rddreg [dreg:$0x0]  }
0x2: {  	s0 =	rddreg [dreg:$0x1]  }
0x3: {  	s2 =	rddreg [dreg:$0x2];
	s4 =	srdreg.scid  }
0x4: {  	s3 =	simm.s32 $0x0;
	s13 =	stileid.u32;
	s4 =	sand.u32 $0x1, s4  }
0x5: {  	s29 =	simm.s32 $0x200;
	s8 =	smul.u32 $0x64000, s13;
	s9 =	ssub.s32 $0x2, s4  }
0x6: {  	s30 =	simm.s32 $0x3;
	s31 =	simm.s32 $0x100;
	s10 =	sshrl.u32 s9, $0x1  }
0x7: {  	[smem:$0x7FF] =	sst s3;
	s11 =	sshrl.u32 s8, $0x2;
	s12 =	ssub.s32 s9, s10  }
0x8: {  	s5 =	sadd.s32 $0x1F81000, s0;
	s9 =	sadd.s32 s11, s2;
	s14 =	smax.u32 s12, $0x1  }
0x9: {  	_ =	strace $0x8000004A;
	s15 =	sadd.s32 $0x3200, s9;
	[dreg:$0x4] =	wrdreg s14  }
0xa: {  	s6 =	sadd.s32 $0x1F68800, s0;
	s16 =	sadd.s32 $0x4B00, s9;
	[dreg:$0x5] =	wrdreg s15  }
0xb: {  	s20 =	smul.u32 $0x6400, s13;
	s17 =	sadd.s32 $0x6400, s9;
	[dreg:$0x6] =	wrdreg s16  }
0xc: {  	s7 =	sshll.u32 s4, $0x2;
	s18 =	sadd.s32 $0x7D00, s9;
	[dreg:$0x7] =	wrdreg s17  }
0xd: {  	s0 =	sadd.s32 s7, s0;
	s19 =	sadd.s32 $0x9600, s9;
	[dreg:$0x8] =	wrdreg s18  }
0xe: {  	s7 =	smul.u32 $0xC4, s13;
	s11 =	sadd.s32 $0xAF00, s9;
	[dreg:$0x9] =	wrdreg s19  }
0xf: {  	s8 =	smul.u32 $0xC4000, s4;
	s21 =	sadd.s32 $0xC800, s9;
	[dreg:$0xa] =	wrdreg s11  }
0x10: {  	s4 =	simm.s32 $0x40;
	s22 =	sadd.s32 $0xE100, s9;
	[dreg:$0xb] =	wrdreg s21  }
0x11: {  	s13 =	simm.s32 $0x80;
	s23 =	sadd.s32 $0xFA00, s9;
	[dreg:$0xc] =	wrdreg s22  }
0x12: {  	s10 =	sadd.s32 $0x5200, s0;
	s24 =	sadd.s32 $0x11300, s9;
	[dreg:$0xd] =	wrdreg s23  }
0x13: {  	s0 =	sadd.s32 s20, s0;
	s25 =	sadd.s32 $0x12C00, s9;
	[dreg:$0xe] =	wrdreg s24  }
0x14: {  	s12 =	sadd.s32 $0x1900, s9;
	s26 =	sadd.s32 $0x14500, s9;
	[dreg:$0xf] =	wrdreg s25  }
0x15: {  	s28 =	sadd.s32 $0x17700, s9;
	[dreg:$0x10] =	wrdreg s26;
	s25 =	sadd.s32 $0x625200, s0  }
0x16: {  	s26 =	sadd.s32 $0x15E00, s9;
	s0 =	simm.s32 $0x20;
	s11 =	simm.s32 $0x2200  }
0x17: {  	s14 =	simm.s32 $0x1200;
	s15 =	simm.s32 $0x1;
	s16 =	simm.s32 $0x180  }
0x18: {  	v0 =	vimm.f32 $0.0e+00;
	s17 =	simm.s32 $0x2;
	s18 =	simm.s32 $0x8;
	s19 =	simm.s32 $0x4  }
.LBB2_1:
0x19: {  	s20 =	simm.s32 $0x0;
	s21 =	simm.s32 $0x200  }
.LBB2_2:
0x1a: {  	p0 =	sne.s32 s21, $0x7E00;
	[tilespmem:s20+$0x270] =	vst v0  }
0x1b: {  	[tilespmem:s20+$0x200] =	vst v0  }
0x1c: {  	[tilespmem:s20+$0x210] =	vst v0  }
.Ltmp0:
0x1d: {  	[tilespmem:s20+$0x220] =	vst v0;
	(pc) =	sbr.rel @p0 .LBB2_2-.Ltmp0, $4  }
0x1e: {  	[tilespmem:s20+$0x230] =	vst v0  }
0x1f: {  	[tilespmem:s20+$0x240] =	vst v0  }
0x20: {  	[tilespmem:s20+$0x250] =	vst v0  }
0x21: {  	[tilespmem:s20+$0x260] =	vst v0;
	s20 =	sshra.s32 s21, $0x2;
	s21 =	sadd.s32 $0x200, s21  }
0x22: {  	[tilespmem:s20+$0x270] =	vst v0  }
0x23: {  	[tilespmem:s20+$0x200] =	vst v0  }
0x24: {  	[tilespmem:s20+$0x210] =	vst v0  }
0x25: {  	[tilespmem:s20+$0x220] =	vst v0  }
0x26: {  	[tilespmem:s20+$0x230] =	vst v0  }
0x27: {  	[tilespmem:s20+$0x240] =	vst v0  }
0x28: {  	[tilespmem:s20+$0x250] =	vst v0  }
0x29: {  	[tilespmem:s20+$0x260] =	vst v0  }
0x2a: {  	[spmem:s9] =	stream.linear.scatter [tilespmem:s29], [sflag:$0x3], $0x1900, $0x38;
	[tilespmem:$0x1D200] =	vst v63  }
0x2b: {  	_ =	swait.ge [sflag:s30], $0x1900  }
0x2c: {  	[sflag:s30] =	ssyncset.done $0x0  }
0x2d: {  	[sflag:s30] =	ssyncadd.s32 $0xFFFFE700  }
0x2e: {  	[spmem:s12] =	stream.linear.scatter [tilespmem:s29], [sflag:$0x3], $0x1900, $0x38;
	[tilespmem:$0x1D200] =	vst v63  }
0x2f: {  	_ =	swait.ge [sflag:s30], $0x1900  }
0x30: {  	[sflag:s30] =	ssyncset.done $0x0  }
0x31: {  	s21 =	rddreg [dreg:$0x5];
	[sflag:s30] =	ssyncadd.s32 $0xFFFFE700  }
0x32: {  	[spmem:s21] =	stream.linear.scatter [tilespmem:s29], [sflag:$0x3], $0x1900, $0x38;
	[tilespmem:$0x1D200] =	vst v63  }
0x33: {  	_ =	swait.ge [sflag:s30], $0x1900  }
0x34: {  	[sflag:s30] =	ssyncset.done $0x0  }
0x35: {  	s22 =	rddreg [dreg:$0x6];
	[sflag:s30] =	ssyncadd.s32 $0xFFFFE700  }
0x36: {  	[spmem:s22] =	stream.linear.scatter [tilespmem:s29], [sflag:$0x3], $0x1900, $0x38;
	[tilespmem:$0x1D200] =	vst v63  }
0x37: {  	_ =	swait.ge [sflag:s30], $0x1900  }
0x38: {  	[sflag:s30] =	ssyncset.done $0x0  }
0x39: {  	s23 =	rddreg [dreg:$0x7];
	[sflag:s30] =	ssyncadd.s32 $0xFFFFE700  }
0x3a: {  	[spmem:s23] =	stream.linear.scatter [tilespmem:s29], [sflag:$0x3], $0x1900, $0x38;
	[tilespmem:$0x1D200] =	vst v63  }
0x3b: {  	_ =	swait.ge [sflag:s30], $0x1900  }
0x3c: {  	[sflag:s30] =	ssyncset.done $0x0  }
0x3d: {  	s24 =	rddreg [dreg:$0x8];
	[sflag:s30] =	ssyncadd.s32 $0xFFFFE700  }
0x3e: {  	[spmem:s24] =	stream.linear.scatter [tilespmem:s29], [sflag:$0x3], $0x1900, $0x38;
	[tilespmem:$0x1D200] =	vst v63  }
0x3f: {  	_ =	swait.ge [sflag:s30], $0x1900  }
0x40: {  	[sflag:s30] =	ssyncset.done $0x0  }
0x41: {  	s21 =	rddreg [dreg:$0x9];
	[sflag:s30] =	ssyncadd.s32 $0xFFFFE700  }
0x42: {  	[spmem:s21] =	stream.linear.scatter [tilespmem:s29], [sflag:$0x3], $0x1900, $0x38;
	[tilespmem:$0x1D200] =	vst v63  }
0x43: {  	_ =	swait.ge [sflag:s30], $0x1900  }
0x44: {  	[sflag:s30] =	ssyncset.done $0x0  }
0x45: {  	s22 =	rddreg [dreg:$0xa];
	[sflag:s30] =	ssyncadd.s32 $0xFFFFE700  }
0x46: {  	[spmem:s22] =	stream.linear.scatter [tilespmem:s29], [sflag:$0x3], $0x1900, $0x38;
	[tilespmem:$0x1D200] =	vst v63  }
0x47: {  	_ =	swait.ge [sflag:s30], $0x1900  }
0x48: {  	[sflag:s30] =	ssyncset.done $0x0  }
0x49: {  	s23 =	rddreg [dreg:$0xb];
	[sflag:s30] =	ssyncadd.s32 $0xFFFFE700  }
0x4a: {  	[spmem:s23] =	stream.linear.scatter [tilespmem:s29], [sflag:$0x3], $0x1900, $0x38;
	[tilespmem:$0x1D200] =	vst v63  }
0x4b: {  	_ =	swait.ge [sflag:s30], $0x1900  }
0x4c: {  	[sflag:s30] =	ssyncset.done $0x0  }
0x4d: {  	s24 =	rddreg [dreg:$0xc];
	[sflag:s30] =	ssyncadd.s32 $0xFFFFE700  }
0x4e: {  	[spmem:s24] =	stream.linear.scatter [tilespmem:s29], [sflag:$0x3], $0x1900, $0x38;
	[tilespmem:$0x1D200] =	vst v63  }
0x4f: {  	_ =	swait.ge [sflag:s30], $0x1900  }
0x50: {  	[sflag:s30] =	ssyncset.done $0x0  }
0x51: {  	s21 =	rddreg [dreg:$0xd];
	[sflag:s30] =	ssyncadd.s32 $0xFFFFE700  }
0x52: {  	[spmem:s21] =	stream.linear.scatter [tilespmem:s29], [sflag:$0x3], $0x1900, $0x38;
	[tilespmem:$0x1D200] =	vst v63  }
0x53: {  	_ =	swait.ge [sflag:s30], $0x1900  }
0x54: {  	[sflag:s30] =	ssyncset.done $0x0  }
0x55: {  	s22 =	rddreg [dreg:$0xe];
	[sflag:s30] =	ssyncadd.s32 $0xFFFFE700  }
0x56: {  	[spmem:s22] =	stream.linear.scatter [tilespmem:s29], [sflag:$0x3], $0x1900, $0x38;
	[tilespmem:$0x1D200] =	vst v63  }
0x57: {  	_ =	swait.ge [sflag:s30], $0x1900  }
0x58: {  	[sflag:s30] =	ssyncset.done $0x0  }
0x59: {  	s23 =	rddreg [dreg:$0xf];
	[sflag:s30] =	ssyncadd.s32 $0xFFFFE700  }
0x5a: {  	[spmem:s23] =	stream.linear.scatter [tilespmem:s29], [sflag:$0x3], $0x1900, $0x38;
	[tilespmem:$0x1D200] =	vst v63  }
0x5b: {  	_ =	swait.ge [sflag:s30], $0x1900  }
0x5c: {  	[sflag:s30] =	ssyncset.done $0x0  }
0x5d: {  	s24 =	rddreg [dreg:$0x10];
	[sflag:s30] =	ssyncadd.s32 $0xFFFFE700  }
0x5e: {  	[spmem:s24] =	stream.linear.scatter [tilespmem:s29], [sflag:$0x3], $0x1900, $0x38;
	[tilespmem:$0x1D200] =	vst v63  }
0x5f: {  	_ =	swait.ge [sflag:s30], $0x1900  }
0x60: {  	[sflag:s30] =	ssyncset.done $0x0  }
0x61: {  	[sflag:s30] =	ssyncadd.s32 $0xFFFFE700  }
0x62: {  	[spmem:s26] =	stream.linear.scatter [tilespmem:s29], [sflag:$0x3], $0x1900, $0x38;
	[tilespmem:$0x1D200] =	vst v63  }
0x63: {  	_ =	swait.ge [sflag:s30], $0x1900  }
0x64: {  	[sflag:s30] =	ssyncset.done $0x0  }
0x65: {  	[sflag:s30] =	ssyncadd.s32 $0xFFFFE700  }
0x66: {  	[spmem:s28] =	stream.linear.scatter [tilespmem:s29], [sflag:$0x3], $0x1900, $0x38;
	[tilespmem:$0x1D200] =	vst v63  }
0x67: {  	_ =	swait.ge [sflag:s30], $0x1900  }
0x68: {  	[sflag:s30] =	ssyncset.done $0x0  }
0x69: {  	[sflag:s30] =	ssyncadd.s32 $0xFFFFE700  }
0x6a: {  	s20 =	simm.s32 $0x0;
	s21 =	simm.s32 $0x0;
	[bflag:$0x0] =	sbarrier.arrive $0xFFFF  }
.LBB2_4:
0x6b: {  	s22 =	sadd.s32 s7, s21  }
0x6c: {  	s23 =	sshll.u32 s22, $0x8  }
0x6d: {  	s23 =	sadd.s32 s8, s23  }
0x6e: {  	s23 =	sshrl.u32 s23, $0x3  }
0x6f: {  	s23 =	sadd.s32 s5, s23  }
0x70: {  	[tilespmem:s20], [sflag:$0x3] =	stream.linear.gather [hbm4b:s23+s20], $0x100, $0x38;
	[tilespmem:$0x1D200] =	vst v63  }
0x71: {  	_ =	swait.ge [sflag:s30], $0x100  }
0x72: {  	s24 =	sshll.u32 s22, $0x5;
	[sflag:s30] =	ssyncset.done $0x0  }
0x73: {  	s23 =	sadd.s32 s6, s24;
	[sflag:s30] =	ssyncadd.s32 $0xFFFFFF00  }
0x74: {  	[tilespmem:s31], [sflag:$0x3] =	stream.linear.gather [hbm4b:s23+s20], $0x100, $0x38;
	[tilespmem:$0x1D200] =	vst v63  }
0x75: {  	_ =	swait.ge [sflag:s30], $0x100  }
0x76: {  	s22 =	sshll.u32 s22, $0xB;
	[sflag:s30] =	ssyncset.done $0x0  }
0x77: {  	s22 =	sadd.s32 s22, s10;
	[sflag:s30] =	ssyncadd.s32 $0xFFFFFF00  }
0x78: {  	[tilespmem:s11], [sflag:$0x3] =	stream.strided.gather [hbm4b:s22+s0], $0x2000, s4, s0, $0x38;
	[tilespmem:$0x1D200] =	vst v63  }
0x79: {  	_ =	swait.ge [sflag:s30], $0x2000  }
0x7a: {  	[sflag:s30] =	ssyncset.done $0x0  }
0x7b: {  	[sflag:s30] =	ssyncadd.s32 $0xFFFFE000  }
0x7c: {  	[tilespmem:s29], [sflag:$0x1] =	stream.indirect.gather [hbm4b:s1+s13], $0x20, s20, s13, $0xb8;
	[tilespmem:$0x1D200] =	vst v63  }
0x7d: {  	_ = 	snop  }
0x7e: {  	[tilespmem:s14], [sflag:$0x1] =	stream.indirect.gather [hbm4b:s1+s13], $0x20, s13, s13, $0xb8;
	[tilespmem:$0x1D200] =	vst v63  }
0x7f: {  	_ =	swait.ge [sflag:s15], $0x1000  }
0x80: {  	[sflag:s15] =	ssyncset.done $0x0  }
0x81: {  	[sflag:s15] =	ssyncadd.s32 $0xFFFFF000  }
0x82: {  	_ =	swait.ge [sflag:s15], $0x1000  }
0x83: {  	[sflag:s15] =	ssyncset.done $0x0  }
0x84: {  	s22 =	simm.s32 $0x0;
	[sflag:s15] =	ssyncadd.s32 $0xFFFFF000  }
0x85: {  	v7 =	vld [tilespmem:s22+$0x2200]  }
0x86: {  	v12 =	vld [tilespmem:s22+$0x2210]  }
0x87: {  	v6 =	vld [tilespmem:s22+$0x2220]  }
0x88: {  	v5 =	vld [tilespmem:s22+$0x2230]  }
0x89: {  	v4 =	vld [tilespmem:s22+$0x2240]  }
0x8a: {  	v3 =	vld [tilespmem:s22+$0x2250]  }
0x8b: {  	v2 =	vld [tilespmem:s22+$0x2260]  }
0x8c: {  	v1 =	vld [tilespmem:s22+$0x2270]  }
0x8d: {  	v13 =	vld [tilespmem:s22+$0x200]  }
0x8e: {  	v14 =	vld [tilespmem:s22+$0x210]  }
0x8f: {  	v11 =	vld [tilespmem:s22+$0x220]  }
0x90: {  	v10 =	vld [tilespmem:s22+$0x230]  }
0x91: {  	v9 =	vld [tilespmem:s22+$0x240]  }
0x92: {  	v8 =	vld [tilespmem:s22+$0x250];
	v13 =	vadd.f32 v7, v13  }
0x93: {  	s23 =	simm.s32 $0x200;
	v12 =	vadd.f32 v12, v14;
	v7 =	vld [tilespmem:s22+$0x260]  }
.LBB2_5:
0x94: {  	s24 =	sshra.s32 s23, $0x2;
	p0 =	sne.s32 s23, $0x7E00;
	v13 =	vmax.f32 v13, $0.0e+00;
	v6 =	vadd.f32 v6, v11;
	v11 =	vld [tilespmem:s22+$0x270]  }
0x95: {  	v14 =	vld [tilespmem:s24+$0x2200];
	[tilespmem:s22+$0x200] =	vst v13;
	v12 =	vmax.f32 v12, $0.0e+00;
	v5 =	vadd.f32 v5, v10  }
0x96: {  	v15 =	vld [tilespmem:s24+$0x2210];
	[tilespmem:s22+$0x210] =	vst v12;
	v10 =	vmax.f32 v6, $0.0e+00;
	v4 =	vadd.f32 v4, v9  }
0x97: {  	v6 =	vld [tilespmem:s24+$0x2220];
	[tilespmem:s22+$0x220] =	vst v10;
	v9 =	vmax.f32 v5, $0.0e+00;
	v3 =	vadd.f32 v3, v8  }
0x98: {  	v5 =	vld [tilespmem:s24+$0x2230];
	[tilespmem:s22+$0x230] =	vst v9;
	v8 =	vmax.f32 v4, $0.0e+00;
	v2 =	vadd.f32 v2, v7  }
0x99: {  	v4 =	vld [tilespmem:s24+$0x2240];
	[tilespmem:s22+$0x240] =	vst v8;
	v7 =	vmax.f32 v3, $0.0e+00;
	v1 =	vadd.f32 v1, v11  }
0x9a: {  	v3 =	vld [tilespmem:s24+$0x2250];
	[tilespmem:s22+$0x250] =	vst v7;
	v7 =	vmax.f32 v2, $0.0e+00  }
0x9b: {  	v2 =	vld [tilespmem:s24+$0x2260];
	[tilespmem:s22+$0x260] =	vst v7;
	v7 =	vmax.f32 v1, $0.0e+00  }
0x9c: {  	v1 =	vld [tilespmem:s24+$0x2270];
	[tilespmem:s22+$0x270] =	vst v7;
	s22 =	smov.u32 s24  }
0x9d: {  	v7 =	vld [tilespmem:s22+$0x200]  }
0x9e: {  	v12 =	vld [tilespmem:s22+$0x210]  }
.Ltmp1:
0x9f: {  	v11 =	vld [tilespmem:s22+$0x220];
	(pc) =	sbr.rel @p0 .LBB2_5-.Ltmp1, $4  }
0xa0: {  	v10 =	vld [tilespmem:s22+$0x230]  }
0xa1: {  	v9 =	vld [tilespmem:s22+$0x240]  }
0xa2: {  	v13 =	vadd.f32 v14, v7;
	v8 =	vld [tilespmem:s22+$0x250]  }
0xa3: {  	s23 =	sadd.s32 $0x200, s23;
	v12 =	vadd.f32 v15, v12;
	v7 =	vld [tilespmem:s22+$0x260]  }
0xa4: {  	v13 =	vmax.f32 v13, $0.0e+00;
	v6 =	vadd.f32 v6, v11;
	v63 =	vld [tilespmem:s22+$0x270]  }
0xa5: {  	[tilespmem:s22+$0x200] =	vst v13;
	v12 =	vmax.f32 v12, $0.0e+00;
	v5 =	vadd.f32 v5, v10  }
0xa6: {  	[tilespmem:s22+$0x210] =	vst v12;
	v6 =	vmax.f32 v6, $0.0e+00;
	v4 =	vadd.f32 v4, v9  }
0xa7: {  	[tilespmem:s22+$0x220] =	vst v6;
	v5 =	vmax.f32 v5, $0.0e+00;
	v3 =	vadd.f32 v3, v8  }
0xa8: {  	[tilespmem:s22+$0x230] =	vst v5;
	v4 =	vmax.f32 v4, $0.0e+00;
	v2 =	vadd.f32 v2, v7  }
0xa9: {  	[tilespmem:s22+$0x240] =	vst v4;
	v3 =	vmax.f32 v3, $0.0e+00;
	v1 =	vadd.f32 v1, v63  }
0xaa: {  	[tilespmem:s22+$0x250] =	vst v3;
	v2 =	vmax.f32 v2, $0.0e+00  }
0xab: {  	[tilespmem:s22+$0x260] =	vst v2;
	v1 =	vmax.f32 v1, $0.0e+00  }
0xac: {  	[tilespmem:s22+$0x270] =	vst v1  }
0xad: {  	[spmem:s2] =	stream.indirect.scatter.add.f32 [tilespmem:s29], [sflag:$0x2], $0x20, s31, s13, $0xb8;
	[tilespmem:$0x1D200] =	vst v63  }
0xae: {  	s21 =	sadd.s32 $0x1, s21  }
0xaf: {  	[spmem:s2] =	stream.indirect.scatter.add.f32 [tilespmem:s14], [sflag:$0x2], $0x20, s16, s13, $0xb8;
	[tilespmem:$0x1D200] =	vst v63  }
0xb0: {  	p0 =	sne.s32 s21, $0xC4;
	_ =	swait.ge [sflag:s17], $0x1000  }
.Ltmp2:
0xb1: {  	[sflag:s17] =	ssyncset.done $0x0;
	(pc) =	sbr.rel @p0 .LBB2_4-.Ltmp2, $4  }
0xb2: {  	[sflag:s17] =	ssyncadd.s32 $0xFFFFF000  }
0xb3: {  	_ =	swait.ge [sflag:s17], $0x1000  }
0xb4: {  	[sflag:s17] =	ssyncset.done $0x0  }
0xb5: {  	[sflag:s17] =	ssyncadd.s32 $0xFFFFF000  }
0xb6: {  	s20 =	stileid.u32  }
0xb7: {  	[bflag:$0x0] =	sbarrier.arrive $0xFFFF;
	s20 =	sshll.u32 s20, $0x6  }
0xb8: {  	s21 =	sadd.s32 $0x0, s25;
	s22 =	sshrl.u32 s9, $0x3;
	s20 =	sor.u32 $0x1C03, s20  }
0xb9: {  	[hbm:s21@s18], [sflag:s20] =	dma.strided [spmem:s22@s19], $0x320, s15, $0x4   }
0xba: {  	s21 =	simm.s32 $0x640;
	s22 =	smov.u32 s12;
	_ =	swait.ge [sflag:s30], $0x320  }
.LBB2_8:
0xbb: {  	s23 =	sadd.s32 s21, s25;
	[sflag:s30] =	ssyncset.done $0x0;
	p0 =	sne.s32 s21, $0x5DC0  }
.Ltmp3:
0xbc: {  	s24 =	sshrl.u32 s22, $0x3;
	[sflag:s30] =	ssyncadd.s32 $0xFFFFFCE0;
	(pc) =	sbr.rel @p0 .LBB2_8-.Ltmp3, $3  }
0xbd: {  	[hbm:s23@s18], [sflag:s20] =	dma.strided [spmem:s24@s19], $0x320, s15, $0x4   }
0xbe: {  	s21 =	sadd.s32 $0x640, s21;
	_ =	sdelay $0x1  }
0xbf: {  	s22 =	sadd.s32 $0x1900, s22;
	_ =	swait.ge [sflag:s30], $0x320  }
0xc0: {  	s3 =	sadd.s32 $0x1, s3;
	s20 =	rddreg [dreg:$0x4]  }
0xc1: {  	p0 =	sne.s32 s3, s20  }
.Ltmp4:
0xc2: {  	_ = 	snop;
	(pc) =	sbr.rel @p0 .LBB2_1-.Ltmp4, $3  }
0xc3: {  	_ =	sdelay $0x1  }
0xc4: {  	[sflag:s30] =	ssyncset.done $0x0  }
0xc5: {  	[sflag:s30] =	ssyncadd.s32 $0xFFFFFCE0  }
0xc6: {  	_ =	sfence.sel $0x180000  }
0xc7: {  	[bflag:$0x0] =	sbarrier.arrive $0xFFFF  }
0xc8: {  	_ =	strace $0x9000004A  }
0xc9: {  	s0 =	stileid.u32;
	[bflag:$0x2] =	sbarrier.arrive $0xFFFF  }
0xca: {  	p0 =	sne.s32 s0, $0x0;
	s0 =	rddreg [dreg:$0x3]  }
0xcb: {  	s0 =	sadd.s32 @!p0 $0x100000, s0  }
0xcc: {  	[sflag:s0] =	ssyncadd.tile.s32 @!p0 $0x1;
	_ =	shalt  }
.Lfunc_end2:
_tile_overlayer_lowered:
.L_overlay_start_2:
0xcd: {  	(tag) =	ssettag $0x2  }
0xce: {  	s0 =	rddreg [dreg:$0x0];
	s2 =	stileid.u32  }
0xcf: {  	s1 =	rddreg [dreg:$0x1];
	p0 =	sne.s32 s2, $0x0  }
0xd0: {  	s3 =	rddreg [dreg:$0x2];
	[bflag:$0x3] =	sbarrier.arrive $0xFFFF;
	s2 =	simm.s32 @!p0 $0x1C03  }
0xd1: {  	[timem:s3], [sflag:s2] =	dma.local @!p0 [hbm:s0], s1  }
0xd2: {  	s0 =	simm.s32 @!p0 $0x3  }
0xd3: {  	_ =	swait.ge @!p0 [sflag:s0], s1  }
0xd4: {  	s1 =	ssub.s32 @!p0 $0x0, s1;
	[sflag:s0] =	ssyncset.done @!p0 $0x0  }
0xd5: {  	[sflag:s0] =	ssyncadd.s32 @!p0 s1  }
0xd6: {  	[bflag:$0x3] =	sbarrier.arrive $0xFFFF  }
0xd7: {  	_ =	shalt  }

// kernel: kernel.19.cloned.1.call-start
scs
__scs_entry_jumppad:
0x0: {  	(pc) =	sbr.rel $0x88, $3  }
0x1: {  	(tag) =	ssettag $0x0;
	lr =	simm.s32 $0x1  }
0x2: {  	[smem:$0x3F7A] =	sst lr;
	_ =	strace $0xD0000000  }
0x3: {  	_ = 	snop  }
0x4: {  	_ = 	snop  }
0x5: {  	_ = 	snop  }
0x6: {  	_ = 	snop  }
0x7: {  	_ = 	snop  }
__scs_overlays_trampoline_lowered:
0x8: {  	[smem:$0x3F89] =	sst s0  }
0x9: {  	[smem:$0x3F8A] =	sst s1  }
0xa: {  	[smem:$0x3F8B] =	sst s2  }
0xb: {  	[smem:$0x3F8C] =	sst s3  }
0xc: {  	[smem:$0x3F8D] =	sst s4  }
0xd: {  	[smem:$0x3F8E] =	sst s5  }
0xe: {  	[smem:$0x3F8F] =	sst s6  }
0xf: {  	[smem:$0x3F90] =	sst s7  }
0x10: {  	[smem:$0x3F91] =	sst s8  }
0x11: {  	[smem:$0x3F92] =	sst s9;
	s0 =	simm.s32 @!p0 $0x0  }
0x12: {  	s1 =	sld [smem:$0x3F78];
	s0 =	simm.s32 @p0 $0x1  }
0x13: {  	[smem:$0x3F93] =	sst s0;
	s0 =	simm.s32 @!p1 $0x0  }
0x14: {  	s2 =	sld [smem:$0x3F77];
	s0 =	simm.s32 @p1 $0x1  }
0x15: {  	[smem:$0x3F94] =	sst s0;
	s0 =	simm.s32 @!p2 $0x0  }
0x16: {  	s3 =	sld [smem:$0x3FDB];
	s0 =	simm.s32 @p2 $0x1  }
0x17: {  	s4 =	simm.s32 $0x1BF5;
	[smem:$0x3F96] =	sst s0  }
0x18: {  	s0 =	sld [smem:$0x3F79];
	_ =	swait.ge [sflag:s4], $0x0  }
0x19: {  	s7 =	sld [smem:$0x3F7A]  }
0x1a: {  	s8 =	sadd.s32 $0xFFFFE003, lr  }
0x1b: {  	s9 =	sadd.s32 $0xFFFFFEF7, lr;
	s5 =	simm.s32 $0xFFFFFFFF;
	p2 =	slt.u32 s8, $0xFFFFF086  }
0x1c: {  	p1 =	slt.u32 s9, $0xF7A;
	s5 =	simm.s32 @!p2 $0x0  }
0x1d: {  	s5 =	simm.s32 @p1 $0x1;
	p0 =	seq.s32 s7, s2  }
0x1e: {  	s7 =	smul.u32 @!p0 $0xF7A, s2;
	p2 =	seq.s32 @!p0 s5, $0x0  }
0x1f: {  	s9 =	smul.u32 $0xF7A, s1;
	s8 =	simm.s32 @!p0 $0x1BF5;
	p2 =	por !p2, p0  }
0x20: {  	[sflag:s8] =	ssyncset.s32 @!p0 $0xFFFFF086;
	s6 =	sadd.s32 @!p0 s3, s7;
	s7 =	simm.s32 @!p0 $0x108  }
0x21: {  	s3 =	sadd.s32 s3, s9;
	s6 =	sadd.s32 @!p0 $0x88, s6;
	s7 =	simm.s32 @p2 $0x1082  }
0x22: {  	[simem:s7], [sflag:s8] =	dma.local @!p0 [hbm:s6], $0xF7A  }
0x23: {  	s9 =	sor.u32 $0xD0000000, s2;
	s6 =	simm.s32 $0x108;
	_ =	swait.ge @!p0 [sflag:s8], $0x0  }
0x24: {  	s3 =	sadd.s32 $0x88, s3;
	s6 =	simm.s32 @!p1 $0x1082;
	[sflag:s4] =	ssyncset.s32 $0xFFFFF086  }
0x25: {  	[simem:s6], [sflag:s4] =	dma.local [hbm:s3], $0xF7A  }
0x26: {  	[smem:$0x3F7A] =	sst s1;
	(tag) =	ssettag s2;
	_ =	strace s9  }
0x27: {  	s1 =	sld [smem:$0x3F8A]  }
0x28: {  	s2 =	sld [smem:$0x3F8B]  }
0x29: {  	s4 =	sld [smem:$0x3F8D]  }
0x2a: {  	p0 =	seq.s32 s5, $0x0;
	s5 =	sld [smem:$0x3F8E]  }
0x2b: {  	s6 =	sld [smem:$0x3F8F]  }
0x2c: {  	s7 =	sld [smem:$0x3F90]  }
0x2d: {  	s3 =	simm.s32 $0x108;
	s8 =	sld [smem:$0x3F91]  }
0x2e: {  	s3 =	simm.s32 @!p0 $0x1082;
	s9 =	sld [smem:$0x3F92]  }
0x2f: {  	lr =	sadd.s32 s0, s3;
	s0 =	sld [smem:$0x3F89]  }
0x30: {  	s3 =	sld [smem:$0x3F8C]  }
0x31: {  	[smem:$0x3F95] =	sst s10  }
0x32: {  	s10 =	sld [smem:$0x3F93];
	_ =	sdelay $0x3  }
0x33: {  	p0 =	seq.s32 s10, $0x1;
	s10 =	sld [smem:$0x3F95];
	_ =	sdelay $0x3  }
0x34: {  	[smem:$0x3F95] =	sst s10  }
0x35: {  	s10 =	sld [smem:$0x3F94];
	_ =	sdelay $0x3  }
0x36: {  	p1 =	seq.s32 s10, $0x1;
	s10 =	sld [smem:$0x3F95];
	_ =	sdelay $0x3  }
0x37: {  	[smem:$0x3F95] =	sst s10  }
0x38: {  	s10 =	sld [smem:$0x3F96]  }
0x39: {  	_ = 	snop;
	(pc) =	sbr.ind lr, $3  }
0x3a: {  	_ = 	snop  }
0x3b: {  	_ = 	snop  }
0x3c: {  	p2 =	seq.s32 s10, $0x1;
	s10 =	sld [smem:$0x3F95]  }
0x3d: {  	_ =	shalt  }
0x3e: {  	_ =	shalt  }
0x3f: {  	_ =	shalt  }
0x40: {  	_ =	shalt  }
0x41: {  	_ =	shalt  }
0x42: {  	_ =	shalt  }
0x43: {  	_ =	shalt  }
0x44: {  	_ =	shalt  }
0x45: {  	_ =	shalt  }
0x46: {  	_ =	shalt  }
0x47: {  	_ =	shalt  }
0x48: {  	_ =	shalt  }
0x49: {  	_ =	shalt  }
0x4a: {  	_ =	shalt  }
0x4b: {  	_ =	shalt  }
0x4c: {  	_ =	shalt  }
0x4d: {  	_ =	shalt  }
0x4e: {  	_ =	shalt  }
0x4f: {  	_ =	shalt  }
0x50: {  	_ =	shalt  }
0x51: {  	_ =	shalt  }
0x52: {  	_ =	shalt  }
0x53: {  	_ =	shalt  }
0x54: {  	_ =	shalt  }
0x55: {  	_ =	shalt  }
0x56: {  	_ =	shalt  }
0x57: {  	_ =	shalt  }
0x58: {  	_ =	shalt  }
0x59: {  	_ =	shalt  }
0x5a: {  	_ =	shalt  }
0x5b: {  	_ =	shalt  }
0x5c: {  	_ =	shalt  }
0x5d: {  	_ =	shalt  }
0x5e: {  	_ =	shalt  }
0x5f: {  	_ =	shalt  }
0x60: {  	_ =	shalt  }
0x61: {  	_ =	shalt  }
0x62: {  	_ =	shalt  }
0x63: {  	_ =	shalt  }
0x64: {  	_ =	shalt  }
0x65: {  	_ =	shalt  }
0x66: {  	_ =	shalt  }
0x67: {  	_ =	shalt  }
0x68: {  	_ =	shalt  }
0x69: {  	_ =	shalt  }
0x6a: {  	_ =	shalt  }
0x6b: {  	_ =	shalt  }
0x6c: {  	_ =	shalt  }
0x6d: {  	_ =	shalt  }
0x6e: {  	_ =	shalt  }
0x6f: {  	_ =	shalt  }
0x70: {  	_ =	shalt  }
0x71: {  	_ =	shalt  }
0x72: {  	_ =	shalt  }
0x73: {  	_ =	shalt  }
0x74: {  	_ =	shalt  }
0x75: {  	_ =	shalt  }
0x76: {  	_ =	shalt  }
0x77: {  	_ =	shalt  }
0x78: {  	_ =	shalt  }
0x79: {  	_ =	shalt  }
0x7a: {  	_ =	shalt  }
0x7b: {  	_ =	shalt  }
0x7c: {  	_ =	shalt  }
0x7d: {  	_ =	shalt  }
0x7e: {  	_ =	shalt  }
0x7f: {  	_ =	shalt  }
0x80: {  	_ =	shalt  }
0x81: {  	_ =	shalt  }
0x82: {  	_ =	shalt  }
0x83: {  	_ =	shalt  }
0x84: {  	_ =	shalt  }
0x85: {  	_ =	shalt  }
0x86: {  	_ =	shalt  }
0x87: {  	_ =	shalt  }
.Lfunc_end0:
.L_simem_size_0:
called_computation.2_lowered:
.L_overlay_start_0:
0x88: {  	s2 =	sld [smem:$0x3FD9]  }
0x89: {  	s3 =	sld [smem:$0x3FFE];
	_ =	sdelay $0x1  }
0x8a: {  	s1 =	srdreg.scid  }
0x8b: {  	s0 =	sand.u32 $0x1, s1  }
0x8c: {  	s16 =	sshll.u32 s0, $0xA;
	s2 =	sadd.s32 s3, s2  }
0x8d: {  	s2 =	sadd.s32 s2, s16  }
0x8e: {  	[smem:$0x3FA1] =	sst s2  }
0x8f: {  	_ = 	snop  }
0x90: {  	(tm) =	ssettm $0x1  }
0x91: {  	s17 =	sld [smem:$0x3FFB];
	_ =	sdelay $0x3  }
0x92: {  	_ =	strace s17  }
0x93: {  	s2 =	sld [smem:$0x3FFC];
	_ =	sdelay $0x3  }
0x94: {  	_ =	strace s2  }
0x95: {  	s2 =	sld [smem:$0x3FFD];
	_ =	sdelay $0x3  }
0x96: {  	_ =	strace s2  }
0x97: {  	_ =	strace $0x8FFFFFFF  }
0x98: {  	s18 =	sld [smem:$0x3FDB];
	_ =	sdelay $0x1  }
0x99: {  	s19 =	simm.s32 $_scs_section_size  }
0x9a: {  	s4 =	simm.s32 $_size__tile_overlayer_lowered;
	s5 =	simm.s32 $_tile_overlayer_lowered  }
0x9b: {  	s22 =	simm.s32 $0x1BFF;
	s21 =	sshll.u32 s5, $0x1;
	s2 =	sadd.s32 s19, s18  }
0x9c: {  	s6 =	simm.s32 $0x0;
	s20 =	sshll.u32 s4, $0x1;
	s4 =	sadd.s32 s21, s2  }
0x9d: {  	[timem:s6], [sflag:s22] =	dma.local [hbm:s4], s20  }
0x9e: {  	_ =	swait.ge [sflag:s22], s20  }
0x9f: {  	s3 =	ssub.s32 $0x0, s20;
	[sflag:s22] =	ssyncset.done $0x0  }
0xa0: {  	[sflag:s22] =	ssyncadd.s32 s3;
	_ =	sdelay $0x1  }
0xa1: {  	s23 =	simm.s32 $0x1B8B  }
0xa2: {  	_ =	swait.ge [sflag:s23], $0x1  }
0xa3: {  	[sflag:s23] =	ssyncset.done $0x0  }
0xa4: {  	s25 =	simm.s32 $0x1B8E;
	s24 =	sld [smem:$0x3FFE];
	[sflag:s23] =	ssyncadd.s32 $0xFFFFFFFF  }
0xa5: {  	s26 =	simm.s32 $execute0_lowered;
	[smem:$0x3FD2] =	sst s25  }
0xa6: {  	s4 =	sshll.u32 s26, $0x1;
	_ =	strace $0x8000004C;
	[dreg:$0x1] =	wrdreg $0xFFFFFFFF  }
0xa7: {  	s28 =	simm.s32 $_size_execute0_lowered;
	s2 =	sadd.s32 s2, s4;
	[dreg:$0x0] =	wrdreg $0x0  }
0xa8: {  	s4 =	sshll.u32 s28, $0x1;
	[dreg:$0x2] =	wrdreg s2  }
0xa9: {  	[dreg:$0x3] =	wrdreg s4  }
0xaa: {  	[dreg:$0x4] =	wrdreg $0xC0  }
0xab: {  	_ =	task [dreg:s6], $0x5FFFF  }
0xac: {  	[dreg:$0x1] =	wrdreg $0xFFFFFFFF  }
0xad: {  	[dreg:$0x0] =	wrdreg $0x60  }
0xae: {  	[dreg:$0x2] =	wrdreg s24  }
0xaf: {  	[dreg:$0x3] =	wrdreg $0x42000  }
0xb0: {  	[dreg:$0x4] =	wrdreg $0xA  }
0xb1: {  	_ =	task.clear_ibuf [dreg:s6], $0x5FFFF;
	_ =	strace $0x9000004C  }
0xb2: {  	s29 =	simm.s32 $0xA;
	_ =	strace $0x8000004E  }
0xb3: {  	_ =	swait.ge [sflag:s29], $0x1  }
0xb4: {  	[sflag:s29] =	ssyncadd.s32 $0xFFFFFFFF  }
0xb5: {  	_ =	strace $0x9000004E  }
0xb6: {  	_ =	sfence  }
0xb7: {  	s30 =	sld [smem:$0x0];
	_ =	sdelay $0x2  }
0xb8: {  	s31 =	sshll.u32 s1, $0xD;
	s1 =	sshrl.u32 s1, $0x2  }
0xb9: {  	s3 =	sand.u32 $0x4000, s31;
	s1 =	sadd.s32 s1, s30  }
0xba: {  	s0 =	sor.u32 s3, s0;
	s1 =	sshll.u32 s1, $0x11  }
0xbb: {  	s0 =	sor.u32 s1, s0  }
0xbc: {  	s0 =	sadd.s32 $0x8F2B, s0  }
0xbd: {  	[sflag:s0] =	ssyncadd.remote.s32 $0x1  }
0xbe: {  	_ =	sfence.sel $0xFFFF  }
0xbf: {  	[dreg:$0x0] =	wrdreg $0xFFFFFFFF;
	(pc) =	sbr.abs _section_cstart, $3  }
0xc0: {  	[dreg:$0x1] =	wrdreg $0xFFFFFFFF  }
0xc1: {  	_ =	task.clear_ibuf [dreg:s6], $0x2FFFF;
	_ =	strace $0x9FFFFFFF  }
0xc2: {  	(tm) =	ssettm $0x7FFFFFFF  }
0xc3: {  	_ =	shalt  }
tec
execute0_lowered:
.L_overlay_start_1:
0x0: {  	(tag) =	ssettag $0x1  }
0x1: {  	s0 =	rddreg [dreg:$0x0]  }
0x2: {  	s1 =	rddreg [dreg:$0x1];
	s2 =	simm.s32 $0x0;
	s3 =	srdreg.scid  }
0x3: {  	s13 =	stileid.u32;
	s29 =	simm.s32 $0x200;
	s3 =	sand.u32 $0x1, s3  }
0x4: {  	s30 =	simm.s32 $0x3;
	s8 =	smul.u32 $0x64000, s13;
	s9 =	ssub.s32 $0x2, s3  }
0x5: {  	s31 =	simm.s32 $0x100;
	[smem:$0x7FF] =	sst s2;
	s10 =	sshrl.u32 s9, $0x1  }
0x6: {  	s4 =	sadd.s32 $0x625200, s0;
	s11 =	sshrl.u32 s8, $0x2;
	s12 =	ssub.s32 s9, s10  }
0x7: {  	s5 =	sadd.s32 $0x1F81000, s0;
	s9 =	sadd.s32 s11, s1;
	s14 =	smax.u32 s12, $0x1  }
0x8: {  	_ =	strace $0x8000004D;
	s15 =	sadd.s32 $0x3200, s9;
	[dreg:$0x3] =	wrdreg s14  }
0x9: {  	s6 =	sadd.s32 $0x1F68800, s0;
	s16 =	sadd.s32 $0x4B00, s9;
	[dreg:$0x4] =	wrdreg s15  }
0xa: {  	s20 =	smul.u32 $0x6400, s13;
	s17 =	sadd.s32 $0x6400, s9;
	[dreg:$0x5] =	wrdreg s16  }
0xb: {  	s7 =	sshll.u32 s3, $0x2;
	s18 =	sadd.s32 $0x7D00, s9;
	[dreg:$0x6] =	wrdreg s17  }
0xc: {  	s0 =	sadd.s32 s7, s0;
	s19 =	sadd.s32 $0x9600, s9;
	[dreg:$0x7] =	wrdreg s18  }
0xd: {  	s7 =	smul.u32 $0xC4, s13;
	s11 =	sadd.s32 $0xAF00, s9;
	[dreg:$0x8] =	wrdreg s19  }
0xe: {  	s8 =	smul.u32 $0xC4000, s3;
	s21 =	sadd.s32 $0xC800, s9;
	[dreg:$0x9] =	wrdreg s11  }
0xf: {  	s3 =	simm.s32 $0x40;
	s22 =	sadd.s32 $0xE100, s9;
	[dreg:$0xa] =	wrdreg s21  }
0x10: {  	s13 =	simm.s32 $0x80;
	s23 =	sadd.s32 $0xFA00, s9;
	[dreg:$0xb] =	wrdreg s22  }
0x11: {  	s10 =	sadd.s32 $0x5200, s0;
	s24 =	sadd.s32 $0x11300, s9;
	[dreg:$0xc] =	wrdreg s23  }
0x12: {  	s0 =	sadd.s32 s20, s0;
	s25 =	sadd.s32 $0x12C00, s9;
	[dreg:$0xd] =	wrdreg s24  }
0x13: {  	s12 =	sadd.s32 $0x1900, s9;
	s26 =	sadd.s32 $0x14500, s9;
	[dreg:$0xe] =	wrdreg s25  }
0x14: {  	s28 =	sadd.s32 $0x17700, s9;
	[dreg:$0xf] =	wrdreg s26;
	s25 =	sadd.s32 $0x686E00, s0  }
0x15: {  	s26 =	sadd.s32 $0x15E00, s9;
	s0 =	simm.s32 $0x20;
	s11 =	simm.s32 $0x2200  }
0x16: {  	s14 =	simm.s32 $0x1200;
	s15 =	simm.s32 $0x1;
	s16 =	simm.s32 $0x180  }
0x17: {  	v0 =	vimm.f32 $0.0e+00;
	s17 =	simm.s32 $0x2;
	s18 =	simm.s32 $0x8;
	s19 =	simm.s32 $0x4  }
.LBB2_1:
0x18: {  	s20 =	simm.s32 $0x0;
	s21 =	simm.s32 $0x200  }
.LBB2_2:
0x19: {  	p0 =	sne.s32 s21, $0x7E00;
	[tilespmem:s20+$0x270] =	vst v0  }
0x1a: {  	[tilespmem:s20+$0x200] =	vst v0  }
0x1b: {  	[tilespmem:s20+$0x210] =	vst v0  }
.Ltmp0:
0x1c: {  	[tilespmem:s20+$0x220] =	vst v0;
	(pc) =	sbr.rel @p0 .LBB2_2-.Ltmp0, $4  }
0x1d: {  	[tilespmem:s20+$0x230] =	vst v0  }
0x1e: {  	[tilespmem:s20+$0x240] =	vst v0  }
0x1f: {  	[tilespmem:s20+$0x250] =	vst v0  }
0x20: {  	[tilespmem:s20+$0x260] =	vst v0;
	s20 =	sshra.s32 s21, $0x2;
	s21 =	sadd.s32 $0x200, s21  }
0x21: {  	[tilespmem:s20+$0x270] =	vst v0  }
0x22: {  	[tilespmem:s20+$0x200] =	vst v0  }
0x23: {  	[tilespmem:s20+$0x210] =	vst v0  }
0x24: {  	[tilespmem:s20+$0x220] =	vst v0  }
0x25: {  	[tilespmem:s20+$0x230] =	vst v0  }
0x26: {  	[tilespmem:s20+$0x240] =	vst v0  }
0x27: {  	[tilespmem:s20+$0x250] =	vst v0  }
0x28: {  	[tilespmem:s20+$0x260] =	vst v0  }
0x29: {  	[spmem:s9] =	stream.linear.scatter [tilespmem:s29], [sflag:$0x3], $0x1900, $0x38;
	[tilespmem:$0x1D200] =	vst v63  }
0x2a: {  	_ =	swait.ge [sflag:s30], $0x1900  }
0x2b: {  	[sflag:s30] =	ssyncset.done $0x0  }
0x2c: {  	[sflag:s30] =	ssyncadd.s32 $0xFFFFE700  }
0x2d: {  	[spmem:s12] =	stream.linear.scatter [tilespmem:s29], [sflag:$0x3], $0x1900, $0x38;
	[tilespmem:$0x1D200] =	vst v63  }
0x2e: {  	_ =	swait.ge [sflag:s30], $0x1900  }
0x2f: {  	[sflag:s30] =	ssyncset.done $0x0  }
0x30: {  	s21 =	rddreg [dreg:$0x4];
	[sflag:s30] =	ssyncadd.s32 $0xFFFFE700  }
0x31: {  	[spmem:s21] =	stream.linear.scatter [tilespmem:s29], [sflag:$0x3], $0x1900, $0x38;
	[tilespmem:$0x1D200] =	vst v63  }
0x32: {  	_ =	swait.ge [sflag:s30], $0x1900  }
0x33: {  	[sflag:s30] =	ssyncset.done $0x0  }
0x34: {  	s22 =	rddreg [dreg:$0x5];
	[sflag:s30] =	ssyncadd.s32 $0xFFFFE700  }
0x35: {  	[spmem:s22] =	stream.linear.scatter [tilespmem:s29], [sflag:$0x3], $0x1900, $0x38;
	[tilespmem:$0x1D200] =	vst v63  }
0x36: {  	_ =	swait.ge [sflag:s30], $0x1900  }
0x37: {  	[sflag:s30] =	ssyncset.done $0x0  }
0x38: {  	s23 =	rddreg [dreg:$0x6];
	[sflag:s30] =	ssyncadd.s32 $0xFFFFE700  }
0x39: {  	[spmem:s23] =	stream.linear.scatter [tilespmem:s29], [sflag:$0x3], $0x1900, $0x38;
	[tilespmem:$0x1D200] =	vst v63  }
0x3a: {  	_ =	swait.ge [sflag:s30], $0x1900  }
0x3b: {  	[sflag:s30] =	ssyncset.done $0x0  }
0x3c: {  	s24 =	rddreg [dreg:$0x7];
	[sflag:s30] =	ssyncadd.s32 $0xFFFFE700  }
0x3d: {  	[spmem:s24] =	stream.linear.scatter [tilespmem:s29], [sflag:$0x3], $0x1900, $0x38;
	[tilespmem:$0x1D200] =	vst v63  }
0x3e: {  	_ =	swait.ge [sflag:s30], $0x1900  }
0x3f: {  	[sflag:s30] =	ssyncset.done $0x0  }
0x40: {  	s21 =	rddreg [dreg:$0x8];
	[sflag:s30] =	ssyncadd.s32 $0xFFFFE700  }
0x41: {  	[spmem:s21] =	stream.linear.scatter [tilespmem:s29], [sflag:$0x3], $0x1900, $0x38;
	[tilespmem:$0x1D200] =	vst v63  }
0x42: {  	_ =	swait.ge [sflag:s30], $0x1900  }
0x43: {  	[sflag:s30] =	ssyncset.done $0x0  }
0x44: {  	s22 =	rddreg [dreg:$0x9];
	[sflag:s30] =	ssyncadd.s32 $0xFFFFE700  }
0x45: {  	[spmem:s22] =	stream.linear.scatter [tilespmem:s29], [sflag:$0x3], $0x1900, $0x38;
	[tilespmem:$0x1D200] =	vst v63  }
0x46: {  	_ =	swait.ge [sflag:s30], $0x1900  }
0x47: {  	[sflag:s30] =	ssyncset.done $0x0  }
0x48: {  	s23 =	rddreg [dreg:$0xa];
	[sflag:s30] =	ssyncadd.s32 $0xFFFFE700  }
0x49: {  	[spmem:s23] =	stream.linear.scatter [tilespmem:s29], [sflag:$0x3], $0x1900, $0x38;
	[tilespmem:$0x1D200] =	vst v63  }
0x4a: {  	_ =	swait.ge [sflag:s30], $0x1900  }
0x4b: {  	[sflag:s30] =	ssyncset.done $0x0  }
0x4c: {  	s24 =	rddreg [dreg:$0xb];
	[sflag:s30] =	ssyncadd.s32 $0xFFFFE700  }
0x4d: {  	[spmem:s24] =	stream.linear.scatter [tilespmem:s29], [sflag:$0x3], $0x1900, $0x38;
	[tilespmem:$0x1D200] =	vst v63  }
0x4e: {  	_ =	swait.ge [sflag:s30], $0x1900  }
0x4f: {  	[sflag:s30] =	ssyncset.done $0x0  }
0x50: {  	s21 =	rddreg [dreg:$0xc];
	[sflag:s30] =	ssyncadd.s32 $0xFFFFE700  }
0x51: {  	[spmem:s21] =	stream.linear.scatter [tilespmem:s29], [sflag:$0x3], $0x1900, $0x38;
	[tilespmem:$0x1D200] =	vst v63  }
0x52: {  	_ =	swait.ge [sflag:s30], $0x1900  }
0x53: {  	[sflag:s30] =	ssyncset.done $0x0  }
0x54: {  	s22 =	rddreg [dreg:$0xd];
	[sflag:s30] =	ssyncadd.s32 $0xFFFFE700  }
0x55: {  	[spmem:s22] =	stream.linear.scatter [tilespmem:s29], [sflag:$0x3], $0x1900, $0x38;
	[tilespmem:$0x1D200] =	vst v63  }
0x56: {  	_ =	swait.ge [sflag:s30], $0x1900  }
0x57: {  	[sflag:s30] =	ssyncset.done $0x0  }
0x58: {  	s23 =	rddreg [dreg:$0xe];
	[sflag:s30] =	ssyncadd.s32 $0xFFFFE700  }
0x59: {  	[spmem:s23] =	stream.linear.scatter [tilespmem:s29], [sflag:$0x3], $0x1900, $0x38;
	[tilespmem:$0x1D200] =	vst v63  }
0x5a: {  	_ =	swait.ge [sflag:s30], $0x1900  }
0x5b: {  	[sflag:s30] =	ssyncset.done $0x0  }
0x5c: {  	s24 =	rddreg [dreg:$0xf];
	[sflag:s30] =	ssyncadd.s32 $0xFFFFE700  }
0x5d: {  	[spmem:s24] =	stream.linear.scatter [tilespmem:s29], [sflag:$0x3], $0x1900, $0x38;
	[tilespmem:$0x1D200] =	vst v63  }
0x5e: {  	_ =	swait.ge [sflag:s30], $0x1900  }
0x5f: {  	[sflag:s30] =	ssyncset.done $0x0  }
0x60: {  	[sflag:s30] =	ssyncadd.s32 $0xFFFFE700  }
0x61: {  	[spmem:s26] =	stream.linear.scatter [tilespmem:s29], [sflag:$0x3], $0x1900, $0x38;
	[tilespmem:$0x1D200] =	vst v63  }
0x62: {  	_ =	swait.ge [sflag:s30], $0x1900  }
0x63: {  	[sflag:s30] =	ssyncset.done $0x0  }
0x64: {  	[sflag:s30] =	ssyncadd.s32 $0xFFFFE700  }
0x65: {  	[spmem:s28] =	stream.linear.scatter [tilespmem:s29], [sflag:$0x3], $0x1900, $0x38;
	[tilespmem:$0x1D200] =	vst v63  }
0x66: {  	_ =	swait.ge [sflag:s30], $0x1900  }
0x67: {  	[sflag:s30] =	ssyncset.done $0x0  }
0x68: {  	[sflag:s30] =	ssyncadd.s32 $0xFFFFE700  }
0x69: {  	s20 =	simm.s32 $0x0;
	s21 =	simm.s32 $0x0;
	[bflag:$0x0] =	sbarrier.arrive $0xFFFF  }
.LBB2_4:
0x6a: {  	s22 =	sadd.s32 s7, s21  }
0x6b: {  	s23 =	sshll.u32 s22, $0x8  }
0x6c: {  	s23 =	sadd.s32 s8, s23  }
0x6d: {  	s23 =	sshrl.u32 s23, $0x3  }
0x6e: {  	s23 =	sadd.s32 s5, s23  }
0x6f: {  	[tilespmem:s20], [sflag:$0x3] =	stream.linear.gather [hbm4b:s23+s20], $0x100, $0x38;
	[tilespmem:$0x1D200] =	vst v63  }
0x70: {  	_ =	swait.ge [sflag:s30], $0x100  }
0x71: {  	s24 =	sshll.u32 s22, $0x5;
	[sflag:s30] =	ssyncset.done $0x0  }
0x72: {  	s23 =	sadd.s32 s6, s24;
	[sflag:s30] =	ssyncadd.s32 $0xFFFFFF00  }
0x73: {  	[tilespmem:s31], [sflag:$0x3] =	stream.linear.gather [hbm4b:s23+s20], $0x100, $0x38;
	[tilespmem:$0x1D200] =	vst v63  }
0x74: {  	_ =	swait.ge [sflag:s30], $0x100  }
0x75: {  	s22 =	sshll.u32 s22, $0xB;
	[sflag:s30] =	ssyncset.done $0x0  }
0x76: {  	s22 =	sadd.s32 s22, s10;
	[sflag:s30] =	ssyncadd.s32 $0xFFFFFF00  }
0x77: {  	[tilespmem:s11], [sflag:$0x3] =	stream.strided.gather [hbm4b:s22+s0], $0x2000, s3, s0, $0x38;
	[tilespmem:$0x1D200] =	vst v63  }
0x78: {  	_ =	swait.ge [sflag:s30], $0x2000  }
0x79: {  	[sflag:s30] =	ssyncset.done $0x0  }
0x7a: {  	[sflag:s30] =	ssyncadd.s32 $0xFFFFE000  }
0x7b: {  	[tilespmem:s29], [sflag:$0x1] =	stream.indirect.gather [hbm4b:s4+s13], $0x20, s20, s13, $0xb8;
	[tilespmem:$0x1D200] =	vst v63  }
0x7c: {  	_ = 	snop  }
0x7d: {  	[tilespmem:s14], [sflag:$0x1] =	stream.indirect.gather [hbm4b:s4+s13], $0x20, s13, s13, $0xb8;
	[tilespmem:$0x1D200] =	vst v63  }
0x7e: {  	_ =	swait.ge [sflag:s15], $0x1000  }
0x7f: {  	[sflag:s15] =	ssyncset.done $0x0  }
0x80: {  	[sflag:s15] =	ssyncadd.s32 $0xFFFFF000  }
0x81: {  	_ =	swait.ge [sflag:s15], $0x1000  }
0x82: {  	[sflag:s15] =	ssyncset.done $0x0  }
0x83: {  	s22 =	simm.s32 $0x0;
	[sflag:s15] =	ssyncadd.s32 $0xFFFFF000  }
0x84: {  	v7 =	vld [tilespmem:s22+$0x2200]  }
0x85: {  	v12 =	vld [tilespmem:s22+$0x2210]  }
0x86: {  	v6 =	vld [tilespmem:s22+$0x2220]  }
0x87: {  	v5 =	vld [tilespmem:s22+$0x2230]  }
0x88: {  	v4 =	vld [tilespmem:s22+$0x2240]  }
0x89: {  	v3 =	vld [tilespmem:s22+$0x2250]  }
0x8a: {  	v2 =	vld [tilespmem:s22+$0x2260]  }
0x8b: {  	v1 =	vld [tilespmem:s22+$0x2270]  }
0x8c: {  	v13 =	vld [tilespmem:s22+$0x200]  }
0x8d: {  	v14 =	vld [tilespmem:s22+$0x210]  }
0x8e: {  	v11 =	vld [tilespmem:s22+$0x220]  }
0x8f: {  	v10 =	vld [tilespmem:s22+$0x230]  }
0x90: {  	v9 =	vld [tilespmem:s22+$0x240]  }
0x91: {  	v8 =	vld [tilespmem:s22+$0x250];
	v13 =	vadd.f32 v7, v13  }
0x92: {  	s23 =	simm.s32 $0x200;
	v12 =	vadd.f32 v12, v14;
	v7 =	vld [tilespmem:s22+$0x260]  }
.LBB2_5:
0x93: {  	s24 =	sshra.s32 s23, $0x2;
	p0 =	sne.s32 s23, $0x7E00;
	v13 =	vmax.f32 v13, $0.0e+00;
	v6 =	vadd.f32 v6, v11;
	v11 =	vld [tilespmem:s22+$0x270]  }
0x94: {  	v14 =	vld [tilespmem:s24+$0x2200];
	[tilespmem:s22+$0x200] =	vst v13;
	v12 =	vmax.f32 v12, $0.0e+00;
	v5 =	vadd.f32 v5, v10  }
0x95: {  	v15 =	vld [tilespmem:s24+$0x2210];
	[tilespmem:s22+$0x210] =	vst v12;
	v10 =	vmax.f32 v6, $0.0e+00;
	v4 =	vadd.f32 v4, v9  }
0x96: {  	v6 =	vld [tilespmem:s24+$0x2220];
	[tilespmem:s22+$0x220] =	vst v10;
	v9 =	vmax.f32 v5, $0.0e+00;
	v3 =	vadd.f32 v3, v8  }
0x97: {  	v5 =	vld [tilespmem:s24+$0x2230];
	[tilespmem:s22+$0x230] =	vst v9;
	v8 =	vmax.f32 v4, $0.0e+00;
	v2 =	vadd.f32 v2, v7  }
0x98: {  	v4 =	vld [tilespmem:s24+$0x2240];
	[tilespmem:s22+$0x240] =	vst v8;
	v7 =	vmax.f32 v3, $0.0e+00;
	v1 =	vadd.f32 v1, v11  }
0x99: {  	v3 =	vld [tilespmem:s24+$0x2250];
	[tilespmem:s22+$0x250] =	vst v7;
	v7 =	vmax.f32 v2, $0.0e+00  }
0x9a: {  	v2 =	vld [tilespmem:s24+$0x2260];
	[tilespmem:s22+$0x260] =	vst v7;
	v7 =	vmax.f32 v1, $0.0e+00  }
0x9b: {  	v1 =	vld [tilespmem:s24+$0x2270];
	[tilespmem:s22+$0x270] =	vst v7;
	s22 =	smov.u32 s24  }
0x9c: {  	v7 =	vld [tilespmem:s22+$0x200]  }
0x9d: {  	v12 =	vld [tilespmem:s22+$0x210]  }
.Ltmp1:
0x9e: {  	v11 =	vld [tilespmem:s22+$0x220];
	(pc) =	sbr.rel @p0 .LBB2_5-.Ltmp1, $4  }
0x9f: {  	v10 =	vld [tilespmem:s22+$0x230]  }
0xa0: {  	v9 =	vld [tilespmem:s22+$0x240]  }
0xa1: {  	v13 =	vadd.f32 v14, v7;
	v8 =	vld [tilespmem:s22+$0x250]  }
0xa2: {  	s23 =	sadd.s32 $0x200, s23;
	v12 =	vadd.f32 v15, v12;
	v7 =	vld [tilespmem:s22+$0x260]  }
0xa3: {  	v13 =	vmax.f32 v13, $0.0e+00;
	v6 =	vadd.f32 v6, v11;
	v63 =	vld [tilespmem:s22+$0x270]  }
0xa4: {  	[tilespmem:s22+$0x200] =	vst v13;
	v12 =	vmax.f32 v12, $0.0e+00;
	v5 =	vadd.f32 v5, v10  }
0xa5: {  	[tilespmem:s22+$0x210] =	vst v12;
	v6 =	vmax.f32 v6, $0.0e+00;
	v4 =	vadd.f32 v4, v9  }
0xa6: {  	[tilespmem:s22+$0x220] =	vst v6;
	v5 =	vmax.f32 v5, $0.0e+00;
	v3 =	vadd.f32 v3, v8  }
0xa7: {  	[tilespmem:s22+$0x230] =	vst v5;
	v4 =	vmax.f32 v4, $0.0e+00;
	v2 =	vadd.f32 v2, v7  }
0xa8: {  	[tilespmem:s22+$0x240] =	vst v4;
	v3 =	vmax.f32 v3, $0.0e+00;
	v1 =	vadd.f32 v1, v63  }
0xa9: {  	[tilespmem:s22+$0x250] =	vst v3;
	v2 =	vmax.f32 v2, $0.0e+00  }
0xaa: {  	[tilespmem:s22+$0x260] =	vst v2;
	v1 =	vmax.f32 v1, $0.0e+00  }
0xab: {  	[tilespmem:s22+$0x270] =	vst v1  }
0xac: {  	[spmem:s1] =	stream.indirect.scatter.add.f32 [tilespmem:s29], [sflag:$0x2], $0x20, s31, s13, $0xb8;
	[tilespmem:$0x1D200] =	vst v63  }
0xad: {  	s21 =	sadd.s32 $0x1, s21  }
0xae: {  	[spmem:s1] =	stream.indirect.scatter.add.f32 [tilespmem:s14], [sflag:$0x2], $0x20, s16, s13, $0xb8;
	[tilespmem:$0x1D200] =	vst v63  }
0xaf: {  	p0 =	sne.s32 s21, $0xC4;
	_ =	swait.ge [sflag:s17], $0x1000  }
.Ltmp2:
0xb0: {  	[sflag:s17] =	ssyncset.done $0x0;
	(pc) =	sbr.rel @p0 .LBB2_4-.Ltmp2, $4  }
0xb1: {  	[sflag:s17] =	ssyncadd.s32 $0xFFFFF000  }
0xb2: {  	_ =	swait.ge [sflag:s17], $0x1000  }
0xb3: {  	[sflag:s17] =	ssyncset.done $0x0  }
0xb4: {  	[sflag:s17] =	ssyncadd.s32 $0xFFFFF000  }
0xb5: {  	s20 =	stileid.u32  }
0xb6: {  	[bflag:$0x0] =	sbarrier.arrive $0xFFFF;
	s20 =	sshll.u32 s20, $0x6  }
0xb7: {  	s21 =	sadd.s32 $0x0, s25;
	s22 =	sshrl.u32 s9, $0x3;
	s20 =	sor.u32 $0x1C03, s20  }
0xb8: {  	[hbm:s21@s18], [sflag:s20] =	dma.strided [spmem:s22@s19], $0x320, s15, $0x4   }
0xb9: {  	s21 =	simm.s32 $0x640;
	s22 =	smov.u32 s12;
	_ =	swait.ge [sflag:s30], $0x320  }
.LBB2_8:
0xba: {  	s23 =	sadd.s32 s21, s25;
	[sflag:s30] =	ssyncset.done $0x0;
	p0 =	sne.s32 s21, $0x5DC0  }
.Ltmp3:
0xbb: {  	s24 =	sshrl.u32 s22, $0x3;
	[sflag:s30] =	ssyncadd.s32 $0xFFFFFCE0;
	(pc) =	sbr.rel @p0 .LBB2_8-.Ltmp3, $3  }
0xbc: {  	[hbm:s23@s18], [sflag:s20] =	dma.strided [spmem:s24@s19], $0x320, s15, $0x4   }
0xbd: {  	s21 =	sadd.s32 $0x640, s21;
	_ =	sdelay $0x1  }
0xbe: {  	s22 =	sadd.s32 $0x1900, s22;
	_ =	swait.ge [sflag:s30], $0x320  }
0xbf: {  	s2 =	sadd.s32 $0x1, s2;
	s20 =	rddreg [dreg:$0x3]  }
0xc0: {  	p0 =	sne.s32 s2, s20  }
.Ltmp4:
0xc1: {  	_ = 	snop;
	(pc) =	sbr.rel @p0 .LBB2_1-.Ltmp4, $3  }
0xc2: {  	_ =	sdelay $0x1  }
0xc3: {  	[sflag:s30] =	ssyncset.done $0x0  }
0xc4: {  	[sflag:s30] =	ssyncadd.s32 $0xFFFFFCE0  }
0xc5: {  	_ =	sfence.sel $0x180000  }
0xc6: {  	[bflag:$0x0] =	sbarrier.arrive $0xFFFF  }
0xc7: {  	_ =	strace $0x9000004D  }
0xc8: {  	s0 =	stileid.u32;
	[bflag:$0x2] =	sbarrier.arrive $0xFFFF  }
0xc9: {  	p0 =	sne.s32 s0, $0x0;
	s0 =	rddreg [dreg:$0x2]  }
0xca: {  	s0 =	sadd.s32 @!p0 $0x100000, s0  }
0xcb: {  	[sflag:s0] =	ssyncadd.tile.s32 @!p0 $0x1;
	_ =	shalt  }
.Lfunc_end2:
_tile_overlayer_lowered:
.L_overlay_start_2:
0xcc: {  	(tag) =	ssettag $0x2  }
0xcd: {  	s0 =	rddreg [dreg:$0x0];
	s2 =	stileid.u32  }
0xce: {  	s1 =	rddreg [dreg:$0x1];
	p0 =	sne.s32 s2, $0x0  }
0xcf: {  	s3 =	rddreg [dreg:$0x2];
	[bflag:$0x3] =	sbarrier.arrive $0xFFFF;
	s2 =	simm.s32 @!p0 $0x1C03  }
0xd0: {  	[timem:s3], [sflag:s2] =	dma.local @!p0 [hbm:s0], s1  }
0xd1: {  	s0 =	simm.s32 @!p0 $0x3  }
0xd2: {  	_ =	swait.ge @!p0 [sflag:s0], s1  }
0xd3: {  	s1 =	ssub.s32 @!p0 $0x0, s1;
	[sflag:s0] =	ssyncset.done @!p0 $0x0  }
0xd4: {  	[sflag:s0] =	ssyncadd.s32 @!p0 s1  }
0xd5: {  	[bflag:$0x3] =	sbarrier.arrive $0xFFFF  }
0xd6: {  	_ =	shalt  }

// kernel: kernel.22.cloned.1.call-start
scs
__scs_entry_jumppad:
0x0: {  	(pc) =	sbr.rel $0x88, $3  }
0x1: {  	(tag) =	ssettag $0x0;
	lr =	simm.s32 $0x1  }
0x2: {  	[smem:$0x3F7A] =	sst lr;
	_ =	strace $0xD0000000  }
0x3: {  	_ = 	snop  }
0x4: {  	_ = 	snop  }
0x5: {  	_ = 	snop  }
0x6: {  	_ = 	snop  }
0x7: {  	_ = 	snop  }
__scs_overlays_trampoline_lowered:
0x8: {  	[smem:$0x3F89] =	sst s0  }
0x9: {  	[smem:$0x3F8A] =	sst s1  }
0xa: {  	[smem:$0x3F8B] =	sst s2  }
0xb: {  	[smem:$0x3F8C] =	sst s3  }
0xc: {  	[smem:$0x3F8D] =	sst s4  }
0xd: {  	[smem:$0x3F8E] =	sst s5  }
0xe: {  	[smem:$0x3F8F] =	sst s6  }
0xf: {  	[smem:$0x3F90] =	sst s7  }
0x10: {  	[smem:$0x3F91] =	sst s8  }
0x11: {  	[smem:$0x3F92] =	sst s9;
	s0 =	simm.s32 @!p0 $0x0  }
0x12: {  	s1 =	sld [smem:$0x3F78];
	s0 =	simm.s32 @p0 $0x1  }
0x13: {  	[smem:$0x3F93] =	sst s0;
	s0 =	simm.s32 @!p1 $0x0  }
0x14: {  	s2 =	sld [smem:$0x3F77];
	s0 =	simm.s32 @p1 $0x1  }
0x15: {  	[smem:$0x3F94] =	sst s0;
	s0 =	simm.s32 @!p2 $0x0  }
0x16: {  	s3 =	sld [smem:$0x3FDB];
	s0 =	simm.s32 @p2 $0x1  }
0x17: {  	s4 =	simm.s32 $0x1BF5;
	[smem:$0x3F96] =	sst s0  }
0x18: {  	s0 =	sld [smem:$0x3F79];
	_ =	swait.ge [sflag:s4], $0x0  }
0x19: {  	s7 =	sld [smem:$0x3F7A]  }
0x1a: {  	s8 =	sadd.s32 $0xFFFFE003, lr  }
0x1b: {  	s9 =	sadd.s32 $0xFFFFFEF7, lr;
	s5 =	simm.s32 $0xFFFFFFFF;
	p2 =	slt.u32 s8, $0xFFFFF086  }
0x1c: {  	p1 =	slt.u32 s9, $0xF7A;
	s5 =	simm.s32 @!p2 $0x0  }
0x1d: {  	s5 =	simm.s32 @p1 $0x1;
	p0 =	seq.s32 s7, s2  }
0x1e: {  	s7 =	smul.u32 @!p0 $0xF7A, s2;
	p2 =	seq.s32 @!p0 s5, $0x0  }
0x1f: {  	s9 =	smul.u32 $0xF7A, s1;
	s8 =	simm.s32 @!p0 $0x1BF5;
	p2 =	por !p2, p0  }
0x20: {  	[sflag:s8] =	ssyncset.s32 @!p0 $0xFFFFF086;
	s6 =	sadd.s32 @!p0 s3, s7;
	s7 =	simm.s32 @!p0 $0x108  }
0x21: {  	s3 =	sadd.s32 s3, s9;
	s6 =	sadd.s32 @!p0 $0x88, s6;
	s7 =	simm.s32 @p2 $0x1082  }
0x22: {  	[simem:s7], [sflag:s8] =	dma.local @!p0 [hbm:s6], $0xF7A  }
0x23: {  	s9 =	sor.u32 $0xD0000000, s2;
	s6 =	simm.s32 $0x108;
	_ =	swait.ge @!p0 [sflag:s8], $0x0  }
0x24: {  	s3 =	sadd.s32 $0x88, s3;
	s6 =	simm.s32 @!p1 $0x1082;
	[sflag:s4] =	ssyncset.s32 $0xFFFFF086  }
0x25: {  	[simem:s6], [sflag:s4] =	dma.local [hbm:s3], $0xF7A  }
0x26: {  	[smem:$0x3F7A] =	sst s1;
	(tag) =	ssettag s2;
	_ =	strace s9  }
0x27: {  	s1 =	sld [smem:$0x3F8A]  }
0x28: {  	s2 =	sld [smem:$0x3F8B]  }
0x29: {  	s4 =	sld [smem:$0x3F8D]  }
0x2a: {  	p0 =	seq.s32 s5, $0x0;
	s5 =	sld [smem:$0x3F8E]  }
0x2b: {  	s6 =	sld [smem:$0x3F8F]  }
0x2c: {  	s7 =	sld [smem:$0x3F90]  }
0x2d: {  	s3 =	simm.s32 $0x108;
	s8 =	sld [smem:$0x3F91]  }
0x2e: {  	s3 =	simm.s32 @!p0 $0x1082;
	s9 =	sld [smem:$0x3F92]  }
0x2f: {  	lr =	sadd.s32 s0, s3;
	s0 =	sld [smem:$0x3F89]  }
0x30: {  	s3 =	sld [smem:$0x3F8C]  }
0x31: {  	[smem:$0x3F95] =	sst s10  }
0x32: {  	s10 =	sld [smem:$0x3F93];
	_ =	sdelay $0x3  }
0x33: {  	p0 =	seq.s32 s10, $0x1;
	s10 =	sld [smem:$0x3F95];
	_ =	sdelay $0x3  }
0x34: {  	[smem:$0x3F95] =	sst s10  }
0x35: {  	s10 =	sld [smem:$0x3F94];
	_ =	sdelay $0x3  }
0x36: {  	p1 =	seq.s32 s10, $0x1;
	s10 =	sld [smem:$0x3F95];
	_ =	sdelay $0x3  }
0x37: {  	[smem:$0x3F95] =	sst s10  }
0x38: {  	s10 =	sld [smem:$0x3F96]  }
0x39: {  	_ = 	snop;
	(pc) =	sbr.ind lr, $3  }
0x3a: {  	_ = 	snop  }
0x3b: {  	_ = 	snop  }
0x3c: {  	p2 =	seq.s32 s10, $0x1;
	s10 =	sld [smem:$0x3F95]  }
0x3d: {  	_ =	shalt  }
0x3e: {  	_ =	shalt  }
0x3f: {  	_ =	shalt  }
0x40: {  	_ =	shalt  }
0x41: {  	_ =	shalt  }
0x42: {  	_ =	shalt  }
0x43: {  	_ =	shalt  }
0x44: {  	_ =	shalt  }
0x45: {  	_ =	shalt  }
0x46: {  	_ =	shalt  }
0x47: {  	_ =	shalt  }
0x48: {  	_ =	shalt  }
0x49: {  	_ =	shalt  }
0x4a: {  	_ =	shalt  }
0x4b: {  	_ =	shalt  }
0x4c: {  	_ =	shalt  }
0x4d: {  	_ =	shalt  }
0x4e: {  	_ =	shalt  }
0x4f: {  	_ =	shalt  }
0x50: {  	_ =	shalt  }
0x51: {  	_ =	shalt  }
0x52: {  	_ =	shalt  }
0x53: {  	_ =	shalt  }
0x54: {  	_ =	shalt  }
0x55: {  	_ =	shalt  }
0x56: {  	_ =	shalt  }
0x57: {  	_ =	shalt  }
0x58: {  	_ =	shalt  }
0x59: {  	_ =	shalt  }
0x5a: {  	_ =	shalt  }
0x5b: {  	_ =	shalt  }
0x5c: {  	_ =	shalt  }
0x5d: {  	_ =	shalt  }
0x5e: {  	_ =	shalt  }
0x5f: {  	_ =	shalt  }
0x60: {  	_ =	shalt  }
0x61: {  	_ =	shalt  }
0x62: {  	_ =	shalt  }
0x63: {  	_ =	shalt  }
0x64: {  	_ =	shalt  }
0x65: {  	_ =	shalt  }
0x66: {  	_ =	shalt  }
0x67: {  	_ =	shalt  }
0x68: {  	_ =	shalt  }
0x69: {  	_ =	shalt  }
0x6a: {  	_ =	shalt  }
0x6b: {  	_ =	shalt  }
0x6c: {  	_ =	shalt  }
0x6d: {  	_ =	shalt  }
0x6e: {  	_ =	shalt  }
0x6f: {  	_ =	shalt  }
0x70: {  	_ =	shalt  }
0x71: {  	_ =	shalt  }
0x72: {  	_ =	shalt  }
0x73: {  	_ =	shalt  }
0x74: {  	_ =	shalt  }
0x75: {  	_ =	shalt  }
0x76: {  	_ =	shalt  }
0x77: {  	_ =	shalt  }
0x78: {  	_ =	shalt  }
0x79: {  	_ =	shalt  }
0x7a: {  	_ =	shalt  }
0x7b: {  	_ =	shalt  }
0x7c: {  	_ =	shalt  }
0x7d: {  	_ =	shalt  }
0x7e: {  	_ =	shalt  }
0x7f: {  	_ =	shalt  }
0x80: {  	_ =	shalt  }
0x81: {  	_ =	shalt  }
0x82: {  	_ =	shalt  }
0x83: {  	_ =	shalt  }
0x84: {  	_ =	shalt  }
0x85: {  	_ =	shalt  }
0x86: {  	_ =	shalt  }
0x87: {  	_ =	shalt  }
.Lfunc_end0:
.L_simem_size_0:
called_computation.3_lowered:
.L_overlay_start_0:
0x88: {  	s2 =	sld [smem:$0x3FD9]  }
0x89: {  	s3 =	sld [smem:$0x3FFE];
	_ =	sdelay $0x1  }
0x8a: {  	s1 =	srdreg.scid  }
0x8b: {  	s0 =	sand.u32 $0x1, s1  }
0x8c: {  	s15 =	sshll.u32 s0, $0xA;
	s2 =	sadd.s32 s3, s2  }
0x8d: {  	s2 =	sadd.s32 s2, s15  }
0x8e: {  	[smem:$0x3FA1] =	sst s2  }
0x8f: {  	_ = 	snop  }
0x90: {  	s2 =	sld [smem:$0x3FD0];
	_ =	sdelay $0x2  }
0x91: {  	s16 =	simm.s32 $0xB;
	s4 =	simm.s32 $0x10  }
0x92: {  	[smem:s4], [sflag:s16] =	dma.local [hbm:s2], $0x1  }
0x93: {  	_ =	swait.eq [sflag:s16], $0x1  }
0x94: {  	[sflag:s16] =	ssyncset.done $0x0  }
0x95: {  	[sflag:s16] =	ssyncadd.s32 $0xFFFFFFFF  }
0x96: {  	s17 =	sld [smem:$0x10];
	(tm) =	ssettm $0x1  }
0x97: {  	s18 =	sld [smem:$0x3FFB];
	_ =	sdelay $0x3  }
0x98: {  	_ =	strace s18  }
0x99: {  	s2 =	sld [smem:$0x3FFC];
	_ =	sdelay $0x3  }
0x9a: {  	_ =	strace s2  }
0x9b: {  	s2 =	sld [smem:$0x3FFD];
	_ =	sdelay $0x3  }
0x9c: {  	_ =	strace s2  }
0x9d: {  	_ =	strace $0x8FFFFFFF  }
0x9e: {  	s19 =	sld [smem:$0x3FDB];
	_ =	sdelay $0x1  }
0x9f: {  	s20 =	simm.s32 $_scs_section_size  }
0xa0: {  	s5 =	simm.s32 $_size__tile_overlayer_lowered;
	s6 =	simm.s32 $_tile_overlayer_lowered  }
0xa1: {  	s7 =	simm.s32 $0x1BFF;
	s21 =	sshll.u32 s6, $0x1;
	s4 =	sadd.s32 s20, s19  }
0xa2: {  	s22 =	simm.s32 $0x0;
	s5 =	sshll.u32 s5, $0x1;
	s6 =	sadd.s32 s21, s4  }
0xa3: {  	[timem:s22], [sflag:s7] =	dma.local [hbm:s6], s5  }
0xa4: {  	_ =	swait.ge [sflag:s7], s5  }
0xa5: {  	s5 =	ssub.s32 $0x0, s5;
	[sflag:s7] =	ssyncset.done $0x0  }
0xa6: {  	[sflag:s7] =	ssyncadd.s32 s5;
	_ =	sdelay $0x1  }
0xa7: {  	s23 =	simm.s32 $0x1B8B  }
0xa8: {  	_ =	swait.ge [sflag:s23], $0x1  }
0xa9: {  	[sflag:s23] =	ssyncset.done $0x0  }
0xaa: {  	[sflag:s23] =	ssyncadd.s32 $0xFFFFFFFF  }
0xab: {  	s5 =	sld [smem:$0x0]  }
0xac: {  	s6 =	sand.u32 $0xFFFFFFFE, s1  }
0xad: {  	p0 =	sne.s32 s1, s6  }
0xae: {  	s6 =	sshll.u32 @p0 s6, $0xE  }
0xaf: {  	s6 =	sadd.s32 @p0 $0x11B8D, s6;
	s7 =	sshll.u32 @p0 s5, $0x11  }
0xb0: {  	s6 =	sor.u32 @p0 s7, s6  }
0xb1: {  	[sflag:s6] =	ssyncadd.remote.s32 @p0 $0x1;
	_ =	sdelay $0x1  }
0xb2: {  	s6 =	simm.s32 @p0 $0x1B8D  }
0xb3: {  	_ =	swait.eq @p0 [sflag:s6], $0x1  }
0xb4: {  	[sflag:s6] =	ssyncadd.s32 @p0 $0xFFFFFFFF  }
0xb5: {  	s7 =	sshll.u32 @!p0 s1, $0xE  }
0xb6: {  	s7 =	sor.u32 @!p0 $0x4000, s7;
	s6 =	simm.s32 @!p0 $0x1B8D  }
0xb7: {  	s5 =	sshll.u32 @!p0 s5, $0x11;
	s7 =	sadd.s32 @!p0 $0x11B8D, s7;
	_ =	swait.eq @!p0 [sflag:s6], $0x1  }
0xb8: {  	s5 =	sor.u32 @!p0 s5, s7;
	[sflag:s6] =	ssyncadd.s32 @!p0 $0xFFFFFFFF  }
0xb9: {  	s25 =	simm.s32 $0x1B8E;
	s24 =	sld [smem:$0x3FFE];
	[sflag:s5] =	ssyncadd.remote.s32 @!p0 $0x1  }
0xba: {  	s26 =	simm.s32 $execute0_lowered;
	[smem:$0x3FD2] =	sst s25  }
0xbb: {  	s6 =	sshll.u32 s26, $0x1;
	_ =	strace $0x80000052;
	[dreg:$0x1] =	wrdreg $0xFFFFFFFF  }
0xbc: {  	s28 =	simm.s32 $_size_execute0_lowered;
	s4 =	sadd.s32 s4, s6;
	[dreg:$0x0] =	wrdreg $0x0  }
0xbd: {  	s6 =	sshll.u32 s28, $0x1;
	[dreg:$0x2] =	wrdreg s4  }
0xbe: {  	[dreg:$0x3] =	wrdreg s6  }
0xbf: {  	[dreg:$0x4] =	wrdreg $0xC0  }
0xc0: {  	_ =	task [dreg:s22], $0x5FFFF  }
0xc1: {  	[dreg:$0x1] =	wrdreg $0xFFFFFFFF  }
0xc2: {  	[dreg:$0x0] =	wrdreg $0x60  }
0xc3: {  	[dreg:$0x2] =	wrdreg s24  }
0xc4: {  	[dreg:$0x3] =	wrdreg s17  }
0xc5: {  	[dreg:$0x4] =	wrdreg $0x22000  }
0xc6: {  	[dreg:$0x5] =	wrdreg $0xA  }
0xc7: {  	_ =	task.clear_ibuf [dreg:s22], $0x6FFFF;
	_ =	strace $0x90000052  }
0xc8: {  	s29 =	simm.s32 $0xA;
	_ =	strace $0x80000054  }
0xc9: {  	_ =	swait.ge [sflag:s29], $0x1  }
0xca: {  	[sflag:s29] =	ssyncadd.s32 $0xFFFFFFFF  }
0xcb: {  	_ =	strace $0x90000054  }
0xcc: {  	_ =	sfence  }
0xcd: {  	s30 =	sld [smem:$0x0];
	_ =	sdelay $0x2  }
0xce: {  	s31 =	sshll.u32 s1, $0xD;
	s1 =	sshrl.u32 s1, $0x2  }
0xcf: {  	s4 =	sand.u32 $0x4000, s31;
	s1 =	sadd.s32 s1, s30  }
0xd0: {  	s0 =	sor.u32 s4, s0;
	s1 =	sshll.u32 s1, $0x11  }
0xd1: {  	s0 =	sor.u32 s1, s0  }
0xd2: {  	s0 =	sadd.s32 $0x8F2B, s0  }
0xd3: {  	[sflag:s0] =	ssyncadd.remote.s32 $0x1  }
0xd4: {  	_ =	sfence.sel $0xFFFF  }
0xd5: {  	[dreg:$0x0] =	wrdreg $0xFFFFFFFF;
	(pc) =	sbr.abs _section_cstart, $3  }
0xd6: {  	[dreg:$0x1] =	wrdreg $0xFFFFFFFF  }
0xd7: {  	_ =	task.clear_ibuf [dreg:s22], $0x2FFFF;
	_ =	strace $0x9FFFFFFF  }
0xd8: {  	(tm) =	ssettm $0x7FFFFFFF  }
0xd9: {  	_ =	shalt  }
tec
execute0_lowered:
.L_overlay_start_1:
0x0: {  	(tag) =	ssettag $0x1  }
0x1: {  	s5 =	rddreg [dreg:$0x0]  }
0x2: {  	s15 =	rddreg [dreg:$0x1]  }
0x3: {  	s2 =	rddreg [dreg:$0x2]  }
0x4: {  	s3 =	simm.s32 $0x0;
	s1 =	stileid.u32;
	s7 =	srdreg.scid  }
0x5: {  	s19 =	simm.s32 $0x80;
	s20 =	simm.s32 $0x1200;
	s6 =	smul.u32 $0x1A0, s1  }
0x6: {  	s21 =	simm.s32 $0x1;
	s22 =	simm.s32 $0x180;
	s10 =	smul.u32 $0x280, s1  }
0x7: {  	s23 =	simm.s32 $0x2;
	s24 =	simm.s32 $0x8;
	s9 =	smul.u32 $0x1400, s1  }
0x8: {  	[smem:$0x7FF] =	sst s3;
	s4 =	sadd.s32 $0x6EC800, s5;
	s28 =	smul.u32 $0x14000, s1  }
0x9: {  	s25 =	sand.u32 $0x1, s7;
	s18 =	smul.u32 $0xD00, s1;
	_ =	strace $0x80000053  }
0xa: {  	s7 =	sshll.u32 s25, $0x2;
	s8 =	ssub.s32 $0x2, s25;
	s16 =	smul.u32 $0xD000, s25  }
0xb: {  	s25 =	simm.s32 $0x4;
	s14 =	sadd.s32 s6, s5;
	s5 =	sadd.s32 s7, s5  }
0xc: {  	s26 =	sshrl.u32 s8, $0x1;
	s29 =	sshrl.u32 s28, $0x2;
	s11 =	sadd.s32 $0xA0, s10  }
0xd: {  	s12 =	sadd.s32 $0x140, s10;
	s17 =	sadd.s32 $0x1E0, s10;
	s7 =	ssub.s32 s8, s26  }
0xe: {  	s13 =	sadd.s32 $0x74E400, s5;
	s30 =	sshll.u32 s11, $0x5;
	s31 =	sshll.u32 s12, $0x5  }
0xf: {  	s10 =	sshll.u32 s17, $0x5;
	s11 =	sshll.u32 s11, $0x3;
	s12 =	sshll.u32 s12, $0x3  }
0x10: {  	s17 =	sshll.u32 s17, $0x3;
	s16 =	sadd.s32 s18, s16;
	s14 =	sadd.s32 $0x6EAE00, s14  }
0x11: {  	s18 =	simm.s32 $0x100;
	s26 =	simm.s32 $0x0;
	s5 =	sadd.s32 s9, s13  }
0x12: {  	s6 =	smax.u32 s7, $0x1;
	s7 =	sadd.s32 s29, s2;
	s8 =	sadd.s32 s30, s2  }
0x13: {  	s9 =	sadd.s32 s31, s2;
	s10 =	sadd.s32 s10, s2;
	s11 =	sadd.s32 s11, s13  }
0x14: {  	s12 =	sadd.s32 s12, s13;
	s13 =	sadd.s32 s17, s13;
	s16 =	sshrl.u32 s16, $0x3  }
0x15: {  	v0 =	vimm.f32 $0.0e+00;
	s17 =	simm.s32 $0x3;
	s15 =	sadd.s32 s16, s15;
	s16 =	simm.s32 $0x200  }
.LBB2_1:
0x16: {  	s28 =	simm.s32 $0x0;
	s29 =	simm.s32 $0x200  }
.LBB2_2:
0x17: {  	p0 =	sne.s32 s29, $0x7E00;
	[tilespmem:s28+$0x270] =	vst v0  }
0x18: {  	[tilespmem:s28+$0x200] =	vst v0  }
0x19: {  	[tilespmem:s28+$0x210] =	vst v0  }
.Ltmp0:
0x1a: {  	[tilespmem:s28+$0x220] =	vst v0;
	(pc) =	sbr.rel @p0 .LBB2_2-.Ltmp0, $4  }
0x1b: {  	[tilespmem:s28+$0x230] =	vst v0  }
0x1c: {  	[tilespmem:s28+$0x240] =	vst v0  }
0x1d: {  	[tilespmem:s28+$0x250] =	vst v0  }
0x1e: {  	[tilespmem:s28+$0x260] =	vst v0;
	s28 =	sshra.s32 s29, $0x2;
	s29 =	sadd.s32 $0x200, s29  }
0x1f: {  	[tilespmem:s28+$0x270] =	vst v0  }
0x20: {  	[tilespmem:s28+$0x200] =	vst v0  }
0x21: {  	[tilespmem:s28+$0x210] =	vst v0  }
0x22: {  	[tilespmem:s28+$0x220] =	vst v0  }
0x23: {  	[tilespmem:s28+$0x230] =	vst v0  }
0x24: {  	[tilespmem:s28+$0x240] =	vst v0  }
0x25: {  	[tilespmem:s28+$0x250] =	vst v0  }
0x26: {  	[tilespmem:s28+$0x260] =	vst v0  }
0x27: {  	[spmem:s7] =	stream.linear.scatter [tilespmem:s16], [sflag:$0x3], $0x1400, $0x38;
	[tilespmem:$0x7200] =	vst v63  }
0x28: {  	_ =	swait.ge [sflag:s17], $0x1400  }
0x29: {  	[sflag:s17] =	ssyncset.done $0x0  }
0x2a: {  	[sflag:s17] =	ssyncadd.s32 $0xFFFFEC00  }
0x2b: {  	[spmem:s8] =	stream.linear.scatter [tilespmem:s16], [sflag:$0x3], $0x1400, $0x38;
	[tilespmem:$0x7200] =	vst v63  }
0x2c: {  	_ =	swait.ge [sflag:s17], $0x1400  }
0x2d: {  	[sflag:s17] =	ssyncset.done $0x0  }
0x2e: {  	[sflag:s17] =	ssyncadd.s32 $0xFFFFEC00  }
0x2f: {  	[spmem:s9] =	stream.linear.scatter [tilespmem:s16], [sflag:$0x3], $0x1400, $0x38;
	[tilespmem:$0x7200] =	vst v63  }
0x30: {  	_ =	swait.ge [sflag:s17], $0x1400  }
0x31: {  	[sflag:s17] =	ssyncset.done $0x0  }
0x32: {  	[sflag:s17] =	ssyncadd.s32 $0xFFFFEC00  }
0x33: {  	[spmem:s10] =	stream.linear.scatter [tilespmem:s16], [sflag:$0x3], $0x1400, $0x38;
	[tilespmem:$0x7200] =	vst v63  }
0x34: {  	_ =	swait.ge [sflag:s17], $0x1400  }
0x35: {  	[sflag:s17] =	ssyncset.done $0x0  }
0x36: {  	[sflag:s17] =	ssyncadd.s32 $0xFFFFEC00  }
0x37: {  	s28 =	sadd.s32 $0x0, s15;
	[bflag:$0x0] =	sbarrier.arrive $0xFFFF  }
0x38: {  	[tilespmem:s3], [sflag:$0x3] =	stream.linear.gather [hbm4b:s28+s3], $0x100, $0x38;
	[tilespmem:$0x7200] =	vst v63  }
0x39: {  	_ =	swait.ge [sflag:s17], $0x100  }
0x3a: {  	[sflag:s17] =	ssyncset.done $0x0  }
0x3b: {  	s28 =	sadd.s32 $0x0, s14;
	[sflag:s17] =	ssyncadd.s32 $0xFFFFFF00  }
0x3c: {  	[tilespmem:s18], [sflag:$0x3] =	stream.linear.gather [hbm4b:s28+s3], $0x100, $0x38;
	[tilespmem:$0x7200] =	vst v63  }
0x3d: {  	_ =	swait.ge [sflag:s17], $0x100  }
0x3e: {  	[sflag:s17] =	ssyncset.done $0x0  }
0x3f: {  	[sflag:s17] =	ssyncadd.s32 $0xFFFFFF00  }
0x40: {  	[tilespmem:s16], [sflag:$0x1] =	stream.indirect.gather [hbm4b:s4+s19], $0x20, s3, s19, $0xb8;
	[tilespmem:$0x7200] =	vst v63  }
0x41: {  	_ = 	snop  }
0x42: {  	[tilespmem:s20], [sflag:$0x1] =	stream.indirect.gather [hbm4b:s4+s19], $0x20, s19, s19, $0xb8;
	[tilespmem:$0x7200] =	vst v63  }
0x43: {  	_ =	swait.ge [sflag:s21], $0x1000  }
0x44: {  	[sflag:s21] =	ssyncset.done $0x0  }
0x45: {  	[sflag:s21] =	ssyncadd.s32 $0xFFFFF000  }
0x46: {  	_ =	swait.ge [sflag:s21], $0x1000  }
0x47: {  	[sflag:s21] =	ssyncset.done $0x0  }
0x48: {  	[sflag:s21] =	ssyncadd.s32 $0xFFFFF000  }
0x49: {  	[spmem:s2] =	stream.indirect.scatter.add.f32 [tilespmem:s16], [sflag:$0x2], $0x20, s18, s19, $0xb8;
	[tilespmem:$0x7200] =	vst v63  }
0x4a: {  	_ = 	snop  }
0x4b: {  	[spmem:s2] =	stream.indirect.scatter.add.f32 [tilespmem:s20], [sflag:$0x2], $0x20, s22, s19, $0xb8;
	[tilespmem:$0x7200] =	vst v63  }
0x4c: {  	_ =	swait.ge [sflag:s23], $0x1000  }
0x4d: {  	[sflag:s23] =	ssyncset.done $0x0  }
0x4e: {  	[sflag:s23] =	ssyncadd.s32 $0xFFFFF000  }
0x4f: {  	_ =	swait.ge [sflag:s23], $0x1000  }
0x50: {  	s29 =	simm.s32 $0x40;
	s28 =	simm.s32 $0x20;
	[sflag:s23] =	ssyncset.done $0x0  }
.LBB2_4:
0x51: {  	s30 =	sadd.s32 s28, s15  }
0x52: {  	[sflag:s23] =	ssyncadd.s32 $0xFFFFF000;
	s31 =	smov.u32 s29;
	s0 =	sadd.s32 $0x20, s29  }
0x53: {  	[tilespmem:s3], [sflag:$0x3] =	stream.linear.gather [hbm4b:s30+s3], $0x100, $0x38;
	[tilespmem:$0x7200] =	vst v63  }
0x54: {  	p0 =	sne.s32 s29, $0x180;
	_ =	swait.ge [sflag:s17], $0x100  }
0x55: {  	[sflag:s17] =	ssyncset.done $0x0  }
0x56: {  	s29 =	sadd.s32 s28, s14;
	s28 =	smov.u32 s31;
	[sflag:s17] =	ssyncadd.s32 $0xFFFFFF00  }
0x57: {  	[tilespmem:s18], [sflag:$0x3] =	stream.linear.gather [hbm4b:s29+s3], $0x100, $0x38;
	[tilespmem:$0x7200] =	vst v63  }
0x58: {  	_ =	swait.ge [sflag:s17], $0x100  }
0x59: {  	[sflag:s17] =	ssyncset.done $0x0  }
0x5a: {  	[sflag:s17] =	ssyncadd.s32 $0xFFFFFF00  }
0x5b: {  	[tilespmem:s16], [sflag:$0x1] =	stream.indirect.gather [hbm4b:s4+s19], $0x20, s3, s19, $0xb8;
	[tilespmem:$0x7200] =	vst v63  }
0x5c: {  	_ = 	snop  }
0x5d: {  	[tilespmem:s20], [sflag:$0x1] =	stream.indirect.gather [hbm4b:s4+s19], $0x20, s19, s19, $0xb8;
	[tilespmem:$0x7200] =	vst v63  }
0x5e: {  	_ =	swait.ge [sflag:s21], $0x1000  }
0x5f: {  	[sflag:s21] =	ssyncset.done $0x0  }
0x60: {  	[sflag:s21] =	ssyncadd.s32 $0xFFFFF000  }
0x61: {  	_ =	swait.ge [sflag:s21], $0x1000  }
0x62: {  	[sflag:s21] =	ssyncset.done $0x0  }
0x63: {  	[sflag:s21] =	ssyncadd.s32 $0xFFFFF000  }
0x64: {  	[spmem:s2] =	stream.indirect.scatter.add.f32 [tilespmem:s16], [sflag:$0x2], $0x20, s18, s19, $0xb8;
	[tilespmem:$0x7200] =	vst v63  }
0x65: {  	_ = 	snop  }
0x66: {  	[spmem:s2] =	stream.indirect.scatter.add.f32 [tilespmem:s20], [sflag:$0x2], $0x20, s22, s19, $0xb8;
	[tilespmem:$0x7200] =	vst v63  }
.Ltmp1:
0x67: {  	_ =	swait.ge [sflag:s23], $0x1000;
	(pc) =	sbr.rel @p0 .LBB2_4-.Ltmp1, $4  }
0x68: {  	[sflag:s23] =	ssyncset.done $0x0  }
0x69: {  	[sflag:s23] =	ssyncadd.s32 $0xFFFFF000  }
0x6a: {  	_ =	swait.ge [sflag:s23], $0x1000  }
0x6b: {  	s29 =	smov.u32 s0;
	[sflag:s23] =	ssyncset.done $0x0  }
0x6c: {  	s0 =	sadd.s32 s28, s15;
	[sflag:s23] =	ssyncadd.s32 $0xFFFFF000  }
0x6d: {  	[tilespmem:s3], [sflag:$0x3] =	stream.linear.gather [hbm4b:s0+s3], $0x100, $0x38;
	[tilespmem:$0x7200] =	vst v63  }
0x6e: {  	_ =	swait.ge [sflag:s17], $0x100  }
0x6f: {  	[sflag:s17] =	ssyncset.done $0x0  }
0x70: {  	s29 =	sadd.s32 s28, s14;
	[sflag:s17] =	ssyncadd.s32 $0xFFFFFF00  }
0x71: {  	[tilespmem:s18], [sflag:$0x3] =	stream.linear.gather [hbm4b:s29+s3], $0x100, $0x38;
	[tilespmem:$0x7200] =	vst v63  }
0x72: {  	_ =	swait.ge [sflag:s17], $0x100  }
0x73: {  	[sflag:s17] =	ssyncset.done $0x0  }
0x74: {  	[sflag:s17] =	ssyncadd.s32 $0xFFFFFF00  }
0x75: {  	[tilespmem:s16], [sflag:$0x1] =	stream.indirect.gather [hbm4b:s4+s19], $0x20, s3, s19, $0xb8;
	[tilespmem:$0x7200] =	vst v63  }
0x76: {  	_ = 	snop  }
0x77: {  	[tilespmem:s20], [sflag:$0x1] =	stream.indirect.gather [hbm4b:s4+s19], $0x20, s19, s19, $0xb8;
	[tilespmem:$0x7200] =	vst v63  }
0x78: {  	_ =	swait.ge [sflag:s21], $0x1000  }
0x79: {  	[sflag:s21] =	ssyncset.done $0x0  }
0x7a: {  	[sflag:s21] =	ssyncadd.s32 $0xFFFFF000  }
0x7b: {  	_ =	swait.ge [sflag:s21], $0x1000  }
0x7c: {  	[sflag:s21] =	ssyncset.done $0x0  }
0x7d: {  	[sflag:s21] =	ssyncadd.s32 $0xFFFFF000  }
0x7e: {  	[spmem:s2] =	stream.indirect.scatter.add.f32 [tilespmem:s16], [sflag:$0x2], $0x20, s18, s19, $0xb8;
	[tilespmem:$0x7200] =	vst v63  }
0x7f: {  	_ = 	snop  }
0x80: {  	[spmem:s2] =	stream.indirect.scatter.add.f32 [tilespmem:s20], [sflag:$0x2], $0x20, s22, s19, $0xb8;
	[tilespmem:$0x7200] =	vst v63  }
0x81: {  	_ =	swait.ge [sflag:s23], $0x1000  }
0x82: {  	[sflag:s23] =	ssyncset.done $0x0  }
0x83: {  	[sflag:s23] =	ssyncadd.s32 $0xFFFFF000  }
0x84: {  	_ =	swait.ge [sflag:s23], $0x1000  }
0x85: {  	[sflag:s23] =	ssyncset.done $0x0  }
0x86: {  	s30 =	sshll.u32 s1, $0x6;
	[sflag:s23] =	ssyncadd.s32 $0xFFFFF000  }
0x87: {  	s31 =	sshrl.u32 s7, $0x3;
	s0 =	sor.u32 $0x1C03, s30;
	[bflag:$0x0] =	sbarrier.arrive $0xFFFF  }
0x88: {  	[hbm:s5@s24], [sflag:s0] =	dma.strided [spmem:s31@s25], $0x280, s21, $0x4   }
0x89: {  	_ =	swait.ge [sflag:s17], $0x280  }
0x8a: {  	[sflag:s17] =	ssyncset.done $0x0  }
0x8b: {  	s29 =	sshrl.u32 s8, $0x3;
	[sflag:s17] =	ssyncadd.s32 $0xFFFFFD80  }
0x8c: {  	[hbm:s11@s24], [sflag:s0] =	dma.strided [spmem:s29@s25], $0x280, s21, $0x4   }
0x8d: {  	_ =	swait.ge [sflag:s17], $0x280  }
0x8e: {  	[sflag:s17] =	ssyncset.done $0x0  }
0x8f: {  	s30 =	sshrl.u32 s9, $0x3;
	[sflag:s17] =	ssyncadd.s32 $0xFFFFFD80  }
0x90: {  	[hbm:s12@s24], [sflag:s0] =	dma.strided [spmem:s30@s25], $0x280, s21, $0x4   }
0x91: {  	s26 =	sadd.s32 $0x1, s26;
	_ =	swait.ge [sflag:s17], $0x280  }
0x92: {  	p0 =	sne.s32 s26, s6;
	[sflag:s17] =	ssyncset.done $0x0  }
.Ltmp2:
0x93: {  	s31 =	sshrl.u32 s10, $0x3;
	[sflag:s17] =	ssyncadd.s32 $0xFFFFFD80;
	(pc) =	sbr.rel @p0 .LBB2_1-.Ltmp2, $4  }
0x94: {  	[hbm:s13@s24], [sflag:s0] =	dma.strided [spmem:s31@s25], $0x280, s21, $0x4   }
0x95: {  	_ =	swait.ge [sflag:s17], $0x280  }
0x96: {  	[sflag:s17] =	ssyncset.done $0x0  }
0x97: {  	[sflag:s17] =	ssyncadd.s32 $0xFFFFFD80  }
0x98: {  	_ =	sfence.sel $0x180000  }
0x99: {  	[bflag:$0x0] =	sbarrier.arrive $0xFFFF  }
0x9a: {  	_ =	strace $0x90000053  }
0x9b: {  	[bflag:$0x2] =	sbarrier.arrive $0xFFFF  }
0x9c: {  	p0 =	sne.s32 s1, $0x0;
	s0 =	rddreg [dreg:$0x3]  }
0x9d: {  	s0 =	sadd.s32 @!p0 $0x100000, s0  }
0x9e: {  	[sflag:s0] =	ssyncadd.tile.s32 @!p0 $0x1;
	_ =	shalt  }
.Lfunc_end2:
_tile_overlayer_lowered:
.L_overlay_start_2:
0x9f: {  	(tag) =	ssettag $0x2  }
0xa0: {  	s0 =	rddreg [dreg:$0x0];
	s2 =	stileid.u32  }
0xa1: {  	s1 =	rddreg [dreg:$0x1];
	p0 =	sne.s32 s2, $0x0  }
0xa2: {  	s3 =	rddreg [dreg:$0x2];
	[bflag:$0x3] =	sbarrier.arrive $0xFFFF;
	s2 =	simm.s32 @!p0 $0x1C03  }
0xa3: {  	[timem:s3], [sflag:s2] =	dma.local @!p0 [hbm:s0], s1  }
0xa4: {  	s0 =	simm.s32 @!p0 $0x3  }
0xa5: {  	_ =	swait.ge @!p0 [sflag:s0], s1  }
0xa6: {  	s1 =	ssub.s32 @!p0 $0x0, s1;
	[sflag:s0] =	ssyncset.done @!p0 $0x0  }
0xa7: {  	[sflag:s0] =	ssyncadd.s32 @!p0 s1  }
0xa8: {  	[bflag:$0x3] =	sbarrier.arrive $0xFFFF  }
0xa9: {  	_ =	shalt  }

// kernel: kernel.25.cloned.1.call-start
scs
__scs_entry_jumppad:
0x0: {  	(pc) =	sbr.rel $0x88, $3  }
0x1: {  	(tag) =	ssettag $0x0;
	lr =	simm.s32 $0x1  }
0x2: {  	[smem:$0x3F7A] =	sst lr;
	_ =	strace $0xD0000000  }
0x3: {  	_ = 	snop  }
0x4: {  	_ = 	snop  }
0x5: {  	_ = 	snop  }
0x6: {  	_ = 	snop  }
0x7: {  	_ = 	snop  }
__scs_overlays_trampoline_lowered:
0x8: {  	[smem:$0x3F89] =	sst s0  }
0x9: {  	[smem:$0x3F8A] =	sst s1  }
0xa: {  	[smem:$0x3F8B] =	sst s2  }
0xb: {  	[smem:$0x3F8C] =	sst s3  }
0xc: {  	[smem:$0x3F8D] =	sst s4  }
0xd: {  	[smem:$0x3F8E] =	sst s5  }
0xe: {  	[smem:$0x3F8F] =	sst s6  }
0xf: {  	[smem:$0x3F90] =	sst s7  }
0x10: {  	[smem:$0x3F91] =	sst s8  }
0x11: {  	[smem:$0x3F92] =	sst s9;
	s0 =	simm.s32 @!p0 $0x0  }
0x12: {  	s1 =	sld [smem:$0x3F78];
	s0 =	simm.s32 @p0 $0x1  }
0x13: {  	[smem:$0x3F93] =	sst s0;
	s0 =	simm.s32 @!p1 $0x0  }
0x14: {  	s2 =	sld [smem:$0x3F77];
	s0 =	simm.s32 @p1 $0x1  }
0x15: {  	[smem:$0x3F94] =	sst s0;
	s0 =	simm.s32 @!p2 $0x0  }
0x16: {  	s3 =	sld [smem:$0x3FDB];
	s0 =	simm.s32 @p2 $0x1  }
0x17: {  	s4 =	simm.s32 $0x1BF5;
	[smem:$0x3F96] =	sst s0  }
0x18: {  	s0 =	sld [smem:$0x3F79];
	_ =	swait.ge [sflag:s4], $0x0  }
0x19: {  	s7 =	sld [smem:$0x3F7A]  }
0x1a: {  	s8 =	sadd.s32 $0xFFFFE003, lr  }
0x1b: {  	s9 =	sadd.s32 $0xFFFFFEF7, lr;
	s5 =	simm.s32 $0xFFFFFFFF;
	p2 =	slt.u32 s8, $0xFFFFF086  }
0x1c: {  	p1 =	slt.u32 s9, $0xF7A;
	s5 =	simm.s32 @!p2 $0x0  }
0x1d: {  	s5 =	simm.s32 @p1 $0x1;
	p0 =	seq.s32 s7, s2  }
0x1e: {  	s7 =	smul.u32 @!p0 $0xF7A, s2;
	p2 =	seq.s32 @!p0 s5, $0x0  }
0x1f: {  	s9 =	smul.u32 $0xF7A, s1;
	s8 =	simm.s32 @!p0 $0x1BF5;
	p2 =	por !p2, p0  }
0x20: {  	[sflag:s8] =	ssyncset.s32 @!p0 $0xFFFFF086;
	s6 =	sadd.s32 @!p0 s3, s7;
	s7 =	simm.s32 @!p0 $0x108  }
0x21: {  	s3 =	sadd.s32 s3, s9;
	s6 =	sadd.s32 @!p0 $0x88, s6;
	s7 =	simm.s32 @p2 $0x1082  }
0x22: {  	[simem:s7], [sflag:s8] =	dma.local @!p0 [hbm:s6], $0xF7A  }
0x23: {  	s9 =	sor.u32 $0xD0000000, s2;
	s6 =	simm.s32 $0x108;
	_ =	swait.ge @!p0 [sflag:s8], $0x0  }
0x24: {  	s3 =	sadd.s32 $0x88, s3;
	s6 =	simm.s32 @!p1 $0x1082;
	[sflag:s4] =	ssyncset.s32 $0xFFFFF086  }
0x25: {  	[simem:s6], [sflag:s4] =	dma.local [hbm:s3], $0xF7A  }
0x26: {  	[smem:$0x3F7A] =	sst s1;
	(tag) =	ssettag s2;
	_ =	strace s9  }
0x27: {  	s1 =	sld [smem:$0x3F8A]  }
0x28: {  	s2 =	sld [smem:$0x3F8B]  }
0x29: {  	s4 =	sld [smem:$0x3F8D]  }
0x2a: {  	p0 =	seq.s32 s5, $0x0;
	s5 =	sld [smem:$0x3F8E]  }
0x2b: {  	s6 =	sld [smem:$0x3F8F]  }
0x2c: {  	s7 =	sld [smem:$0x3F90]  }
0x2d: {  	s3 =	simm.s32 $0x108;
	s8 =	sld [smem:$0x3F91]  }
0x2e: {  	s3 =	simm.s32 @!p0 $0x1082;
	s9 =	sld [smem:$0x3F92]  }
0x2f: {  	lr =	sadd.s32 s0, s3;
	s0 =	sld [smem:$0x3F89]  }
0x30: {  	s3 =	sld [smem:$0x3F8C]  }
0x31: {  	[smem:$0x3F95] =	sst s10  }
0x32: {  	s10 =	sld [smem:$0x3F93];
	_ =	sdelay $0x3  }
0x33: {  	p0 =	seq.s32 s10, $0x1;
	s10 =	sld [smem:$0x3F95];
	_ =	sdelay $0x3  }
0x34: {  	[smem:$0x3F95] =	sst s10  }
0x35: {  	s10 =	sld [smem:$0x3F94];
	_ =	sdelay $0x3  }
0x36: {  	p1 =	seq.s32 s10, $0x1;
	s10 =	sld [smem:$0x3F95];
	_ =	sdelay $0x3  }
0x37: {  	[smem:$0x3F95] =	sst s10  }
0x38: {  	s10 =	sld [smem:$0x3F96]  }
0x39: {  	_ = 	snop;
	(pc) =	sbr.ind lr, $3  }
0x3a: {  	_ = 	snop  }
0x3b: {  	_ = 	snop  }
0x3c: {  	p2 =	seq.s32 s10, $0x1;
	s10 =	sld [smem:$0x3F95]  }
0x3d: {  	_ =	shalt  }
0x3e: {  	_ =	shalt  }
0x3f: {  	_ =	shalt  }
0x40: {  	_ =	shalt  }
0x41: {  	_ =	shalt  }
0x42: {  	_ =	shalt  }
0x43: {  	_ =	shalt  }
0x44: {  	_ =	shalt  }
0x45: {  	_ =	shalt  }
0x46: {  	_ =	shalt  }
0x47: {  	_ =	shalt  }
0x48: {  	_ =	shalt  }
0x49: {  	_ =	shalt  }
0x4a: {  	_ =	shalt  }
0x4b: {  	_ =	shalt  }
0x4c: {  	_ =	shalt  }
0x4d: {  	_ =	shalt  }
0x4e: {  	_ =	shalt  }
0x4f: {  	_ =	shalt  }
0x50: {  	_ =	shalt  }
0x51: {  	_ =	shalt  }
0x52: {  	_ =	shalt  }
0x53: {  	_ =	shalt  }
0x54: {  	_ =	shalt  }
0x55: {  	_ =	shalt  }
0x56: {  	_ =	shalt  }
0x57: {  	_ =	shalt  }
0x58: {  	_ =	shalt  }
0x59: {  	_ =	shalt  }
0x5a: {  	_ =	shalt  }
0x5b: {  	_ =	shalt  }
0x5c: {  	_ =	shalt  }
0x5d: {  	_ =	shalt  }
0x5e: {  	_ =	shalt  }
0x5f: {  	_ =	shalt  }
0x60: {  	_ =	shalt  }
0x61: {  	_ =	shalt  }
0x62: {  	_ =	shalt  }
0x63: {  	_ =	shalt  }
0x64: {  	_ =	shalt  }
0x65: {  	_ =	shalt  }
0x66: {  	_ =	shalt  }
0x67: {  	_ =	shalt  }
0x68: {  	_ =	shalt  }
0x69: {  	_ =	shalt  }
0x6a: {  	_ =	shalt  }
0x6b: {  	_ =	shalt  }
0x6c: {  	_ =	shalt  }
0x6d: {  	_ =	shalt  }
0x6e: {  	_ =	shalt  }
0x6f: {  	_ =	shalt  }
0x70: {  	_ =	shalt  }
0x71: {  	_ =	shalt  }
0x72: {  	_ =	shalt  }
0x73: {  	_ =	shalt  }
0x74: {  	_ =	shalt  }
0x75: {  	_ =	shalt  }
0x76: {  	_ =	shalt  }
0x77: {  	_ =	shalt  }
0x78: {  	_ =	shalt  }
0x79: {  	_ =	shalt  }
0x7a: {  	_ =	shalt  }
0x7b: {  	_ =	shalt  }
0x7c: {  	_ =	shalt  }
0x7d: {  	_ =	shalt  }
0x7e: {  	_ =	shalt  }
0x7f: {  	_ =	shalt  }
0x80: {  	_ =	shalt  }
0x81: {  	_ =	shalt  }
0x82: {  	_ =	shalt  }
0x83: {  	_ =	shalt  }
0x84: {  	_ =	shalt  }
0x85: {  	_ =	shalt  }
0x86: {  	_ =	shalt  }
0x87: {  	_ =	shalt  }
.Lfunc_end0:
.L_simem_size_0:
called_computation.4_lowered:
.L_overlay_start_0:
0x88: {  	s2 =	sld [smem:$0x3FD9]  }
0x89: {  	s3 =	sld [smem:$0x3FFE];
	_ =	sdelay $0x1  }
0x8a: {  	s1 =	srdreg.scid  }
0x8b: {  	s0 =	sand.u32 $0x1, s1  }
0x8c: {  	s15 =	sshll.u32 s0, $0xA;
	s2 =	sadd.s32 s3, s2  }
0x8d: {  	s2 =	sadd.s32 s2, s15  }
0x8e: {  	[smem:$0x3FA1] =	sst s2  }
0x8f: {  	_ = 	snop  }
0x90: {  	s2 =	sld [smem:$0x3FD0];
	_ =	sdelay $0x2  }
0x91: {  	s16 =	simm.s32 $0xB;
	s4 =	simm.s32 $0x10  }
0x92: {  	[smem:s4], [sflag:s16] =	dma.local [hbm:s2], $0x1  }
0x93: {  	_ =	swait.eq [sflag:s16], $0x1  }
0x94: {  	[sflag:s16] =	ssyncset.done $0x0  }
0x95: {  	[sflag:s16] =	ssyncadd.s32 $0xFFFFFFFF  }
0x96: {  	s17 =	sld [smem:$0x11];
	(tm) =	ssettm $0x1  }
0x97: {  	s18 =	sld [smem:$0x3FFB];
	_ =	sdelay $0x3  }
0x98: {  	_ =	strace s18  }
0x99: {  	s2 =	sld [smem:$0x3FFC];
	_ =	sdelay $0x3  }
0x9a: {  	_ =	strace s2  }
0x9b: {  	s2 =	sld [smem:$0x3FFD];
	_ =	sdelay $0x3  }
0x9c: {  	_ =	strace s2  }
0x9d: {  	_ =	strace $0x8FFFFFFF  }
0x9e: {  	s19 =	sld [smem:$0x3FDB];
	_ =	sdelay $0x1  }
0x9f: {  	s20 =	simm.s32 $_scs_section_size  }
0xa0: {  	s5 =	simm.s32 $_size__tile_overlayer_lowered;
	s6 =	simm.s32 $_tile_overlayer_lowered  }
0xa1: {  	s7 =	simm.s32 $0x1BFF;
	s21 =	sshll.u32 s6, $0x1;
	s4 =	sadd.s32 s20, s19  }
0xa2: {  	s22 =	simm.s32 $0x0;
	s5 =	sshll.u32 s5, $0x1;
	s6 =	sadd.s32 s21, s4  }
0xa3: {  	[timem:s22], [sflag:s7] =	dma.local [hbm:s6], s5  }
0xa4: {  	_ =	swait.ge [sflag:s7], s5  }
0xa5: {  	s5 =	ssub.s32 $0x0, s5;
	[sflag:s7] =	ssyncset.done $0x0  }
0xa6: {  	[sflag:s7] =	ssyncadd.s32 s5;
	_ =	sdelay $0x1  }
0xa7: {  	s23 =	simm.s32 $0x1B8B  }
0xa8: {  	_ =	swait.ge [sflag:s23], $0x1  }
0xa9: {  	[sflag:s23] =	ssyncset.done $0x0  }
0xaa: {  	[sflag:s23] =	ssyncadd.s32 $0xFFFFFFFF  }
0xab: {  	s5 =	sld [smem:$0x0]  }
0xac: {  	s6 =	sand.u32 $0xFFFFFFFE, s1  }
0xad: {  	p0 =	sne.s32 s1, s6  }
0xae: {  	s6 =	sshll.u32 @p0 s6, $0xE  }
0xaf: {  	s6 =	sadd.s32 @p0 $0x11B8D, s6;
	s7 =	sshll.u32 @p0 s5, $0x11  }
0xb0: {  	s6 =	sor.u32 @p0 s7, s6  }
0xb1: {  	[sflag:s6] =	ssyncadd.remote.s32 @p0 $0x1;
	_ =	sdelay $0x1  }
0xb2: {  	s6 =	simm.s32 @p0 $0x1B8D  }
0xb3: {  	_ =	swait.eq @p0 [sflag:s6], $0x1  }
0xb4: {  	[sflag:s6] =	ssyncadd.s32 @p0 $0xFFFFFFFF  }
0xb5: {  	s7 =	sshll.u32 @!p0 s1, $0xE  }
0xb6: {  	s7 =	sor.u32 @!p0 $0x4000, s7;
	s6 =	simm.s32 @!p0 $0x1B8D  }
0xb7: {  	s5 =	sshll.u32 @!p0 s5, $0x11;
	s7 =	sadd.s32 @!p0 $0x11B8D, s7;
	_ =	swait.eq @!p0 [sflag:s6], $0x1  }
0xb8: {  	s5 =	sor.u32 @!p0 s5, s7;
	[sflag:s6] =	ssyncadd.s32 @!p0 $0xFFFFFFFF  }
0xb9: {  	s25 =	simm.s32 $0x1B8E;
	s24 =	sld [smem:$0x3FFE];
	[sflag:s5] =	ssyncadd.remote.s32 @!p0 $0x1  }
0xba: {  	s26 =	simm.s32 $execute0_lowered;
	[smem:$0x3FD2] =	sst s25  }
0xbb: {  	s6 =	sshll.u32 s26, $0x1;
	_ =	strace $0x8000004F;
	[dreg:$0x1] =	wrdreg $0xFFFFFFFF  }
0xbc: {  	s28 =	simm.s32 $_size_execute0_lowered;
	s4 =	sadd.s32 s4, s6;
	[dreg:$0x0] =	wrdreg $0x0  }
0xbd: {  	s6 =	sshll.u32 s28, $0x1;
	[dreg:$0x2] =	wrdreg s4  }
0xbe: {  	[dreg:$0x3] =	wrdreg s6  }
0xbf: {  	[dreg:$0x4] =	wrdreg $0xC0  }
0xc0: {  	_ =	task [dreg:s22], $0x5FFFF  }
0xc1: {  	[dreg:$0x1] =	wrdreg $0xFFFFFFFF  }
0xc2: {  	[dreg:$0x0] =	wrdreg $0x60  }
0xc3: {  	[dreg:$0x2] =	wrdreg s17  }
0xc4: {  	[dreg:$0x3] =	wrdreg s24  }
0xc5: {  	[dreg:$0x4] =	wrdreg $0x9  }
0xc6: {  	_ =	task.clear_ibuf [dreg:s22], $0x5FFFF;
	_ =	strace $0x9000004F  }
0xc7: {  	s29 =	simm.s32 $0x9;
	_ =	strace $0x80000051  }
0xc8: {  	_ =	swait.ge [sflag:s29], $0x1  }
0xc9: {  	[sflag:s29] =	ssyncadd.s32 $0xFFFFFFFF  }
0xca: {  	_ =	strace $0x90000051  }
0xcb: {  	_ =	sfence  }
0xcc: {  	s30 =	sld [smem:$0x0];
	_ =	sdelay $0x2  }
0xcd: {  	s31 =	sshll.u32 s1, $0xD;
	s1 =	sshrl.u32 s1, $0x2  }
0xce: {  	s4 =	sand.u32 $0x4000, s31;
	s1 =	sadd.s32 s1, s30  }
0xcf: {  	s0 =	sor.u32 s4, s0;
	s1 =	sshll.u32 s1, $0x11  }
0xd0: {  	s0 =	sor.u32 s1, s0  }
0xd1: {  	s0 =	sadd.s32 $0x8F2B, s0  }
0xd2: {  	[sflag:s0] =	ssyncadd.remote.s32 $0x1  }
0xd3: {  	_ =	sfence.sel $0xFFFF  }
0xd4: {  	[dreg:$0x0] =	wrdreg $0xFFFFFFFF;
	(pc) =	sbr.abs _section_cstart, $3  }
0xd5: {  	[dreg:$0x1] =	wrdreg $0xFFFFFFFF  }
0xd6: {  	_ =	task.clear_ibuf [dreg:s22], $0x2FFFF;
	_ =	strace $0x9FFFFFFF  }
0xd7: {  	(tm) =	ssettm $0x7FFFFFFF  }
tec
execute0_lowered:
.L_overlay_start_1:
0x0: {  	(tag) =	ssettag $0x1  }
0x1: {  	s1 =	rddreg [dreg:$0x0]  }
0x2: {  	s6 =	rddreg [dreg:$0x1]  }
0x3: {  	s0 =	rddreg [dreg:$0x2];
	s2 =	simm.s32 $0x0;
	s3 =	srdreg.scid  }
0x4: {  	s11 =	simm.s32 $0x80;
	s12 =	simm.s32 $0x1;
	s13 =	simm.s32 $0x1080  }
0x5: {  	s14 =	simm.s32 $0x20;
	s15 =	simm.s32 $0x40;
	[smem:$0x7FF] =	sst s2  }
0x6: {  	s7 =	sand.u32 $0x1, s3;
	s4 =	sadd.s32 $0x7B3000, s6;
	s5 =	sadd.s32 $0x7B0800, s6  }
0x7: {  	s3 =	stileid.u32;
	_ =	strace $0x80000050;
	s8 =	ssub.s32 $0x2, s7  }
0x8: {  	s9 =	sshll.u32 s7, $0x2;
	s7 =	smul.u32 $0xA000, s7;
	s10 =	sshrl.u32 s8, $0x1  }
0x9: {  	s9 =	sadd.s32 s9, s6;
	s6 =	smul.u32 $0x14, s3;
	s10 =	ssub.s32 s8, s10  }
0xa: {  	s8 =	sadd.s32 $0x7B5800, s9;
	s9 =	smax.u32 s10, $0x1;
	s10 =	simm.s32 $0x2  }
.LBB2_1:
0xb: {  	s16 =	simm.s32 $0x0  }
.LBB2_2:
0xc: {  	s17 =	sadd.s32 s6, s16  }
0xd: {  	s18 =	sshll.u32 s17, $0x7  }
0xe: {  	s18 =	sadd.s32 s7, s18  }
0xf: {  	s18 =	sshrl.u32 s18, $0x3  }
0x10: {  	s20 =	simm.s32 $0x0;
	s19 =	sadd.s32 s4, s18  }
0x11: {  	[tilespmem:s20], [sflag:$0x2] =	stream.linear.gather [hbm4b:s19+s20], $0x80, $0x38;
	[tilespmem:$0x2080] =	vst v63  }
0x12: {  	_ =	swait.ge [sflag:s10], $0x80  }
0x13: {  	[sflag:s10] =	ssyncset.done $0x0  }
0x14: {  	[sflag:s10] =	ssyncadd.s32 $0xFFFFFF80  }
0x15: {  	[tilespmem:s11], [sflag:$0x1] =	stream.indirect.gather [hbm4b:s1+s11], $0x20, s20, s11, $0xb8;
	[tilespmem:$0x2080] =	vst v63  }
0x16: {  	_ =	swait.ge [sflag:s12], $0x1000  }
0x17: {  	[sflag:s12] =	ssyncset.done $0x0  }
0x18: {  	s18 =	sadd.s32 s5, s18;
	[sflag:s12] =	ssyncadd.s32 $0xFFFFF000  }
0x19: {  	[tilespmem:s20], [sflag:$0x2] =	stream.linear.gather [hbm4b:s18+s20], $0x80, $0x38;
	[tilespmem:$0x2080] =	vst v63  }
0x1a: {  	_ =	swait.ge [sflag:s10], $0x80  }
0x1b: {  	[sflag:s10] =	ssyncset.done $0x0  }
0x1c: {  	[sflag:s10] =	ssyncadd.s32 $0xFFFFFF80  }
0x1d: {  	[tilespmem:s13], [sflag:$0x1] =	stream.indirect.gather [hbm4b:s1+s11], $0x20, s20, s11, $0xb8;
	[tilespmem:$0x2080] =	vst v63  }
0x1e: {  	_ =	swait.ge [sflag:s12], $0x1000  }
0x1f: {  	[sflag:s12] =	ssyncset.done $0x0  }
0x20: {  	s18 =	simm.s32 $0x0;
	[sflag:s12] =	ssyncadd.s32 $0xFFFFF000  }
0x21: {  	v0 =	vld [tilespmem:s18+$0x1080]  }
0x22: {  	v1 =	vld [tilespmem:s18+$0x1090]  }
0x23: {  	s19 =	simm.s32 $0x80;
	v2 =	vld [tilespmem:s18+$0x80]  }
.LBB2_3:
0x24: {  	p0 =	sne.s32 s19, $0x3F80;
	v3 =	vld [tilespmem:s18+$0x90];
	_ =	sdelay $0x2  }
.Ltmp0:
0x25: {  	(pc) =	sbr.rel @p0 .LBB2_3-.Ltmp0, $4  }
0x26: {  	s20 =	sshra.s32 s19, $0x2;
	v2 =	vadd.f32 v0, v2  }
0x27: {  	v0 =	vld [tilespmem:s20+$0x1080];
	v3 =	vadd.f32 v1, v3  }
0x28: {  	v1 =	vld [tilespmem:s20+$0x1090];
	[tilespmem:s18+$0x80] =	vst v2  }
0x29: {  	s19 =	sadd.s32 $0x80, s19;
	v2 =	vld [tilespmem:s20+$0x80];
	[tilespmem:s18+$0x90] =	vst v3;
	s18 =	smov.u32 s20  }
0x2a: {  	v3 =	vld [tilespmem:s18+$0x90];
	_ =	sdelay $0x3  }
0x2b: {  	v0 =	vadd.f32 v0, v2  }
0x2c: {  	s16 =	sadd.s32 $0x1, s16;
	v1 =	vadd.f32 v1, v3  }
0x2d: {  	s17 =	sshll.u32 s17, $0xA;
	p0 =	sne.s32 s16, $0x14;
	[tilespmem:s18+$0x80] =	vst v0  }
.Ltmp1:
0x2e: {  	s17 =	sadd.s32 s17, s8;
	[tilespmem:s18+$0x90] =	vst v1;
	(pc) =	sbr.rel @p0 .LBB2_2-.Ltmp1, $4  }
0x2f: {  	[hbm4b:s17+s14] =	stream.strided.scatter [tilespmem:s11], [sflag:$0x2], $0x1000, s15, s14, $0x38;
	[tilespmem:$0x2080] =	vst v63  }
0x30: {  	_ =	swait.ge [sflag:s10], $0x1000  }
0x31: {  	[sflag:s10] =	ssyncset.done $0x0  }
0x32: {  	[sflag:s10] =	ssyncadd.s32 $0xFFFFF000  }
0x33: {  	s2 =	sadd.s32 $0x1, s2  }
0x34: {  	p0 =	sne.s32 s2, s9  }
.Ltmp2:
0x35: {  	_ = 	snop;
	(pc) =	sbr.rel @p0 .LBB2_1-.Ltmp2, $1  }
0x36: {  	_ =	sdelay $0x3  }
0x37: {  	_ =	sfence.sel $0x180000  }
0x38: {  	[bflag:$0x0] =	sbarrier.arrive $0xFFFF  }
0x39: {  	p0 =	sne.s32 s3, $0x0;
	_ =	strace $0x90000050  }
0x3a: {  	s0 =	sadd.s32 @!p0 $0x100000, s0;
	[bflag:$0x2] =	sbarrier.arrive $0xFFFF  }
0x3b: {  	[sflag:s0] =	ssyncadd.tile.s32 @!p0 $0x1;
	_ =	shalt  }
.Lfunc_end2:
_tile_overlayer_lowered:
.L_overlay_start_2:
0x3c: {  	(tag) =	ssettag $0x2  }
0x3d: {  	s0 =	rddreg [dreg:$0x0];
	s2 =	stileid.u32  }
0x3e: {  	s1 =	rddreg [dreg:$0x1];
	p0 =	sne.s32 s2, $0x0  }
0x3f: {  	s3 =	rddreg [dreg:$0x2];
	[bflag:$0x3] =	sbarrier.arrive $0xFFFF;
	s2 =	simm.s32 @!p0 $0x1C02  }
0x40: {  	[timem:s3], [sflag:s2] =	dma.local @!p0 [hbm:s0], s1  }
0x41: {  	s0 =	simm.s32 @!p0 $0x2  }
0x42: {  	_ =	swait.ge @!p0 [sflag:s0], s1  }
0x43: {  	s1 =	ssub.s32 @!p0 $0x0, s1;
	[sflag:s0] =	ssyncset.done @!p0 $0x0  }
0x44: {  	[sflag:s0] =	ssyncadd.s32 @!p0 s1  }
0x45: {  	[bflag:$0x3] =	sbarrier.arrive $0xFFFF  }
0x46: {  	_ =	shalt  }

// kernel: kernel.28.cloned.1.call-start
scs
__scs_entry_jumppad:
0x0: {  	(pc) =	sbr.rel $0x88, $3  }
0x1: {  	(tag) =	ssettag $0x0;
	lr =	simm.s32 $0x1  }
0x2: {  	[smem:$0x3F7A] =	sst lr;
	_ =	strace $0xD0000000  }
0x3: {  	_ = 	snop  }
0x4: {  	_ = 	snop  }
0x5: {  	_ = 	snop  }
0x6: {  	_ = 	snop  }
0x7: {  	_ = 	snop  }
__scs_overlays_trampoline_lowered:
0x8: {  	[smem:$0x3F89] =	sst s0  }
0x9: {  	[smem:$0x3F8A] =	sst s1  }
0xa: {  	[smem:$0x3F8B] =	sst s2  }
0xb: {  	[smem:$0x3F8C] =	sst s3  }
0xc: {  	[smem:$0x3F8D] =	sst s4  }
0xd: {  	[smem:$0x3F8E] =	sst s5  }
0xe: {  	[smem:$0x3F8F] =	sst s6  }
0xf: {  	[smem:$0x3F90] =	sst s7  }
0x10: {  	[smem:$0x3F91] =	sst s8  }
0x11: {  	[smem:$0x3F92] =	sst s9;
	s0 =	simm.s32 @!p0 $0x0  }
0x12: {  	s1 =	sld [smem:$0x3F78];
	s0 =	simm.s32 @p0 $0x1  }
0x13: {  	[smem:$0x3F93] =	sst s0;
	s0 =	simm.s32 @!p1 $0x0  }
0x14: {  	s2 =	sld [smem:$0x3F77];
	s0 =	simm.s32 @p1 $0x1  }
0x15: {  	[smem:$0x3F94] =	sst s0;
	s0 =	simm.s32 @!p2 $0x0  }
0x16: {  	s3 =	sld [smem:$0x3FDB];
	s0 =	simm.s32 @p2 $0x1  }
0x17: {  	s4 =	simm.s32 $0x1BF5;
	[smem:$0x3F96] =	sst s0  }
0x18: {  	s0 =	sld [smem:$0x3F79];
	_ =	swait.ge [sflag:s4], $0x0  }
0x19: {  	s7 =	sld [smem:$0x3F7A]  }
0x1a: {  	s8 =	sadd.s32 $0xFFFFE003, lr  }
0x1b: {  	s9 =	sadd.s32 $0xFFFFFEF7, lr;
	s5 =	simm.s32 $0xFFFFFFFF;
	p2 =	slt.u32 s8, $0xFFFFF086  }
0x1c: {  	p1 =	slt.u32 s9, $0xF7A;
	s5 =	simm.s32 @!p2 $0x0  }
0x1d: {  	s5 =	simm.s32 @p1 $0x1;
	p0 =	seq.s32 s7, s2  }
0x1e: {  	s7 =	smul.u32 @!p0 $0xF7A, s2;
	p2 =	seq.s32 @!p0 s5, $0x0  }
0x1f: {  	s9 =	smul.u32 $0xF7A, s1;
	s8 =	simm.s32 @!p0 $0x1BF5;
	p2 =	por !p2, p0  }
0x20: {  	[sflag:s8] =	ssyncset.s32 @!p0 $0xFFFFF086;
	s6 =	sadd.s32 @!p0 s3, s7;
	s7 =	simm.s32 @!p0 $0x108  }
0x21: {  	s3 =	sadd.s32 s3, s9;
	s6 =	sadd.s32 @!p0 $0x88, s6;
	s7 =	simm.s32 @p2 $0x1082  }
0x22: {  	[simem:s7], [sflag:s8] =	dma.local @!p0 [hbm:s6], $0xF7A  }
0x23: {  	s9 =	sor.u32 $0xD0000000, s2;
	s6 =	simm.s32 $0x108;
	_ =	swait.ge @!p0 [sflag:s8], $0x0  }
0x24: {  	s3 =	sadd.s32 $0x88, s3;
	s6 =	simm.s32 @!p1 $0x1082;
	[sflag:s4] =	ssyncset.s32 $0xFFFFF086  }
0x25: {  	[simem:s6], [sflag:s4] =	dma.local [hbm:s3], $0xF7A  }
0x26: {  	[smem:$0x3F7A] =	sst s1;
	(tag) =	ssettag s2;
	_ =	strace s9  }
0x27: {  	s1 =	sld [smem:$0x3F8A]  }
0x28: {  	s2 =	sld [smem:$0x3F8B]  }
0x29: {  	s4 =	sld [smem:$0x3F8D]  }
0x2a: {  	p0 =	seq.s32 s5, $0x0;
	s5 =	sld [smem:$0x3F8E]  }
0x2b: {  	s6 =	sld [smem:$0x3F8F]  }
0x2c: {  	s7 =	sld [smem:$0x3F90]  }
0x2d: {  	s3 =	simm.s32 $0x108;
	s8 =	sld [smem:$0x3F91]  }
0x2e: {  	s3 =	simm.s32 @!p0 $0x1082;
	s9 =	sld [smem:$0x3F92]  }
0x2f: {  	lr =	sadd.s32 s0, s3;
	s0 =	sld [smem:$0x3F89]  }
0x30: {  	s3 =	sld [smem:$0x3F8C]  }
0x31: {  	[smem:$0x3F95] =	sst s10  }
0x32: {  	s10 =	sld [smem:$0x3F93];
	_ =	sdelay $0x3  }
0x33: {  	p0 =	seq.s32 s10, $0x1;
	s10 =	sld [smem:$0x3F95];
	_ =	sdelay $0x3  }
0x34: {  	[smem:$0x3F95] =	sst s10  }
0x35: {  	s10 =	sld [smem:$0x3F94];
	_ =	sdelay $0x3  }
0x36: {  	p1 =	seq.s32 s10, $0x1;
	s10 =	sld [smem:$0x3F95];
	_ =	sdelay $0x3  }
0x37: {  	[smem:$0x3F95] =	sst s10  }
0x38: {  	s10 =	sld [smem:$0x3F96]  }
0x39: {  	_ = 	snop;
	(pc) =	sbr.ind lr, $3  }
0x3a: {  	_ = 	snop  }
0x3b: {  	_ = 	snop  }
0x3c: {  	p2 =	seq.s32 s10, $0x1;
	s10 =	sld [smem:$0x3F95]  }
0x3d: {  	_ =	shalt  }
0x3e: {  	_ =	shalt  }
0x3f: {  	_ =	shalt  }
0x40: {  	_ =	shalt  }
0x41: {  	_ =	shalt  }
0x42: {  	_ =	shalt  }
0x43: {  	_ =	shalt  }
0x44: {  	_ =	shalt  }
0x45: {  	_ =	shalt  }
0x46: {  	_ =	shalt  }
0x47: {  	_ =	shalt  }
0x48: {  	_ =	shalt  }
0x49: {  	_ =	shalt  }
0x4a: {  	_ =	shalt  }
0x4b: {  	_ =	shalt  }
0x4c: {  	_ =	shalt  }
0x4d: {  	_ =	shalt  }
0x4e: {  	_ =	shalt  }
0x4f: {  	_ =	shalt  }
0x50: {  	_ =	shalt  }
0x51: {  	_ =	shalt  }
0x52: {  	_ =	shalt  }
0x53: {  	_ =	shalt  }
0x54: {  	_ =	shalt  }
0x55: {  	_ =	shalt  }
0x56: {  	_ =	shalt  }
0x57: {  	_ =	shalt  }
0x58: {  	_ =	shalt  }
0x59: {  	_ =	shalt  }
0x5a: {  	_ =	shalt  }
0x5b: {  	_ =	shalt  }
0x5c: {  	_ =	shalt  }
0x5d: {  	_ =	shalt  }
0x5e: {  	_ =	shalt  }
0x5f: {  	_ =	shalt  }
0x60: {  	_ =	shalt  }
0x61: {  	_ =	shalt  }
0x62: {  	_ =	shalt  }
0x63: {  	_ =	shalt  }
0x64: {  	_ =	shalt  }
0x65: {  	_ =	shalt  }
0x66: {  	_ =	shalt  }
0x67: {  	_ =	shalt  }
0x68: {  	_ =	shalt  }
0x69: {  	_ =	shalt  }
0x6a: {  	_ =	shalt  }
0x6b: {  	_ =	shalt  }
0x6c: {  	_ =	shalt  }
0x6d: {  	_ =	shalt  }
0x6e: {  	_ =	shalt  }
0x6f: {  	_ =	shalt  }
0x70: {  	_ =	shalt  }
0x71: {  	_ =	shalt  }
0x72: {  	_ =	shalt  }
0x73: {  	_ =	shalt  }
0x74: {  	_ =	shalt  }
0x75: {  	_ =	shalt  }
0x76: {  	_ =	shalt  }
0x77: {  	_ =	shalt  }
0x78: {  	_ =	shalt  }
0x79: {  	_ =	shalt  }
0x7a: {  	_ =	shalt  }
0x7b: {  	_ =	shalt  }
0x7c: {  	_ =	shalt  }
0x7d: {  	_ =	shalt  }
0x7e: {  	_ =	shalt  }
0x7f: {  	_ =	shalt  }
0x80: {  	_ =	shalt  }
0x81: {  	_ =	shalt  }
0x82: {  	_ =	shalt  }
0x83: {  	_ =	shalt  }
0x84: {  	_ =	shalt  }
0x85: {  	_ =	shalt  }
0x86: {  	_ =	shalt  }
0x87: {  	_ =	shalt  }
.Lfunc_end0:
.L_simem_size_0:
called_computation.5_lowered:
.L_overlay_start_0:
0x88: {  	s2 =	sld [smem:$0x3FD9]  }
0x89: {  	s3 =	sld [smem:$0x3FFE];
	_ =	sdelay $0x1  }
0x8a: {  	s1 =	srdreg.scid  }
0x8b: {  	s0 =	sand.u32 $0x1, s1  }
0x8c: {  	s14 =	sshll.u32 s0, $0xA;
	s2 =	sadd.s32 s3, s2  }
0x8d: {  	s2 =	sadd.s32 s2, s14  }
0x8e: {  	[smem:$0x3FA1] =	sst s2  }
0x8f: {  	_ = 	snop  }
0x90: {  	s2 =	sld [smem:$0x3FD0];
	_ =	sdelay $0x2  }
0x91: {  	s15 =	simm.s32 $0xB;
	s4 =	simm.s32 $0x10  }
0x92: {  	[smem:s4], [sflag:s15] =	dma.local [hbm:s2], $0x1  }
0x93: {  	_ =	swait.eq [sflag:s15], $0x1  }
0x94: {  	[sflag:s15] =	ssyncset.done $0x0  }
0x95: {  	s16 =	sld [smem:$0x10];
	[sflag:s15] =	ssyncadd.s32 $0xFFFFFFFF  }
0x96: {  	s17 =	sld [smem:$0x11];
	(tm) =	ssettm $0x1  }
0x97: {  	s18 =	sld [smem:$0x3FFB];
	_ =	sdelay $0x3  }
0x98: {  	_ =	strace s18  }
0x99: {  	s4 =	sld [smem:$0x3FFC];
	_ =	sdelay $0x3  }
0x9a: {  	_ =	strace s4  }
0x9b: {  	s4 =	sld [smem:$0x3FFD];
	_ =	sdelay $0x3  }
0x9c: {  	_ =	strace s4  }
0x9d: {  	_ =	strace $0x8FFFFFFF  }
0x9e: {  	s19 =	sld [smem:$0x3FDB];
	_ =	sdelay $0x1  }
0x9f: {  	s5 =	simm.s32 $_scs_section_size  }
0xa0: {  	s6 =	simm.s32 $_size__tile_overlayer_lowered;
	s7 =	simm.s32 $_tile_overlayer_lowered  }
0xa1: {  	s22 =	simm.s32 $0x1BFF;
	s21 =	sshll.u32 s7, $0x1;
	s4 =	sadd.s32 s5, s19  }
0xa2: {  	s8 =	simm.s32 $0x0;
	s20 =	sshll.u32 s6, $0x1;
	s6 =	sadd.s32 s21, s4  }
0xa3: {  	[timem:s8], [sflag:s22] =	dma.local [hbm:s6], s20  }
0xa4: {  	_ =	swait.ge [sflag:s22], s20  }
0xa5: {  	s5 =	ssub.s32 $0x0, s20;
	[sflag:s22] =	ssyncset.done $0x0  }
0xa6: {  	[sflag:s22] =	ssyncadd.s32 s5;
	_ =	sdelay $0x1  }
0xa7: {  	s23 =	simm.s32 $0x1B8B  }
0xa8: {  	_ =	swait.ge [sflag:s23], $0x1  }
0xa9: {  	[sflag:s23] =	ssyncset.done $0x0  }
0xaa: {  	s25 =	simm.s32 $0x1B8E;
	s24 =	sld [smem:$0x3FFE];
	[sflag:s23] =	ssyncadd.s32 $0xFFFFFFFF  }
0xab: {  	s26 =	simm.s32 $execute0_lowered;
	[smem:$0x3FD2] =	sst s25  }
0xac: {  	s6 =	sshll.u32 s26, $0x1;
	_ =	strace $0x80000055;
	[dreg:$0x1] =	wrdreg $0xFFFFFFFF  }
0xad: {  	s28 =	simm.s32 $_size_execute0_lowered;
	s4 =	sadd.s32 s4, s6;
	[dreg:$0x0] =	wrdreg $0x0  }
0xae: {  	s6 =	sshll.u32 s28, $0x1;
	[dreg:$0x2] =	wrdreg s4  }
0xaf: {  	[dreg:$0x3] =	wrdreg s6  }
0xb0: {  	[dreg:$0x4] =	wrdreg $0xC0  }
0xb1: {  	_ =	task [dreg:s8], $0x5FFFF  }
0xb2: {  	[dreg:$0x1] =	wrdreg $0xFFFFFFFF  }
0xb3: {  	[dreg:$0x0] =	wrdreg $0x60  }
0xb4: {  	[dreg:$0x2] =	wrdreg s16  }
0xb5: {  	[dreg:$0x3] =	wrdreg s24  }
0xb6: {  	[dreg:$0x4] =	wrdreg s17  }
0xb7: {  	[dreg:$0x5] =	wrdreg $0x42000  }
0xb8: {  	[dreg:$0x6] =	wrdreg $0x9  }
0xb9: {  	_ =	task.clear_ibuf [dreg:s8], $0x7FFFF;
	_ =	strace $0x90000055  }
0xba: {  	s29 =	simm.s32 $0x9;
	_ =	strace $0x80000057  }
0xbb: {  	_ =	swait.ge [sflag:s29], $0x1  }
0xbc: {  	[sflag:s29] =	ssyncadd.s32 $0xFFFFFFFF  }
0xbd: {  	_ =	strace $0x90000057  }
0xbe: {  	_ =	sfence  }
0xbf: {  	s30 =	sld [smem:$0x0];
	_ =	sdelay $0x2  }
0xc0: {  	s31 =	sshll.u32 s1, $0xD;
	s1 =	sshrl.u32 s1, $0x2  }
0xc1: {  	s3 =	sand.u32 $0x4000, s31;
	s1 =	sadd.s32 s1, s30  }
0xc2: {  	s0 =	sor.u32 s3, s0;
	s1 =	sshll.u32 s1, $0x11  }
0xc3: {  	s0 =	sor.u32 s1, s0  }
0xc4: {  	s0 =	sadd.s32 $0x8F2B, s0  }
0xc5: {  	[sflag:s0] =	ssyncadd.remote.s32 $0x1  }
0xc6: {  	_ =	sfence.sel $0xFFFF  }
0xc7: {  	[dreg:$0x0] =	wrdreg $0xFFFFFFFF;
	(pc) =	sbr.abs _section_cstart, $3  }
0xc8: {  	[dreg:$0x1] =	wrdreg $0xFFFFFFFF  }
0xc9: {  	_ =	task.clear_ibuf [dreg:s8], $0x2FFFF;
	_ =	strace $0x9FFFFFFF  }
0xca: {  	(tm) =	ssettm $0x7FFFFFFF  }
0xcb: {  	_ =	shalt  }
tec
execute0_lowered:
.L_overlay_start_1:
0x0: {  	(tag) =	ssettag $0x1  }
0x1: {  	s1 =	rddreg [dreg:$0x0]  }
0x2: {  	s0 =	rddreg [dreg:$0x1]  }
0x3: {  	s3 =	rddreg [dreg:$0x2]  }
0x4: {  	s2 =	rddreg [dreg:$0x3];
	s4 =	simm.s32 $0x0;
	s14 =	stileid.u32  }
0x5: {  	s7 =	srdreg.scid;
	s19 =	simm.s32 $0x200;
	s20 =	simm.s32 $0x3  }
0x6: {  	s28 =	simm.s32 $0x1;
	s29 =	simm.s32 $0x180;
	s10 =	smul.u32 $0x280, s14  }
0x7: {  	s30 =	simm.s32 $0x2;
	s8 =	sand.u32 $0x1, s7;
	s7 =	smul.u32 $0xA, s14  }
0x8: {  	s31 =	simm.s32 $0x8;
	s5 =	sadd.s32 $0x763800, s0;
	s12 =	smul.u32 $0x1400, s14  }
0x9: {  	[smem:$0x7FF] =	sst s4;
	s6 =	sadd.s32 $0x762400, s0;
	s14 =	smul.u32 $0x14000, s14  }
0xa: {  	_ =	strace $0x80000056;
	s9 =	sshll.u32 s8, $0x2;
	s11 =	ssub.s32 $0x2, s8  }
0xb: {  	s8 =	smul.u32 $0xA000, s8;
	s0 =	sadd.s32 s9, s0;
	s13 =	sshrl.u32 s11, $0x1  }
0xc: {  	s9 =	sadd.s32 s3, s9;
	s22 =	sshrl.u32 s14, $0x2;
	s23 =	sadd.s32 $0xA0, s10  }
0xd: {  	s16 =	sadd.s32 $0x140, s10;
	s10 =	sadd.s32 $0x1E0, s10;
	s11 =	ssub.s32 s11, s13  }
0xe: {  	s0 =	sadd.s32 $0x5200, s0;
	s24 =	sshll.u32 s23, $0x5;
	s25 =	sshll.u32 s16, $0x5  }
0xf: {  	s15 =	sshll.u32 s10, $0x5;
	s3 =	sshll.u32 s23, $0x3;
	s26 =	sshll.u32 s16, $0x3  }
0x10: {  	s10 =	sshll.u32 s10, $0x3;
	s23 =	simm.s32 $0x40;
	s21 =	sadd.s32 s12, s0  }
0x11: {  	s11 =	smax.u32 s11, $0x1;
	s12 =	sadd.s32 s22, s2;
	s13 =	sadd.s32 s24, s2  }
0x12: {  	s14 =	sadd.s32 s25, s2;
	s15 =	sadd.s32 s15, s2;
	s3 =	sadd.s32 s3, s0  }
0x13: {  	s18 =	sadd.s32 s10, s0;
	s22 =	simm.s32 $0x20;
	[dreg:$0x5] =	wrdreg s21  }
0x14: {  	s24 =	simm.s32 $0x2200;
	s25 =	simm.s32 $0x80;
	[dreg:$0x6] =	wrdreg s11  }
0x15: {  	[dreg:$0x7] =	wrdreg s3;
	s3 =	sadd.s32 s26, s0;
	s21 =	simm.s32 $0x100  }
0x16: {  	v0 =	vimm.f32 $0.0e+00;
	s26 =	simm.s32 $0x1200;
	s0 =	simm.s32 $0x4;
	[dreg:$0x8] =	wrdreg s3  }
.LBB2_1:
0x17: {  	s3 =	simm.s32 $0x0;
	s10 =	simm.s32 $0x200  }
.LBB2_2:
0x18: {  	p0 =	sne.s32 s10, $0x7E00;
	[tilespmem:s3+$0x270] =	vst v0  }
0x19: {  	[tilespmem:s3+$0x200] =	vst v0  }
0x1a: {  	[tilespmem:s3+$0x210] =	vst v0  }
.Ltmp0:
0x1b: {  	[tilespmem:s3+$0x220] =	vst v0;
	(pc) =	sbr.rel @p0 .LBB2_2-.Ltmp0, $4  }
0x1c: {  	[tilespmem:s3+$0x230] =	vst v0  }
0x1d: {  	[tilespmem:s3+$0x240] =	vst v0  }
0x1e: {  	[tilespmem:s3+$0x250] =	vst v0  }
0x1f: {  	[tilespmem:s3+$0x260] =	vst v0;
	s3 =	sshra.s32 s10, $0x2;
	s10 =	sadd.s32 $0x200, s10  }
0x20: {  	[tilespmem:s3+$0x270] =	vst v0  }
0x21: {  	[tilespmem:s3+$0x200] =	vst v0  }
0x22: {  	[tilespmem:s3+$0x210] =	vst v0  }
0x23: {  	[tilespmem:s3+$0x220] =	vst v0  }
0x24: {  	[tilespmem:s3+$0x230] =	vst v0  }
0x25: {  	[tilespmem:s3+$0x240] =	vst v0  }
0x26: {  	[tilespmem:s3+$0x250] =	vst v0  }
0x27: {  	[tilespmem:s3+$0x260] =	vst v0  }
0x28: {  	[spmem:s12] =	stream.linear.scatter [tilespmem:s19], [sflag:$0x3], $0x1400, $0x38;
	[tilespmem:$0x9200] =	vst v63  }
0x29: {  	_ =	swait.ge [sflag:s20], $0x1400  }
0x2a: {  	[sflag:s20] =	ssyncset.done $0x0  }
0x2b: {  	[sflag:s20] =	ssyncadd.s32 $0xFFFFEC00  }
0x2c: {  	[spmem:s13] =	stream.linear.scatter [tilespmem:s19], [sflag:$0x3], $0x1400, $0x38;
	[tilespmem:$0x9200] =	vst v63  }
0x2d: {  	_ =	swait.ge [sflag:s20], $0x1400  }
0x2e: {  	[sflag:s20] =	ssyncset.done $0x0  }
0x2f: {  	[sflag:s20] =	ssyncadd.s32 $0xFFFFEC00  }
0x30: {  	[spmem:s14] =	stream.linear.scatter [tilespmem:s19], [sflag:$0x3], $0x1400, $0x38;
	[tilespmem:$0x9200] =	vst v63  }
0x31: {  	_ =	swait.ge [sflag:s20], $0x1400  }
0x32: {  	[sflag:s20] =	ssyncset.done $0x0  }
0x33: {  	[sflag:s20] =	ssyncadd.s32 $0xFFFFEC00  }
0x34: {  	[spmem:s15] =	stream.linear.scatter [tilespmem:s19], [sflag:$0x3], $0x1400, $0x38;
	[tilespmem:$0x9200] =	vst v63  }
0x35: {  	_ =	swait.ge [sflag:s20], $0x1400  }
0x36: {  	[sflag:s20] =	ssyncset.done $0x0  }
0x37: {  	[sflag:s20] =	ssyncadd.s32 $0xFFFFEC00  }
0x38: {  	s3 =	simm.s32 $0x0;
	s10 =	simm.s32 $0x0;
	[bflag:$0x0] =	sbarrier.arrive $0xFFFF  }
.LBB2_4:
0x39: {  	s11 =	sadd.s32 s7, s10  }
0x3a: {  	s16 =	sshll.u32 s11, $0x8  }
0x3b: {  	s16 =	sadd.s32 s8, s16  }
0x3c: {  	s16 =	sshrl.u32 s16, $0x3  }
0x3d: {  	s16 =	sadd.s32 s5, s16  }
0x3e: {  	[tilespmem:s3], [sflag:$0x3] =	stream.linear.gather [hbm4b:s16+s3], $0x100, $0x38;
	[tilespmem:$0x9200] =	vst v63  }
0x3f: {  	_ =	swait.ge [sflag:s20], $0x100  }
0x40: {  	s17 =	sshll.u32 s11, $0x5;
	[sflag:s20] =	ssyncset.done $0x0  }
0x41: {  	s16 =	sadd.s32 s6, s17;
	[sflag:s20] =	ssyncadd.s32 $0xFFFFFF00  }
0x42: {  	[tilespmem:s21], [sflag:$0x3] =	stream.linear.gather [hbm4b:s16+s3], $0x100, $0x38;
	[tilespmem:$0x9200] =	vst v63  }
0x43: {  	_ =	swait.ge [sflag:s20], $0x100  }
0x44: {  	s11 =	sshll.u32 s11, $0xB;
	[sflag:s20] =	ssyncset.done $0x0  }
0x45: {  	s11 =	sadd.s32 s11, s9;
	[sflag:s20] =	ssyncadd.s32 $0xFFFFFF00  }
0x46: {  	[tilespmem:s24], [sflag:$0x3] =	stream.strided.gather [hbm4b:s11+s22], $0x2000, s23, s22, $0x38;
	[tilespmem:$0x9200] =	vst v63  }
0x47: {  	_ =	swait.ge [sflag:s20], $0x2000  }
0x48: {  	[sflag:s20] =	ssyncset.done $0x0  }
0x49: {  	[sflag:s20] =	ssyncadd.s32 $0xFFFFE000  }
0x4a: {  	[tilespmem:s19], [sflag:$0x1] =	stream.indirect.gather [hbm4b:s1+s25], $0x20, s3, s25, $0xb8;
	[tilespmem:$0x9200] =	vst v63  }
0x4b: {  	_ = 	snop  }
0x4c: {  	[tilespmem:s26], [sflag:$0x1] =	stream.indirect.gather [hbm4b:s1+s25], $0x20, s25, s25, $0xb8;
	[tilespmem:$0x9200] =	vst v63  }
0x4d: {  	_ =	swait.ge [sflag:s28], $0x1000  }
0x4e: {  	[sflag:s28] =	ssyncset.done $0x0  }
0x4f: {  	[sflag:s28] =	ssyncadd.s32 $0xFFFFF000  }
0x50: {  	_ =	swait.ge [sflag:s28], $0x1000  }
0x51: {  	[sflag:s28] =	ssyncset.done $0x0  }
0x52: {  	s11 =	simm.s32 $0x0;
	[sflag:s28] =	ssyncadd.s32 $0xFFFFF000  }
0x53: {  	v7 =	vld [tilespmem:s11+$0x2200]  }
0x54: {  	v12 =	vld [tilespmem:s11+$0x2210]  }
0x55: {  	v6 =	vld [tilespmem:s11+$0x2220]  }
0x56: {  	v5 =	vld [tilespmem:s11+$0x2230]  }
0x57: {  	v4 =	vld [tilespmem:s11+$0x2240]  }
0x58: {  	v3 =	vld [tilespmem:s11+$0x2250]  }
0x59: {  	v2 =	vld [tilespmem:s11+$0x2260]  }
0x5a: {  	v1 =	vld [tilespmem:s11+$0x2270]  }
0x5b: {  	v13 =	vld [tilespmem:s11+$0x200]  }
0x5c: {  	v14 =	vld [tilespmem:s11+$0x210]  }
0x5d: {  	v11 =	vld [tilespmem:s11+$0x220]  }
0x5e: {  	v10 =	vld [tilespmem:s11+$0x230]  }
0x5f: {  	v9 =	vld [tilespmem:s11+$0x240]  }
0x60: {  	v8 =	vld [tilespmem:s11+$0x250];
	v13 =	vadd.f32 v7, v13  }
0x61: {  	s16 =	simm.s32 $0x200;
	v12 =	vadd.f32 v12, v14;
	v7 =	vld [tilespmem:s11+$0x260]  }
.LBB2_5:
0x62: {  	s17 =	sshra.s32 s16, $0x2;
	p0 =	sne.s32 s16, $0x7E00;
	v13 =	vmax.f32 v13, $0.0e+00;
	v6 =	vadd.f32 v6, v11;
	v11 =	vld [tilespmem:s11+$0x270]  }
0x63: {  	v14 =	vld [tilespmem:s17+$0x2200];
	[tilespmem:s11+$0x200] =	vst v13;
	v12 =	vmax.f32 v12, $0.0e+00;
	v5 =	vadd.f32 v5, v10  }
0x64: {  	v15 =	vld [tilespmem:s17+$0x2210];
	[tilespmem:s11+$0x210] =	vst v12;
	v10 =	vmax.f32 v6, $0.0e+00;
	v4 =	vadd.f32 v4, v9  }
0x65: {  	v6 =	vld [tilespmem:s17+$0x2220];
	[tilespmem:s11+$0x220] =	vst v10;
	v9 =	vmax.f32 v5, $0.0e+00;
	v3 =	vadd.f32 v3, v8  }
0x66: {  	v5 =	vld [tilespmem:s17+$0x2230];
	[tilespmem:s11+$0x230] =	vst v9;
	v8 =	vmax.f32 v4, $0.0e+00;
	v2 =	vadd.f32 v2, v7  }
0x67: {  	v4 =	vld [tilespmem:s17+$0x2240];
	[tilespmem:s11+$0x240] =	vst v8;
	v7 =	vmax.f32 v3, $0.0e+00;
	v1 =	vadd.f32 v1, v11  }
0x68: {  	v3 =	vld [tilespmem:s17+$0x2250];
	[tilespmem:s11+$0x250] =	vst v7;
	v7 =	vmax.f32 v2, $0.0e+00  }
0x69: {  	v2 =	vld [tilespmem:s17+$0x2260];
	[tilespmem:s11+$0x260] =	vst v7;
	v7 =	vmax.f32 v1, $0.0e+00  }
0x6a: {  	v1 =	vld [tilespmem:s17+$0x2270];
	[tilespmem:s11+$0x270] =	vst v7;
	s11 =	smov.u32 s17  }
0x6b: {  	v7 =	vld [tilespmem:s11+$0x200]  }
0x6c: {  	v12 =	vld [tilespmem:s11+$0x210]  }
.Ltmp1:
0x6d: {  	v11 =	vld [tilespmem:s11+$0x220];
	(pc) =	sbr.rel @p0 .LBB2_5-.Ltmp1, $4  }
0x6e: {  	v10 =	vld [tilespmem:s11+$0x230]  }
0x6f: {  	v9 =	vld [tilespmem:s11+$0x240]  }
0x70: {  	v13 =	vadd.f32 v14, v7;
	v8 =	vld [tilespmem:s11+$0x250]  }
0x71: {  	s16 =	sadd.s32 $0x200, s16;
	v12 =	vadd.f32 v15, v12;
	v7 =	vld [tilespmem:s11+$0x260]  }
0x72: {  	v13 =	vmax.f32 v13, $0.0e+00;
	v6 =	vadd.f32 v6, v11;
	v63 =	vld [tilespmem:s11+$0x270]  }
0x73: {  	[tilespmem:s11+$0x200] =	vst v13;
	v12 =	vmax.f32 v12, $0.0e+00;
	v5 =	vadd.f32 v5, v10  }
0x74: {  	[tilespmem:s11+$0x210] =	vst v12;
	v6 =	vmax.f32 v6, $0.0e+00;
	v4 =	vadd.f32 v4, v9  }
0x75: {  	[tilespmem:s11+$0x220] =	vst v6;
	v5 =	vmax.f32 v5, $0.0e+00;
	v3 =	vadd.f32 v3, v8  }
0x76: {  	[tilespmem:s11+$0x230] =	vst v5;
	v4 =	vmax.f32 v4, $0.0e+00;
	v2 =	vadd.f32 v2, v7  }
0x77: {  	[tilespmem:s11+$0x240] =	vst v4;
	v3 =	vmax.f32 v3, $0.0e+00;
	v1 =	vadd.f32 v1, v63  }
0x78: {  	[tilespmem:s11+$0x250] =	vst v3;
	v2 =	vmax.f32 v2, $0.0e+00  }
0x79: {  	[tilespmem:s11+$0x260] =	vst v2;
	v1 =	vmax.f32 v1, $0.0e+00  }
0x7a: {  	[tilespmem:s11+$0x270] =	vst v1  }
0x7b: {  	[spmem:s2] =	stream.indirect.scatter.add.f32 [tilespmem:s19], [sflag:$0x2], $0x20, s21, s25, $0xb8;
	[tilespmem:$0x9200] =	vst v63  }
0x7c: {  	s10 =	sadd.s32 $0x1, s10  }
0x7d: {  	[spmem:s2] =	stream.indirect.scatter.add.f32 [tilespmem:s26], [sflag:$0x2], $0x20, s29, s25, $0xb8;
	[tilespmem:$0x9200] =	vst v63  }
0x7e: {  	p0 =	sne.s32 s10, $0xA;
	_ =	swait.ge [sflag:s30], $0x1000  }
.Ltmp2:
0x7f: {  	[sflag:s30] =	ssyncset.done $0x0;
	(pc) =	sbr.rel @p0 .LBB2_4-.Ltmp2, $4  }
0x80: {  	[sflag:s30] =	ssyncadd.s32 $0xFFFFF000  }
0x81: {  	_ =	swait.ge [sflag:s30], $0x1000  }
0x82: {  	[sflag:s30] =	ssyncset.done $0x0  }
0x83: {  	[sflag:s30] =	ssyncadd.s32 $0xFFFFF000  }
0x84: {  	s3 =	stileid.u32  }
0x85: {  	[bflag:$0x0] =	sbarrier.arrive $0xFFFF;
	s3 =	sshll.u32 s3, $0x6  }
0x86: {  	s10 =	sshrl.u32 s12, $0x3;
	s11 =	rddreg [dreg:$0x5];
	s3 =	sor.u32 $0x1C03, s3  }
0x87: {  	[hbm:s11@s31], [sflag:s3] =	dma.strided [spmem:s10@s0], $0x280, s28, $0x4   }
0x88: {  	_ =	swait.ge [sflag:s20], $0x280  }
0x89: {  	[sflag:s20] =	ssyncset.done $0x0  }
0x8a: {  	s16 =	sshrl.u32 s13, $0x3;
	s17 =	rddreg [dreg:$0x7];
	[sflag:s20] =	ssyncadd.s32 $0xFFFFFD80  }
0x8b: {  	[hbm:s17@s31], [sflag:s3] =	dma.strided [spmem:s16@s0], $0x280, s28, $0x4   }
0x8c: {  	_ =	swait.ge [sflag:s20], $0x280  }
0x8d: {  	[sflag:s20] =	ssyncset.done $0x0  }
0x8e: {  	s16 =	sshrl.u32 s14, $0x3;
	s17 =	rddreg [dreg:$0x8];
	[sflag:s20] =	ssyncadd.s32 $0xFFFFFD80  }
0x8f: {  	[hbm:s17@s31], [sflag:s3] =	dma.strided [spmem:s16@s0], $0x280, s28, $0x4   }
0x90: {  	_ =	swait.ge [sflag:s20], $0x280  }
0x91: {  	[sflag:s20] =	ssyncset.done $0x0  }
0x92: {  	s16 =	sshrl.u32 s15, $0x3;
	[sflag:s20] =	ssyncadd.s32 $0xFFFFFD80  }
0x93: {  	[hbm:s18@s31], [sflag:s3] =	dma.strided [spmem:s16@s0], $0x280, s28, $0x4   }
0x94: {  	_ =	swait.ge [sflag:s20], $0x280  }
0x95: {  	s4 =	sadd.s32 $0x1, s4;
	s17 =	rddreg [dreg:$0x6]  }
0x96: {  	p0 =	sne.s32 s4, s17  }
.Ltmp3:
0x97: {  	_ = 	snop;
	(pc) =	sbr.rel @p0 .LBB2_1-.Ltmp3, $3  }
0x98: {  	_ =	sdelay $0x1  }
0x99: {  	[sflag:s20] =	ssyncset.done $0x0  }
0x9a: {  	[sflag:s20] =	ssyncadd.s32 $0xFFFFFD80  }
0x9b: {  	_ =	sfence.sel $0x180000  }
0x9c: {  	[bflag:$0x0] =	sbarrier.arrive $0xFFFF  }
0x9d: {  	_ =	strace $0x90000056  }
0x9e: {  	s0 =	stileid.u32;
	[bflag:$0x2] =	sbarrier.arrive $0xFFFF  }
0x9f: {  	p0 =	sne.s32 s0, $0x0;
	s0 =	rddreg [dreg:$0x4]  }
0xa0: {  	s0 =	sadd.s32 @!p0 $0x100000, s0  }
0xa1: {  	[sflag:s0] =	ssyncadd.tile.s32 @!p0 $0x1;
	_ =	shalt  }
.Lfunc_end2:
_tile_overlayer_lowered:
.L_overlay_start_2:
0xa2: {  	(tag) =	ssettag $0x2  }
0xa3: {  	s0 =	rddreg [dreg:$0x0];
	s2 =	stileid.u32  }
0xa4: {  	s1 =	rddreg [dreg:$0x1];
	p0 =	sne.s32 s2, $0x0  }
0xa5: {  	s3 =	rddreg [dreg:$0x2];
	[bflag:$0x3] =	sbarrier.arrive $0xFFFF;
	s2 =	simm.s32 @!p0 $0x1C03  }
0xa6: {  	[timem:s3], [sflag:s2] =	dma.local @!p0 [hbm:s0], s1  }
0xa7: {  	s0 =	simm.s32 @!p0 $0x3  }
0xa8: {  	_ =	swait.ge @!p0 [sflag:s0], s1  }
0xa9: {  	s1 =	ssub.s32 @!p0 $0x0, s1;
	[sflag:s0] =	ssyncset.done @!p0 $0x0  }
0xaa: {  	[sflag:s0] =	ssyncadd.s32 @!p0 s1  }
0xab: {  	[bflag:$0x3] =	sbarrier.arrive $0xFFFF  }
0xac: {  	_ =	shalt  }

// kernel: kernel.31.cloned.1.call-start
scs
__scs_entry_jumppad:
0x0: {  	(pc) =	sbr.rel $0x88, $3  }
0x1: {  	(tag) =	ssettag $0x0;
	lr =	simm.s32 $0x1  }
0x2: {  	[smem:$0x3F7A] =	sst lr;
	_ =	strace $0xD0000000  }
0x3: {  	_ = 	snop  }
0x4: {  	_ = 	snop  }
0x5: {  	_ = 	snop  }
0x6: {  	_ = 	snop  }
0x7: {  	_ = 	snop  }
__scs_overlays_trampoline_lowered:
0x8: {  	[smem:$0x3F89] =	sst s0  }
0x9: {  	[smem:$0x3F8A] =	sst s1  }
0xa: {  	[smem:$0x3F8B] =	sst s2  }
0xb: {  	[smem:$0x3F8C] =	sst s3  }
0xc: {  	[smem:$0x3F8D] =	sst s4  }
0xd: {  	[smem:$0x3F8E] =	sst s5  }
0xe: {  	[smem:$0x3F8F] =	sst s6  }
0xf: {  	[smem:$0x3F90] =	sst s7  }
0x10: {  	[smem:$0x3F91] =	sst s8  }
0x11: {  	[smem:$0x3F92] =	sst s9;
	s0 =	simm.s32 @!p0 $0x0  }
0x12: {  	s1 =	sld [smem:$0x3F78];
	s0 =	simm.s32 @p0 $0x1  }
0x13: {  	[smem:$0x3F93] =	sst s0;
	s0 =	simm.s32 @!p1 $0x0  }
0x14: {  	s2 =	sld [smem:$0x3F77];
	s0 =	simm.s32 @p1 $0x1  }
0x15: {  	[smem:$0x3F94] =	sst s0;
	s0 =	simm.s32 @!p2 $0x0  }
0x16: {  	s3 =	sld [smem:$0x3FDB];
	s0 =	simm.s32 @p2 $0x1  }
0x17: {  	s4 =	simm.s32 $0x1BF5;
	[smem:$0x3F96] =	sst s0  }
0x18: {  	s0 =	sld [smem:$0x3F79];
	_ =	swait.ge [sflag:s4], $0x0  }
0x19: {  	s7 =	sld [smem:$0x3F7A]  }
0x1a: {  	s8 =	sadd.s32 $0xFFFFE003, lr  }
0x1b: {  	s9 =	sadd.s32 $0xFFFFFEF7, lr;
	s5 =	simm.s32 $0xFFFFFFFF;
	p2 =	slt.u32 s8, $0xFFFFF086  }
0x1c: {  	p1 =	slt.u32 s9, $0xF7A;
	s5 =	simm.s32 @!p2 $0x0  }
0x1d: {  	s5 =	simm.s32 @p1 $0x1;
	p0 =	seq.s32 s7, s2  }
0x1e: {  	s7 =	smul.u32 @!p0 $0xF7A, s2;
	p2 =	seq.s32 @!p0 s5, $0x0  }
0x1f: {  	s9 =	smul.u32 $0xF7A, s1;
	s8 =	simm.s32 @!p0 $0x1BF5;
	p2 =	por !p2, p0  }
0x20: {  	[sflag:s8] =	ssyncset.s32 @!p0 $0xFFFFF086;
	s6 =	sadd.s32 @!p0 s3, s7;
	s7 =	simm.s32 @!p0 $0x108  }
0x21: {  	s3 =	sadd.s32 s3, s9;
	s6 =	sadd.s32 @!p0 $0x88, s6;
	s7 =	simm.s32 @p2 $0x1082  }
0x22: {  	[simem:s7], [sflag:s8] =	dma.local @!p0 [hbm:s6], $0xF7A  }
0x23: {  	s9 =	sor.u32 $0xD0000000, s2;
	s6 =	simm.s32 $0x108;
	_ =	swait.ge @!p0 [sflag:s8], $0x0  }
0x24: {  	s3 =	sadd.s32 $0x88, s3;
	s6 =	simm.s32 @!p1 $0x1082;
	[sflag:s4] =	ssyncset.s32 $0xFFFFF086  }
0x25: {  	[simem:s6], [sflag:s4] =	dma.local [hbm:s3], $0xF7A  }
0x26: {  	[smem:$0x3F7A] =	sst s1;
	(tag) =	ssettag s2;
	_ =	strace s9  }
0x27: {  	s1 =	sld [smem:$0x3F8A]  }
0x28: {  	s2 =	sld [smem:$0x3F8B]  }
0x29: {  	s4 =	sld [smem:$0x3F8D]  }
0x2a: {  	p0 =	seq.s32 s5, $0x0;
	s5 =	sld [smem:$0x3F8E]  }
0x2b: {  	s6 =	sld [smem:$0x3F8F]  }
0x2c: {  	s7 =	sld [smem:$0x3F90]  }
0x2d: {  	s3 =	simm.s32 $0x108;
	s8 =	sld [smem:$0x3F91]  }
0x2e: {  	s3 =	simm.s32 @!p0 $0x1082;
	s9 =	sld [smem:$0x3F92]  }
0x2f: {  	lr =	sadd.s32 s0, s3;
	s0 =	sld [smem:$0x3F89]  }
0x30: {  	s3 =	sld [smem:$0x3F8C]  }
0x31: {  	[smem:$0x3F95] =	sst s10  }
0x32: {  	s10 =	sld [smem:$0x3F93];
	_ =	sdelay $0x3  }
0x33: {  	p0 =	seq.s32 s10, $0x1;
	s10 =	sld [smem:$0x3F95];
	_ =	sdelay $0x3  }
0x34: {  	[smem:$0x3F95] =	sst s10  }
0x35: {  	s10 =	sld [smem:$0x3F94];
	_ =	sdelay $0x3  }
0x36: {  	p1 =	seq.s32 s10, $0x1;
	s10 =	sld [smem:$0x3F95];
	_ =	sdelay $0x3  }
0x37: {  	[smem:$0x3F95] =	sst s10  }
0x38: {  	s10 =	sld [smem:$0x3F96]  }
0x39: {  	_ = 	snop;
	(pc) =	sbr.ind lr, $3  }
0x3a: {  	_ = 	snop  }
0x3b: {  	_ = 	snop  }
0x3c: {  	p2 =	seq.s32 s10, $0x1;
	s10 =	sld [smem:$0x3F95]  }
0x3d: {  	_ =	shalt  }
0x3e: {  	_ =	shalt  }
0x3f: {  	_ =	shalt  }
0x40: {  	_ =	shalt  }
0x41: {  	_ =	shalt  }
0x42: {  	_ =	shalt  }
0x43: {  	_ =	shalt  }
0x44: {  	_ =	shalt  }
0x45: {  	_ =	shalt  }
0x46: {  	_ =	shalt  }
0x47: {  	_ =	shalt  }
0x48: {  	_ =	shalt  }
0x49: {  	_ =	shalt  }
0x4a: {  	_ =	shalt  }
0x4b: {  	_ =	shalt  }
0x4c: {  	_ =	shalt  }
0x4d: {  	_ =	shalt  }
0x4e: {  	_ =	shalt  }
0x4f: {  	_ =	shalt  }
0x50: {  	_ =	shalt  }
0x51: {  	_ =	shalt  }
0x52: {  	_ =	shalt  }
0x53: {  	_ =	shalt  }
0x54: {  	_ =	shalt  }
0x55: {  	_ =	shalt  }
0x56: {  	_ =	shalt  }
0x57: {  	_ =	shalt  }
0x58: {  	_ =	shalt  }
0x59: {  	_ =	shalt  }
0x5a: {  	_ =	shalt  }
0x5b: {  	_ =	shalt  }
0x5c: {  	_ =	shalt  }
0x5d: {  	_ =	shalt  }
0x5e: {  	_ =	shalt  }
0x5f: {  	_ =	shalt  }
0x60: {  	_ =	shalt  }
0x61: {  	_ =	shalt  }
0x62: {  	_ =	shalt  }
0x63: {  	_ =	shalt  }
0x64: {  	_ =	shalt  }
0x65: {  	_ =	shalt  }
0x66: {  	_ =	shalt  }
0x67: {  	_ =	shalt  }
0x68: {  	_ =	shalt  }
0x69: {  	_ =	shalt  }
0x6a: {  	_ =	shalt  }
0x6b: {  	_ =	shalt  }
0x6c: {  	_ =	shalt  }
0x6d: {  	_ =	shalt  }
0x6e: {  	_ =	shalt  }
0x6f: {  	_ =	shalt  }
0x70: {  	_ =	shalt  }
0x71: {  	_ =	shalt  }
0x72: {  	_ =	shalt  }
0x73: {  	_ =	shalt  }
0x74: {  	_ =	shalt  }
0x75: {  	_ =	shalt  }
0x76: {  	_ =	shalt  }
0x77: {  	_ =	shalt  }
0x78: {  	_ =	shalt  }
0x79: {  	_ =	shalt  }
0x7a: {  	_ =	shalt  }
0x7b: {  	_ =	shalt  }
0x7c: {  	_ =	shalt  }
0x7d: {  	_ =	shalt  }
0x7e: {  	_ =	shalt  }
0x7f: {  	_ =	shalt  }
0x80: {  	_ =	shalt  }
0x81: {  	_ =	shalt  }
0x82: {  	_ =	shalt  }
0x83: {  	_ =	shalt  }
0x84: {  	_ =	shalt  }
0x85: {  	_ =	shalt  }
0x86: {  	_ =	shalt  }
0x87: {  	_ =	shalt  }
.Lfunc_end0:
.L_simem_size_0:
called_computation.6_lowered:
.L_overlay_start_0:
0x88: {  	s2 =	sld [smem:$0x3FD9]  }
0x89: {  	s3 =	sld [smem:$0x3FFE];
	_ =	sdelay $0x1  }
0x8a: {  	s1 =	srdreg.scid  }
0x8b: {  	s0 =	sand.u32 $0x1, s1  }
0x8c: {  	s14 =	sshll.u32 s0, $0xA;
	s2 =	sadd.s32 s3, s2  }
0x8d: {  	s2 =	sadd.s32 s2, s14  }
0x8e: {  	[smem:$0x3FA1] =	sst s2  }
0x8f: {  	_ = 	snop  }
0x90: {  	s2 =	sld [smem:$0x3FD0];
	_ =	sdelay $0x2  }
0x91: {  	s15 =	simm.s32 $0xB;
	s4 =	simm.s32 $0x10  }
0x92: {  	[smem:s4], [sflag:s15] =	dma.local [hbm:s2], $0x1  }
0x93: {  	_ =	swait.eq [sflag:s15], $0x1  }
0x94: {  	[sflag:s15] =	ssyncset.done $0x0  }
0x95: {  	[sflag:s15] =	ssyncadd.s32 $0xFFFFFFFF  }
0x96: {  	s16 =	sld [smem:$0x10];
	(tm) =	ssettm $0x1  }
0x97: {  	s17 =	sld [smem:$0x3FFB];
	_ =	sdelay $0x3  }
0x98: {  	_ =	strace s17  }
0x99: {  	s3 =	sld [smem:$0x3FFC];
	_ =	sdelay $0x3  }
0x9a: {  	_ =	strace s3  }
0x9b: {  	s3 =	sld [smem:$0x3FFD];
	_ =	sdelay $0x3  }
0x9c: {  	_ =	strace s3  }
0x9d: {  	_ =	strace $0x8FFFFFFF  }
0x9e: {  	s18 =	sld [smem:$0x3FDB];
	_ =	sdelay $0x1  }
0x9f: {  	s19 =	simm.s32 $_scs_section_size  }
0xa0: {  	s5 =	simm.s32 $_size__tile_overlayer_lowered;
	s6 =	simm.s32 $_tile_overlayer_lowered  }
0xa1: {  	s22 =	simm.s32 $0x1BFF;
	s21 =	sshll.u32 s6, $0x1;
	s3 =	sadd.s32 s19, s18  }
0xa2: {  	s7 =	simm.s32 $0x0;
	s20 =	sshll.u32 s5, $0x1;
	s5 =	sadd.s32 s21, s3  }
0xa3: {  	[timem:s7], [sflag:s22] =	dma.local [hbm:s5], s20  }
0xa4: {  	_ =	swait.ge [sflag:s22], s20  }
0xa5: {  	s4 =	ssub.s32 $0x0, s20;
	[sflag:s22] =	ssyncset.done $0x0  }
0xa6: {  	[sflag:s22] =	ssyncadd.s32 s4;
	_ =	sdelay $0x1  }
0xa7: {  	s23 =	simm.s32 $0x1B8B  }
0xa8: {  	_ =	swait.ge [sflag:s23], $0x1  }
0xa9: {  	[sflag:s23] =	ssyncset.done $0x0  }
0xaa: {  	s25 =	simm.s32 $0x1B8E;
	s24 =	sld [smem:$0x3FFE];
	[sflag:s23] =	ssyncadd.s32 $0xFFFFFFFF  }
0xab: {  	s26 =	simm.s32 $execute0_lowered;
	[smem:$0x3FD2] =	sst s25  }
0xac: {  	s5 =	sshll.u32 s26, $0x1;
	_ =	strace $0x80000058;
	[dreg:$0x1] =	wrdreg $0xFFFFFFFF  }
0xad: {  	s28 =	simm.s32 $_size_execute0_lowered;
	s3 =	sadd.s32 s3, s5;
	[dreg:$0x0] =	wrdreg $0x0  }
0xae: {  	s5 =	sshll.u32 s28, $0x1;
	[dreg:$0x2] =	wrdreg s3  }
0xaf: {  	[dreg:$0x3] =	wrdreg s5  }
0xb0: {  	[dreg:$0x4] =	wrdreg $0xC0  }
0xb1: {  	_ =	task [dreg:s7], $0x5FFFF  }
0xb2: {  	[dreg:$0x1] =	wrdreg $0xFFFFFFFF  }
0xb3: {  	[dreg:$0x0] =	wrdreg $0x60  }
0xb4: {  	[dreg:$0x2] =	wrdreg s16  }
0xb5: {  	[dreg:$0x3] =	wrdreg s24  }
0xb6: {  	[dreg:$0x4] =	wrdreg $0x42000  }
0xb7: {  	[dreg:$0x5] =	wrdreg $0x9  }
0xb8: {  	_ =	task.clear_ibuf [dreg:s7], $0x6FFFF;
	_ =	strace $0x90000058  }
0xb9: {  	s29 =	simm.s32 $0x9;
	_ =	strace $0x8000005A  }
0xba: {  	_ =	swait.ge [sflag:s29], $0x1  }
0xbb: {  	[sflag:s29] =	ssyncadd.s32 $0xFFFFFFFF  }
0xbc: {  	_ =	strace $0x9000005A  }
0xbd: {  	_ =	sfence  }
0xbe: {  	s30 =	sld [smem:$0x0];
	_ =	sdelay $0x2  }
0xbf: {  	s31 =	sshll.u32 s1, $0xD;
	s1 =	sshrl.u32 s1, $0x2  }
0xc0: {  	s3 =	sand.u32 $0x4000, s31;
	s1 =	sadd.s32 s1, s30  }
0xc1: {  	s0 =	sor.u32 s3, s0;
	s1 =	sshll.u32 s1, $0x11  }
0xc2: {  	s0 =	sor.u32 s1, s0  }
0xc3: {  	s0 =	sadd.s32 $0x8F2B, s0  }
0xc4: {  	[sflag:s0] =	ssyncadd.remote.s32 $0x1  }
0xc5: {  	_ =	sfence.sel $0xFFFF  }
0xc6: {  	[dreg:$0x0] =	wrdreg $0xFFFFFFFF;
	(pc) =	sbr.abs _section_cstart, $3  }
0xc7: {  	[dreg:$0x1] =	wrdreg $0xFFFFFFFF  }
0xc8: {  	_ =	task.clear_ibuf [dreg:s7], $0x2FFFF;
	_ =	strace $0x9FFFFFFF  }
0xc9: {  	(tm) =	ssettm $0x7FFFFFFF  }
tec
execute0_lowered:
.L_overlay_start_1:
0x0: {  	(tag) =	ssettag $0x1  }
0x1: {  	s1 =	rddreg [dreg:$0x0]  }
0x2: {  	s0 =	rddreg [dreg:$0x1]  }
0x3: {  	s2 =	rddreg [dreg:$0x2];
	s4 =	simm.s32 $0x0;
	s12 =	stileid.u32  }
0x4: {  	s3 =	srdreg.scid;
	s28 =	simm.s32 $0x1;
	s29 =	simm.s32 $0x180  }
0x5: {  	s30 =	simm.s32 $0x2;
	s31 =	simm.s32 $0x8;
	s10 =	smul.u32 $0x280, s12  }
0x6: {  	[smem:$0x7FF] =	sst s4;
	s5 =	sadd.s32 $0x763800, s0;
	s7 =	smul.u32 $0xA, s12  }
0x7: {  	s6 =	sadd.s32 $0x762400, s0;
	s3 =	sand.u32 $0x1, s3;
	s11 =	smul.u32 $0x1400, s12  }
0x8: {  	s12 =	smul.u32 $0x14000, s12;
	s8 =	sshll.u32 s3, $0x2;
	s9 =	ssub.s32 $0x2, s3  }
0x9: {  	_ =	strace $0x80000059;
	s0 =	sadd.s32 s8, s0;
	s18 =	sshrl.u32 s9, $0x1  }
0xa: {  	s8 =	smul.u32 $0xA000, s3;
	s21 =	sshrl.u32 s12, $0x2;
	s23 =	sadd.s32 $0xA0, s10  }
0xb: {  	s16 =	sadd.s32 $0x140, s10;
	s10 =	sadd.s32 $0x1E0, s10;
	s13 =	ssub.s32 s9, s18  }
0xc: {  	s19 =	sadd.s32 $0x5200, s0;
	s9 =	sadd.s32 $0x159200, s0;
	s12 =	sadd.s32 s21, s2  }
0xd: {  	s24 =	sshll.u32 s23, $0x5;
	s25 =	sshll.u32 s16, $0x5;
	s15 =	sshll.u32 s10, $0x5  }
0xe: {  	s0 =	sshll.u32 s23, $0x3;
	s26 =	sshll.u32 s16, $0x3;
	s10 =	sshll.u32 s10, $0x3  }
0xf: {  	s21 =	simm.s32 $0x100;
	s23 =	simm.s32 $0x40;
	s20 =	sadd.s32 s11, s19  }
0x10: {  	s22 =	smax.u32 s13, $0x1;
	s13 =	sadd.s32 s24, s2;
	s14 =	sadd.s32 s25, s2  }
0x11: {  	s15 =	sadd.s32 s15, s2;
	s0 =	sadd.s32 s0, s19;
	[dreg:$0x4] =	wrdreg s20  }
0x12: {  	s18 =	sadd.s32 s10, s19;
	s24 =	simm.s32 $0x2200;
	[dreg:$0x5] =	wrdreg s22  }
0x13: {  	s25 =	simm.s32 $0x80;
	[dreg:$0x6] =	wrdreg s0;
	s0 =	sadd.s32 s26, s19  }
0x14: {  	s19 =	simm.s32 $0x200;
	s20 =	simm.s32 $0x3;
	s22 =	simm.s32 $0x20  }
0x15: {  	v0 =	vimm.f32 $0.0e+00;
	s26 =	simm.s32 $0x1200;
	[dreg:$0x7] =	wrdreg s0;
	s0 =	simm.s32 $0x4  }
.LBB2_1:
0x16: {  	s3 =	simm.s32 $0x0;
	s10 =	simm.s32 $0x200  }
.LBB2_2:
0x17: {  	p0 =	sne.s32 s10, $0x7E00;
	[tilespmem:s3+$0x270] =	vst v0  }
0x18: {  	[tilespmem:s3+$0x200] =	vst v0  }
0x19: {  	[tilespmem:s3+$0x210] =	vst v0  }
.Ltmp0:
0x1a: {  	[tilespmem:s3+$0x220] =	vst v0;
	(pc) =	sbr.rel @p0 .LBB2_2-.Ltmp0, $4  }
0x1b: {  	[tilespmem:s3+$0x230] =	vst v0  }
0x1c: {  	[tilespmem:s3+$0x240] =	vst v0  }
0x1d: {  	[tilespmem:s3+$0x250] =	vst v0  }
0x1e: {  	[tilespmem:s3+$0x260] =	vst v0;
	s3 =	sshra.s32 s10, $0x2;
	s10 =	sadd.s32 $0x200, s10  }
0x1f: {  	[tilespmem:s3+$0x270] =	vst v0  }
0x20: {  	[tilespmem:s3+$0x200] =	vst v0  }
0x21: {  	[tilespmem:s3+$0x210] =	vst v0  }
0x22: {  	[tilespmem:s3+$0x220] =	vst v0  }
0x23: {  	[tilespmem:s3+$0x230] =	vst v0  }
0x24: {  	[tilespmem:s3+$0x240] =	vst v0  }
0x25: {  	[tilespmem:s3+$0x250] =	vst v0  }
0x26: {  	[tilespmem:s3+$0x260] =	vst v0  }
0x27: {  	[spmem:s12] =	stream.linear.scatter [tilespmem:s19], [sflag:$0x3], $0x1400, $0x38;
	[tilespmem:$0x9200] =	vst v63  }
0x28: {  	_ =	swait.ge [sflag:s20], $0x1400  }
0x29: {  	[sflag:s20] =	ssyncset.done $0x0  }
0x2a: {  	[sflag:s20] =	ssyncadd.s32 $0xFFFFEC00  }
0x2b: {  	[spmem:s13] =	stream.linear.scatter [tilespmem:s19], [sflag:$0x3], $0x1400, $0x38;
	[tilespmem:$0x9200] =	vst v63  }
0x2c: {  	_ =	swait.ge [sflag:s20], $0x1400  }
0x2d: {  	[sflag:s20] =	ssyncset.done $0x0  }
0x2e: {  	[sflag:s20] =	ssyncadd.s32 $0xFFFFEC00  }
0x2f: {  	[spmem:s14] =	stream.linear.scatter [tilespmem:s19], [sflag:$0x3], $0x1400, $0x38;
	[tilespmem:$0x9200] =	vst v63  }
0x30: {  	_ =	swait.ge [sflag:s20], $0x1400  }
0x31: {  	[sflag:s20] =	ssyncset.done $0x0  }
0x32: {  	[sflag:s20] =	ssyncadd.s32 $0xFFFFEC00  }
0x33: {  	[spmem:s15] =	stream.linear.scatter [tilespmem:s19], [sflag:$0x3], $0x1400, $0x38;
	[tilespmem:$0x9200] =	vst v63  }
0x34: {  	_ =	swait.ge [sflag:s20], $0x1400  }
0x35: {  	[sflag:s20] =	ssyncset.done $0x0  }
0x36: {  	[sflag:s20] =	ssyncadd.s32 $0xFFFFEC00  }
0x37: {  	s3 =	simm.s32 $0x0;
	s10 =	simm.s32 $0x0;
	[bflag:$0x0] =	sbarrier.arrive $0xFFFF  }
.LBB2_4:
0x38: {  	s11 =	sadd.s32 s7, s10  }
0x39: {  	s16 =	sshll.u32 s11, $0x8  }
0x3a: {  	s16 =	sadd.s32 s8, s16  }
0x3b: {  	s16 =	sshrl.u32 s16, $0x3  }
0x3c: {  	s16 =	sadd.s32 s5, s16  }
0x3d: {  	[tilespmem:s3], [sflag:$0x3] =	stream.linear.gather [hbm4b:s16+s3], $0x100, $0x38;
	[tilespmem:$0x9200] =	vst v63  }
0x3e: {  	_ =	swait.ge [sflag:s20], $0x100  }
0x3f: {  	s17 =	sshll.u32 s11, $0x5;
	[sflag:s20] =	ssyncset.done $0x0  }
0x40: {  	s16 =	sadd.s32 s6, s17;
	[sflag:s20] =	ssyncadd.s32 $0xFFFFFF00  }
0x41: {  	[tilespmem:s21], [sflag:$0x3] =	stream.linear.gather [hbm4b:s16+s3], $0x100, $0x38;
	[tilespmem:$0x9200] =	vst v63  }
0x42: {  	_ =	swait.ge [sflag:s20], $0x100  }
0x43: {  	s11 =	sshll.u32 s11, $0xB;
	[sflag:s20] =	ssyncset.done $0x0  }
0x44: {  	s11 =	sadd.s32 s11, s9;
	[sflag:s20] =	ssyncadd.s32 $0xFFFFFF00  }
0x45: {  	[tilespmem:s24], [sflag:$0x3] =	stream.strided.gather [hbm4b:s11+s22], $0x2000, s23, s22, $0x38;
	[tilespmem:$0x9200] =	vst v63  }
0x46: {  	_ =	swait.ge [sflag:s20], $0x2000  }
0x47: {  	[sflag:s20] =	ssyncset.done $0x0  }
0x48: {  	[sflag:s20] =	ssyncadd.s32 $0xFFFFE000  }
0x49: {  	[tilespmem:s19], [sflag:$0x1] =	stream.indirect.gather [hbm4b:s1+s25], $0x20, s3, s25, $0xb8;
	[tilespmem:$0x9200] =	vst v63  }
0x4a: {  	_ = 	snop  }
0x4b: {  	[tilespmem:s26], [sflag:$0x1] =	stream.indirect.gather [hbm4b:s1+s25], $0x20, s25, s25, $0xb8;
	[tilespmem:$0x9200] =	vst v63  }
0x4c: {  	_ =	swait.ge [sflag:s28], $0x1000  }
0x4d: {  	[sflag:s28] =	ssyncset.done $0x0  }
0x4e: {  	[sflag:s28] =	ssyncadd.s32 $0xFFFFF000  }
0x4f: {  	_ =	swait.ge [sflag:s28], $0x1000  }
0x50: {  	[sflag:s28] =	ssyncset.done $0x0  }
0x51: {  	s11 =	simm.s32 $0x0;
	[sflag:s28] =	ssyncadd.s32 $0xFFFFF000  }
0x52: {  	v7 =	vld [tilespmem:s11+$0x2200]  }
0x53: {  	v12 =	vld [tilespmem:s11+$0x2210]  }
0x54: {  	v6 =	vld [tilespmem:s11+$0x2220]  }
0x55: {  	v5 =	vld [tilespmem:s11+$0x2230]  }
0x56: {  	v4 =	vld [tilespmem:s11+$0x2240]  }
0x57: {  	v3 =	vld [tilespmem:s11+$0x2250]  }
0x58: {  	v2 =	vld [tilespmem:s11+$0x2260]  }
0x59: {  	v1 =	vld [tilespmem:s11+$0x2270]  }
0x5a: {  	v13 =	vld [tilespmem:s11+$0x200]  }
0x5b: {  	v14 =	vld [tilespmem:s11+$0x210]  }
0x5c: {  	v11 =	vld [tilespmem:s11+$0x220]  }
0x5d: {  	v10 =	vld [tilespmem:s11+$0x230]  }
0x5e: {  	v9 =	vld [tilespmem:s11+$0x240]  }
0x5f: {  	v8 =	vld [tilespmem:s11+$0x250];
	v13 =	vadd.f32 v7, v13  }
0x60: {  	s16 =	simm.s32 $0x200;
	v12 =	vadd.f32 v12, v14;
	v7 =	vld [tilespmem:s11+$0x260]  }
.LBB2_5:
0x61: {  	s17 =	sshra.s32 s16, $0x2;
	p0 =	sne.s32 s16, $0x7E00;
	v13 =	vmax.f32 v13, $0.0e+00;
	v6 =	vadd.f32 v6, v11;
	v11 =	vld [tilespmem:s11+$0x270]  }
0x62: {  	v14 =	vld [tilespmem:s17+$0x2200];
	[tilespmem:s11+$0x200] =	vst v13;
	v12 =	vmax.f32 v12, $0.0e+00;
	v5 =	vadd.f32 v5, v10  }
0x63: {  	v15 =	vld [tilespmem:s17+$0x2210];
	[tilespmem:s11+$0x210] =	vst v12;
	v10 =	vmax.f32 v6, $0.0e+00;
	v4 =	vadd.f32 v4, v9  }
0x64: {  	v6 =	vld [tilespmem:s17+$0x2220];
	[tilespmem:s11+$0x220] =	vst v10;
	v9 =	vmax.f32 v5, $0.0e+00;
	v3 =	vadd.f32 v3, v8  }
0x65: {  	v5 =	vld [tilespmem:s17+$0x2230];
	[tilespmem:s11+$0x230] =	vst v9;
	v8 =	vmax.f32 v4, $0.0e+00;
	v2 =	vadd.f32 v2, v7  }
0x66: {  	v4 =	vld [tilespmem:s17+$0x2240];
	[tilespmem:s11+$0x240] =	vst v8;
	v7 =	vmax.f32 v3, $0.0e+00;
	v1 =	vadd.f32 v1, v11  }
0x67: {  	v3 =	vld [tilespmem:s17+$0x2250];
	[tilespmem:s11+$0x250] =	vst v7;
	v7 =	vmax.f32 v2, $0.0e+00  }
0x68: {  	v2 =	vld [tilespmem:s17+$0x2260];
	[tilespmem:s11+$0x260] =	vst v7;
	v7 =	vmax.f32 v1, $0.0e+00  }
0x69: {  	v1 =	vld [tilespmem:s17+$0x2270];
	[tilespmem:s11+$0x270] =	vst v7;
	s11 =	smov.u32 s17  }
0x6a: {  	v7 =	vld [tilespmem:s11+$0x200]  }
0x6b: {  	v12 =	vld [tilespmem:s11+$0x210]  }
.Ltmp1:
0x6c: {  	v11 =	vld [tilespmem:s11+$0x220];
	(pc) =	sbr.rel @p0 .LBB2_5-.Ltmp1, $4  }
0x6d: {  	v10 =	vld [tilespmem:s11+$0x230]  }
0x6e: {  	v9 =	vld [tilespmem:s11+$0x240]  }
0x6f: {  	v13 =	vadd.f32 v14, v7;
	v8 =	vld [tilespmem:s11+$0x250]  }
0x70: {  	s16 =	sadd.s32 $0x200, s16;
	v12 =	vadd.f32 v15, v12;
	v7 =	vld [tilespmem:s11+$0x260]  }
0x71: {  	v13 =	vmax.f32 v13, $0.0e+00;
	v6 =	vadd.f32 v6, v11;
	v63 =	vld [tilespmem:s11+$0x270]  }
0x72: {  	[tilespmem:s11+$0x200] =	vst v13;
	v12 =	vmax.f32 v12, $0.0e+00;
	v5 =	vadd.f32 v5, v10  }
0x73: {  	[tilespmem:s11+$0x210] =	vst v12;
	v6 =	vmax.f32 v6, $0.0e+00;
	v4 =	vadd.f32 v4, v9  }
0x74: {  	[tilespmem:s11+$0x220] =	vst v6;
	v5 =	vmax.f32 v5, $0.0e+00;
	v3 =	vadd.f32 v3, v8  }
0x75: {  	[tilespmem:s11+$0x230] =	vst v5;
	v4 =	vmax.f32 v4, $0.0e+00;
	v2 =	vadd.f32 v2, v7  }
0x76: {  	[tilespmem:s11+$0x240] =	vst v4;
	v3 =	vmax.f32 v3, $0.0e+00;
	v1 =	vadd.f32 v1, v63  }
0x77: {  	[tilespmem:s11+$0x250] =	vst v3;
	v2 =	vmax.f32 v2, $0.0e+00  }
0x78: {  	[tilespmem:s11+$0x260] =	vst v2;
	v1 =	vmax.f32 v1, $0.0e+00  }
0x79: {  	[tilespmem:s11+$0x270] =	vst v1  }
0x7a: {  	[spmem:s2] =	stream.indirect.scatter.add.f32 [tilespmem:s19], [sflag:$0x2], $0x20, s21, s25, $0xb8;
	[tilespmem:$0x9200] =	vst v63  }
0x7b: {  	s10 =	sadd.s32 $0x1, s10  }
0x7c: {  	[spmem:s2] =	stream.indirect.scatter.add.f32 [tilespmem:s26], [sflag:$0x2], $0x20, s29, s25, $0xb8;
	[tilespmem:$0x9200] =	vst v63  }
0x7d: {  	p0 =	sne.s32 s10, $0xA;
	_ =	swait.ge [sflag:s30], $0x1000  }
.Ltmp2:
0x7e: {  	[sflag:s30] =	ssyncset.done $0x0;
	(pc) =	sbr.rel @p0 .LBB2_4-.Ltmp2, $4  }
0x7f: {  	[sflag:s30] =	ssyncadd.s32 $0xFFFFF000  }
0x80: {  	_ =	swait.ge [sflag:s30], $0x1000  }
0x81: {  	[sflag:s30] =	ssyncset.done $0x0  }
0x82: {  	[sflag:s30] =	ssyncadd.s32 $0xFFFFF000  }
0x83: {  	s3 =	stileid.u32  }
0x84: {  	[bflag:$0x0] =	sbarrier.arrive $0xFFFF;
	s3 =	sshll.u32 s3, $0x6  }
0x85: {  	s10 =	sshrl.u32 s12, $0x3;
	s11 =	rddreg [dreg:$0x4];
	s3 =	sor.u32 $0x1C03, s3  }
0x86: {  	[hbm:s11@s31], [sflag:s3] =	dma.strided [spmem:s10@s0], $0x280, s28, $0x4   }
0x87: {  	_ =	swait.ge [sflag:s20], $0x280  }
0x88: {  	[sflag:s20] =	ssyncset.done $0x0  }
0x89: {  	s16 =	sshrl.u32 s13, $0x3;
	s17 =	rddreg [dreg:$0x6];
	[sflag:s20] =	ssyncadd.s32 $0xFFFFFD80  }
0x8a: {  	[hbm:s17@s31], [sflag:s3] =	dma.strided [spmem:s16@s0], $0x280, s28, $0x4   }
0x8b: {  	_ =	swait.ge [sflag:s20], $0x280  }
0x8c: {  	[sflag:s20] =	ssyncset.done $0x0  }
0x8d: {  	s16 =	sshrl.u32 s14, $0x3;
	s17 =	rddreg [dreg:$0x7];
	[sflag:s20] =	ssyncadd.s32 $0xFFFFFD80  }
0x8e: {  	[hbm:s17@s31], [sflag:s3] =	dma.strided [spmem:s16@s0], $0x280, s28, $0x4   }
0x8f: {  	_ =	swait.ge [sflag:s20], $0x280  }
0x90: {  	[sflag:s20] =	ssyncset.done $0x0  }
0x91: {  	s16 =	sshrl.u32 s15, $0x3;
	[sflag:s20] =	ssyncadd.s32 $0xFFFFFD80  }
0x92: {  	[hbm:s18@s31], [sflag:s3] =	dma.strided [spmem:s16@s0], $0x280, s28, $0x4   }
0x93: {  	_ =	swait.ge [sflag:s20], $0x280  }
0x94: {  	s4 =	sadd.s32 $0x1, s4;
	s17 =	rddreg [dreg:$0x5]  }
0x95: {  	p0 =	sne.s32 s4, s17  }
.Ltmp3:
0x96: {  	_ = 	snop;
	(pc) =	sbr.rel @p0 .LBB2_1-.Ltmp3, $3  }
0x97: {  	_ =	sdelay $0x1  }
0x98: {  	[sflag:s20] =	ssyncset.done $0x0  }
0x99: {  	[sflag:s20] =	ssyncadd.s32 $0xFFFFFD80  }
0x9a: {  	_ =	sfence.sel $0x180000  }
0x9b: {  	[bflag:$0x0] =	sbarrier.arrive $0xFFFF  }
0x9c: {  	_ =	strace $0x90000059  }
0x9d: {  	s0 =	stileid.u32;
	[bflag:$0x2] =	sbarrier.arrive $0xFFFF  }
0x9e: {  	p0 =	sne.s32 s0, $0x0;
	s0 =	rddreg [dreg:$0x3]  }
0x9f: {  	s0 =	sadd.s32 @!p0 $0x100000, s0  }
0xa0: {  	[sflag:s0] =	ssyncadd.tile.s32 @!p0 $0x1;
	_ =	shalt  }
.Lfunc_end2:
_tile_overlayer_lowered:
.L_overlay_start_2:
0xa1: {  	(tag) =	ssettag $0x2  }
0xa2: {  	s0 =	rddreg [dreg:$0x0];
	s2 =	stileid.u32  }
0xa3: {  	s1 =	rddreg [dreg:$0x1];
	p0 =	sne.s32 s2, $0x0  }
0xa4: {  	s3 =	rddreg [dreg:$0x2];
	[bflag:$0x3] =	sbarrier.arrive $0xFFFF;
	s2 =	simm.s32 @!p0 $0x1C03  }
0xa5: {  	[timem:s3], [sflag:s2] =	dma.local @!p0 [hbm:s0], s1  }
0xa6: {  	s0 =	simm.s32 @!p0 $0x3  }
0xa7: {  	_ =	swait.ge @!p0 [sflag:s0], s1  }
0xa8: {  	s1 =	ssub.s32 @!p0 $0x0, s1;
	[sflag:s0] =	ssyncset.done @!p0 $0x0  }
0xa9: {  	[sflag:s0] =	ssyncadd.s32 @!p0 s1  }
0xaa: {  	[bflag:$0x3] =	sbarrier.arrive $0xFFFF  }
0xab: {  	_ =	shalt  }

// kernel: sparse-core-data-format-call.cloned.1.call-start
scs
called_computation_lowered:
.L_overlay_start_0:
0x0: {  	s1 =	sld [smem:$0x3FD9]  }
0x1: {  	s2 =	sld [smem:$0x3FFE];
	_ =	sdelay $0x1  }
0x2: {  	s3 =	srdreg.scid  }
0x3: {  	s0 =	sand.u32 $0x1, s3  }
0x4: {  	s17 =	sshll.u32 s0, $0xA;
	s1 =	sadd.s32 s2, s1  }
0x5: {  	s1 =	sadd.s32 s1, s17  }
0x6: {  	[smem:$0x3FA1] =	sst s1  }
0x7: {  	_ = 	snop  }
0x8: {  	(tm) =	ssettm $0x1  }
0x9: {  	s18 =	sld [smem:$0x3FFB];
	_ =	sdelay $0x3  }
0xa: {  	_ =	strace s18  }
0xb: {  	s1 =	sld [smem:$0x3FFC];
	_ =	sdelay $0x3  }
0xc: {  	_ =	strace s1  }
0xd: {  	s1 =	sld [smem:$0x3FFD];
	_ =	sdelay $0x3  }
0xe: {  	_ =	strace s1  }
0xf: {  	_ =	strace $0x8FFFFFFF  }
0x10: {  	s19 =	sld [smem:$0x3FDB];
	_ =	sdelay $0x1  }
0x11: {  	s20 =	simm.s32 $_scs_section_size  }
0x12: {  	s4 =	simm.s32 $_size__tile_overlayer_lowered;
	s5 =	simm.s32 $_tile_overlayer_lowered  }
0x13: {  	s23 =	simm.s32 $0x1BFF;
	s22 =	sshll.u32 s5, $0x1;
	s1 =	sadd.s32 s20, s19  }
0x14: {  	s6 =	simm.s32 $0x0;
	s21 =	sshll.u32 s4, $0x1;
	s4 =	sadd.s32 s22, s1  }
0x15: {  	[timem:s6], [sflag:s23] =	dma.local [hbm:s4], s21  }
0x16: {  	_ =	swait.ge [sflag:s23], s21  }
0x17: {  	s2 =	ssub.s32 $0x0, s21;
	[sflag:s23] =	ssyncset.done $0x0  }
0x18: {  	[sflag:s23] =	ssyncadd.s32 s2;
	_ =	sdelay $0x1  }
0x19: {  	s24 =	simm.s32 $0x1B8B  }
0x1a: {  	_ =	swait.ge [sflag:s24], $0x1  }
0x1b: {  	[sflag:s24] =	ssyncset.done $0x0  }
0x1c: {  	s26 =	simm.s32 $0x1B8E;
	s25 =	sld [smem:$0x3FFE];
	[sflag:s24] =	ssyncadd.s32 $0xFFFFFFFF  }
0x1d: {  	s27 =	simm.s32 $execute0_lowered;
	[smem:$0x3FD2] =	sst s26  }
0x1e: {  	s4 =	sshll.u32 s27, $0x1;
	_ =	strace $0x80000046;
	[dreg:$0x1] =	wrdreg $0xFFFFFFFF  }
0x1f: {  	s28 =	simm.s32 $_size_execute0_lowered;
	s1 =	sadd.s32 s1, s4;
	[dreg:$0x0] =	wrdreg $0x0  }
0x20: {  	s4 =	sshll.u32 s28, $0x1;
	[dreg:$0x2] =	wrdreg s1  }
0x21: {  	[dreg:$0x3] =	wrdreg s4  }
0x22: {  	[dreg:$0x4] =	wrdreg $0xC0  }
0x23: {  	_ =	task [dreg:s6], $0x5FFFF  }
0x24: {  	[dreg:$0x1] =	wrdreg $0xFFFFFFFF  }
0x25: {  	[dreg:$0x0] =	wrdreg $0x60  }
0x26: {  	[dreg:$0x2] =	wrdreg s25  }
0x27: {  	[dreg:$0x3] =	wrdreg $0x9  }
0x28: {  	_ =	task.clear_ibuf [dreg:s6], $0x4FFFF;
	_ =	strace $0x90000046  }
0x29: {  	s29 =	simm.s32 $0x9;
	_ =	strace $0x80000048  }
0x2a: {  	_ =	swait.ge [sflag:s29], $0x1  }
0x2b: {  	[sflag:s29] =	ssyncadd.s32 $0xFFFFFFFF  }
0x2c: {  	_ =	strace $0x90000048  }
0x2d: {  	_ =	sfence  }
0x2e: {  	s30 =	sld [smem:$0x0];
	_ =	sdelay $0x2  }
0x2f: {  	s31 =	sshll.u32 s3, $0xD;
	s3 =	sshrl.u32 s3, $0x2  }
0x30: {  	s2 =	sand.u32 $0x4000, s31;
	s1 =	sadd.s32 s3, s30  }
0x31: {  	s0 =	sor.u32 s2, s0;
	s1 =	sshll.u32 s1, $0x11  }
0x32: {  	s0 =	sor.u32 s1, s0  }
0x33: {  	s0 =	sadd.s32 $0x8F2B, s0  }
0x34: {  	[sflag:s0] =	ssyncadd.remote.s32 $0x1  }
0x35: {  	_ =	sfence.sel $0xFFFF  }
0x36: {  	[dreg:$0x0] =	wrdreg $0xFFFFFFFF;
	(pc) =	sbr.abs _section_cstart, $3  }
0x37: {  	[dreg:$0x1] =	wrdreg $0xFFFFFFFF  }
0x38: {  	_ =	task.clear_ibuf [dreg:s6], $0x2FFFF;
	_ =	strace $0x9FFFFFFF  }
0x39: {  	(tm) =	ssettm $0x7FFFFFFF  }
tec
execute0_lowered:
.L_overlay_start_1:
0x0: {  	(tag) =	ssettag $0x1  }
0x1: {  	s0 =	stileid.u32  }
0x2: {  	s1 =	srdreg.scid;
	s7 =	rddreg [dreg:$0x0]  }
0x3: {  	s31 =	simm.s32 $0x2;
	s15 =	simm.s32 $0x0;
	s9 =	simm.s32 $0x100  }
0x4: {  	s14 =	simm.s32 $0x0;
	s2 =	sshll.u32 s0, $0x8;
	s1 =	sshll.u32 s1, $0xC  }
0x5: {  	s16 =	simm.s32 $0x0;
	s11 =	simm.s32 $0x0;
	s1 =	sor.u32 s2, s1  }
0x6: {  	s13 =	simm.s32 $0x0;
	s3 =	sand.u32 $0x1, s0;
	s2 =	sand.u32 $0x1E00, s1  }
0x7: {  	s5 =	ssub.s32 $0x2, s3;
	s1 =	rddreg [dreg:$0x1];
	s4 =	ssub.s32 $0xC4000, s2  }
0x8: {  	s8 =	sshrl.u32 s5, $0x1;
	s5 =	sand.u32 $0x1, s5;
	s6 =	sand.u32 $0x1E00, s4  }
0x9: {  	_ =	strace $0x80000047;
	p0 =	sne.s32 s6, $0x0;
	s6 =	simm.s32 $0x1  }
.Ltmp0:
0xa: {  	s4 =	sshrl.u32 s4, $0xD;
	s6 =	simm.s32 @!p0 $0x0;
	(pc) =	sbr.rel .LBB1_1-.Ltmp0, $4  }
0xb: {  	s8 =	sadd.s32 s5, s8;
	s5 =	simm.s32 $0x1;
	s6 =	sadd.s32 s6, s4  }
0xc: {  	s12 =	smov.u32 s3;
	[sflag:s5] =	ssyncpa.u1 $0x0;
	s6 =	smul.u32 s8, s6  }
0xd: {  	s10 =	smov.u32 s2;
	[sflag:s31] =	ssyncpa.u1 $0x0;
	p0 =	por $0x0, $0x0  }
0xe: {  	s4 =	sadd.s32 $0x5200, s7;
	s7 =	sadd.s32 $0x625200, s7;
	s8 =	sadd.s32 $0x1, s6  }
.LBB1_4:
0xf: {  	_ = 	snop  }
0x10: {  	[tilespmem:s21+$0x2D60 ss:$0x21] =	vst.msk $0xffff, v7  }
0x11: {  	[tilespmem:s21+$0x2F70 ss:$0x21] =	vst.msk $0xffff, v6  }
0x12: {  	[tilespmem:s21+$0x3390 ss:$0x21] =	vst.msk $0xffff, v3  }
0x13: {  	s24 =	sor.u32 s27, s26;
	v31 =	vld.idx.msk [tilespmem:v0+s19+$0xC70 ss:$0x1], $0xffff;
	[tilespmem:s21+$0x35A0 ss:$0x21] =	vst.msk $0xffff, v1  }
0x14: {  	[tilespmem:s21+$0x37B0 ss:$0x21] =	vst.msk $0xffff, v2;
	v43 =	vld.idx.msk [tilespmem:v0+s24+$0x410 ss:$0x1], $0xffff  }
0x15: {  	[tilespmem:s21+$0x39C0 ss:$0x21] =	vst.msk $0xffff, v4;
	v44 =	vld.idx.msk [tilespmem:v0+s24+$0x420 ss:$0x1], $0xffff  }
0x16: {  	[tilespmem:s21+$0x3BD0 ss:$0x21] =	vst.msk $0xffff, v5;
	s25 =	sand.u32 $0x3200, s24;
	v45 =	vld.idx.msk [tilespmem:v0+s24+$0x430 ss:$0x1], $0xffff  }
0x17: {  	s23 =	sand.u32 $0x180, s23;
	s29 =	sshra.s32 s22, $0x2;
	[tilespmem:s21+$0x3DE0 ss:$0x21] =	vst.msk $0xffff, v8;
	v46 =	vld.idx.msk [tilespmem:v0+s24+$0x440 ss:$0x1], $0xffff;
	s18 =	sadd.s32 s25, s18  }
0x18: {  	v47 =	vld.idx.msk [tilespmem:v0+s24+$0x450 ss:$0x1], $0xffff;
	s28 =	sadd.s32 s23, s18;
	s18 =	sadd.s32 s29, s20;
	[tilespmem:s21+$0x3FF0 ss:$0x21] =	vst.msk $0xffff, v31  }
0x19: {  	v48 =	vld.idx.msk [tilespmem:v0+s24+$0x460 ss:$0x1], $0xffff;
	[tilespmem:s18+$0x1290 ss:$0x21] =	vst.msk $0xffff, v43  }
0x1a: {  	v49 =	vld.idx.msk [tilespmem:v0+s24+$0x470 ss:$0x1], $0xffff;
	[tilespmem:s18+$0x14A0 ss:$0x21] =	vst.msk $0xffff, v44  }
0x1b: {  	v50 =	vld.idx.msk [tilespmem:v0+s24+$0x810 ss:$0x1], $0xffff;
	[tilespmem:s18+$0x16B0 ss:$0x21] =	vst.msk $0xffff, v45  }
0x1c: {  	v51 =	vld.idx.msk [tilespmem:v0+s24+$0x820 ss:$0x1], $0xffff;
	[tilespmem:s18+$0x18C0 ss:$0x21] =	vst.msk $0xffff, v46  }
0x1d: {  	v52 =	vld.idx.msk [tilespmem:v0+s24+$0x830 ss:$0x1], $0xffff;
	[tilespmem:s18+$0x1AD0 ss:$0x21] =	vst.msk $0xffff, v47  }
0x1e: {  	v53 =	vld.idx.msk [tilespmem:v0+s24+$0x840 ss:$0x1], $0xffff;
	[tilespmem:s18+$0x1CE0 ss:$0x21] =	vst.msk $0xffff, v48  }
0x1f: {  	v54 =	vld.idx.msk [tilespmem:v0+s24+$0x850 ss:$0x1], $0xffff;
	[tilespmem:s18+$0x1EF0 ss:$0x21] =	vst.msk $0xffff, v49  }
0x20: {  	v55 =	vld.idx.msk [tilespmem:v0+s24+$0x860 ss:$0x1], $0xffff;
	[tilespmem:s18+$0x2310 ss:$0x21] =	vst.msk $0xffff, v50  }
0x21: {  	v56 =	vld.idx.msk [tilespmem:v0+s24+$0x870 ss:$0x1], $0xffff;
	[tilespmem:s18+$0x2520 ss:$0x21] =	vst.msk $0xffff, v51  }
0x22: {  	v57 =	vld.idx.msk [tilespmem:v0+s24+$0xC10 ss:$0x1], $0xffff;
	[tilespmem:s18+$0x2730 ss:$0x21] =	vst.msk $0xffff, v52  }
0x23: {  	v58 =	vld.idx.msk [tilespmem:v0+s24+$0xC20 ss:$0x1], $0xffff;
	[tilespmem:s18+$0x2940 ss:$0x21] =	vst.msk $0xffff, v53  }
0x24: {  	v59 =	vld.idx.msk [tilespmem:v0+s24+$0xC30 ss:$0x1], $0xffff;
	[tilespmem:s18+$0x2B50 ss:$0x21] =	vst.msk $0xffff, v54  }
0x25: {  	v60 =	vld.idx.msk [tilespmem:v0+s24+$0xC40 ss:$0x1], $0xffff;
	[tilespmem:s18+$0x2D60 ss:$0x21] =	vst.msk $0xffff, v55  }
0x26: {  	v61 =	vld.idx.msk [tilespmem:v0+s24+$0xC50 ss:$0x1], $0xffff;
	[tilespmem:s18+$0x2F70 ss:$0x21] =	vst.msk $0xffff, v56  }
0x27: {  	v62 =	vld.idx.msk [tilespmem:v0+s24+$0xC60 ss:$0x1], $0xffff;
	[tilespmem:s18+$0x3390 ss:$0x21] =	vst.msk $0xffff, v57  }
0x28: {  	v63 =	vld.idx.msk [tilespmem:v0+s24+$0xC70 ss:$0x1], $0xffff;
	[tilespmem:s18+$0x35A0 ss:$0x21] =	vst.msk $0xffff, v58  }
0x29: {  	v32 =	vld [tilespmem:s28+$0xC00];
	[tilespmem:s18+$0x37B0 ss:$0x21] =	vst.msk $0xffff, v59  }
0x2a: {  	v33 =	vld [tilespmem:s28+$0x0];
	[tilespmem:s18+$0x39C0 ss:$0x21] =	vst.msk $0xffff, v60  }
0x2b: {  	v34 =	vld [tilespmem:s28+$0x10];
	[tilespmem:s18+$0x3BD0 ss:$0x21] =	vst.msk $0xffff, v61  }
0x2c: {  	v35 =	vld [tilespmem:s28+$0x20];
	[tilespmem:s18+$0x3DE0 ss:$0x21] =	vst.msk $0xffff, v62  }
0x2d: {  	v36 =	vld [tilespmem:s28+$0x30];
	[tilespmem:s18+$0x3FF0 ss:$0x21] =	vst.msk $0xffff, v63  }
0x2e: {  	v37 =	vld [tilespmem:s28+$0x40];
	[tilespmem:s18+$0x3180 ss:$0x21] =	vst.msk $0xffff, v32  }
0x2f: {  	v38 =	vld [tilespmem:s28+$0x50];
	[tilespmem:s18+$0x0 ss:$0x21] =	vst.msk $0xffff, v33  }
0x30: {  	v39 =	vld [tilespmem:s28+$0x60];
	[tilespmem:s18+$0x210 ss:$0x21] =	vst.msk $0xffff, v34  }
0x31: {  	v40 =	vld [tilespmem:s28+$0x70];
	[tilespmem:s18+$0x420 ss:$0x21] =	vst.msk $0xffff, v35  }
0x32: {  	v41 =	vld [tilespmem:s28+$0x400];
	[tilespmem:s18+$0x630 ss:$0x21] =	vst.msk $0xffff, v36  }
0x33: {  	v42 =	vld [tilespmem:s28+$0x800];
	[tilespmem:s18+$0x840 ss:$0x21] =	vst.msk $0xffff, v37  }
0x34: {  	s16 =	sshll.u32 s16, $0x4;
	[tilespmem:s18+$0xA50 ss:$0x21] =	vst.msk $0xffff, v38  }
0x35: {  	s15 =	sshll.u32 s15, $0x5;
	s16 =	sand.u32 $0x10, s16;
	[tilespmem:s18+$0xC60 ss:$0x21] =	vst.msk $0xffff, v39  }
0x36: {  	s30 =	sshrl.u32 s14, $0x3;
	s31 =	sand.u32 $0x7, s14;
	s16 =	sadd.s32 s7, s16;
	[tilespmem:s18+$0xE70 ss:$0x21] =	vst.msk $0xffff, v40  }
0x37: {  	s19 =	sand.u32 $0xF, s30;
	s14 =	sshll.u32 s31, $0x12;
	s15 =	sadd.s32 s15, s16;
	[tilespmem:s18+$0x1080 ss:$0x21] =	vst.msk $0xffff, v41  }
0x38: {  	s14 =	sor.u32 $0x20, s14;
	s15 =	sadd.s32 s19, s15;
	[tilespmem:s18+$0x2100 ss:$0x21] =	vst.msk $0xffff, v42  }
0x39: {  	[hbm4b:s15+s14] =	stream.strided.scatter [tilespmem:s17], [sflag:$0x2], $0x4000, s9, s14, $0x10;
	[tilespmem:$0x10400] =	vst v63  }
.LBB1_5:
0x3a: {  	s17 =	sadd.s32 $0x2000, s10  }
0x3b: {  	s14 =	sadd.s32 $0x20, s11;
	s18 =	smov.u32 s11;
	p2 =	sgt.s32 s17, $0xC3FFF  }
0x3c: {  	s18 =	smov.u32 @p2 s14  }
0x3d: {  	s20 =	smov.u32 s12;
	s14 =	sadd.s32 $0x2, s12;
	p3 =	sgt.s32 s18, $0x1F  }
0x3e: {  	s20 =	smov.u32 @p3 s14  }
0x3f: {  	s17 =	smov.u32 @p2 s2;
	p2 =	sgt.s32 s20, $0x1  }
0x40: {  	p1 =	slt.u32 s13, $0x2;
	s20 =	smov.u32 @p2 s3;
	p2 =	sne.s32 s13, s8  }
.Ltmp1:
0x41: {  	s19 =	simm.s32 @!p1 $0x2;
	(pc) =	sbr.rel @!p2 .LBB1_6-.Ltmp1, $4  }
0x42: {  	s15 =	smov.u32 s10;
	s16 =	smov.u32 s12;
	_ =	swait.ge @!p1 [sflag:s19], $0x4000  }
0x43: {  	p0 =	por !p0, !p0;
	[sflag:s19] =	ssyncset.done @!p1 $0x0;
	s10 =	smov.u32 s17  }
0x44: {  	s18 =	simm.s32 @p3 $0x0;
	s14 =	smov.u32 s11;
	[sflag:s19] =	ssyncadd.s32 @!p1 $0xFFFFC000  }
0x45: {  	s11 =	smov.u32 s18;
	s13 =	sadd.s32 $0x1, s13;
	s12 =	smov.u32 s20  }
.LBB1_1:
0x46: {  	p1 =	sge.u32 s13, s6  }
0x47: {  	s17 =	sshrl.u32 @!p1 s11, $0x3  }
0x48: {  	s18 =	sshll.u32 @!p1 s10, $0x3;
	s19 =	sshll.u32 @!p1 s11, $0x7;
	s17 =	smul.u32 @!p1 $0x620000, s17  }
0x49: {  	s20 =	sand.u32 @!p1 $0x7F, s10;
	s18 =	sand.u32 @!p1 $0xFFFFFC00, s18;
	s19 =	sand.u32 @!p1 $0x380, s19  }
0x4a: {  	s17 =	sadd.s32 @!p1 s17, s18;
	s18 =	sor.u32 @!p1 s20, s19  }
0x4b: {  	s18 =	sor.u32 @!p1 s17, s18  }
0x4c: {  	s19 =	smulhi.u32 @!p1 $0x5397829D, s18  }
0x4d: {  	s17 =	smulhi.u32 @!p1 $0x5397829D, s17  }
0x4e: {  	s19 =	sshrl.u32 @!p1 s19, $0x12  }
0x4f: {  	s31 =	sadd.s32 $0xFFFFFFFF, s13;
	s17 =	sshrl.u32 @!p1 s17, $0x12;
	s19 =	smul.u32 @!p1 $0xC4000, s19  }
0x50: {  	s21 =	smul.u32 @!p1 $0x310000, s12;
	s20 =	sxor.u32 @!p1 $0xFFFFFFFF, s13;
	s17 =	sand.u32 @!p1 $0x1F, s17  }
0x51: {  	s20 =	sshll.u32 @!p1 s20, $0xE;
	s17 =	smul.u32 @!p1 $0x18800, s17;
	s18 =	ssub.s32 @!p1 s18, s19  }
0x52: {  	s19 =	sand.u32 @!p1 $0x4000, s20;
	s20 =	sadd.s32 @!p1 s4, s21;
	s21 =	sand.u32 @!p1 $0x7, s18  }
0x53: {  	s18 =	sshrl.u32 @!p1 s18, $0x3;
	s17 =	sadd.s32 @!p1 s17, s20;
	s20 =	sshll.u32 @!p1 s21, $0x12  }
0x54: {  	s17 =	sadd.s32 @!p1 s18, s17;
	s18 =	sor.u32 @!p1 $0x1000, s20;
	s20 =	simm.s32 @!p1 $0x620000  }
0x55: {  	[tilespmem:s19], [sflag:$0x1] =	stream.strided.gather @!p1 [hbm4b:s17+s18], $0x4000, s20, s18, $0x38;
	[tilespmem:$0x10400] =	vst v63  }
0x56: {  	p1 =	sge.u32 s31, s6  }
.Ltmp2:
0x57: {  	_ = 	snop;
	(pc) =	sbr.rel @p1 .LBB1_5-.Ltmp2, $1  }
0x58: {  	_ =	sdelay $0x3  }
0x59: {  	s20 =	simm.s32 $0x0  }
0x5a: {  	s19 =	sand.u32 $0x3000, s20;
	s21 =	sand.u32 $0x380, s20  }
0x5b: {  	s17 =	sand.u32 $0x1, s13;
	s19 =	sor.u32 s21, s19  }
0x5c: {  	_ =	swait.ge [sflag:s5], $0x4000;
	s18 =	sshll.u32 s17, $0xE;
	s21 =	sand.u32 $0x3200, s19  }
0x5d: {  	[sflag:s5] =	ssyncset.done $0x0;
	s20 =	sand.u32 $0x180, s20;
	s21 =	sadd.s32 s21, s18  }
0x5e: {  	[sflag:s5] =	ssyncadd.s32 $0xFFFFC000;
	s23 =	sadd.s32 s20, s21  }
0x5f: {  	v4 =	vld [tilespmem:s23+$0xC00]  }
0x60: {  	s22 =	simm.s32 $0x1;
	v0 =	vmov s18;
	v5 =	vld [tilespmem:s23+$0x0]  }
0x61: {  	s22 =	simm.s32 @!p0 $0x0;
	v6 =	vld [tilespmem:s23+$0x10]  }
0x62: {  	s31 =	smul.u32 $0x10800, s22;
	v7 =	vld [tilespmem:s23+$0x20]  }
0x63: {  	v8 =	vld [tilespmem:s23+$0x30]  }
0x64: {  	s20 =	sshrl.u32 s31, $0x2;
	v9 =	vld [tilespmem:s23+$0x40]  }
0x65: {  	s20 =	sor.u32 $0x8000, s20;
	v1 =	vld.idx.msk [tilespmem:v0+s19+$0x410 ss:$0x1], $0xffff  }
0x66: {  	v2 =	vld.idx.msk [tilespmem:v0+s19+$0x420 ss:$0x1], $0xffff;
	s21 =	sadd.s32 $0x0, s20  }
0x67: {  	v3 =	vld.idx.msk [tilespmem:v0+s19+$0x430 ss:$0x1], $0xffff;
	[tilespmem:s21+$0x3180 ss:$0x21] =	vst.msk $0xffff, v4  }
0x68: {  	v10 =	vld.idx.msk [tilespmem:v0+s19+$0x820 ss:$0x1], $0xffff;
	[tilespmem:s21+$0x0 ss:$0x21] =	vst.msk $0xffff, v5  }
0x69: {  	v11 =	vld.idx.msk [tilespmem:v0+s19+$0x830 ss:$0x1], $0xffff;
	[tilespmem:s21+$0x210 ss:$0x21] =	vst.msk $0xffff, v6  }
0x6a: {  	v12 =	vld.idx.msk [tilespmem:v0+s19+$0x840 ss:$0x1], $0xffff;
	[tilespmem:s21+$0x420 ss:$0x21] =	vst.msk $0xffff, v7  }
0x6b: {  	v13 =	vld.idx.msk [tilespmem:v0+s19+$0x850 ss:$0x1], $0xffff;
	[tilespmem:s21+$0x630 ss:$0x21] =	vst.msk $0xffff, v8  }
0x6c: {  	v4 =	vld [tilespmem:s23+$0x50];
	[tilespmem:s21+$0x840 ss:$0x21] =	vst.msk $0xffff, v9  }
0x6d: {  	v5 =	vld [tilespmem:s23+$0x60];
	[tilespmem:s21+$0x1290 ss:$0x21] =	vst.msk $0xffff, v1  }
0x6e: {  	v6 =	vld [tilespmem:s23+$0x70];
	[tilespmem:s21+$0x14A0 ss:$0x21] =	vst.msk $0xffff, v2  }
0x6f: {  	v7 =	vld [tilespmem:s23+$0x400];
	[tilespmem:s21+$0x16B0 ss:$0x21] =	vst.msk $0xffff, v3  }
0x70: {  	v8 =	vld [tilespmem:s23+$0x800];
	[tilespmem:s21+$0x2520 ss:$0x21] =	vst.msk $0xffff, v10  }
0x71: {  	v9 =	vld.idx.msk [tilespmem:v0+s19+$0x470 ss:$0x1], $0xffff;
	[tilespmem:s21+$0x2730 ss:$0x21] =	vst.msk $0xffff, v11  }
0x72: {  	v3 =	vld.idx.msk [tilespmem:v0+s19+$0xC10 ss:$0x1], $0xffff;
	[tilespmem:s21+$0x2940 ss:$0x21] =	vst.msk $0xffff, v12  }
0x73: {  	v1 =	vld.idx.msk [tilespmem:v0+s19+$0xC20 ss:$0x1], $0xffff;
	[tilespmem:s21+$0x2B50 ss:$0x21] =	vst.msk $0xffff, v13  }
0x74: {  	v2 =	vld.idx.msk [tilespmem:v0+s19+$0xC30 ss:$0x1], $0xffff;
	[tilespmem:s21+$0xA50 ss:$0x21] =	vst.msk $0xffff, v4  }
0x75: {  	[tilespmem:s21+$0xE70 ss:$0x21] =	vst.msk $0xffff, v6;
	v6 =	vld.idx.msk [tilespmem:v0+s19+$0x460 ss:$0x1], $0xffff  }
0x76: {  	v4 =	vld.idx.msk [tilespmem:v0+s19+$0x440 ss:$0x1], $0xffff;
	[tilespmem:s21+$0xC60 ss:$0x21] =	vst.msk $0xffff, v5  }
0x77: {  	v5 =	vld.idx.msk [tilespmem:v0+s19+$0x450 ss:$0x1], $0xffff;
	[tilespmem:s21+$0x1080 ss:$0x21] =	vst.msk $0xffff, v7  }
0x78: {  	[tilespmem:s21+$0x2100 ss:$0x21] =	vst.msk $0xffff, v8;
	v8 =	vld.idx.msk [tilespmem:v0+s19+$0x810 ss:$0x1], $0xffff  }
0x79: {  	v7 =	vld.idx.msk [tilespmem:v0+s19+$0x860 ss:$0x1], $0xffff;
	[tilespmem:s21+$0x1EF0 ss:$0x21] =	vst.msk $0xffff, v9  }
0x7a: {  	s17 =	smul.u32 $0x10800, s17;
	[tilespmem:s21+$0x1CE0 ss:$0x21] =	vst.msk $0xffff, v6;
	v6 =	vld.idx.msk [tilespmem:v0+s19+$0x870 ss:$0x1], $0xffff  }
0x7b: {  	s24 =	simm.s32 $0x200;
	s25 =	simm.s32 $0x8;
	[tilespmem:s21+$0x18C0 ss:$0x21] =	vst.msk $0xffff, v4;
	v4 =	vld.idx.msk [tilespmem:v0+s19+$0xC40 ss:$0x1], $0xffff  }
0x7c: {  	s26 =	sand.u32 $0x3000, s24;
	s17 =	sshrl.u32 s17, $0x2;
	s23 =	simm.s32 $0x80;
	[tilespmem:s21+$0x1AD0 ss:$0x21] =	vst.msk $0xffff, v5;
	v5 =	vld.idx.msk [tilespmem:v0+s19+$0xC50 ss:$0x1], $0xffff  }
0x7d: {  	s22 =	simm.s32 $0x4;
	s17 =	sor.u32 $0x8000, s17;
	s27 =	sand.u32 $0x380, s23;
	[tilespmem:s21+$0x2310 ss:$0x21] =	vst.msk $0xffff, v8;
	v8 =	vld.idx.msk [tilespmem:v0+s19+$0xC60 ss:$0x1], $0xffff  }
.LBB1_3:
0x7e: {  	p1 =	sne.s32 s25, $0x7C;
	[tilespmem:s21+$0x2D60 ss:$0x21] =	vst.msk $0xffff, v7;
	v7 =	vld.idx.msk [tilespmem:v0+s19+$0xC70 ss:$0x1], $0xffff;
	s19 =	sor.u32 s27, s26  }
0x7f: {  	s26 =	sand.u32 $0x3200, s19;
	v9 =	vld.idx.msk [tilespmem:v0+s19+$0x410 ss:$0x1], $0xffff;
	[tilespmem:s21+$0x2F70 ss:$0x21] =	vst.msk $0xffff, v6  }
0x80: {  	s27 =	sand.u32 $0x180, s23;
	s26 =	sadd.s32 s26, s18;
	v6 =	vld.idx.msk [tilespmem:v0+s19+$0x420 ss:$0x1], $0xffff;
	[tilespmem:s21+$0x3390 ss:$0x21] =	vst.msk $0xffff, v3  }
0x81: {  	s26 =	sadd.s32 s27, s26;
	v3 =	vld.idx.msk [tilespmem:v0+s19+$0x430 ss:$0x1], $0xffff;
	[tilespmem:s21+$0x35A0 ss:$0x21] =	vst.msk $0xffff, v1  }
0x82: {  	v1 =	vld [tilespmem:s26+$0xC00];
	[tilespmem:s21+$0x37B0 ss:$0x21] =	vst.msk $0xffff, v2  }
0x83: {  	v2 =	vld [tilespmem:s26+$0x0];
	[tilespmem:s21+$0x39C0 ss:$0x21] =	vst.msk $0xffff, v4  }
0x84: {  	v4 =	vld [tilespmem:s26+$0x10];
	[tilespmem:s21+$0x3BD0 ss:$0x21] =	vst.msk $0xffff, v5  }
0x85: {  	s27 =	sshra.s32 s22, $0x2;
	s22 =	smov.u32 s25;
	v5 =	vld [tilespmem:s26+$0x20];
	[tilespmem:s21+$0x3DE0 ss:$0x21] =	vst.msk $0xffff, v8  }
0x86: {  	v8 =	vld [tilespmem:s26+$0x30];
	[tilespmem:s21+$0x3FF0 ss:$0x21] =	vst.msk $0xffff, v7;
	s21 =	sadd.s32 s27, s20  }
0x87: {  	v7 =	vld [tilespmem:s26+$0x40];
	[tilespmem:s21+$0x3180 ss:$0x21] =	vst.msk $0xffff, v1  }
0x88: {  	[tilespmem:s21+$0x0 ss:$0x21] =	vst.msk $0xffff, v2;
	v1 =	vld [tilespmem:s26+$0x50]  }
0x89: {  	[tilespmem:s21+$0x210 ss:$0x21] =	vst.msk $0xffff, v4;
	v2 =	vld [tilespmem:s26+$0x60]  }
0x8a: {  	[tilespmem:s21+$0x420 ss:$0x21] =	vst.msk $0xffff, v5;
	v4 =	vld [tilespmem:s26+$0x70]  }
0x8b: {  	[tilespmem:s21+$0x630 ss:$0x21] =	vst.msk $0xffff, v8;
	v5 =	vld [tilespmem:s26+$0x400]  }
0x8c: {  	[tilespmem:s21+$0x840 ss:$0x21] =	vst.msk $0xffff, v7;
	v7 =	vld [tilespmem:s26+$0x800]  }
0x8d: {  	[tilespmem:s21+$0xA50 ss:$0x21] =	vst.msk $0xffff, v1;
	v1 =	vld.idx.msk [tilespmem:v0+s19+$0x440 ss:$0x1], $0xffff  }
0x8e: {  	[tilespmem:s21+$0xC60 ss:$0x21] =	vst.msk $0xffff, v2;
	v2 =	vld.idx.msk [tilespmem:v0+s19+$0x450 ss:$0x1], $0xffff  }
0x8f: {  	[tilespmem:s21+$0xE70 ss:$0x21] =	vst.msk $0xffff, v4;
	v4 =	vld.idx.msk [tilespmem:v0+s19+$0x460 ss:$0x1], $0xffff  }
0x90: {  	[tilespmem:s21+$0x1080 ss:$0x21] =	vst.msk $0xffff, v5;
	v5 =	vld.idx.msk [tilespmem:v0+s19+$0x470 ss:$0x1], $0xffff  }
0x91: {  	[tilespmem:s21+$0x2100 ss:$0x21] =	vst.msk $0xffff, v7;
	v8 =	vld.idx.msk [tilespmem:v0+s19+$0x810 ss:$0x1], $0xffff  }
0x92: {  	[tilespmem:s21+$0x1290 ss:$0x21] =	vst.msk $0xffff, v9;
	v9 =	vld.idx.msk [tilespmem:v0+s19+$0x820 ss:$0x1], $0xffff  }
0x93: {  	[tilespmem:s21+$0x14A0 ss:$0x21] =	vst.msk $0xffff, v6;
	v10 =	vld.idx.msk [tilespmem:v0+s19+$0x830 ss:$0x1], $0xffff  }
0x94: {  	[tilespmem:s21+$0x16B0 ss:$0x21] =	vst.msk $0xffff, v3;
	v11 =	vld.idx.msk [tilespmem:v0+s19+$0x840 ss:$0x1], $0xffff  }
0x95: {  	[tilespmem:s21+$0x18C0 ss:$0x21] =	vst.msk $0xffff, v1;
	v12 =	vld.idx.msk [tilespmem:v0+s19+$0x850 ss:$0x1], $0xffff  }
0x96: {  	[tilespmem:s21+$0x1AD0 ss:$0x21] =	vst.msk $0xffff, v2;
	v7 =	vld.idx.msk [tilespmem:v0+s19+$0x860 ss:$0x1], $0xffff  }
0x97: {  	[tilespmem:s21+$0x1CE0 ss:$0x21] =	vst.msk $0xffff, v4;
	v6 =	vld.idx.msk [tilespmem:v0+s19+$0x870 ss:$0x1], $0xffff  }
0x98: {  	[tilespmem:s21+$0x1EF0 ss:$0x21] =	vst.msk $0xffff, v5;
	v3 =	vld.idx.msk [tilespmem:v0+s19+$0xC10 ss:$0x1], $0xffff  }
.Ltmp3:
0x99: {  	[tilespmem:s21+$0x2310 ss:$0x21] =	vst.msk $0xffff, v8;
	v1 =	vld.idx.msk [tilespmem:v0+s19+$0xC20 ss:$0x1], $0xffff;
	(pc) =	sbr.rel @p1 .LBB1_3-.Ltmp3, $4  }
0x9a: {  	[tilespmem:s21+$0x2520 ss:$0x21] =	vst.msk $0xffff, v9;
	v2 =	vld.idx.msk [tilespmem:v0+s19+$0xC30 ss:$0x1], $0xffff  }
0x9b: {  	[tilespmem:s21+$0x2730 ss:$0x21] =	vst.msk $0xffff, v10;
	v4 =	vld.idx.msk [tilespmem:v0+s19+$0xC40 ss:$0x1], $0xffff  }
0x9c: {  	s23 =	sadd.s32 $0x80, s23;
	s24 =	sadd.s32 $0x200, s24;
	[tilespmem:s21+$0x2940 ss:$0x21] =	vst.msk $0xffff, v11;
	v5 =	vld.idx.msk [tilespmem:v0+s19+$0xC50 ss:$0x1], $0xffff  }
0x9d: {  	s25 =	sadd.s32 $0x4, s25;
	s27 =	sand.u32 $0x380, s23;
	s26 =	sand.u32 $0x3000, s24;
	[tilespmem:s21+$0x2B50 ss:$0x21] =	vst.msk $0xffff, v12;
	v8 =	vld.idx.msk [tilespmem:v0+s19+$0xC60 ss:$0x1], $0xffff  }
.Ltmp4:
0x9e: {  	_ = 	snop;
	(pc) =	sbr.rel .LBB1_4-.Ltmp4, $1  }
0x9f: {  	_ =	sdelay $0x3  }
.LBB1_6:
0xa0: {  	_ =	sfence.sel $0x180000  }
0xa1: {  	s2 =	simm.s32 $0x1;
	[bflag:$0x0] =	sbarrier.arrive $0xFFFF  }
0xa2: {  	s31 =	simm.s32 $0x2;
	[sflag:s2] =	ssyncpa.u1 $0x1  }
0xa3: {  	[sflag:s31] =	ssyncpa.u1 $0x1  }
0xa4: {  	p0 =	sne.s32 s0, $0x0;
	_ =	strace $0x90000047  }
0xa5: {  	s0 =	sadd.s32 @!p0 $0x100000, s1;
	[bflag:$0x2] =	sbarrier.arrive $0xFFFF  }
0xa6: {  	[sflag:s0] =	ssyncadd.tile.s32 @!p0 $0x1;
	_ =	shalt  }
.Lfunc_end1:
_tile_overlayer_lowered:
.L_overlay_start_2:
0xa7: {  	(tag) =	ssettag $0x2  }
0xa8: {  	s0 =	rddreg [dreg:$0x0];
	s2 =	stileid.u32  }
0xa9: {  	s1 =	rddreg [dreg:$0x1];
	p0 =	sne.s32 s2, $0x0  }
0xaa: {  	s3 =	rddreg [dreg:$0x2];
	[bflag:$0x3] =	sbarrier.arrive $0xFFFF;
	s2 =	simm.s32 @!p0 $0x1C01  }
0xab: {  	[timem:s3], [sflag:s2] =	dma.local @!p0 [hbm:s0], s1  }
0xac: {  	s0 =	simm.s32 @!p0 $0x1  }
0xad: {  	_ =	swait.ge @!p0 [sflag:s0], s1  }
0xae: {  	s1 =	ssub.s32 @!p0 $0x0, s1;
	[sflag:s0] =	ssyncset.done @!p0 $0x0  }
0xaf: {  	[sflag:s0] =	ssyncadd.s32 @!p0 s1  }
0xb0: {  	[bflag:$0x3] =	sbarrier.arrive $0xFFFF  }
0xb1: {  	_ =	shalt  }

</sc_bundles>
